<compile_context>
chip_gen: v7x
topology: tpu7x:2x2x1
jax: 0.10.2.dev20260603
libtpu: 0.0.44.dev20260713+nightly
codegen_flags: <defaults>
</compile_context>

<pallas_src>
import jax
import jax.numpy as jnp
from jax import lax
from jax.experimental import pallas as pl
from jax.experimental.pallas import tpu as pltpu
from jax.experimental.pallas import tpu_sc as plsc

_B = 8
_D = 512
_TOTAL = 15488
_NPOS = 8192
_ALPHA = float(_D) ** 0.5
_L = 16
_CHUNK = 16
_NCHUNKS = _TOTAL // _CHUNK
_NW = 32
_NMAX = -(-_NCHUNKS // _NW)
_R = 4


def _body(meta_hbm, emb_hbm, pos_hbm, out_hbm, meta_v, *rest):
  idxs = rest[0:_R]
  embs = rest[_R:2 * _R]
  poss = rest[2 * _R:3 * _R]
  outs = rest[3 * _R:4 * _R]
  ses = rest[4 * _R:5 * _R]
  sps = rest[5 * _R:6 * _R]
  sos = rest[6 * _R:7 * _R]

  cid = lax.axis_index("c")
  sid = lax.axis_index("s")
  wid = sid * 2 + cid

  pltpu.sync_copy(meta_hbm, meta_v)
  off = [meta_v[b, :] for b in range(_B)]
  high = [meta_v[_B + b, :] for b in range(_B)]
  lanes = lax.iota(jnp.int32, _L)

  ge8 = (wid + (_NW - 8)) // _NW
  nloc = 31 - ge8
  start_w = 31 * wid - ge8 * (wid - 8)

  def compute_idx(base, idx_ref):
    t = base + lanes
    off_s = off[0]
    high_s = high[0]
    for s in range(1, _B):
      m = t >= off[s]
      off_s = jnp.where(m, off[s], off_s)
      high_s = jnp.where(m, high[s], high_s)
    p = jnp.minimum(t - off_s, high_s)
    p = jnp.maximum(jnp.minimum(p, _NPOS - 1), 0)
    idx_ref[...] = p

  for b in range(_R):
    base = (start_w + b) * _CHUNK
    compute_idx(base, idxs[b])
    pltpu.make_async_copy(pos_hbm.at[idxs[b]], poss[b], sps[b]).start()
    pltpu.make_async_copy(emb_hbm.at[pl.ds(base, _CHUNK)], embs[b], ses[b]).start()

  def quad_body(i, carry):
    for b in range(_R):
      slot = _R * i + b

      @pl.when(slot < nloc)
      def _do(slot=slot, b=b):
        base = (start_w + slot) * _CHUNK
        pltpu.make_async_copy(
            emb_hbm.at[pl.ds(base, _CHUNK)], embs[b], ses[b]).wait()
        pltpu.make_async_copy(pos_hbm.at[idxs[b]], poss[b], sps[b]).wait()

        @pl.when(slot >= _R)
        def _wait_prev_store():
          pltpu.make_async_copy(
              outs[b], out_hbm.at[pl.ds(0, _CHUNK)], sos[b]).wait()

        def row_body(r, c2):
          for k in range(_D // _L):
            sl = pl.ds(k * _L, _L)
            outs[b][r, sl] = embs[b][r, sl] * _ALPHA + poss[b][r, sl]
          return c2
        lax.fori_loop(0, _CHUNK, row_body, 0)

        pltpu.make_async_copy(
            outs[b], out_hbm.at[pl.ds(base, _CHUNK)], sos[b]).start()

        @pl.when(slot + _R < nloc)
        def _prefetch(slot=slot, b=b):
          base2 = base + _R * _CHUNK
          compute_idx(base2, idxs[b])
          pltpu.make_async_copy(pos_hbm.at[idxs[b]], poss[b], sps[b]).start()
          pltpu.make_async_copy(
              emb_hbm.at[pl.ds(base2, _CHUNK)], embs[b], ses[b]).start()
    return carry

  lax.fori_loop(0, (_NMAX + _R - 1) // _R, quad_body, 0)

  for b in range(_R):
    pltpu.make_async_copy(outs[b], out_hbm.at[pl.ds(0, _CHUNK)], sos[b]).wait()


def kernel(max_seq_len, seq_lengths, seq_offsets, seq_embeddings,
           num_targets, pos_weight):
  high = jnp.minimum(seq_lengths - num_targets, _NPOS - 1).astype(jnp.int32)
  meta = jnp.concatenate([
      jnp.broadcast_to(seq_offsets[:_B, None].astype(jnp.int32), (_B, _L)),
      jnp.broadcast_to(high[:, None], (_B, _L)),
  ], axis=0)

  scratch = [pltpu.VMEM((2 * _B, _L), jnp.int32)]
  scratch += [pltpu.VMEM((_CHUNK,), jnp.int32) for _ in range(_R)]
  scratch += [pltpu.VMEM((_CHUNK, _D), jnp.float32) for _ in range(3 * _R)]
  scratch += [pltpu.SemaphoreType.DMA for _ in range(3 * _R)]

  f = pl.kernel(
      _body,
      out_type=jax.ShapeDtypeStruct((_TOTAL, _D), jnp.float32),
      mesh=plsc.VectorSubcoreMesh(core_axis_name="c", subcore_axis_name="s"),
      scratch_types=scratch,
  )
  return f(meta, seq_embeddings, pos_weight)

# --- scband reference (transcript-rebuilt; emitter-appended) ---
"""Pipeline reference for scband-hstupositional-encoder-40080634806844 (READ-ONLY COPY).

The authoritative reference and input builder live on the scoring server;
editing this copy changes nothing except your own understanding.
"""

import jax, jax.numpy as jnp
import numpy as np
from math import sqrt

B = 8
MAX_SEQ_LEN = 4096
NUM_POS_BUCKETS = 8192
EMBED_DIM = 512
SEQ_LENS = np.array([1024, 2048, 4096, 512, 3072, 1536, 2560, 640], dtype=np.int32)
TOTAL = int(SEQ_LENS.sum())  # 15488


def setup_inputs(seed: int = 0) -> dict:
    key = jax.random.key(seed)
    k1, k2, k3 = jax.random.split(key, 3)
    seq_lengths = jnp.asarray(SEQ_LENS, dtype=jnp.int32)
    seq_offsets = jnp.concatenate([jnp.zeros((1,), dtype=jnp.int32), jnp.cumsum(seq_lengths).astype(jnp.int32)])
    seq_embeddings = jax.random.normal(k1, (TOTAL, EMBED_DIM), dtype=jnp.float32)
    num_targets = jax.random.randint(k2, (B,), 0, 8, dtype=jnp.int32)
    bound = sqrt(1.0 / NUM_POS_BUCKETS)
    pos_weight = jax.random.uniform(k3, (NUM_POS_BUCKETS, EMBED_DIM), minval=-bound, maxval=bound, dtype=jnp.float32)
    return {
        "max_seq_len": MAX_SEQ_LEN,
        "seq_lengths": seq_lengths,
        "seq_offsets": seq_offsets,
        "seq_embeddings": seq_embeddings,
        "num_targets": num_targets,
        "pos_weight": pos_weight,
    }


def reference(max_seq_len, seq_lengths, seq_offsets, seq_embeddings, num_targets, pos_weight):
    # HSTUPositionalEncoder.forward with use_time_encoding=False:
    #   high_inds = clamp(seq_lengths - num_targets, max=max_pos_ind - 1)
    #   out[o_b + i] = seq_embeddings[o_b + i] * alpha + pos_table[min(i, high_inds[b])]
    alpha = float(EMBED_DIM) ** 0.5
    max_pos_ind = pos_weight.shape[0]
    total = seq_embeddings.shape[0]
    high_inds = seq_lengths - num_targets  # interleave_targets=False
    high_inds = jnp.minimum(high_inds, max_pos_ind - 1)  # torch.clamp(max=...)
    seg_ids = jnp.repeat(jnp.arange(seq_lengths.shape[0], dtype=jnp.int32), seq_lengths, total_repeat_length=total)
    token_pos = jnp.arange(total, dtype=jnp.int32) - seq_offsets[seg_ids]
    pos_idx = jnp.minimum(token_pos, high_inds[seg_ids])
    pos_idx = jnp.clip(pos_idx, 0, max_pos_ind - 1)
    out = seq_embeddings * alpha + jnp.take(pos_weight, pos_idx, axis=0)
    return out

if __name__ == "__main__":
    import jax
    _d = setup_inputs()
    print(jax.jit(kernel)(*tuple(_d.values())))

</pallas_src>

<mosaic_0001>
#map = affine_map<(d0, d1) -> (0, 0)>
module attributes {stable_mosaic.version = 14 : i64} {
  func.func @_body(%arg0: i32, %arg1: i32, %arg2: memref<16x16xi32, #tpu.memory_space<hbm>>, %arg3: memref<15488x512xf32, #tpu.memory_space<hbm>>, %arg4: memref<8192x512xf32, #tpu.memory_space<hbm>>, %arg5: memref<15488x512xf32, #tpu.memory_space<hbm>>, %arg6: memref<16x16xi32, #tpu.memory_space<vmem>>, %arg7: memref<16xi32, #tpu.memory_space<vmem>>, %arg8: memref<16xi32, #tpu.memory_space<vmem>>, %arg9: memref<16xi32, #tpu.memory_space<vmem>>, %arg10: memref<16xi32, #tpu.memory_space<vmem>>, %arg11: memref<16x512xf32, #tpu.memory_space<vmem>>, %arg12: memref<16x512xf32, #tpu.memory_space<vmem>>, %arg13: memref<16x512xf32, #tpu.memory_space<vmem>>, %arg14: memref<16x512xf32, #tpu.memory_space<vmem>>, %arg15: memref<16x512xf32, #tpu.memory_space<vmem>>, %arg16: memref<16x512xf32, #tpu.memory_space<vmem>>, %arg17: memref<16x512xf32, #tpu.memory_space<vmem>>, %arg18: memref<16x512xf32, #tpu.memory_space<vmem>>, %arg19: memref<16x512xf32, #tpu.memory_space<vmem>>, %arg20: memref<16x512xf32, #tpu.memory_space<vmem>>, %arg21: memref<16x512xf32, #tpu.memory_space<vmem>>, %arg22: memref<16x512xf32, #tpu.memory_space<vmem>>, %arg23: memref<!tpu.dma_semaphore, #tpu.memory_space<semaphore_mem>>, %arg24: memref<!tpu.dma_semaphore, #tpu.memory_space<semaphore_mem>>, %arg25: memref<!tpu.dma_semaphore, #tpu.memory_space<semaphore_mem>>, %arg26: memref<!tpu.dma_semaphore, #tpu.memory_space<semaphore_mem>>, %arg27: memref<!tpu.dma_semaphore, #tpu.memory_space<semaphore_mem>>, %arg28: memref<!tpu.dma_semaphore, #tpu.memory_space<semaphore_mem>>, %arg29: memref<!tpu.dma_semaphore, #tpu.memory_space<semaphore_mem>>, %arg30: memref<!tpu.dma_semaphore, #tpu.memory_space<semaphore_mem>>, %arg31: memref<!tpu.dma_semaphore, #tpu.memory_space<semaphore_mem>>, %arg32: memref<!tpu.dma_semaphore, #tpu.memory_space<semaphore_mem>>, %arg33: memref<!tpu.dma_semaphore, #tpu.memory_space<semaphore_mem>>, %arg34: memref<!tpu.dma_semaphore, #tpu.memory_space<semaphore_mem>>) attributes {dimension_semantics = [#tpu.dimension_semantics<core_parallel>, #tpu.dimension_semantics<subcore_parallel>], iteration_bounds = array<i64: 2, 16>, scalar_prefetch = 0 : i64, scratch_operands = 29 : i64, tpu.core_type = #tpu.core_type<sc_vector_subcore>, window_params = [{transform_indices = #map}, {transform_indices = #map}, {transform_indices = #map}, {transform_indices = #map}]} {
    %mul3A = arith.constant 2 : i32
    %mul3A_0 = arith.muli %arg1, %mul3A : i32
    %add3A = arith.addi %mul3A_0, %arg0 : i32
    "tpu.region"() ({
      %run_scoped3A = tpu.sem_alloc : memref<!tpu.dma_semaphore, #tpu.memory_space<semaphore_mem>>
      tpu.enqueue_dma source(%arg2 : memref<16x16xi32, #tpu.memory_space<hbm>>) target(%arg6 : memref<16x16xi32, #tpu.memory_space<vmem>>) target_semaphore(%run_scoped3A : memref<!tpu.dma_semaphore, #tpu.memory_space<semaphore_mem>>)
      tpu.wait_dma2 semaphore(%run_scoped3A : memref<!tpu.dma_semaphore, #tpu.memory_space<semaphore_mem>>) src(%arg2 : memref<16x16xi32, #tpu.memory_space<hbm>>) dst(%arg6 : memref<16x16xi32, #tpu.memory_space<vmem>>)
      tpu.yield
    }) : () -> ()
    %get3A = arith.constant 0 : i32
    %get3A_1 = arith.index_cast %get3A : i32 to index
    %get3A_2 = arith.constant 0 : index
    %get3A_3 = tpu.vector_load %arg6[%get3A_1, %get3A_2] {strides = array<i32>} : memref<16x16xi32, #tpu.memory_space<vmem>>, vector<1x16xi32>,
    %get3A_4 = vector.shape_cast %get3A_3 : vector<1x16xi32> to vector<16xi32>
    %get3A_5 = arith.constant 1 : i32
    %get3A_6 = arith.index_cast %get3A_5 : i32 to index
    %get3A_7 = arith.constant 0 : index
    %get3A_8 = tpu.vector_load %arg6[%get3A_6, %get3A_7] {strides = array<i32>} : memref<16x16xi32, #tpu.memory_space<vmem>>, vector<1x16xi32>,
    %get3A_9 = vector.shape_cast %get3A_8 : vector<1x16xi32> to vector<16xi32>
    %get3A_10 = arith.constant 2 : i32
    %get3A_11 = arith.index_cast %get3A_10 : i32 to index
    %get3A_12 = arith.constant 0 : index
    %get3A_13 = tpu.vector_load %arg6[%get3A_11, %get3A_12] {strides = array<i32>} : memref<16x16xi32, #tpu.memory_space<vmem>>, vector<1x16xi32>,
    %get3A_14 = vector.shape_cast %get3A_13 : vector<1x16xi32> to vector<16xi32>
    %get3A_15 = arith.constant 3 : i32
    %get3A_16 = arith.index_cast %get3A_15 : i32 to index
    %get3A_17 = arith.constant 0 : index
    %get3A_18 = tpu.vector_load %arg6[%get3A_16, %get3A_17] {strides = array<i32>} : memref<16x16xi32, #tpu.memory_space<vmem>>, vector<1x16xi32>,
    %get3A_19 = vector.shape_cast %get3A_18 : vector<1x16xi32> to vector<16xi32>
    %get3A_20 = arith.constant 4 : i32
    %get3A_21 = arith.index_cast %get3A_20 : i32 to index
    %get3A_22 = arith.constant 0 : index
    %get3A_23 = tpu.vector_load %arg6[%get3A_21, %get3A_22] {strides = array<i32>} : memref<16x16xi32, #tpu.memory_space<vmem>>, vector<1x16xi32>,
    %get3A_24 = vector.shape_cast %get3A_23 : vector<1x16xi32> to vector<16xi32>
    %get3A_25 = arith.constant 5 : i32
    %get3A_26 = arith.index_cast %get3A_25 : i32 to index
    %get3A_27 = arith.constant 0 : index
    %get3A_28 = tpu.vector_load %arg6[%get3A_26, %get3A_27] {strides = array<i32>} : memref<16x16xi32, #tpu.memory_space<vmem>>, vector<1x16xi32>,
    %get3A_29 = vector.shape_cast %get3A_28 : vector<1x16xi32> to vector<16xi32>
    %get3A_30 = arith.constant 6 : i32
    %get3A_31 = arith.index_cast %get3A_30 : i32 to index
    %get3A_32 = arith.constant 0 : index
    %get3A_33 = tpu.vector_load %arg6[%get3A_31, %get3A_32] {strides = array<i32>} : memref<16x16xi32, #tpu.memory_space<vmem>>, vector<1x16xi32>,
    %get3A_34 = vector.shape_cast %get3A_33 : vector<1x16xi32> to vector<16xi32>
    %get3A_35 = arith.constant 7 : i32
    %get3A_36 = arith.index_cast %get3A_35 : i32 to index
    %get3A_37 = arith.constant 0 : index
    %get3A_38 = tpu.vector_load %arg6[%get3A_36, %get3A_37] {strides = array<i32>} : memref<16x16xi32, #tpu.memory_space<vmem>>, vector<1x16xi32>,
    %get3A_39 = vector.shape_cast %get3A_38 : vector<1x16xi32> to vector<16xi32>
    %get3A_40 = arith.constant 8 : i32
    %get3A_41 = arith.index_cast %get3A_40 : i32 to index
    %get3A_42 = arith.constant 0 : index
    %get3A_43 = tpu.vector_load %arg6[%get3A_41, %get3A_42] {strides = array<i32>} : memref<16x16xi32, #tpu.memory_space<vmem>>, vector<1x16xi32>,
    %get3A_44 = vector.shape_cast %get3A_43 : vector<1x16xi32> to vector<16xi32>
    %get3A_45 = arith.constant 9 : i32
    %get3A_46 = arith.index_cast %get3A_45 : i32 to index
    %get3A_47 = arith.constant 0 : index
    %get3A_48 = tpu.vector_load %arg6[%get3A_46, %get3A_47] {strides = array<i32>} : memref<16x16xi32, #tpu.memory_space<vmem>>, vector<1x16xi32>,
    %get3A_49 = vector.shape_cast %get3A_48 : vector<1x16xi32> to vector<16xi32>
    %get3A_50 = arith.constant 10 : i32
    %get3A_51 = arith.index_cast %get3A_50 : i32 to index
    %get3A_52 = arith.constant 0 : index
    %get3A_53 = tpu.vector_load %arg6[%get3A_51, %get3A_52] {strides = array<i32>} : memref<16x16xi32, #tpu.memory_space<vmem>>, vector<1x16xi32>,
    %get3A_54 = vector.shape_cast %get3A_53 : vector<1x16xi32> to vector<16xi32>
    %get3A_55 = arith.constant 11 : i32
    %get3A_56 = arith.index_cast %get3A_55 : i32 to index
    %get3A_57 = arith.constant 0 : index
    %get3A_58 = tpu.vector_load %arg6[%get3A_56, %get3A_57] {strides = array<i32>} : memref<16x16xi32, #tpu.memory_space<vmem>>, vector<1x16xi32>,
    %get3A_59 = vector.shape_cast %get3A_58 : vector<1x16xi32> to vector<16xi32>
    %get3A_60 = arith.constant 12 : i32
    %get3A_61 = arith.index_cast %get3A_60 : i32 to index
    %get3A_62 = arith.constant 0 : index
    %get3A_63 = tpu.vector_load %arg6[%get3A_61, %get3A_62] {strides = array<i32>} : memref<16x16xi32, #tpu.memory_space<vmem>>, vector<1x16xi32>,
    %get3A_64 = vector.shape_cast %get3A_63 : vector<1x16xi32> to vector<16xi32>
    %get3A_65 = arith.constant 13 : i32
    %get3A_66 = arith.index_cast %get3A_65 : i32 to index
    %get3A_67 = arith.constant 0 : index
    %get3A_68 = tpu.vector_load %arg6[%get3A_66, %get3A_67] {strides = array<i32>} : memref<16x16xi32, #tpu.memory_space<vmem>>, vector<1x16xi32>,
    %get3A_69 = vector.shape_cast %get3A_68 : vector<1x16xi32> to vector<16xi32>
    %get3A_70 = arith.constant 14 : i32
    %get3A_71 = arith.index_cast %get3A_70 : i32 to index
    %get3A_72 = arith.constant 0 : index
    %get3A_73 = tpu.vector_load %arg6[%get3A_71, %get3A_72] {strides = array<i32>} : memref<16x16xi32, #tpu.memory_space<vmem>>, vector<1x16xi32>,
    %get3A_74 = vector.shape_cast %get3A_73 : vector<1x16xi32> to vector<16xi32>
    %get3A_75 = arith.constant 15 : i32
    %get3A_76 = arith.index_cast %get3A_75 : i32 to index
    %get3A_77 = arith.constant 0 : index
    %get3A_78 = tpu.vector_load %arg6[%get3A_76, %get3A_77] {strides = array<i32>} : memref<16x16xi32, #tpu.memory_space<vmem>>, vector<1x16xi32>,
    %get3A_79 = vector.shape_cast %get3A_78 : vector<1x16xi32> to vector<16xi32>
    %iota3A = tpu.iota {dimensions = array<i32: 0>} : vector<16xi32>
    %add3A_80 = arith.constant 24 : i32
    %add3A_81 = arith.addi %add3A, %add3A_80 : i32
    %jit3A = arith.constant 32 : i32
    %div3A = arith.divsi %add3A_81, %jit3A : i32
    %sign3A = arith.constant 0 : i32
    %sign3A_82 = arith.cmpi sgt, %add3A_81, %sign3A : i32
    %sign3A_83 = arith.extui %sign3A_82 : i1 to i32
    %sign3A_84 = arith.constant 0 : i32
    %sign3A_85 = arith.cmpi slt, %add3A_81, %sign3A_84 : i32
    %sign3A_86 = arith.extui %sign3A_85 : i1 to i32
    %sign3A_87 = arith.subi %sign3A_83, %sign3A_86 : i32
    %sign3A_88 = arith.constant 0 : i32
    %sign3A_89 = arith.cmpi sgt, %jit3A, %sign3A_88 : i32
    %sign3A_90 = arith.extui %sign3A_89 : i1 to i32
    %sign3A_91 = arith.constant 0 : i32
    %sign3A_92 = arith.cmpi slt, %jit3A, %sign3A_91 : i32
    %sign3A_93 = arith.extui %sign3A_92 : i1 to i32
    %sign3A_94 = arith.subi %sign3A_90, %sign3A_93 : i32
    %ne3A = arith.cmpi ne, %sign3A_87, %sign3A_94 : i32
    %rem3A = arith.remsi %add3A_81, %jit3A : i32
    %ne3A_95 = arith.constant 0 : i32
    %ne3A_96 = arith.cmpi ne, %rem3A, %ne3A_95 : i32
    %and3A = arith.andi %ne3A, %ne3A_96 : i1
    %sub3A = arith.constant 1 : i32
    %sub3A_97 = arith.subi %div3A, %sub3A : i32
    %select_n3A = arith.select %and3A, %sub3A_97, %div3A : i32
    %sub3A_98 = arith.constant 31 : i32
    %sub3A_99 = arith.subi %sub3A_98, %select_n3A : i32
    %mul3A_100 = arith.constant 31 : i32
    %mul3A_101 = arith.muli %mul3A_100, %add3A : i32
    %sub3A_102 = arith.constant 8 : i32
    %sub3A_103 = arith.subi %add3A, %sub3A_102 : i32
    %mul3A_104 = arith.muli %select_n3A, %sub3A_103 : i32
    %sub3A_105 = arith.subi %mul3A_101, %mul3A_104 : i32
    %add3A_106 = arith.constant 0 : i32
    %add3A_107 = arith.addi %sub3A_105, %add3A_106 : i32
    %mul3A_108 = arith.constant 16 : i32
    %mul3A_109 = arith.muli %add3A_107, %mul3A_108 : i32
    %add3A_110 = vector.broadcast %mul3A_109 : i32 to vector<16xi32>
    %add3A_111 = arith.addi %add3A_110, %iota3A : vector<16xi32>
    %ge3A = arith.cmpi sge, %add3A_111, %get3A_9 : vector<16xi32>
    %select_n3A_112 = arith.select %ge3A, %get3A_9, %get3A_4 : vector<16xi1>, vector<16xi32>
    %select_n3A_113 = arith.select %ge3A, %get3A_49, %get3A_44 : vector<16xi1>, vector<16xi32>
    %ge3A_114 = arith.cmpi sge, %add3A_111, %get3A_14 : vector<16xi32>
    %select_n3A_115 = arith.select %ge3A_114, %get3A_14, %select_n3A_112 : vector<16xi1>, vector<16xi32>
    %select_n3A_116 = arith.select %ge3A_114, %get3A_54, %select_n3A_113 : vector<16xi1>, vector<16xi32>
    %ge3A_117 = arith.cmpi sge, %add3A_111, %get3A_19 : vector<16xi32>
    %select_n3A_118 = arith.select %ge3A_117, %get3A_19, %select_n3A_115 : vector<16xi1>, vector<16xi32>
    %select_n3A_119 = arith.select %ge3A_117, %get3A_59, %select_n3A_116 : vector<16xi1>, vector<16xi32>
    %ge3A_120 = arith.cmpi sge, %add3A_111, %get3A_24 : vector<16xi32>
    %select_n3A_121 = arith.select %ge3A_120, %get3A_24, %select_n3A_118 : vector<16xi1>, vector<16xi32>
    %select_n3A_122 = arith.select %ge3A_120, %get3A_64, %select_n3A_119 : vector<16xi1>, vector<16xi32>
    %ge3A_123 = arith.cmpi sge, %add3A_111, %get3A_29 : vector<16xi32>
    %select_n3A_124 = arith.select %ge3A_123, %get3A_29, %select_n3A_121 : vector<16xi1>, vector<16xi32>
    %select_n3A_125 = arith.select %ge3A_123, %get3A_69, %select_n3A_122 : vector<16xi1>, vector<16xi32>
    %ge3A_126 = arith.cmpi sge, %add3A_111, %get3A_34 : vector<16xi32>
    %select_n3A_127 = arith.select %ge3A_126, %get3A_34, %select_n3A_124 : vector<16xi1>, vector<16xi32>
    %select_n3A_128 = arith.select %ge3A_126, %get3A_74, %select_n3A_125 : vector<16xi1>, vector<16xi32>
    %ge3A_129 = arith.cmpi sge, %add3A_111, %get3A_39 : vector<16xi32>
    %select_n3A_130 = arith.select %ge3A_129, %get3A_39, %select_n3A_127 : vector<16xi1>, vector<16xi32>
    %select_n3A_131 = arith.select %ge3A_129, %get3A_79, %select_n3A_128 : vector<16xi1>, vector<16xi32>
    %sub3A_132 = arith.subi %add3A_111, %select_n3A_130 : vector<16xi32>
    %min3A = arith.minsi %sub3A_132, %select_n3A_131 : vector<16xi32>
    %min3A_133 = arith.constant 8191 : i32
    %min3A_134 = vector.broadcast %min3A_133 : i32 to vector<16xi32>
    %min3A_135 = arith.minsi %min3A, %min3A_134 : vector<16xi32>
    %max3A = arith.constant 0 : i32
    %max3A_136 = vector.broadcast %max3A : i32 to vector<16xi32>
    %max3A_137 = arith.maxsi %min3A_135, %max3A_136 : vector<16xi32>
    %swap3A = arith.constant 0 : index
    %swap3A_138 = tpu.vector_load %arg7[%swap3A] {strides = array<i32>} : memref<16xi32, #tpu.memory_space<vmem>>, vector<16xi32>,
    %swap3A_139 = vector.shape_cast %swap3A_138 : vector<16xi32> to vector<16xi32>
    %swap3A_140 = vector.shape_cast %max3A_137 : vector<16xi32> to vector<16xi32>
    tpu.vector_store %arg7[%swap3A], %swap3A_140 {strides = array<i32>} : memref<16xi32, #tpu.memory_space<vmem>>, vector<16xi32>,
    %dma_start3A = arith.constant 0 : i32
    %dma_start3A_141 = arith.constant 0 : i32
    %dma_start3A_142 = tpu.memref_slice %arg4[%dma_start3A, %dma_start3A_141] : memref<8192x512xf32, #tpu.memory_space<hbm>> -> memref<8192x512xf32, #tpu.memory_space<hbm>>
    tpu.enqueue_indirect_dma source(%dma_start3A_142 : memref<8192x512xf32, #tpu.memory_space<hbm>>) target(%arg15 : memref<16x512xf32, #tpu.memory_space<vmem>>) offsets(%arg7 : memref<16xi32, #tpu.memory_space<vmem>>) semaphore(%arg27 : memref<!tpu.dma_semaphore, #tpu.memory_space<semaphore_mem>>)
    %dma_start3A_143 = arith.constant 0 : i32
    %dma_start3A_144 = tpu.memref_slice %arg3[%mul3A_109, %dma_start3A_143] : memref<15488x512xf32, #tpu.memory_space<hbm>> -> memref<16x512xf32, #tpu.memory_space<hbm>>
    %dma_start3A_145 = arith.constant 0 : i32
    %dma_start3A_146 = tpu.memref_slice %arg3[%mul3A_109, %dma_start3A_145] : memref<15488x512xf32, #tpu.memory_space<hbm>> -> memref<16x512xf32, #tpu.memory_space<hbm>>
    tpu.enqueue_dma source(%dma_start3A_146 : memref<16x512xf32, #tpu.memory_space<hbm>>) target(%arg11 : memref<16x512xf32, #tpu.memory_space<vmem>>) target_semaphore(%arg23 : memref<!tpu.dma_semaphore, #tpu.memory_space<semaphore_mem>>)
    %add3A_147 = arith.constant 1 : i32
    %add3A_148 = arith.addi %sub3A_105, %add3A_147 : i32
    %mul3A_149 = arith.constant 16 : i32
    %mul3A_150 = arith.muli %add3A_148, %mul3A_149 : i32
    %add3A_151 = vector.broadcast %mul3A_150 : i32 to vector<16xi32>
    %add3A_152 = arith.addi %add3A_151, %iota3A : vector<16xi32>
    %ge3A_153 = arith.cmpi sge, %add3A_152, %get3A_9 : vector<16xi32>
    %select_n3A_154 = arith.select %ge3A_153, %get3A_9, %get3A_4 : vector<16xi1>, vector<16xi32>
    %select_n3A_155 = arith.select %ge3A_153, %get3A_49, %get3A_44 : vector<16xi1>, vector<16xi32>
    %ge3A_156 = arith.cmpi sge, %add3A_152, %get3A_14 : vector<16xi32>
    %select_n3A_157 = arith.select %ge3A_156, %get3A_14, %select_n3A_154 : vector<16xi1>, vector<16xi32>
    %select_n3A_158 = arith.select %ge3A_156, %get3A_54, %select_n3A_155 : vector<16xi1>, vector<16xi32>
    %ge3A_159 = arith.cmpi sge, %add3A_152, %get3A_19 : vector<16xi32>
    %select_n3A_160 = arith.select %ge3A_159, %get3A_19, %select_n3A_157 : vector<16xi1>, vector<16xi32>
    %select_n3A_161 = arith.select %ge3A_159, %get3A_59, %select_n3A_158 : vector<16xi1>, vector<16xi32>
    %ge3A_162 = arith.cmpi sge, %add3A_152, %get3A_24 : vector<16xi32>
    %select_n3A_163 = arith.select %ge3A_162, %get3A_24, %select_n3A_160 : vector<16xi1>, vector<16xi32>
    %select_n3A_164 = arith.select %ge3A_162, %get3A_64, %select_n3A_161 : vector<16xi1>, vector<16xi32>
    %ge3A_165 = arith.cmpi sge, %add3A_152, %get3A_29 : vector<16xi32>
    %select_n3A_166 = arith.select %ge3A_165, %get3A_29, %select_n3A_163 : vector<16xi1>, vector<16xi32>
    %select_n3A_167 = arith.select %ge3A_165, %get3A_69, %select_n3A_164 : vector<16xi1>, vector<16xi32>
    %ge3A_168 = arith.cmpi sge, %add3A_152, %get3A_34 : vector<16xi32>
    %select_n3A_169 = arith.select %ge3A_168, %get3A_34, %select_n3A_166 : vector<16xi1>, vector<16xi32>
    %select_n3A_170 = arith.select %ge3A_168, %get3A_74, %select_n3A_167 : vector<16xi1>, vector<16xi32>
    %ge3A_171 = arith.cmpi sge, %add3A_152, %get3A_39 : vector<16xi32>
    %select_n3A_172 = arith.select %ge3A_171, %get3A_39, %select_n3A_169 : vector<16xi1>, vector<16xi32>
    %select_n3A_173 = arith.select %ge3A_171, %get3A_79, %select_n3A_170 : vector<16xi1>, vector<16xi32>
    %sub3A_174 = arith.subi %add3A_152, %select_n3A_172 : vector<16xi32>
    %min3A_175 = arith.minsi %sub3A_174, %select_n3A_173 : vector<16xi32>
    %min3A_176 = arith.constant 8191 : i32
    %min3A_177 = vector.broadcast %min3A_176 : i32 to vector<16xi32>
    %min3A_178 = arith.minsi %min3A_175, %min3A_177 : vector<16xi32>
    %max3A_179 = arith.constant 0 : i32
    %max3A_180 = vector.broadcast %max3A_179 : i32 to vector<16xi32>
    %max3A_181 = arith.maxsi %min3A_178, %max3A_180 : vector<16xi32>
    %swap3A_182 = arith.constant 0 : index
    %swap3A_183 = tpu.vector_load %arg8[%swap3A_182] {strides = array<i32>} : memref<16xi32, #tpu.memory_space<vmem>>, vector<16xi32>,
    %swap3A_184 = vector.shape_cast %swap3A_183 : vector<16xi32> to vector<16xi32>
    %swap3A_185 = vector.shape_cast %max3A_181 : vector<16xi32> to vector<16xi32>
    tpu.vector_store %arg8[%swap3A_182], %swap3A_185 {strides = array<i32>} : memref<16xi32, #tpu.memory_space<vmem>>, vector<16xi32>,
    %dma_start3A_186 = arith.constant 0 : i32
    %dma_start3A_187 = arith.constant 0 : i32
    %dma_start3A_188 = tpu.memref_slice %arg4[%dma_start3A_186, %dma_start3A_187] : memref<8192x512xf32, #tpu.memory_space<hbm>> -> memref<8192x512xf32, #tpu.memory_space<hbm>>
    tpu.enqueue_indirect_dma source(%dma_start3A_188 : memref<8192x512xf32, #tpu.memory_space<hbm>>) target(%arg16 : memref<16x512xf32, #tpu.memory_space<vmem>>) offsets(%arg8 : memref<16xi32, #tpu.memory_space<vmem>>) semaphore(%arg28 : memref<!tpu.dma_semaphore, #tpu.memory_space<semaphore_mem>>)
    %dma_start3A_189 = arith.constant 0 : i32
    %dma_start3A_190 = tpu.memref_slice %arg3[%mul3A_150, %dma_start3A_189] : memref<15488x512xf32, #tpu.memory_space<hbm>> -> memref<16x512xf32, #tpu.memory_space<hbm>>
    %dma_start3A_191 = arith.constant 0 : i32
    %dma_start3A_192 = tpu.memref_slice %arg3[%mul3A_150, %dma_start3A_191] : memref<15488x512xf32, #tpu.memory_space<hbm>> -> memref<16x512xf32, #tpu.memory_space<hbm>>
    tpu.enqueue_dma source(%dma_start3A_192 : memref<16x512xf32, #tpu.memory_space<hbm>>) target(%arg12 : memref<16x512xf32, #tpu.memory_space<vmem>>) target_semaphore(%arg24 : memref<!tpu.dma_semaphore, #tpu.memory_space<semaphore_mem>>)
    %add3A_193 = arith.constant 2 : i32
    %add3A_194 = arith.addi %sub3A_105, %add3A_193 : i32
    %mul3A_195 = arith.constant 16 : i32
    %mul3A_196 = arith.muli %add3A_194, %mul3A_195 : i32
    %add3A_197 = vector.broadcast %mul3A_196 : i32 to vector<16xi32>
    %add3A_198 = arith.addi %add3A_197, %iota3A : vector<16xi32>
    %ge3A_199 = arith.cmpi sge, %add3A_198, %get3A_9 : vector<16xi32>
    %select_n3A_200 = arith.select %ge3A_199, %get3A_9, %get3A_4 : vector<16xi1>, vector<16xi32>
    %select_n3A_201 = arith.select %ge3A_199, %get3A_49, %get3A_44 : vector<16xi1>, vector<16xi32>
    %ge3A_202 = arith.cmpi sge, %add3A_198, %get3A_14 : vector<16xi32>
    %select_n3A_203 = arith.select %ge3A_202, %get3A_14, %select_n3A_200 : vector<16xi1>, vector<16xi32>
    %select_n3A_204 = arith.select %ge3A_202, %get3A_54, %select_n3A_201 : vector<16xi1>, vector<16xi32>
    %ge3A_205 = arith.cmpi sge, %add3A_198, %get3A_19 : vector<16xi32>
    %select_n3A_206 = arith.select %ge3A_205, %get3A_19, %select_n3A_203 : vector<16xi1>, vector<16xi32>
    %select_n3A_207 = arith.select %ge3A_205, %get3A_59, %select_n3A_204 : vector<16xi1>, vector<16xi32>
    %ge3A_208 = arith.cmpi sge, %add3A_198, %get3A_24 : vector<16xi32>
    %select_n3A_209 = arith.select %ge3A_208, %get3A_24, %select_n3A_206 : vector<16xi1>, vector<16xi32>
    %select_n3A_210 = arith.select %ge3A_208, %get3A_64, %select_n3A_207 : vector<16xi1>, vector<16xi32>
    %ge3A_211 = arith.cmpi sge, %add3A_198, %get3A_29 : vector<16xi32>
    %select_n3A_212 = arith.select %ge3A_211, %get3A_29, %select_n3A_209 : vector<16xi1>, vector<16xi32>
    %select_n3A_213 = arith.select %ge3A_211, %get3A_69, %select_n3A_210 : vector<16xi1>, vector<16xi32>
    %ge3A_214 = arith.cmpi sge, %add3A_198, %get3A_34 : vector<16xi32>
    %select_n3A_215 = arith.select %ge3A_214, %get3A_34, %select_n3A_212 : vector<16xi1>, vector<16xi32>
    %select_n3A_216 = arith.select %ge3A_214, %get3A_74, %select_n3A_213 : vector<16xi1>, vector<16xi32>
    %ge3A_217 = arith.cmpi sge, %add3A_198, %get3A_39 : vector<16xi32>
    %select_n3A_218 = arith.select %ge3A_217, %get3A_39, %select_n3A_215 : vector<16xi1>, vector<16xi32>
    %select_n3A_219 = arith.select %ge3A_217, %get3A_79, %select_n3A_216 : vector<16xi1>, vector<16xi32>
    %sub3A_220 = arith.subi %add3A_198, %select_n3A_218 : vector<16xi32>
    %min3A_221 = arith.minsi %sub3A_220, %select_n3A_219 : vector<16xi32>
    %min3A_222 = arith.constant 8191 : i32
    %min3A_223 = vector.broadcast %min3A_222 : i32 to vector<16xi32>
    %min3A_224 = arith.minsi %min3A_221, %min3A_223 : vector<16xi32>
    %max3A_225 = arith.constant 0 : i32
    %max3A_226 = vector.broadcast %max3A_225 : i32 to vector<16xi32>
    %max3A_227 = arith.maxsi %min3A_224, %max3A_226 : vector<16xi32>
    %swap3A_228 = arith.constant 0 : index
    %swap3A_229 = tpu.vector_load %arg9[%swap3A_228] {strides = array<i32>} : memref<16xi32, #tpu.memory_space<vmem>>, vector<16xi32>,
    %swap3A_230 = vector.shape_cast %swap3A_229 : vector<16xi32> to vector<16xi32>
    %swap3A_231 = vector.shape_cast %max3A_227 : vector<16xi32> to vector<16xi32>
    tpu.vector_store %arg9[%swap3A_228], %swap3A_231 {strides = array<i32>} : memref<16xi32, #tpu.memory_space<vmem>>, vector<16xi32>,
    %dma_start3A_232 = arith.constant 0 : i32
    %dma_start3A_233 = arith.constant 0 : i32
    %dma_start3A_234 = tpu.memref_slice %arg4[%dma_start3A_232, %dma_start3A_233] : memref<8192x512xf32, #tpu.memory_space<hbm>> -> memref<8192x512xf32, #tpu.memory_space<hbm>>
    tpu.enqueue_indirect_dma source(%dma_start3A_234 : memref<8192x512xf32, #tpu.memory_space<hbm>>) target(%arg17 : memref<16x512xf32, #tpu.memory_space<vmem>>) offsets(%arg9 : memref<16xi32, #tpu.memory_space<vmem>>) semaphore(%arg29 : memref<!tpu.dma_semaphore, #tpu.memory_space<semaphore_mem>>)
    %dma_start3A_235 = arith.constant 0 : i32
    %dma_start3A_236 = tpu.memref_slice %arg3[%mul3A_196, %dma_start3A_235] : memref<15488x512xf32, #tpu.memory_space<hbm>> -> memref<16x512xf32, #tpu.memory_space<hbm>>
    %dma_start3A_237 = arith.constant 0 : i32
    %dma_start3A_238 = tpu.memref_slice %arg3[%mul3A_196, %dma_start3A_237] : memref<15488x512xf32, #tpu.memory_space<hbm>> -> memref<16x512xf32, #tpu.memory_space<hbm>>
    tpu.enqueue_dma source(%dma_start3A_238 : memref<16x512xf32, #tpu.memory_space<hbm>>) target(%arg13 : memref<16x512xf32, #tpu.memory_space<vmem>>) target_semaphore(%arg25 : memref<!tpu.dma_semaphore, #tpu.memory_space<semaphore_mem>>)
    %add3A_239 = arith.constant 3 : i32
    %add3A_240 = arith.addi %sub3A_105, %add3A_239 : i32
    %mul3A_241 = arith.constant 16 : i32
    %mul3A_242 = arith.muli %add3A_240, %mul3A_241 : i32
    %add3A_243 = vector.broadcast %mul3A_242 : i32 to vector<16xi32>
    %add3A_244 = arith.addi %add3A_243, %iota3A : vector<16xi32>
    %ge3A_245 = arith.cmpi sge, %add3A_244, %get3A_9 : vector<16xi32>
    %select_n3A_246 = arith.select %ge3A_245, %get3A_9, %get3A_4 : vector<16xi1>, vector<16xi32>
    %select_n3A_247 = arith.select %ge3A_245, %get3A_49, %get3A_44 : vector<16xi1>, vector<16xi32>
    %ge3A_248 = arith.cmpi sge, %add3A_244, %get3A_14 : vector<16xi32>
    %select_n3A_249 = arith.select %ge3A_248, %get3A_14, %select_n3A_246 : vector<16xi1>, vector<16xi32>
    %select_n3A_250 = arith.select %ge3A_248, %get3A_54, %select_n3A_247 : vector<16xi1>, vector<16xi32>
    %ge3A_251 = arith.cmpi sge, %add3A_244, %get3A_19 : vector<16xi32>
    %select_n3A_252 = arith.select %ge3A_251, %get3A_19, %select_n3A_249 : vector<16xi1>, vector<16xi32>
    %select_n3A_253 = arith.select %ge3A_251, %get3A_59, %select_n3A_250 : vector<16xi1>, vector<16xi32>
    %ge3A_254 = arith.cmpi sge, %add3A_244, %get3A_24 : vector<16xi32>
    %select_n3A_255 = arith.select %ge3A_254, %get3A_24, %select_n3A_252 : vector<16xi1>, vector<16xi32>
    %select_n3A_256 = arith.select %ge3A_254, %get3A_64, %select_n3A_253 : vector<16xi1>, vector<16xi32>
    %ge3A_257 = arith.cmpi sge, %add3A_244, %get3A_29 : vector<16xi32>
    %select_n3A_258 = arith.select %ge3A_257, %get3A_29, %select_n3A_255 : vector<16xi1>, vector<16xi32>
    %select_n3A_259 = arith.select %ge3A_257, %get3A_69, %select_n3A_256 : vector<16xi1>, vector<16xi32>
    %ge3A_260 = arith.cmpi sge, %add3A_244, %get3A_34 : vector<16xi32>
    %select_n3A_261 = arith.select %ge3A_260, %get3A_34, %select_n3A_258 : vector<16xi1>, vector<16xi32>
    %select_n3A_262 = arith.select %ge3A_260, %get3A_74, %select_n3A_259 : vector<16xi1>, vector<16xi32>
    %ge3A_263 = arith.cmpi sge, %add3A_244, %get3A_39 : vector<16xi32>
    %select_n3A_264 = arith.select %ge3A_263, %get3A_39, %select_n3A_261 : vector<16xi1>, vector<16xi32>
    %select_n3A_265 = arith.select %ge3A_263, %get3A_79, %select_n3A_262 : vector<16xi1>, vector<16xi32>
    %sub3A_266 = arith.subi %add3A_244, %select_n3A_264 : vector<16xi32>
    %min3A_267 = arith.minsi %sub3A_266, %select_n3A_265 : vector<16xi32>
    %min3A_268 = arith.constant 8191 : i32
    %min3A_269 = vector.broadcast %min3A_268 : i32 to vector<16xi32>
    %min3A_270 = arith.minsi %min3A_267, %min3A_269 : vector<16xi32>
    %max3A_271 = arith.constant 0 : i32
    %max3A_272 = vector.broadcast %max3A_271 : i32 to vector<16xi32>
    %max3A_273 = arith.maxsi %min3A_270, %max3A_272 : vector<16xi32>
    %swap3A_274 = arith.constant 0 : index
    %swap3A_275 = tpu.vector_load %arg10[%swap3A_274] {strides = array<i32>} : memref<16xi32, #tpu.memory_space<vmem>>, vector<16xi32>,
    %swap3A_276 = vector.shape_cast %swap3A_275 : vector<16xi32> to vector<16xi32>
    %swap3A_277 = vector.shape_cast %max3A_273 : vector<16xi32> to vector<16xi32>
    tpu.vector_store %arg10[%swap3A_274], %swap3A_277 {strides = array<i32>} : memref<16xi32, #tpu.memory_space<vmem>>, vector<16xi32>,
    %dma_start3A_278 = arith.constant 0 : i32
    %dma_start3A_279 = arith.constant 0 : i32
    %dma_start3A_280 = tpu.memref_slice %arg4[%dma_start3A_278, %dma_start3A_279] : memref<8192x512xf32, #tpu.memory_space<hbm>> -> memref<8192x512xf32, #tpu.memory_space<hbm>>
    tpu.enqueue_indirect_dma source(%dma_start3A_280 : memref<8192x512xf32, #tpu.memory_space<hbm>>) target(%arg18 : memref<16x512xf32, #tpu.memory_space<vmem>>) offsets(%arg10 : memref<16xi32, #tpu.memory_space<vmem>>) semaphore(%arg30 : memref<!tpu.dma_semaphore, #tpu.memory_space<semaphore_mem>>)
    %dma_start3A_281 = arith.constant 0 : i32
    %dma_start3A_282 = tpu.memref_slice %arg3[%mul3A_242, %dma_start3A_281] : memref<15488x512xf32, #tpu.memory_space<hbm>> -> memref<16x512xf32, #tpu.memory_space<hbm>>
    %dma_start3A_283 = arith.constant 0 : i32
    %dma_start3A_284 = tpu.memref_slice %arg3[%mul3A_242, %dma_start3A_283] : memref<15488x512xf32, #tpu.memory_space<hbm>> -> memref<16x512xf32, #tpu.memory_space<hbm>>
    tpu.enqueue_dma source(%dma_start3A_284 : memref<16x512xf32, #tpu.memory_space<hbm>>) target(%arg14 : memref<16x512xf32, #tpu.memory_space<vmem>>) target_semaphore(%arg26 : memref<!tpu.dma_semaphore, #tpu.memory_space<semaphore_mem>>)
    %scan3A = arith.constant 0 : i32
    %scan3A_285 = arith.constant 0 : i32
    %scan3A_286 = arith.constant 8 : i32
    %scan3A_287 = arith.addi %scan3A_285, %scan3A_286 : i32
    %scan3A_288 = arith.constant 1 : i32
    scf.for %scan3A_313 = %scan3A_285 to %scan3A_287 step %scan3A_288  : i32 {
      %mul3A_314 = arith.constant 4 : i32
      %mul3A_315 = arith.muli %mul3A_314, %scan3A_313 : i32
      %add3A_316 = arith.constant 0 : i32
      %add3A_317 = arith.addi %mul3A_315, %add3A_316 : i32
      %lt3A = arith.cmpi slt, %add3A_317, %sub3A_99 : i32
      %convert_element_type3A = arith.extui %lt3A : i1 to i32
      %cond3A = arith.constant 0 : i32
      %cond3A_318 = arith.cmpi ne, %convert_element_type3A, %cond3A : i32
      scf.if %cond3A_318 {
        %add3A_343 = arith.addi %sub3A_105, %add3A_317 : i32
        %mul3A_344 = arith.constant 16 : i32
        %mul3A_345 = arith.muli %add3A_343, %mul3A_344 : i32
        %dma_wait3A_346 = arith.constant 0 : i32
        %dma_wait3A_347 = tpu.memref_slice %arg3[%mul3A_345, %dma_wait3A_346] : memref<15488x512xf32, #tpu.memory_space<hbm>> -> memref<16x512xf32, #tpu.memory_space<hbm>>
        %dma_wait3A_348 = arith.constant 0 : i32
        %dma_wait3A_349 = tpu.memref_slice %arg3[%mul3A_345, %dma_wait3A_348] : memref<15488x512xf32, #tpu.memory_space<hbm>> -> memref<16x512xf32, #tpu.memory_space<hbm>>
        tpu.wait_dma2 semaphore(%arg23 : memref<!tpu.dma_semaphore, #tpu.memory_space<semaphore_mem>>) src(%dma_wait3A_349 : memref<16x512xf32, #tpu.memory_space<hbm>>) dst(%arg11 : memref<16x512xf32, #tpu.memory_space<vmem>>)
        %dma_wait3A_350 = arith.constant 0 : i32
        %dma_wait3A_351 = arith.constant 0 : i32
        %dma_wait3A_352 = tpu.memref_slice %arg4[%dma_wait3A_350, %dma_wait3A_351] : memref<8192x512xf32, #tpu.memory_space<hbm>> -> memref<8192x512xf32, #tpu.memory_space<hbm>>
        tpu.wait_indirect_dma semaphore(%arg27 : memref<!tpu.dma_semaphore, #tpu.memory_space<semaphore_mem>>) src(%dma_wait3A_352 : memref<8192x512xf32, #tpu.memory_space<hbm>>) dst(%arg15 : memref<16x512xf32, #tpu.memory_space<vmem>>)
        %ge3A_353 = arith.constant 4 : i32
        %ge3A_354 = arith.cmpi sge, %add3A_317, %ge3A_353 : i32
        %convert_element_type3A_355 = arith.extui %ge3A_354 : i1 to i32
        %cond3A_356 = arith.constant 0 : i32
        %cond3A_357 = arith.cmpi ne, %convert_element_type3A_355, %cond3A_356 : i32
        scf.if %cond3A_357 {
          %dma_wait3A_374 = arith.constant 0 : i32
          %dma_wait3A_375 = arith.constant 0 : i32
          %dma_wait3A_376 = tpu.memref_slice %arg5[%dma_wait3A_374, %dma_wait3A_375] : memref<15488x512xf32, #tpu.memory_space<hbm>> -> memref<16x512xf32, #tpu.memory_space<hbm>>
          %dma_wait3A_377 = arith.constant 0 : i32
          %dma_wait3A_378 = arith.constant 0 : i32
          %dma_wait3A_379 = tpu.memref_slice %arg5[%dma_wait3A_377, %dma_wait3A_378] : memref<15488x512xf32, #tpu.memory_space<hbm>> -> memref<16x512xf32, #tpu.memory_space<hbm>>
          tpu.wait_dma2 semaphore(%arg31 : memref<!tpu.dma_semaphore, #tpu.memory_space<semaphore_mem>>) src(%arg19 : memref<16x512xf32, #tpu.memory_space<vmem>>) dst(%dma_wait3A_379 : memref<16x512xf32, #tpu.memory_space<hbm>>)
        } else {
        }
        %scan3A_358 = arith.constant 0 : i32
        %scan3A_359 = arith.constant 0 : i32
        %scan3A_360 = arith.constant 16 : i32
        %scan3A_361 = arith.addi %scan3A_359, %scan3A_360 : i32
        %scan3A_362 = arith.constant 1 : i32
        scf.for %scan3A_374 = %scan3A_359 to %scan3A_361 step %scan3A_362  : i32 {
          %get3A_375 = arith.index_cast %scan3A_374 : i32 to index
          %get3A_376 = arith.constant 0 : index
          %get3A_377 = tpu.vector_load %arg11[%get3A_375, %get3A_376] {strides = array<i32>} : memref<16x512xf32, #tpu.memory_space<vmem>>, vector<1x16xf32>,
          %get3A_378 = vector.shape_cast %get3A_377 : vector<1x16xf32> to vector<16xf32>
          %mul3A_379 = arith.constant 22.6274166 : f32
          %mul3A_380 = vector.broadcast %mul3A_379 : f32 to vector<16xf32>
          %mul3A_381 = arith.mulf %get3A_378, %mul3A_380 : vector<16xf32>
          %get3A_382 = arith.index_cast %scan3A_374 : i32 to index
          %get3A_383 = arith.constant 0 : index
          %get3A_384 = tpu.vector_load %arg15[%get3A_382, %get3A_383] {strides = array<i32>} : memref<16x512xf32, #tpu.memory_space<vmem>>, vector<1x16xf32>,
          %get3A_385 = vector.shape_cast %get3A_384 : vector<1x16xf32> to vector<16xf32>
          %add3A_386 = arith.addf %mul3A_381, %get3A_385 : vector<16xf32>
          %swap3A_387 = arith.index_cast %scan3A_374 : i32 to index
          %swap3A_388 = arith.constant 0 : index
          %swap3A_389 = tpu.vector_load %arg19[%swap3A_387, %swap3A_388] {strides = array<i32>} : memref<16x512xf32, #tpu.memory_space<vmem>>, vector<1x16xf32>,
          %swap3A_390 = vector.shape_cast %swap3A_389 : vector<1x16xf32> to vector<16xf32>
          %swap3A_391 = vector.shape_cast %add3A_386 : vector<16xf32> to vector<1x16xf32>
          tpu.vector_store %arg19[%swap3A_387, %swap3A_388], %swap3A_391 {strides = array<i32>} : memref<16x512xf32, #tpu.memory_space<vmem>>, vector<1x16xf32>,
          %get3A_392 = arith.index_cast %scan3A_374 : i32 to index
          %get3A_393 = arith.constant 16 : index
          %get3A_394 = tpu.vector_load %arg11[%get3A_392, %get3A_393] {strides = array<i32>} : memref<16x512xf32, #tpu.memory_space<vmem>>, vector<1x16xf32>,
          %get3A_395 = vector.shape_cast %get3A_394 : vector<1x16xf32> to vector<16xf32>
          %mul3A_396 = arith.constant 22.6274166 : f32
          %mul3A_397 = vector.broadcast %mul3A_396 : f32 to vector<16xf32>
          %mul3A_398 = arith.mulf %get3A_395, %mul3A_397 : vector<16xf32>
          %get3A_399 = arith.index_cast %scan3A_374 : i32 to index
          %get3A_400 = arith.constant 16 : index
          %get3A_401 = tpu.vector_load %arg15[%get3A_399, %get3A_400] {strides = array<i32>} : memref<16x512xf32, #tpu.memory_space<vmem>>, vector<1x16xf32>,
          %get3A_402 = vector.shape_cast %get3A_401 : vector<1x16xf32> to vector<16xf32>
          %add3A_403 = arith.addf %mul3A_398, %get3A_402 : vector<16xf32>
          %swap3A_404 = arith.index_cast %scan3A_374 : i32 to index
          %swap3A_405 = arith.constant 16 : index
          %swap3A_406 = tpu.vector_load %arg19[%swap3A_404, %swap3A_405] {strides = array<i32>} : memref<16x512xf32, #tpu.memory_space<vmem>>, vector<1x16xf32>,
          %swap3A_407 = vector.shape_cast %swap3A_406 : vector<1x16xf32> to vector<16xf32>
          %swap3A_408 = vector.shape_cast %add3A_403 : vector<16xf32> to vector<1x16xf32>
          tpu.vector_store %arg19[%swap3A_404, %swap3A_405], %swap3A_408 {strides = array<i32>} : memref<16x512xf32, #tpu.memory_space<vmem>>, vector<1x16xf32>,
          %get3A_409 = arith.index_cast %scan3A_374 : i32 to index
          %get3A_410 = arith.constant 32 : index
          %get3A_411 = tpu.vector_load %arg11[%get3A_409, %get3A_410] {strides = array<i32>} : memref<16x512xf32, #tpu.memory_space<vmem>>, vector<1x16xf32>,
          %get3A_412 = vector.shape_cast %get3A_411 : vector<1x16xf32> to vector<16xf32>
          %mul3A_413 = arith.constant 22.6274166 : f32
          %mul3A_414 = vector.broadcast %mul3A_413 : f32 to vector<16xf32>
          %mul3A_415 = arith.mulf %get3A_412, %mul3A_414 : vector<16xf32>
          %get3A_416 = arith.index_cast %scan3A_374 : i32 to index
          %get3A_417 = arith.constant 32 : index
          %get3A_418 = tpu.vector_load %arg15[%get3A_416, %get3A_417] {strides = array<i32>} : memref<16x512xf32, #tpu.memory_space<vmem>>, vector<1x16xf32>,
          %get3A_419 = vector.shape_cast %get3A_418 : vector<1x16xf32> to vector<16xf32>
          %add3A_420 = arith.addf %mul3A_415, %get3A_419 : vector<16xf32>
          %swap3A_421 = arith.index_cast %scan3A_374 : i32 to index
          %swap3A_422 = arith.constant 32 : index
          %swap3A_423 = tpu.vector_load %arg19[%swap3A_421, %swap3A_422] {strides = array<i32>} : memref<16x512xf32, #tpu.memory_space<vmem>>, vector<1x16xf32>,
          %swap3A_424 = vector.shape_cast %swap3A_423 : vector<1x16xf32> to vector<16xf32>
          %swap3A_425 = vector.shape_cast %add3A_420 : vector<16xf32> to vector<1x16xf32>
          tpu.vector_store %arg19[%swap3A_421, %swap3A_422], %swap3A_425 {strides = array<i32>} : memref<16x512xf32, #tpu.memory_space<vmem>>, vector<1x16xf32>,
          %get3A_426 = arith.index_cast %scan3A_374 : i32 to index
          %get3A_427 = arith.constant 48 : index
          %get3A_428 = tpu.vector_load %arg11[%get3A_426, %get3A_427] {strides = array<i32>} : memref<16x512xf32, #tpu.memory_space<vmem>>, vector<1x16xf32>,
          %get3A_429 = vector.shape_cast %get3A_428 : vector<1x16xf32> to vector<16xf32>
          %mul3A_430 = arith.constant 22.6274166 : f32
          %mul3A_431 = vector.broadcast %mul3A_430 : f32 to vector<16xf32>
          %mul3A_432 = arith.mulf %get3A_429, %mul3A_431 : vector<16xf32>
          %get3A_433 = arith.index_cast %scan3A_374 : i32 to index
          %get3A_434 = arith.constant 48 : index
          %get3A_435 = tpu.vector_load %arg15[%get3A_433, %get3A_434] {strides = array<i32>} : memref<16x512xf32, #tpu.memory_space<vmem>>, vector<1x16xf32>,
          %get3A_436 = vector.shape_cast %get3A_435 : vector<1x16xf32> to vector<16xf32>
          %add3A_437 = arith.addf %mul3A_432, %get3A_436 : vector<16xf32>
          %swap3A_438 = arith.index_cast %scan3A_374 : i32 to index
          %swap3A_439 = arith.constant 48 : index
          %swap3A_440 = tpu.vector_load %arg19[%swap3A_438, %swap3A_439] {strides = array<i32>} : memref<16x512xf32, #tpu.memory_space<vmem>>, vector<1x16xf32>,
          %swap3A_441 = vector.shape_cast %swap3A_440 : vector<1x16xf32> to vector<16xf32>
          %swap3A_442 = vector.shape_cast %add3A_437 : vector<16xf32> to vector<1x16xf32>
          tpu.vector_store %arg19[%swap3A_438, %swap3A_439], %swap3A_442 {strides = array<i32>} : memref<16x512xf32, #tpu.memory_space<vmem>>, vector<1x16xf32>,
          %get3A_443 = arith.index_cast %scan3A_374 : i32 to index
          %get3A_444 = arith.constant 64 : index
          %get3A_445 = tpu.vector_load %arg11[%get3A_443, %get3A_444] {strides = array<i32>} : memref<16x512xf32, #tpu.memory_space<vmem>>, vector<1x16xf32>,
          %get3A_446 = vector.shape_cast %get3A_445 : vector<1x16xf32> to vector<16xf32>
          %mul3A_447 = arith.constant 22.6274166 : f32
          %mul3A_448 = vector.broadcast %mul3A_447 : f32 to vector<16xf32>
          %mul3A_449 = arith.mulf %get3A_446, %mul3A_448 : vector<16xf32>
          %get3A_450 = arith.index_cast %scan3A_374 : i32 to index
          %get3A_451 = arith.constant 64 : index
          %get3A_452 = tpu.vector_load %arg15[%get3A_450, %get3A_451] {strides = array<i32>} : memref<16x512xf32, #tpu.memory_space<vmem>>, vector<1x16xf32>,
          %get3A_453 = vector.shape_cast %get3A_452 : vector<1x16xf32> to vector<16xf32>
          %add3A_454 = arith.addf %mul3A_449, %get3A_453 : vector<16xf32>
          %swap3A_455 = arith.index_cast %scan3A_374 : i32 to index
          %swap3A_456 = arith.constant 64 : index
          %swap3A_457 = tpu.vector_load %arg19[%swap3A_455, %swap3A_456] {strides = array<i32>} : memref<16x512xf32, #tpu.memory_space<vmem>>, vector<1x16xf32>,
          %swap3A_458 = vector.shape_cast %swap3A_457 : vector<1x16xf32> to vector<16xf32>
          %swap3A_459 = vector.shape_cast %add3A_454 : vector<16xf32> to vector<1x16xf32>
          tpu.vector_store %arg19[%swap3A_455, %swap3A_456], %swap3A_459 {strides = array<i32>} : memref<16x512xf32, #tpu.memory_space<vmem>>, vector<1x16xf32>,
          %get3A_460 = arith.index_cast %scan3A_374 : i32 to index
          %get3A_461 = arith.constant 80 : index
          %get3A_462 = tpu.vector_load %arg11[%get3A_460, %get3A_461] {strides = array<i32>} : memref<16x512xf32, #tpu.memory_space<vmem>>, vector<1x16xf32>,
          %get3A_463 = vector.shape_cast %get3A_462 : vector<1x16xf32> to vector<16xf32>
          %mul3A_464 = arith.constant 22.6274166 : f32
          %mul3A_465 = vector.broadcast %mul3A_464 : f32 to vector<16xf32>
          %mul3A_466 = arith.mulf %get3A_463, %mul3A_465 : vector<16xf32>
          %get3A_467 = arith.index_cast %scan3A_374 : i32 to index
          %get3A_468 = arith.constant 80 : index
          %get3A_469 = tpu.vector_load %arg15[%get3A_467, %get3A_468] {strides = array<i32>} : memref<16x512xf32, #tpu.memory_space<vmem>>, vector<1x16xf32>,
          %get3A_470 = vector.shape_cast %get3A_469 : vector<1x16xf32> to vector<16xf32>
          %add3A_471 = arith.addf %mul3A_466, %get3A_470 : vector<16xf32>
          %swap3A_472 = arith.index_cast %scan3A_374 : i32 to index
          %swap3A_473 = arith.constant 80 : index
          %swap3A_474 = tpu.vector_load %arg19[%swap3A_472, %swap3A_473] {strides = array<i32>} : memref<16x512xf32, #tpu.memory_space<vmem>>, vector<1x16xf32>,
          %swap3A_475 = vector.shape_cast %swap3A_474 : vector<1x16xf32> to vector<16xf32>
          %swap3A_476 = vector.shape_cast %add3A_471 : vector<16xf32> to vector<1x16xf32>
          tpu.vector_store %arg19[%swap3A_472, %swap3A_473], %swap3A_476 {strides = array<i32>} : memref<16x512xf32, #tpu.memory_space<vmem>>, vector<1x16xf32>,
          %get3A_477 = arith.index_cast %scan3A_374 : i32 to index
          %get3A_478 = arith.constant 96 : index
          %get3A_479 = tpu.vector_load %arg11[%get3A_477, %get3A_478] {strides = array<i32>} : memref<16x512xf32, #tpu.memory_space<vmem>>, vector<1x16xf32>,
          %get3A_480 = vector.shape_cast %get3A_479 : vector<1x16xf32> to vector<16xf32>
          %mul3A_481 = arith.constant 22.6274166 : f32
          %mul3A_482 = vector.broadcast %mul3A_481 : f32 to vector<16xf32>
          %mul3A_483 = arith.mulf %get3A_480, %mul3A_482 : vector<16xf32>
          %get3A_484 = arith.index_cast %scan3A_374 : i32 to index
          %get3A_485 = arith.constant 96 : index
          %get3A_486 = tpu.vector_load %arg15[%get3A_484, %get3A_485] {strides = array<i32>} : memref<16x512xf32, #tpu.memory_space<vmem>>, vector<1x16xf32>,
          %get3A_487 = vector.shape_cast %get3A_486 : vector<1x16xf32> to vector<16xf32>
          %add3A_488 = arith.addf %mul3A_483, %get3A_487 : vector<16xf32>
          %swap3A_489 = arith.index_cast %scan3A_374 : i32 to index
          %swap3A_490 = arith.constant 96 : index
          %swap3A_491 = tpu.vector_load %arg19[%swap3A_489, %swap3A_490] {strides = array<i32>} : memref<16x512xf32, #tpu.memory_space<vmem>>, vector<1x16xf32>,
          %swap3A_492 = vector.shape_cast %swap3A_491 : vector<1x16xf32> to vector<16xf32>
          %swap3A_493 = vector.shape_cast %add3A_488 : vector<16xf32> to vector<1x16xf32>
          tpu.vector_store %arg19[%swap3A_489, %swap3A_490], %swap3A_493 {strides = array<i32>} : memref<16x512xf32, #tpu.memory_space<vmem>>, vector<1x16xf32>,
          %get3A_494 = arith.index_cast %scan3A_374 : i32 to index
          %get3A_495 = arith.constant 112 : index
          %get3A_496 = tpu.vector_load %arg11[%get3A_494, %get3A_495] {strides = array<i32>} : memref<16x512xf32, #tpu.memory_space<vmem>>, vector<1x16xf32>,
          %get3A_497 = vector.shape_cast %get3A_496 : vector<1x16xf32> to vector<16xf32>
          %mul3A_498 = arith.constant 22.6274166 : f32
          %mul3A_499 = vector.broadcast %mul3A_498 : f32 to vector<16xf32>
          %mul3A_500 = arith.mulf %get3A_497, %mul3A_499 : vector<16xf32>
          %get3A_501 = arith.index_cast %scan3A_374 : i32 to index
          %get3A_502 = arith.constant 112 : index
          %get3A_503 = tpu.vector_load %arg15[%get3A_501, %get3A_502] {strides = array<i32>} : memref<16x512xf32, #tpu.memory_space<vmem>>, vector<1x16xf32>,
          %get3A_504 = vector.shape_cast %get3A_503 : vector<1x16xf32> to vector<16xf32>
          %add3A_505 = arith.addf %mul3A_500, %get3A_504 : vector<16xf32>
          %swap3A_506 = arith.index_cast %scan3A_374 : i32 to index
          %swap3A_507 = arith.constant 112 : index
          %swap3A_508 = tpu.vector_load %arg19[%swap3A_506, %swap3A_507] {strides = array<i32>} : memref<16x512xf32, #tpu.memory_space<vmem>>, vector<1x16xf32>,
          %swap3A_509 = vector.shape_cast %swap3A_508 : vector<1x16xf32> to vector<16xf32>
          %swap3A_510 = vector.shape_cast %add3A_505 : vector<16xf32> to vector<1x16xf32>
          tpu.vector_store %arg19[%swap3A_506, %swap3A_507], %swap3A_510 {strides = array<i32>} : memref<16x512xf32, #tpu.memory_space<vmem>>, vector<1x16xf32>,
          %get3A_511 = arith.index_cast %scan3A_374 : i32 to index
          %get3A_512 = arith.constant 128 : index
          %get3A_513 = tpu.vector_load %arg11[%get3A_511, %get3A_512] {strides = array<i32>} : memref<16x512xf32, #tpu.memory_space<vmem>>, vector<1x16xf32>,
          %get3A_514 = vector.shape_cast %get3A_513 : vector<1x16xf32> to vector<16xf32>
          %mul3A_515 = arith.constant 22.6274166 : f32
          %mul3A_516 = vector.broadcast %mul3A_515 : f32 to vector<16xf32>
          %mul3A_517 = arith.mulf %get3A_514, %mul3A_516 : vector<16xf32>
          %get3A_518 = arith.index_cast %scan3A_374 : i32 to index
          %get3A_519 = arith.constant 128 : index
          %get3A_520 = tpu.vector_load %arg15[%get3A_518, %get3A_519] {strides = array<i32>} : memref<16x512xf32, #tpu.memory_space<vmem>>, vector<1x16xf32>,
          %get3A_521 = vector.shape_cast %get3A_520 : vector<1x16xf32> to vector<16xf32>
          %add3A_522 = arith.addf %mul3A_517, %get3A_521 : vector<16xf32>
          %swap3A_523 = arith.index_cast %scan3A_374 : i32 to index
          %swap3A_524 = arith.constant 128 : index
          %swap3A_525 = tpu.vector_load %arg19[%swap3A_523, %swap3A_524] {strides = array<i32>} : memref<16x512xf32, #tpu.memory_space<vmem>>, vector<1x16xf32>,
          %swap3A_526 = vector.shape_cast %swap3A_525 : vector<1x16xf32> to vector<16xf32>
          %swap3A_527 = vector.shape_cast %add3A_522 : vector<16xf32> to vector<1x16xf32>
          tpu.vector_store %arg19[%swap3A_523, %swap3A_524], %swap3A_527 {strides = array<i32>} : memref<16x512xf32, #tpu.memory_space<vmem>>, vector<1x16xf32>,
          %get3A_528 = arith.index_cast %scan3A_374 : i32 to index
          %get3A_529 = arith.constant 144 : index
          %get3A_530 = tpu.vector_load %arg11[%get3A_528, %get3A_529] {strides = array<i32>} : memref<16x512xf32, #tpu.memory_space<vmem>>, vector<1x16xf32>,
          %get3A_531 = vector.shape_cast %get3A_530 : vector<1x16xf32> to vector<16xf32>
          %mul3A_532 = arith.constant 22.6274166 : f32
          %mul3A_533 = vector.broadcast %mul3A_532 : f32 to vector<16xf32>
          %mul3A_534 = arith.mulf %get3A_531, %mul3A_533 : vector<16xf32>
          %get3A_535 = arith.index_cast %scan3A_374 : i32 to index
          %get3A_536 = arith.constant 144 : index
          %get3A_537 = tpu.vector_load %arg15[%get3A_535, %get3A_536] {strides = array<i32>} : memref<16x512xf32, #tpu.memory_space<vmem>>, vector<1x16xf32>,
          %get3A_538 = vector.shape_cast %get3A_537 : vector<1x16xf32> to vector<16xf32>
          %add3A_539 = arith.addf %mul3A_534, %get3A_538 : vector<16xf32>
          %swap3A_540 = arith.index_cast %scan3A_374 : i32 to index
          %swap3A_541 = arith.constant 144 : index
          %swap3A_542 = tpu.vector_load %arg19[%swap3A_540, %swap3A_541] {strides = array<i32>} : memref<16x512xf32, #tpu.memory_space<vmem>>, vector<1x16xf32>,
          %swap3A_543 = vector.shape_cast %swap3A_542 : vector<1x16xf32> to vector<16xf32>
          %swap3A_544 = vector.shape_cast %add3A_539 : vector<16xf32> to vector<1x16xf32>
          tpu.vector_store %arg19[%swap3A_540, %swap3A_541], %swap3A_544 {strides = array<i32>} : memref<16x512xf32, #tpu.memory_space<vmem>>, vector<1x16xf32>,
          %get3A_545 = arith.index_cast %scan3A_374 : i32 to index
          %get3A_546 = arith.constant 160 : index
          %get3A_547 = tpu.vector_load %arg11[%get3A_545, %get3A_546] {strides = array<i32>} : memref<16x512xf32, #tpu.memory_space<vmem>>, vector<1x16xf32>,
          %get3A_548 = vector.shape_cast %get3A_547 : vector<1x16xf32> to vector<16xf32>
          %mul3A_549 = arith.constant 22.6274166 : f32
          %mul3A_550 = vector.broadcast %mul3A_549 : f32 to vector<16xf32>
          %mul3A_551 = arith.mulf %get3A_548, %mul3A_550 : vector<16xf32>
          %get3A_552 = arith.index_cast %scan3A_374 : i32 to index
          %get3A_553 = arith.constant 160 : index
          %get3A_554 = tpu.vector_load %arg15[%get3A_552, %get3A_553] {strides = array<i32>} : memref<16x512xf32, #tpu.memory_space<vmem>>, vector<1x16xf32>,
          %get3A_555 = vector.shape_cast %get3A_554 : vector<1x16xf32> to vector<16xf32>
          %add3A_556 = arith.addf %mul3A_551, %get3A_555 : vector<16xf32>
          %swap3A_557 = arith.index_cast %scan3A_374 : i32 to index
          %swap3A_558 = arith.constant 160 : index
          %swap3A_559 = tpu.vector_load %arg19[%swap3A_557, %swap3A_558] {strides = array<i32>} : memref<16x512xf32, #tpu.memory_space<vmem>>, vector<1x16xf32>,
          %swap3A_560 = vector.shape_cast %swap3A_559 : vector<1x16xf32> to vector<16xf32>
          %swap3A_561 = vector.shape_cast %add3A_556 : vector<16xf32> to vector<1x16xf32>
          tpu.vector_store %arg19[%swap3A_557, %swap3A_558], %swap3A_561 {strides = array<i32>} : memref<16x512xf32, #tpu.memory_space<vmem>>, vector<1x16xf32>,
          %get3A_562 = arith.index_cast %scan3A_374 : i32 to index
          %get3A_563 = arith.constant 176 : index
          %get3A_564 = tpu.vector_load %arg11[%get3A_562, %get3A_563] {strides = array<i32>} : memref<16x512xf32, #tpu.memory_space<vmem>>, vector<1x16xf32>,
          %get3A_565 = vector.shape_cast %get3A_564 : vector<1x16xf32> to vector<16xf32>
          %mul3A_566 = arith.constant 22.6274166 : f32
          %mul3A_567 = vector.broadcast %mul3A_566 : f32 to vector<16xf32>
          %mul3A_568 = arith.mulf %get3A_565, %mul3A_567 : vector<16xf32>
          %get3A_569 = arith.index_cast %scan3A_374 : i32 to index
          %get3A_570 = arith.constant 176 : index
          %get3A_571 = tpu.vector_load %arg15[%get3A_569, %get3A_570] {strides = array<i32>} : memref<16x512xf32, #tpu.memory_space<vmem>>, vector<1x16xf32>,
          %get3A_572 = vector.shape_cast %get3A_571 : vector<1x16xf32> to vector<16xf32>
          %add3A_573 = arith.addf %mul3A_568, %get3A_572 : vector<16xf32>
          %swap3A_574 = arith.index_cast %scan3A_374 : i32 to index
          %swap3A_575 = arith.constant 176 : index
          %swap3A_576 = tpu.vector_load %arg19[%swap3A_574, %swap3A_575] {strides = array<i32>} : memref<16x512xf32, #tpu.memory_space<vmem>>, vector<1x16xf32>,
          %swap3A_577 = vector.shape_cast %swap3A_576 : vector<1x16xf32> to vector<16xf32>
          %swap3A_578 = vector.shape_cast %add3A_573 : vector<16xf32> to vector<1x16xf32>
          tpu.vector_store %arg19[%swap3A_574, %swap3A_575], %swap3A_578 {strides = array<i32>} : memref<16x512xf32, #tpu.memory_space<vmem>>, vector<1x16xf32>,
          %get3A_579 = arith.index_cast %scan3A_374 : i32 to index
          %get3A_580 = arith.constant 192 : index
          %get3A_581 = tpu.vector_load %arg11[%get3A_579, %get3A_580] {strides = array<i32>} : memref<16x512xf32, #tpu.memory_space<vmem>>, vector<1x16xf32>,
          %get3A_582 = vector.shape_cast %get3A_581 : vector<1x16xf32> to vector<16xf32>
          %mul3A_583 = arith.constant 22.6274166 : f32
          %mul3A_584 = vector.broadcast %mul3A_583 : f32 to vector<16xf32>
          %mul3A_585 = arith.mulf %get3A_582, %mul3A_584 : vector<16xf32>
          %get3A_586 = arith.index_cast %scan3A_374 : i32 to index
          %get3A_587 = arith.constant 192 : index
          %get3A_588 = tpu.vector_load %arg15[%get3A_586, %get3A_587] {strides = array<i32>} : memref<16x512xf32, #tpu.memory_space<vmem>>, vector<1x16xf32>,
          %get3A_589 = vector.shape_cast %get3A_588 : vector<1x16xf32> to vector<16xf32>
          %add3A_590 = arith.addf %mul3A_585, %get3A_589 : vector<16xf32>
          %swap3A_591 = arith.index_cast %scan3A_374 : i32 to index
          %swap3A_592 = arith.constant 192 : index
          %swap3A_593 = tpu.vector_load %arg19[%swap3A_591, %swap3A_592] {strides = array<i32>} : memref<16x512xf32, #tpu.memory_space<vmem>>, vector<1x16xf32>,
          %swap3A_594 = vector.shape_cast %swap3A_593 : vector<1x16xf32> to vector<16xf32>
          %swap3A_595 = vector.shape_cast %add3A_590 : vector<16xf32> to vector<1x16xf32>
          tpu.vector_store %arg19[%swap3A_591, %swap3A_592], %swap3A_595 {strides = array<i32>} : memref<16x512xf32, #tpu.memory_space<vmem>>, vector<1x16xf32>,
          %get3A_596 = arith.index_cast %scan3A_374 : i32 to index
          %get3A_597 = arith.constant 208 : index
          %get3A_598 = tpu.vector_load %arg11[%get3A_596, %get3A_597] {strides = array<i32>} : memref<16x512xf32, #tpu.memory_space<vmem>>, vector<1x16xf32>,
          %get3A_599 = vector.shape_cast %get3A_598 : vector<1x16xf32> to vector<16xf32>
          %mul3A_600 = arith.constant 22.6274166 : f32
          %mul3A_601 = vector.broadcast %mul3A_600 : f32 to vector<16xf32>
          %mul3A_602 = arith.mulf %get3A_599, %mul3A_601 : vector<16xf32>
          %get3A_603 = arith.index_cast %scan3A_374 : i32 to index
          %get3A_604 = arith.constant 208 : index
          %get3A_605 = tpu.vector_load %arg15[%get3A_603, %get3A_604] {strides = array<i32>} : memref<16x512xf32, #tpu.memory_space<vmem>>, vector<1x16xf32>,
          %get3A_606 = vector.shape_cast %get3A_605 : vector<1x16xf32> to vector<16xf32>
          %add3A_607 = arith.addf %mul3A_602, %get3A_606 : vector<16xf32>
          %swap3A_608 = arith.index_cast %scan3A_374 : i32 to index
          %swap3A_609 = arith.constant 208 : index
          %swap3A_610 = tpu.vector_load %arg19[%swap3A_608, %swap3A_609] {strides = array<i32>} : memref<16x512xf32, #tpu.memory_space<vmem>>, vector<1x16xf32>,
          %swap3A_611 = vector.shape_cast %swap3A_610 : vector<1x16xf32> to vector<16xf32>
          %swap3A_612 = vector.shape_cast %add3A_607 : vector<16xf32> to vector<1x16xf32>
          tpu.vector_store %arg19[%swap3A_608, %swap3A_609], %swap3A_612 {strides = array<i32>} : memref<16x512xf32, #tpu.memory_space<vmem>>, vector<1x16xf32>,
          %get3A_613 = arith.index_cast %scan3A_374 : i32 to index
          %get3A_614 = arith.constant 224 : index
          %get3A_615 = tpu.vector_load %arg11[%get3A_613, %get3A_614] {strides = array<i32>} : memref<16x512xf32, #tpu.memory_space<vmem>>, vector<1x16xf32>,
          %get3A_616 = vector.shape_cast %get3A_615 : vector<1x16xf32> to vector<16xf32>
          %mul3A_617 = arith.constant 22.6274166 : f32
          %mul3A_618 = vector.broadcast %mul3A_617 : f32 to vector<16xf32>
          %mul3A_619 = arith.mulf %get3A_616, %mul3A_618 : vector<16xf32>
          %get3A_620 = arith.index_cast %scan3A_374 : i32 to index
          %get3A_621 = arith.constant 224 : index
          %get3A_622 = tpu.vector_load %arg15[%get3A_620, %get3A_621] {strides = array<i32>} : memref<16x512xf32, #tpu.memory_space<vmem>>, vector<1x16xf32>,
          %get3A_623 = vector.shape_cast %get3A_622 : vector<1x16xf32> to vector<16xf32>
          %add3A_624 = arith.addf %mul3A_619, %get3A_623 : vector<16xf32>
          %swap3A_625 = arith.index_cast %scan3A_374 : i32 to index
          %swap3A_626 = arith.constant 224 : index
          %swap3A_627 = tpu.vector_load %arg19[%swap3A_625, %swap3A_626] {strides = array<i32>} : memref<16x512xf32, #tpu.memory_space<vmem>>, vector<1x16xf32>,
          %swap3A_628 = vector.shape_cast %swap3A_627 : vector<1x16xf32> to vector<16xf32>
          %swap3A_629 = vector.shape_cast %add3A_624 : vector<16xf32> to vector<1x16xf32>
          tpu.vector_store %arg19[%swap3A_625, %swap3A_626], %swap3A_629 {strides = array<i32>} : memref<16x512xf32, #tpu.memory_space<vmem>>, vector<1x16xf32>,
          %get3A_630 = arith.index_cast %scan3A_374 : i32 to index
          %get3A_631 = arith.constant 240 : index
          %get3A_632 = tpu.vector_load %arg11[%get3A_630, %get3A_631] {strides = array<i32>} : memref<16x512xf32, #tpu.memory_space<vmem>>, vector<1x16xf32>,
          %get3A_633 = vector.shape_cast %get3A_632 : vector<1x16xf32> to vector<16xf32>
          %mul3A_634 = arith.constant 22.6274166 : f32
          %mul3A_635 = vector.broadcast %mul3A_634 : f32 to vector<16xf32>
          %mul3A_636 = arith.mulf %get3A_633, %mul3A_635 : vector<16xf32>
          %get3A_637 = arith.index_cast %scan3A_374 : i32 to index
          %get3A_638 = arith.constant 240 : index
          %get3A_639 = tpu.vector_load %arg15[%get3A_637, %get3A_638] {strides = array<i32>} : memref<16x512xf32, #tpu.memory_space<vmem>>, vector<1x16xf32>,
          %get3A_640 = vector.shape_cast %get3A_639 : vector<1x16xf32> to vector<16xf32>
          %add3A_641 = arith.addf %mul3A_636, %get3A_640 : vector<16xf32>
          %swap3A_642 = arith.index_cast %scan3A_374 : i32 to index
          %swap3A_643 = arith.constant 240 : index
          %swap3A_644 = tpu.vector_load %arg19[%swap3A_642, %swap3A_643] {strides = array<i32>} : memref<16x512xf32, #tpu.memory_space<vmem>>, vector<1x16xf32>,
          %swap3A_645 = vector.shape_cast %swap3A_644 : vector<1x16xf32> to vector<16xf32>
          %swap3A_646 = vector.shape_cast %add3A_641 : vector<16xf32> to vector<1x16xf32>
          tpu.vector_store %arg19[%swap3A_642, %swap3A_643], %swap3A_646 {strides = array<i32>} : memref<16x512xf32, #tpu.memory_space<vmem>>, vector<1x16xf32>,
          %get3A_647 = arith.index_cast %scan3A_374 : i32 to index
          %get3A_648 = arith.constant 256 : index
          %get3A_649 = tpu.vector_load %arg11[%get3A_647, %get3A_648] {strides = array<i32>} : memref<16x512xf32, #tpu.memory_space<vmem>>, vector<1x16xf32>,
          %get3A_650 = vector.shape_cast %get3A_649 : vector<1x16xf32> to vector<16xf32>
          %mul3A_651 = arith.constant 22.6274166 : f32
          %mul3A_652 = vector.broadcast %mul3A_651 : f32 to vector<16xf32>
          %mul3A_653 = arith.mulf %get3A_650, %mul3A_652 : vector<16xf32>
          %get3A_654 = arith.index_cast %scan3A_374 : i32 to index
          %get3A_655 = arith.constant 256 : index
          %get3A_656 = tpu.vector_load %arg15[%get3A_654, %get3A_655] {strides = array<i32>} : memref<16x512xf32, #tpu.memory_space<vmem>>, vector<1x16xf32>,
          %get3A_657 = vector.shape_cast %get3A_656 : vector<1x16xf32> to vector<16xf32>
          %add3A_658 = arith.addf %mul3A_653, %get3A_657 : vector<16xf32>
          %swap3A_659 = arith.index_cast %scan3A_374 : i32 to index
          %swap3A_660 = arith.constant 256 : index
          %swap3A_661 = tpu.vector_load %arg19[%swap3A_659, %swap3A_660] {strides = array<i32>} : memref<16x512xf32, #tpu.memory_space<vmem>>, vector<1x16xf32>,
          %swap3A_662 = vector.shape_cast %swap3A_661 : vector<1x16xf32> to vector<16xf32>
          %swap3A_663 = vector.shape_cast %add3A_658 : vector<16xf32> to vector<1x16xf32>
          tpu.vector_store %arg19[%swap3A_659, %swap3A_660], %swap3A_663 {strides = array<i32>} : memref<16x512xf32, #tpu.memory_space<vmem>>, vector<1x16xf32>,
          %get3A_664 = arith.index_cast %scan3A_374 : i32 to index
          %get3A_665 = arith.constant 272 : index
          %get3A_666 = tpu.vector_load %arg11[%get3A_664, %get3A_665] {strides = array<i32>} : memref<16x512xf32, #tpu.memory_space<vmem>>, vector<1x16xf32>,
          %get3A_667 = vector.shape_cast %get3A_666 : vector<1x16xf32> to vector<16xf32>
          %mul3A_668 = arith.constant 22.6274166 : f32
          %mul3A_669 = vector.broadcast %mul3A_668 : f32 to vector<16xf32>
          %mul3A_670 = arith.mulf %get3A_667, %mul3A_669 : vector<16xf32>
          %get3A_671 = arith.index_cast %scan3A_374 : i32 to index
          %get3A_672 = arith.constant 272 : index
          %get3A_673 = tpu.vector_load %arg15[%get3A_671, %get3A_672] {strides = array<i32>} : memref<16x512xf32, #tpu.memory_space<vmem>>, vector<1x16xf32>,
          %get3A_674 = vector.shape_cast %get3A_673 : vector<1x16xf32> to vector<16xf32>
          %add3A_675 = arith.addf %mul3A_670, %get3A_674 : vector<16xf32>
          %swap3A_676 = arith.index_cast %scan3A_374 : i32 to index
          %swap3A_677 = arith.constant 272 : index
          %swap3A_678 = tpu.vector_load %arg19[%swap3A_676, %swap3A_677] {strides = array<i32>} : memref<16x512xf32, #tpu.memory_space<vmem>>, vector<1x16xf32>,
          %swap3A_679 = vector.shape_cast %swap3A_678 : vector<1x16xf32> to vector<16xf32>
          %swap3A_680 = vector.shape_cast %add3A_675 : vector<16xf32> to vector<1x16xf32>
          tpu.vector_store %arg19[%swap3A_676, %swap3A_677], %swap3A_680 {strides = array<i32>} : memref<16x512xf32, #tpu.memory_space<vmem>>, vector<1x16xf32>,
          %get3A_681 = arith.index_cast %scan3A_374 : i32 to index
          %get3A_682 = arith.constant 288 : index
          %get3A_683 = tpu.vector_load %arg11[%get3A_681, %get3A_682] {strides = array<i32>} : memref<16x512xf32, #tpu.memory_space<vmem>>, vector<1x16xf32>,
          %get3A_684 = vector.shape_cast %get3A_683 : vector<1x16xf32> to vector<16xf32>
          %mul3A_685 = arith.constant 22.6274166 : f32
          %mul3A_686 = vector.broadcast %mul3A_685 : f32 to vector<16xf32>
          %mul3A_687 = arith.mulf %get3A_684, %mul3A_686 : vector<16xf32>
          %get3A_688 = arith.index_cast %scan3A_374 : i32 to index
          %get3A_689 = arith.constant 288 : index
          %get3A_690 = tpu.vector_load %arg15[%get3A_688, %get3A_689] {strides = array<i32>} : memref<16x512xf32, #tpu.memory_space<vmem>>, vector<1x16xf32>,
          %get3A_691 = vector.shape_cast %get3A_690 : vector<1x16xf32> to vector<16xf32>
          %add3A_692 = arith.addf %mul3A_687, %get3A_691 : vector<16xf32>
          %swap3A_693 = arith.index_cast %scan3A_374 : i32 to index
          %swap3A_694 = arith.constant 288 : index
          %swap3A_695 = tpu.vector_load %arg19[%swap3A_693, %swap3A_694] {strides = array<i32>} : memref<16x512xf32, #tpu.memory_space<vmem>>, vector<1x16xf32>,
          %swap3A_696 = vector.shape_cast %swap3A_695 : vector<1x16xf32> to vector<16xf32>
          %swap3A_697 = vector.shape_cast %add3A_692 : vector<16xf32> to vector<1x16xf32>
          tpu.vector_store %arg19[%swap3A_693, %swap3A_694], %swap3A_697 {strides = array<i32>} : memref<16x512xf32, #tpu.memory_space<vmem>>, vector<1x16xf32>,
          %get3A_698 = arith.index_cast %scan3A_374 : i32 to index
          %get3A_699 = arith.constant 304 : index
          %get3A_700 = tpu.vector_load %arg11[%get3A_698, %get3A_699] {strides = array<i32>} : memref<16x512xf32, #tpu.memory_space<vmem>>, vector<1x16xf32>,
          %get3A_701 = vector.shape_cast %get3A_700 : vector<1x16xf32> to vector<16xf32>
          %mul3A_702 = arith.constant 22.6274166 : f32
          %mul3A_703 = vector.broadcast %mul3A_702 : f32 to vector<16xf32>
          %mul3A_704 = arith.mulf %get3A_701, %mul3A_703 : vector<16xf32>
          %get3A_705 = arith.index_cast %scan3A_374 : i32 to index
          %get3A_706 = arith.constant 304 : index
          %get3A_707 = tpu.vector_load %arg15[%get3A_705, %get3A_706] {strides = array<i32>} : memref<16x512xf32, #tpu.memory_space<vmem>>, vector<1x16xf32>,
          %get3A_708 = vector.shape_cast %get3A_707 : vector<1x16xf32> to vector<16xf32>
          %add3A_709 = arith.addf %mul3A_704, %get3A_708 : vector<16xf32>
          %swap3A_710 = arith.index_cast %scan3A_374 : i32 to index
          %swap3A_711 = arith.constant 304 : index
          %swap3A_712 = tpu.vector_load %arg19[%swap3A_710, %swap3A_711] {strides = array<i32>} : memref<16x512xf32, #tpu.memory_space<vmem>>, vector<1x16xf32>,
          %swap3A_713 = vector.shape_cast %swap3A_712 : vector<1x16xf32> to vector<16xf32>
          %swap3A_714 = vector.shape_cast %add3A_709 : vector<16xf32> to vector<1x16xf32>
          tpu.vector_store %arg19[%swap3A_710, %swap3A_711], %swap3A_714 {strides = array<i32>} : memref<16x512xf32, #tpu.memory_space<vmem>>, vector<1x16xf32>,
          %get3A_715 = arith.index_cast %scan3A_374 : i32 to index
          %get3A_716 = arith.constant 320 : index
          %get3A_717 = tpu.vector_load %arg11[%get3A_715, %get3A_716] {strides = array<i32>} : memref<16x512xf32, #tpu.memory_space<vmem>>, vector<1x16xf32>,
          %get3A_718 = vector.shape_cast %get3A_717 : vector<1x16xf32> to vector<16xf32>
          %mul3A_719 = arith.constant 22.6274166 : f32
          %mul3A_720 = vector.broadcast %mul3A_719 : f32 to vector<16xf32>
          %mul3A_721 = arith.mulf %get3A_718, %mul3A_720 : vector<16xf32>
          %get3A_722 = arith.index_cast %scan3A_374 : i32 to index
          %get3A_723 = arith.constant 320 : index
          %get3A_724 = tpu.vector_load %arg15[%get3A_722, %get3A_723] {strides = array<i32>} : memref<16x512xf32, #tpu.memory_space<vmem>>, vector<1x16xf32>,
          %get3A_725 = vector.shape_cast %get3A_724 : vector<1x16xf32> to vector<16xf32>
          %add3A_726 = arith.addf %mul3A_721, %get3A_725 : vector<16xf32>
          %swap3A_727 = arith.index_cast %scan3A_374 : i32 to index
          %swap3A_728 = arith.constant 320 : index
          %swap3A_729 = tpu.vector_load %arg19[%swap3A_727, %swap3A_728] {strides = array<i32>} : memref<16x512xf32, #tpu.memory_space<vmem>>, vector<1x16xf32>,
          %swap3A_730 = vector.shape_cast %swap3A_729 : vector<1x16xf32> to vector<16xf32>
          %swap3A_731 = vector.shape_cast %add3A_726 : vector<16xf32> to vector<1x16xf32>
          tpu.vector_store %arg19[%swap3A_727, %swap3A_728], %swap3A_731 {strides = array<i32>} : memref<16x512xf32, #tpu.memory_space<vmem>>, vector<1x16xf32>,
          %get3A_732 = arith.index_cast %scan3A_374 : i32 to index
          %get3A_733 = arith.constant 336 : index
          %get3A_734 = tpu.vector_load %arg11[%get3A_732, %get3A_733] {strides = array<i32>} : memref<16x512xf32, #tpu.memory_space<vmem>>, vector<1x16xf32>,
          %get3A_735 = vector.shape_cast %get3A_734 : vector<1x16xf32> to vector<16xf32>
          %mul3A_736 = arith.constant 22.6274166 : f32
          %mul3A_737 = vector.broadcast %mul3A_736 : f32 to vector<16xf32>
          %mul3A_738 = arith.mulf %get3A_735, %mul3A_737 : vector<16xf32>
          %get3A_739 = arith.index_cast %scan3A_374 : i32 to index
          %get3A_740 = arith.constant 336 : index
          %get3A_741 = tpu.vector_load %arg15[%get3A_739, %get3A_740] {strides = array<i32>} : memref<16x512xf32, #tpu.memory_space<vmem>>, vector<1x16xf32>,
          %get3A_742 = vector.shape_cast %get3A_741 : vector<1x16xf32> to vector<16xf32>
          %add3A_743 = arith.addf %mul3A_738, %get3A_742 : vector<16xf32>
          %swap3A_744 = arith.index_cast %scan3A_374 : i32 to index
          %swap3A_745 = arith.constant 336 : index
          %swap3A_746 = tpu.vector_load %arg19[%swap3A_744, %swap3A_745] {strides = array<i32>} : memref<16x512xf32, #tpu.memory_space<vmem>>, vector<1x16xf32>,
          %swap3A_747 = vector.shape_cast %swap3A_746 : vector<1x16xf32> to vector<16xf32>
          %swap3A_748 = vector.shape_cast %add3A_743 : vector<16xf32> to vector<1x16xf32>
          tpu.vector_store %arg19[%swap3A_744, %swap3A_745], %swap3A_748 {strides = array<i32>} : memref<16x512xf32, #tpu.memory_space<vmem>>, vector<1x16xf32>,
          %get3A_749 = arith.index_cast %scan3A_374 : i32 to index
          %get3A_750 = arith.constant 352 : index
          %get3A_751 = tpu.vector_load %arg11[%get3A_749, %get3A_750] {strides = array<i32>} : memref<16x512xf32, #tpu.memory_space<vmem>>, vector<1x16xf32>,
          %get3A_752 = vector.shape_cast %get3A_751 : vector<1x16xf32> to vector<16xf32>
          %mul3A_753 = arith.constant 22.6274166 : f32
          %mul3A_754 = vector.broadcast %mul3A_753 : f32 to vector<16xf32>
          %mul3A_755 = arith.mulf %get3A_752, %mul3A_754 : vector<16xf32>
          %get3A_756 = arith.index_cast %scan3A_374 : i32 to index
          %get3A_757 = arith.constant 352 : index
          %get3A_758 = tpu.vector_load %arg15[%get3A_756, %get3A_757] {strides = array<i32>} : memref<16x512xf32, #tpu.memory_space<vmem>>, vector<1x16xf32>,
          %get3A_759 = vector.shape_cast %get3A_758 : vector<1x16xf32> to vector<16xf32>
          %add3A_760 = arith.addf %mul3A_755, %get3A_759 : vector<16xf32>
          %swap3A_761 = arith.index_cast %scan3A_374 : i32 to index
          %swap3A_762 = arith.constant 352 : index
          %swap3A_763 = tpu.vector_load %arg19[%swap3A_761, %swap3A_762] {strides = array<i32>} : memref<16x512xf32, #tpu.memory_space<vmem>>, vector<1x16xf32>,
          %swap3A_764 = vector.shape_cast %swap3A_763 : vector<1x16xf32> to vector<16xf32>
          %swap3A_765 = vector.shape_cast %add3A_760 : vector<16xf32> to vector<1x16xf32>
          tpu.vector_store %arg19[%swap3A_761, %swap3A_762], %swap3A_765 {strides = array<i32>} : memref<16x512xf32, #tpu.memory_space<vmem>>, vector<1x16xf32>,
          %get3A_766 = arith.index_cast %scan3A_374 : i32 to index
          %get3A_767 = arith.constant 368 : index
          %get3A_768 = tpu.vector_load %arg11[%get3A_766, %get3A_767] {strides = array<i32>} : memref<16x512xf32, #tpu.memory_space<vmem>>, vector<1x16xf32>,
          %get3A_769 = vector.shape_cast %get3A_768 : vector<1x16xf32> to vector<16xf32>
          %mul3A_770 = arith.constant 22.6274166 : f32
          %mul3A_771 = vector.broadcast %mul3A_770 : f32 to vector<16xf32>
          %mul3A_772 = arith.mulf %get3A_769, %mul3A_771 : vector<16xf32>
          %get3A_773 = arith.index_cast %scan3A_374 : i32 to index
          %get3A_774 = arith.constant 368 : index
          %get3A_775 = tpu.vector_load %arg15[%get3A_773, %get3A_774] {strides = array<i32>} : memref<16x512xf32, #tpu.memory_space<vmem>>, vector<1x16xf32>,
          %get3A_776 = vector.shape_cast %get3A_775 : vector<1x16xf32> to vector<16xf32>
          %add3A_777 = arith.addf %mul3A_772, %get3A_776 : vector<16xf32>
          %swap3A_778 = arith.index_cast %scan3A_374 : i32 to index
          %swap3A_779 = arith.constant 368 : index
          %swap3A_780 = tpu.vector_load %arg19[%swap3A_778, %swap3A_779] {strides = array<i32>} : memref<16x512xf32, #tpu.memory_space<vmem>>, vector<1x16xf32>,
          %swap3A_781 = vector.shape_cast %swap3A_780 : vector<1x16xf32> to vector<16xf32>
          %swap3A_782 = vector.shape_cast %add3A_777 : vector<16xf32> to vector<1x16xf32>
          tpu.vector_store %arg19[%swap3A_778, %swap3A_779], %swap3A_782 {strides = array<i32>} : memref<16x512xf32, #tpu.memory_space<vmem>>, vector<1x16xf32>,
          %get3A_783 = arith.index_cast %scan3A_374 : i32 to index
          %get3A_784 = arith.constant 384 : index
          %get3A_785 = tpu.vector_load %arg11[%get3A_783, %get3A_784] {strides = array<i32>} : memref<16x512xf32, #tpu.memory_space<vmem>>, vector<1x16xf32>,
          %get3A_786 = vector.shape_cast %get3A_785 : vector<1x16xf32> to vector<16xf32>
          %mul3A_787 = arith.constant 22.6274166 : f32
          %mul3A_788 = vector.broadcast %mul3A_787 : f32 to vector<16xf32>
          %mul3A_789 = arith.mulf %get3A_786, %mul3A_788 : vector<16xf32>
          %get3A_790 = arith.index_cast %scan3A_374 : i32 to index
          %get3A_791 = arith.constant 384 : index
          %get3A_792 = tpu.vector_load %arg15[%get3A_790, %get3A_791] {strides = array<i32>} : memref<16x512xf32, #tpu.memory_space<vmem>>, vector<1x16xf32>,
          %get3A_793 = vector.shape_cast %get3A_792 : vector<1x16xf32> to vector<16xf32>
          %add3A_794 = arith.addf %mul3A_789, %get3A_793 : vector<16xf32>
          %swap3A_795 = arith.index_cast %scan3A_374 : i32 to index
          %swap3A_796 = arith.constant 384 : index
          %swap3A_797 = tpu.vector_load %arg19[%swap3A_795, %swap3A_796] {strides = array<i32>} : memref<16x512xf32, #tpu.memory_space<vmem>>, vector<1x16xf32>,
          %swap3A_798 = vector.shape_cast %swap3A_797 : vector<1x16xf32> to vector<16xf32>
          %swap3A_799 = vector.shape_cast %add3A_794 : vector<16xf32> to vector<1x16xf32>
          tpu.vector_store %arg19[%swap3A_795, %swap3A_796], %swap3A_799 {strides = array<i32>} : memref<16x512xf32, #tpu.memory_space<vmem>>, vector<1x16xf32>,
          %get3A_800 = arith.index_cast %scan3A_374 : i32 to index
          %get3A_801 = arith.constant 400 : index
          %get3A_802 = tpu.vector_load %arg11[%get3A_800, %get3A_801] {strides = array<i32>} : memref<16x512xf32, #tpu.memory_space<vmem>>, vector<1x16xf32>,
          %get3A_803 = vector.shape_cast %get3A_802 : vector<1x16xf32> to vector<16xf32>
          %mul3A_804 = arith.constant 22.6274166 : f32
          %mul3A_805 = vector.broadcast %mul3A_804 : f32 to vector<16xf32>
          %mul3A_806 = arith.mulf %get3A_803, %mul3A_805 : vector<16xf32>
          %get3A_807 = arith.index_cast %scan3A_374 : i32 to index
          %get3A_808 = arith.constant 400 : index
          %get3A_809 = tpu.vector_load %arg15[%get3A_807, %get3A_808] {strides = array<i32>} : memref<16x512xf32, #tpu.memory_space<vmem>>, vector<1x16xf32>,
          %get3A_810 = vector.shape_cast %get3A_809 : vector<1x16xf32> to vector<16xf32>
          %add3A_811 = arith.addf %mul3A_806, %get3A_810 : vector<16xf32>
          %swap3A_812 = arith.index_cast %scan3A_374 : i32 to index
          %swap3A_813 = arith.constant 400 : index
          %swap3A_814 = tpu.vector_load %arg19[%swap3A_812, %swap3A_813] {strides = array<i32>} : memref<16x512xf32, #tpu.memory_space<vmem>>, vector<1x16xf32>,
          %swap3A_815 = vector.shape_cast %swap3A_814 : vector<1x16xf32> to vector<16xf32>
          %swap3A_816 = vector.shape_cast %add3A_811 : vector<16xf32> to vector<1x16xf32>
          tpu.vector_store %arg19[%swap3A_812, %swap3A_813], %swap3A_816 {strides = array<i32>} : memref<16x512xf32, #tpu.memory_space<vmem>>, vector<1x16xf32>,
          %get3A_817 = arith.index_cast %scan3A_374 : i32 to index
          %get3A_818 = arith.constant 416 : index
          %get3A_819 = tpu.vector_load %arg11[%get3A_817, %get3A_818] {strides = array<i32>} : memref<16x512xf32, #tpu.memory_space<vmem>>, vector<1x16xf32>,
          %get3A_820 = vector.shape_cast %get3A_819 : vector<1x16xf32> to vector<16xf32>
          %mul3A_821 = arith.constant 22.6274166 : f32
          %mul3A_822 = vector.broadcast %mul3A_821 : f32 to vector<16xf32>
          %mul3A_823 = arith.mulf %get3A_820, %mul3A_822 : vector<16xf32>
          %get3A_824 = arith.index_cast %scan3A_374 : i32 to index
          %get3A_825 = arith.constant 416 : index
          %get3A_826 = tpu.vector_load %arg15[%get3A_824, %get3A_825] {strides = array<i32>} : memref<16x512xf32, #tpu.memory_space<vmem>>, vector<1x16xf32>,
          %get3A_827 = vector.shape_cast %get3A_826 : vector<1x16xf32> to vector<16xf32>
          %add3A_828 = arith.addf %mul3A_823, %get3A_827 : vector<16xf32>
          %swap3A_829 = arith.index_cast %scan3A_374 : i32 to index
          %swap3A_830 = arith.constant 416 : index
          %swap3A_831 = tpu.vector_load %arg19[%swap3A_829, %swap3A_830] {strides = array<i32>} : memref<16x512xf32, #tpu.memory_space<vmem>>, vector<1x16xf32>,
          %swap3A_832 = vector.shape_cast %swap3A_831 : vector<1x16xf32> to vector<16xf32>
          %swap3A_833 = vector.shape_cast %add3A_828 : vector<16xf32> to vector<1x16xf32>
          tpu.vector_store %arg19[%swap3A_829, %swap3A_830], %swap3A_833 {strides = array<i32>} : memref<16x512xf32, #tpu.memory_space<vmem>>, vector<1x16xf32>,
          %get3A_834 = arith.index_cast %scan3A_374 : i32 to index
          %get3A_835 = arith.constant 432 : index
          %get3A_836 = tpu.vector_load %arg11[%get3A_834, %get3A_835] {strides = array<i32>} : memref<16x512xf32, #tpu.memory_space<vmem>>, vector<1x16xf32>,
          %get3A_837 = vector.shape_cast %get3A_836 : vector<1x16xf32> to vector<16xf32>
          %mul3A_838 = arith.constant 22.6274166 : f32
          %mul3A_839 = vector.broadcast %mul3A_838 : f32 to vector<16xf32>
          %mul3A_840 = arith.mulf %get3A_837, %mul3A_839 : vector<16xf32>
          %get3A_841 = arith.index_cast %scan3A_374 : i32 to index
          %get3A_842 = arith.constant 432 : index
          %get3A_843 = tpu.vector_load %arg15[%get3A_841, %get3A_842] {strides = array<i32>} : memref<16x512xf32, #tpu.memory_space<vmem>>, vector<1x16xf32>,
          %get3A_844 = vector.shape_cast %get3A_843 : vector<1x16xf32> to vector<16xf32>
          %add3A_845 = arith.addf %mul3A_840, %get3A_844 : vector<16xf32>
          %swap3A_846 = arith.index_cast %scan3A_374 : i32 to index
          %swap3A_847 = arith.constant 432 : index
          %swap3A_848 = tpu.vector_load %arg19[%swap3A_846, %swap3A_847] {strides = array<i32>} : memref<16x512xf32, #tpu.memory_space<vmem>>, vector<1x16xf32>,
          %swap3A_849 = vector.shape_cast %swap3A_848 : vector<1x16xf32> to vector<16xf32>
          %swap3A_850 = vector.shape_cast %add3A_845 : vector<16xf32> to vector<1x16xf32>
          tpu.vector_store %arg19[%swap3A_846, %swap3A_847], %swap3A_850 {strides = array<i32>} : memref<16x512xf32, #tpu.memory_space<vmem>>, vector<1x16xf32>,
          %get3A_851 = arith.index_cast %scan3A_374 : i32 to index
          %get3A_852 = arith.constant 448 : index
          %get3A_853 = tpu.vector_load %arg11[%get3A_851, %get3A_852] {strides = array<i32>} : memref<16x512xf32, #tpu.memory_space<vmem>>, vector<1x16xf32>,
          %get3A_854 = vector.shape_cast %get3A_853 : vector<1x16xf32> to vector<16xf32>
          %mul3A_855 = arith.constant 22.6274166 : f32
          %mul3A_856 = vector.broadcast %mul3A_855 : f32 to vector<16xf32>
          %mul3A_857 = arith.mulf %get3A_854, %mul3A_856 : vector<16xf32>
          %get3A_858 = arith.index_cast %scan3A_374 : i32 to index
          %get3A_859 = arith.constant 448 : index
          %get3A_860 = tpu.vector_load %arg15[%get3A_858, %get3A_859] {strides = array<i32>} : memref<16x512xf32, #tpu.memory_space<vmem>>, vector<1x16xf32>,
          %get3A_861 = vector.shape_cast %get3A_860 : vector<1x16xf32> to vector<16xf32>
          %add3A_862 = arith.addf %mul3A_857, %get3A_861 : vector<16xf32>
          %swap3A_863 = arith.index_cast %scan3A_374 : i32 to index
          %swap3A_864 = arith.constant 448 : index
          %swap3A_865 = tpu.vector_load %arg19[%swap3A_863, %swap3A_864] {strides = array<i32>} : memref<16x512xf32, #tpu.memory_space<vmem>>, vector<1x16xf32>,
          %swap3A_866 = vector.shape_cast %swap3A_865 : vector<1x16xf32> to vector<16xf32>
          %swap3A_867 = vector.shape_cast %add3A_862 : vector<16xf32> to vector<1x16xf32>
          tpu.vector_store %arg19[%swap3A_863, %swap3A_864], %swap3A_867 {strides = array<i32>} : memref<16x512xf32, #tpu.memory_space<vmem>>, vector<1x16xf32>,
          %get3A_868 = arith.index_cast %scan3A_374 : i32 to index
          %get3A_869 = arith.constant 464 : index
          %get3A_870 = tpu.vector_load %arg11[%get3A_868, %get3A_869] {strides = array<i32>} : memref<16x512xf32, #tpu.memory_space<vmem>>, vector<1x16xf32>,
          %get3A_871 = vector.shape_cast %get3A_870 : vector<1x16xf32> to vector<16xf32>
          %mul3A_872 = arith.constant 22.6274166 : f32
          %mul3A_873 = vector.broadcast %mul3A_872 : f32 to vector<16xf32>
          %mul3A_874 = arith.mulf %get3A_871, %mul3A_873 : vector<16xf32>
          %get3A_875 = arith.index_cast %scan3A_374 : i32 to index
          %get3A_876 = arith.constant 464 : index
          %get3A_877 = tpu.vector_load %arg15[%get3A_875, %get3A_876] {strides = array<i32>} : memref<16x512xf32, #tpu.memory_space<vmem>>, vector<1x16xf32>,
          %get3A_878 = vector.shape_cast %get3A_877 : vector<1x16xf32> to vector<16xf32>
          %add3A_879 = arith.addf %mul3A_874, %get3A_878 : vector<16xf32>
          %swap3A_880 = arith.index_cast %scan3A_374 : i32 to index
          %swap3A_881 = arith.constant 464 : index
          %swap3A_882 = tpu.vector_load %arg19[%swap3A_880, %swap3A_881] {strides = array<i32>} : memref<16x512xf32, #tpu.memory_space<vmem>>, vector<1x16xf32>,
          %swap3A_883 = vector.shape_cast %swap3A_882 : vector<1x16xf32> to vector<16xf32>
          %swap3A_884 = vector.shape_cast %add3A_879 : vector<16xf32> to vector<1x16xf32>
          tpu.vector_store %arg19[%swap3A_880, %swap3A_881], %swap3A_884 {strides = array<i32>} : memref<16x512xf32, #tpu.memory_space<vmem>>, vector<1x16xf32>,
          %get3A_885 = arith.index_cast %scan3A_374 : i32 to index
          %get3A_886 = arith.constant 480 : index
          %get3A_887 = tpu.vector_load %arg11[%get3A_885, %get3A_886] {strides = array<i32>} : memref<16x512xf32, #tpu.memory_space<vmem>>, vector<1x16xf32>,
          %get3A_888 = vector.shape_cast %get3A_887 : vector<1x16xf32> to vector<16xf32>
          %mul3A_889 = arith.constant 22.6274166 : f32
          %mul3A_890 = vector.broadcast %mul3A_889 : f32 to vector<16xf32>
          %mul3A_891 = arith.mulf %get3A_888, %mul3A_890 : vector<16xf32>
          %get3A_892 = arith.index_cast %scan3A_374 : i32 to index
          %get3A_893 = arith.constant 480 : index
          %get3A_894 = tpu.vector_load %arg15[%get3A_892, %get3A_893] {strides = array<i32>} : memref<16x512xf32, #tpu.memory_space<vmem>>, vector<1x16xf32>,
          %get3A_895 = vector.shape_cast %get3A_894 : vector<1x16xf32> to vector<16xf32>
          %add3A_896 = arith.addf %mul3A_891, %get3A_895 : vector<16xf32>
          %swap3A_897 = arith.index_cast %scan3A_374 : i32 to index
          %swap3A_898 = arith.constant 480 : index
          %swap3A_899 = tpu.vector_load %arg19[%swap3A_897, %swap3A_898] {strides = array<i32>} : memref<16x512xf32, #tpu.memory_space<vmem>>, vector<1x16xf32>,
          %swap3A_900 = vector.shape_cast %swap3A_899 : vector<1x16xf32> to vector<16xf32>
          %swap3A_901 = vector.shape_cast %add3A_896 : vector<16xf32> to vector<1x16xf32>
          tpu.vector_store %arg19[%swap3A_897, %swap3A_898], %swap3A_901 {strides = array<i32>} : memref<16x512xf32, #tpu.memory_space<vmem>>, vector<1x16xf32>,
          %get3A_902 = arith.index_cast %scan3A_374 : i32 to index
          %get3A_903 = arith.constant 496 : index
          %get3A_904 = tpu.vector_load %arg11[%get3A_902, %get3A_903] {strides = array<i32>} : memref<16x512xf32, #tpu.memory_space<vmem>>, vector<1x16xf32>,
          %get3A_905 = vector.shape_cast %get3A_904 : vector<1x16xf32> to vector<16xf32>
          %mul3A_906 = arith.constant 22.6274166 : f32
          %mul3A_907 = vector.broadcast %mul3A_906 : f32 to vector<16xf32>
          %mul3A_908 = arith.mulf %get3A_905, %mul3A_907 : vector<16xf32>
          %get3A_909 = arith.index_cast %scan3A_374 : i32 to index
          %get3A_910 = arith.constant 496 : index
          %get3A_911 = tpu.vector_load %arg15[%get3A_909, %get3A_910] {strides = array<i32>} : memref<16x512xf32, #tpu.memory_space<vmem>>, vector<1x16xf32>,
          %get3A_912 = vector.shape_cast %get3A_911 : vector<1x16xf32> to vector<16xf32>
          %add3A_913 = arith.addf %mul3A_908, %get3A_912 : vector<16xf32>
          %swap3A_914 = arith.index_cast %scan3A_374 : i32 to index
          %swap3A_915 = arith.constant 496 : index
          %swap3A_916 = tpu.vector_load %arg19[%swap3A_914, %swap3A_915] {strides = array<i32>} : memref<16x512xf32, #tpu.memory_space<vmem>>, vector<1x16xf32>,
          %swap3A_917 = vector.shape_cast %swap3A_916 : vector<1x16xf32> to vector<16xf32>
          %swap3A_918 = vector.shape_cast %add3A_913 : vector<16xf32> to vector<1x16xf32>
          tpu.vector_store %arg19[%swap3A_914, %swap3A_915], %swap3A_918 {strides = array<i32>} : memref<16x512xf32, #tpu.memory_space<vmem>>, vector<1x16xf32>,
        }
        %scan3A_363 = arith.constant 16 : i32
        %dma_start3A_364 = arith.constant 0 : i32
        %dma_start3A_365 = tpu.memref_slice %arg5[%mul3A_345, %dma_start3A_364] : memref<15488x512xf32, #tpu.memory_space<hbm>> -> memref<16x512xf32, #tpu.memory_space<hbm>>
        %dma_start3A_366 = arith.constant 0 : i32
        %dma_start3A_367 = tpu.memref_slice %arg5[%mul3A_345, %dma_start3A_366] : memref<15488x512xf32, #tpu.memory_space<hbm>> -> memref<16x512xf32, #tpu.memory_space<hbm>>
        tpu.enqueue_dma source(%arg19 : memref<16x512xf32, #tpu.memory_space<vmem>>) target(%dma_start3A_367 : memref<16x512xf32, #tpu.memory_space<hbm>>) target_semaphore(%arg31 : memref<!tpu.dma_semaphore, #tpu.memory_space<semaphore_mem>>)
        %add3A_368 = arith.constant 4 : i32
        %add3A_369 = arith.addi %add3A_317, %add3A_368 : i32
        %lt3A_370 = arith.cmpi slt, %add3A_369, %sub3A_99 : i32
        %convert_element_type3A_371 = arith.extui %lt3A_370 : i1 to i32
        %cond3A_372 = arith.constant 0 : i32
        %cond3A_373 = arith.cmpi ne, %convert_element_type3A_371, %cond3A_372 : i32
        scf.if %cond3A_373 {
          %add3A_374 = arith.constant 64 : i32
          %add3A_375 = arith.addi %mul3A_345, %add3A_374 : i32
          %add3A_376 = vector.broadcast %add3A_375 : i32 to vector<16xi32>
          %add3A_377 = arith.addi %add3A_376, %iota3A : vector<16xi32>
          %ge3A_378 = arith.cmpi sge, %add3A_377, %get3A_9 : vector<16xi32>
          %select_n3A_379 = arith.select %ge3A_378, %get3A_9, %get3A_4 : vector<16xi1>, vector<16xi32>
          %select_n3A_380 = arith.select %ge3A_378, %get3A_49, %get3A_44 : vector<16xi1>, vector<16xi32>
          %ge3A_381 = arith.cmpi sge, %add3A_377, %get3A_14 : vector<16xi32>
          %select_n3A_382 = arith.select %ge3A_381, %get3A_14, %select_n3A_379 : vector<16xi1>, vector<16xi32>
          %select_n3A_383 = arith.select %ge3A_381, %get3A_54, %select_n3A_380 : vector<16xi1>, vector<16xi32>
          %ge3A_384 = arith.cmpi sge, %add3A_377, %get3A_19 : vector<16xi32>
          %select_n3A_385 = arith.select %ge3A_384, %get3A_19, %select_n3A_382 : vector<16xi1>, vector<16xi32>
          %select_n3A_386 = arith.select %ge3A_384, %get3A_59, %select_n3A_383 : vector<16xi1>, vector<16xi32>
          %ge3A_387 = arith.cmpi sge, %add3A_377, %get3A_24 : vector<16xi32>
          %select_n3A_388 = arith.select %ge3A_387, %get3A_24, %select_n3A_385 : vector<16xi1>, vector<16xi32>
          %select_n3A_389 = arith.select %ge3A_387, %get3A_64, %select_n3A_386 : vector<16xi1>, vector<16xi32>
          %ge3A_390 = arith.cmpi sge, %add3A_377, %get3A_29 : vector<16xi32>
          %select_n3A_391 = arith.select %ge3A_390, %get3A_29, %select_n3A_388 : vector<16xi1>, vector<16xi32>
          %select_n3A_392 = arith.select %ge3A_390, %get3A_69, %select_n3A_389 : vector<16xi1>, vector<16xi32>
          %ge3A_393 = arith.cmpi sge, %add3A_377, %get3A_34 : vector<16xi32>
          %select_n3A_394 = arith.select %ge3A_393, %get3A_34, %select_n3A_391 : vector<16xi1>, vector<16xi32>
          %select_n3A_395 = arith.select %ge3A_393, %get3A_74, %select_n3A_392 : vector<16xi1>, vector<16xi32>
          %ge3A_396 = arith.cmpi sge, %add3A_377, %get3A_39 : vector<16xi32>
          %select_n3A_397 = arith.select %ge3A_396, %get3A_39, %select_n3A_394 : vector<16xi1>, vector<16xi32>
          %select_n3A_398 = arith.select %ge3A_396, %get3A_79, %select_n3A_395 : vector<16xi1>, vector<16xi32>
          %sub3A_399 = arith.subi %add3A_377, %select_n3A_397 : vector<16xi32>
          %min3A_400 = arith.minsi %sub3A_399, %select_n3A_398 : vector<16xi32>
          %min3A_401 = arith.constant 8191 : i32
          %min3A_402 = vector.broadcast %min3A_401 : i32 to vector<16xi32>
          %min3A_403 = arith.minsi %min3A_400, %min3A_402 : vector<16xi32>
          %max3A_404 = arith.constant 0 : i32
          %max3A_405 = vector.broadcast %max3A_404 : i32 to vector<16xi32>
          %max3A_406 = arith.maxsi %min3A_403, %max3A_405 : vector<16xi32>
          %swap3A_407 = arith.constant 0 : index
          %swap3A_408 = tpu.vector_load %arg7[%swap3A_407] {strides = array<i32>} : memref<16xi32, #tpu.memory_space<vmem>>, vector<16xi32>,
          %swap3A_409 = vector.shape_cast %swap3A_408 : vector<16xi32> to vector<16xi32>
          %swap3A_410 = vector.shape_cast %max3A_406 : vector<16xi32> to vector<16xi32>
          tpu.vector_store %arg7[%swap3A_407], %swap3A_410 {strides = array<i32>} : memref<16xi32, #tpu.memory_space<vmem>>, vector<16xi32>,
          %dma_start3A_411 = arith.constant 0 : i32
          %dma_start3A_412 = arith.constant 0 : i32
          %dma_start3A_413 = tpu.memref_slice %arg4[%dma_start3A_411, %dma_start3A_412] : memref<8192x512xf32, #tpu.memory_space<hbm>> -> memref<8192x512xf32, #tpu.memory_space<hbm>>
          tpu.enqueue_indirect_dma source(%dma_start3A_413 : memref<8192x512xf32, #tpu.memory_space<hbm>>) target(%arg15 : memref<16x512xf32, #tpu.memory_space<vmem>>) offsets(%arg7 : memref<16xi32, #tpu.memory_space<vmem>>) semaphore(%arg27 : memref<!tpu.dma_semaphore, #tpu.memory_space<semaphore_mem>>)
          %dma_start3A_414 = arith.constant 0 : i32
          %dma_start3A_415 = tpu.memref_slice %arg3[%add3A_375, %dma_start3A_414] : memref<15488x512xf32, #tpu.memory_space<hbm>> -> memref<16x512xf32, #tpu.memory_space<hbm>>
          %dma_start3A_416 = arith.constant 0 : i32
          %dma_start3A_417 = tpu.memref_slice %arg3[%add3A_375, %dma_start3A_416] : memref<15488x512xf32, #tpu.memory_space<hbm>> -> memref<16x512xf32, #tpu.memory_space<hbm>>
          tpu.enqueue_dma source(%dma_start3A_417 : memref<16x512xf32, #tpu.memory_space<hbm>>) target(%arg11 : memref<16x512xf32, #tpu.memory_space<vmem>>) target_semaphore(%arg23 : memref<!tpu.dma_semaphore, #tpu.memory_space<semaphore_mem>>)
        } else {
        }
      } else {
      }
      %mul3A_319 = arith.constant 4 : i32
      %mul3A_320 = arith.muli %mul3A_319, %scan3A_313 : i32
      %add3A_321 = arith.constant 1 : i32
      %add3A_322 = arith.addi %mul3A_320, %add3A_321 : i32
      %lt3A_323 = arith.cmpi slt, %add3A_322, %sub3A_99 : i32
      %convert_element_type3A_324 = arith.extui %lt3A_323 : i1 to i32
      %cond3A_325 = arith.constant 0 : i32
      %cond3A_326 = arith.cmpi ne, %convert_element_type3A_324, %cond3A_325 : i32
      scf.if %cond3A_326 {
        %add3A_343 = arith.addi %sub3A_105, %add3A_322 : i32
        %mul3A_344 = arith.constant 16 : i32
        %mul3A_345 = arith.muli %add3A_343, %mul3A_344 : i32
        %dma_wait3A_346 = arith.constant 0 : i32
        %dma_wait3A_347 = tpu.memref_slice %arg3[%mul3A_345, %dma_wait3A_346] : memref<15488x512xf32, #tpu.memory_space<hbm>> -> memref<16x512xf32, #tpu.memory_space<hbm>>
        %dma_wait3A_348 = arith.constant 0 : i32
        %dma_wait3A_349 = tpu.memref_slice %arg3[%mul3A_345, %dma_wait3A_348] : memref<15488x512xf32, #tpu.memory_space<hbm>> -> memref<16x512xf32, #tpu.memory_space<hbm>>
        tpu.wait_dma2 semaphore(%arg24 : memref<!tpu.dma_semaphore, #tpu.memory_space<semaphore_mem>>) src(%dma_wait3A_349 : memref<16x512xf32, #tpu.memory_space<hbm>>) dst(%arg12 : memref<16x512xf32, #tpu.memory_space<vmem>>)
        %dma_wait3A_350 = arith.constant 0 : i32
        %dma_wait3A_351 = arith.constant 0 : i32
        %dma_wait3A_352 = tpu.memref_slice %arg4[%dma_wait3A_350, %dma_wait3A_351] : memref<8192x512xf32, #tpu.memory_space<hbm>> -> memref<8192x512xf32, #tpu.memory_space<hbm>>
        tpu.wait_indirect_dma semaphore(%arg28 : memref<!tpu.dma_semaphore, #tpu.memory_space<semaphore_mem>>) src(%dma_wait3A_352 : memref<8192x512xf32, #tpu.memory_space<hbm>>) dst(%arg16 : memref<16x512xf32, #tpu.memory_space<vmem>>)
        %ge3A_353 = arith.constant 4 : i32
        %ge3A_354 = arith.cmpi sge, %add3A_322, %ge3A_353 : i32
        %convert_element_type3A_355 = arith.extui %ge3A_354 : i1 to i32
        %cond3A_356 = arith.constant 0 : i32
        %cond3A_357 = arith.cmpi ne, %convert_element_type3A_355, %cond3A_356 : i32
        scf.if %cond3A_357 {
          %dma_wait3A_374 = arith.constant 0 : i32
          %dma_wait3A_375 = arith.constant 0 : i32
          %dma_wait3A_376 = tpu.memref_slice %arg5[%dma_wait3A_374, %dma_wait3A_375] : memref<15488x512xf32, #tpu.memory_space<hbm>> -> memref<16x512xf32, #tpu.memory_space<hbm>>
          %dma_wait3A_377 = arith.constant 0 : i32
          %dma_wait3A_378 = arith.constant 0 : i32
          %dma_wait3A_379 = tpu.memref_slice %arg5[%dma_wait3A_377, %dma_wait3A_378] : memref<15488x512xf32, #tpu.memory_space<hbm>> -> memref<16x512xf32, #tpu.memory_space<hbm>>
          tpu.wait_dma2 semaphore(%arg32 : memref<!tpu.dma_semaphore, #tpu.memory_space<semaphore_mem>>) src(%arg20 : memref<16x512xf32, #tpu.memory_space<vmem>>) dst(%dma_wait3A_379 : memref<16x512xf32, #tpu.memory_space<hbm>>)
        } else {
        }
        %scan3A_358 = arith.constant 0 : i32
        %scan3A_359 = arith.constant 0 : i32
        %scan3A_360 = arith.constant 16 : i32
        %scan3A_361 = arith.addi %scan3A_359, %scan3A_360 : i32
        %scan3A_362 = arith.constant 1 : i32
        scf.for %scan3A_374 = %scan3A_359 to %scan3A_361 step %scan3A_362  : i32 {
          %get3A_375 = arith.index_cast %scan3A_374 : i32 to index
          %get3A_376 = arith.constant 0 : index
          %get3A_377 = tpu.vector_load %arg12[%get3A_375, %get3A_376] {strides = array<i32>} : memref<16x512xf32, #tpu.memory_space<vmem>>, vector<1x16xf32>,
          %get3A_378 = vector.shape_cast %get3A_377 : vector<1x16xf32> to vector<16xf32>
          %mul3A_379 = arith.constant 22.6274166 : f32
          %mul3A_380 = vector.broadcast %mul3A_379 : f32 to vector<16xf32>
          %mul3A_381 = arith.mulf %get3A_378, %mul3A_380 : vector<16xf32>
          %get3A_382 = arith.index_cast %scan3A_374 : i32 to index
          %get3A_383 = arith.constant 0 : index
          %get3A_384 = tpu.vector_load %arg16[%get3A_382, %get3A_383] {strides = array<i32>} : memref<16x512xf32, #tpu.memory_space<vmem>>, vector<1x16xf32>,
          %get3A_385 = vector.shape_cast %get3A_384 : vector<1x16xf32> to vector<16xf32>
          %add3A_386 = arith.addf %mul3A_381, %get3A_385 : vector<16xf32>
          %swap3A_387 = arith.index_cast %scan3A_374 : i32 to index
          %swap3A_388 = arith.constant 0 : index
          %swap3A_389 = tpu.vector_load %arg20[%swap3A_387, %swap3A_388] {strides = array<i32>} : memref<16x512xf32, #tpu.memory_space<vmem>>, vector<1x16xf32>,
          %swap3A_390 = vector.shape_cast %swap3A_389 : vector<1x16xf32> to vector<16xf32>
          %swap3A_391 = vector.shape_cast %add3A_386 : vector<16xf32> to vector<1x16xf32>
          tpu.vector_store %arg20[%swap3A_387, %swap3A_388], %swap3A_391 {strides = array<i32>} : memref<16x512xf32, #tpu.memory_space<vmem>>, vector<1x16xf32>,
          %get3A_392 = arith.index_cast %scan3A_374 : i32 to index
          %get3A_393 = arith.constant 16 : index
          %get3A_394 = tpu.vector_load %arg12[%get3A_392, %get3A_393] {strides = array<i32>} : memref<16x512xf32, #tpu.memory_space<vmem>>, vector<1x16xf32>,
          %get3A_395 = vector.shape_cast %get3A_394 : vector<1x16xf32> to vector<16xf32>
          %mul3A_396 = arith.constant 22.6274166 : f32
          %mul3A_397 = vector.broadcast %mul3A_396 : f32 to vector<16xf32>
          %mul3A_398 = arith.mulf %get3A_395, %mul3A_397 : vector<16xf32>
          %get3A_399 = arith.index_cast %scan3A_374 : i32 to index
          %get3A_400 = arith.constant 16 : index
          %get3A_401 = tpu.vector_load %arg16[%get3A_399, %get3A_400] {strides = array<i32>} : memref<16x512xf32, #tpu.memory_space<vmem>>, vector<1x16xf32>,
          %get3A_402 = vector.shape_cast %get3A_401 : vector<1x16xf32> to vector<16xf32>
          %add3A_403 = arith.addf %mul3A_398, %get3A_402 : vector<16xf32>
          %swap3A_404 = arith.index_cast %scan3A_374 : i32 to index
          %swap3A_405 = arith.constant 16 : index
          %swap3A_406 = tpu.vector_load %arg20[%swap3A_404, %swap3A_405] {strides = array<i32>} : memref<16x512xf32, #tpu.memory_space<vmem>>, vector<1x16xf32>,
          %swap3A_407 = vector.shape_cast %swap3A_406 : vector<1x16xf32> to vector<16xf32>
          %swap3A_408 = vector.shape_cast %add3A_403 : vector<16xf32> to vector<1x16xf32>
          tpu.vector_store %arg20[%swap3A_404, %swap3A_405], %swap3A_408 {strides = array<i32>} : memref<16x512xf32, #tpu.memory_space<vmem>>, vector<1x16xf32>,
          %get3A_409 = arith.index_cast %scan3A_374 : i32 to index
          %get3A_410 = arith.constant 32 : index
          %get3A_411 = tpu.vector_load %arg12[%get3A_409, %get3A_410] {strides = array<i32>} : memref<16x512xf32, #tpu.memory_space<vmem>>, vector<1x16xf32>,
          %get3A_412 = vector.shape_cast %get3A_411 : vector<1x16xf32> to vector<16xf32>
          %mul3A_413 = arith.constant 22.6274166 : f32
          %mul3A_414 = vector.broadcast %mul3A_413 : f32 to vector<16xf32>
          %mul3A_415 = arith.mulf %get3A_412, %mul3A_414 : vector<16xf32>
          %get3A_416 = arith.index_cast %scan3A_374 : i32 to index
          %get3A_417 = arith.constant 32 : index
          %get3A_418 = tpu.vector_load %arg16[%get3A_416, %get3A_417] {strides = array<i32>} : memref<16x512xf32, #tpu.memory_space<vmem>>, vector<1x16xf32>,
          %get3A_419 = vector.shape_cast %get3A_418 : vector<1x16xf32> to vector<16xf32>
          %add3A_420 = arith.addf %mul3A_415, %get3A_419 : vector<16xf32>
          %swap3A_421 = arith.index_cast %scan3A_374 : i32 to index
          %swap3A_422 = arith.constant 32 : index
          %swap3A_423 = tpu.vector_load %arg20[%swap3A_421, %swap3A_422] {strides = array<i32>} : memref<16x512xf32, #tpu.memory_space<vmem>>, vector<1x16xf32>,
          %swap3A_424 = vector.shape_cast %swap3A_423 : vector<1x16xf32> to vector<16xf32>
          %swap3A_425 = vector.shape_cast %add3A_420 : vector<16xf32> to vector<1x16xf32>
          tpu.vector_store %arg20[%swap3A_421, %swap3A_422], %swap3A_425 {strides = array<i32>} : memref<16x512xf32, #tpu.memory_space<vmem>>, vector<1x16xf32>,
          %get3A_426 = arith.index_cast %scan3A_374 : i32 to index
          %get3A_427 = arith.constant 48 : index
          %get3A_428 = tpu.vector_load %arg12[%get3A_426, %get3A_427] {strides = array<i32>} : memref<16x512xf32, #tpu.memory_space<vmem>>, vector<1x16xf32>,
          %get3A_429 = vector.shape_cast %get3A_428 : vector<1x16xf32> to vector<16xf32>
          %mul3A_430 = arith.constant 22.6274166 : f32
          %mul3A_431 = vector.broadcast %mul3A_430 : f32 to vector<16xf32>
          %mul3A_432 = arith.mulf %get3A_429, %mul3A_431 : vector<16xf32>
          %get3A_433 = arith.index_cast %scan3A_374 : i32 to index
          %get3A_434 = arith.constant 48 : index
          %get3A_435 = tpu.vector_load %arg16[%get3A_433, %get3A_434] {strides = array<i32>} : memref<16x512xf32, #tpu.memory_space<vmem>>, vector<1x16xf32>,
          %get3A_436 = vector.shape_cast %get3A_435 : vector<1x16xf32> to vector<16xf32>
          %add3A_437 = arith.addf %mul3A_432, %get3A_436 : vector<16xf32>
          %swap3A_438 = arith.index_cast %scan3A_374 : i32 to index
          %swap3A_439 = arith.constant 48 : index
          %swap3A_440 = tpu.vector_load %arg20[%swap3A_438, %swap3A_439] {strides = array<i32>} : memref<16x512xf32, #tpu.memory_space<vmem>>, vector<1x16xf32>,
          %swap3A_441 = vector.shape_cast %swap3A_440 : vector<1x16xf32> to vector<16xf32>
          %swap3A_442 = vector.shape_cast %add3A_437 : vector<16xf32> to vector<1x16xf32>
          tpu.vector_store %arg20[%swap3A_438, %swap3A_439], %swap3A_442 {strides = array<i32>} : memref<16x512xf32, #tpu.memory_space<vmem>>, vector<1x16xf32>,
          %get3A_443 = arith.index_cast %scan3A_374 : i32 to index
          %get3A_444 = arith.constant 64 : index
          %get3A_445 = tpu.vector_load %arg12[%get3A_443, %get3A_444] {strides = array<i32>} : memref<16x512xf32, #tpu.memory_space<vmem>>, vector<1x16xf32>,
          %get3A_446 = vector.shape_cast %get3A_445 : vector<1x16xf32> to vector<16xf32>
          %mul3A_447 = arith.constant 22.6274166 : f32
          %mul3A_448 = vector.broadcast %mul3A_447 : f32 to vector<16xf32>
          %mul3A_449 = arith.mulf %get3A_446, %mul3A_448 : vector<16xf32>
          %get3A_450 = arith.index_cast %scan3A_374 : i32 to index
          %get3A_451 = arith.constant 64 : index
          %get3A_452 = tpu.vector_load %arg16[%get3A_450, %get3A_451] {strides = array<i32>} : memref<16x512xf32, #tpu.memory_space<vmem>>, vector<1x16xf32>,
          %get3A_453 = vector.shape_cast %get3A_452 : vector<1x16xf32> to vector<16xf32>
          %add3A_454 = arith.addf %mul3A_449, %get3A_453 : vector<16xf32>
          %swap3A_455 = arith.index_cast %scan3A_374 : i32 to index
          %swap3A_456 = arith.constant 64 : index
          %swap3A_457 = tpu.vector_load %arg20[%swap3A_455, %swap3A_456] {strides = array<i32>} : memref<16x512xf32, #tpu.memory_space<vmem>>, vector<1x16xf32>,
          %swap3A_458 = vector.shape_cast %swap3A_457 : vector<1x16xf32> to vector<16xf32>
          %swap3A_459 = vector.shape_cast %add3A_454 : vector<16xf32> to vector<1x16xf32>
          tpu.vector_store %arg20[%swap3A_455, %swap3A_456], %swap3A_459 {strides = array<i32>} : memref<16x512xf32, #tpu.memory_space<vmem>>, vector<1x16xf32>,
          %get3A_460 = arith.index_cast %scan3A_374 : i32 to index
          %get3A_461 = arith.constant 80 : index
          %get3A_462 = tpu.vector_load %arg12[%get3A_460, %get3A_461] {strides = array<i32>} : memref<16x512xf32, #tpu.memory_space<vmem>>, vector<1x16xf32>,
          %get3A_463 = vector.shape_cast %get3A_462 : vector<1x16xf32> to vector<16xf32>
          %mul3A_464 = arith.constant 22.6274166 : f32
          %mul3A_465 = vector.broadcast %mul3A_464 : f32 to vector<16xf32>
          %mul3A_466 = arith.mulf %get3A_463, %mul3A_465 : vector<16xf32>
          %get3A_467 = arith.index_cast %scan3A_374 : i32 to index
          %get3A_468 = arith.constant 80 : index
          %get3A_469 = tpu.vector_load %arg16[%get3A_467, %get3A_468] {strides = array<i32>} : memref<16x512xf32, #tpu.memory_space<vmem>>, vector<1x16xf32>,
          %get3A_470 = vector.shape_cast %get3A_469 : vector<1x16xf32> to vector<16xf32>
          %add3A_471 = arith.addf %mul3A_466, %get3A_470 : vector<16xf32>
          %swap3A_472 = arith.index_cast %scan3A_374 : i32 to index
          %swap3A_473 = arith.constant 80 : index
          %swap3A_474 = tpu.vector_load %arg20[%swap3A_472, %swap3A_473] {strides = array<i32>} : memref<16x512xf32, #tpu.memory_space<vmem>>, vector<1x16xf32>,
          %swap3A_475 = vector.shape_cast %swap3A_474 : vector<1x16xf32> to vector<16xf32>
          %swap3A_476 = vector.shape_cast %add3A_471 : vector<16xf32> to vector<1x16xf32>
          tpu.vector_store %arg20[%swap3A_472, %swap3A_473], %swap3A_476 {strides = array<i32>} : memref<16x512xf32, #tpu.memory_space<vmem>>, vector<1x16xf32>,
          %get3A_477 = arith.index_cast %scan3A_374 : i32 to index
          %get3A_478 = arith.constant 96 : index
          %get3A_479 = tpu.vector_load %arg12[%get3A_477, %get3A_478] {strides = array<i32>} : memref<16x512xf32, #tpu.memory_space<vmem>>, vector<1x16xf32>,
          %get3A_480 = vector.shape_cast %get3A_479 : vector<1x16xf32> to vector<16xf32>
          %mul3A_481 = arith.constant 22.6274166 : f32
          %mul3A_482 = vector.broadcast %mul3A_481 : f32 to vector<16xf32>
          %mul3A_483 = arith.mulf %get3A_480, %mul3A_482 : vector<16xf32>
          %get3A_484 = arith.index_cast %scan3A_374 : i32 to index
          %get3A_485 = arith.constant 96 : index
          %get3A_486 = tpu.vector_load %arg16[%get3A_484, %get3A_485] {strides = array<i32>} : memref<16x512xf32, #tpu.memory_space<vmem>>, vector<1x16xf32>,
          %get3A_487 = vector.shape_cast %get3A_486 : vector<1x16xf32> to vector<16xf32>
          %add3A_488 = arith.addf %mul3A_483, %get3A_487 : vector<16xf32>
          %swap3A_489 = arith.index_cast %scan3A_374 : i32 to index
          %swap3A_490 = arith.constant 96 : index
          %swap3A_491 = tpu.vector_load %arg20[%swap3A_489, %swap3A_490] {strides = array<i32>} : memref<16x512xf32, #tpu.memory_space<vmem>>, vector<1x16xf32>,
          %swap3A_492 = vector.shape_cast %swap3A_491 : vector<1x16xf32> to vector<16xf32>
          %swap3A_493 = vector.shape_cast %add3A_488 : vector<16xf32> to vector<1x16xf32>
          tpu.vector_store %arg20[%swap3A_489, %swap3A_490], %swap3A_493 {strides = array<i32>} : memref<16x512xf32, #tpu.memory_space<vmem>>, vector<1x16xf32>,
          %get3A_494 = arith.index_cast %scan3A_374 : i32 to index
          %get3A_495 = arith.constant 112 : index
          %get3A_496 = tpu.vector_load %arg12[%get3A_494, %get3A_495] {strides = array<i32>} : memref<16x512xf32, #tpu.memory_space<vmem>>, vector<1x16xf32>,
          %get3A_497 = vector.shape_cast %get3A_496 : vector<1x16xf32> to vector<16xf32>
          %mul3A_498 = arith.constant 22.6274166 : f32
          %mul3A_499 = vector.broadcast %mul3A_498 : f32 to vector<16xf32>
          %mul3A_500 = arith.mulf %get3A_497, %mul3A_499 : vector<16xf32>
          %get3A_501 = arith.index_cast %scan3A_374 : i32 to index
          %get3A_502 = arith.constant 112 : index
          %get3A_503 = tpu.vector_load %arg16[%get3A_501, %get3A_502] {strides = array<i32>} : memref<16x512xf32, #tpu.memory_space<vmem>>, vector<1x16xf32>,
          %get3A_504 = vector.shape_cast %get3A_503 : vector<1x16xf32> to vector<16xf32>
          %add3A_505 = arith.addf %mul3A_500, %get3A_504 : vector<16xf32>
          %swap3A_506 = arith.index_cast %scan3A_374 : i32 to index
          %swap3A_507 = arith.constant 112 : index
          %swap3A_508 = tpu.vector_load %arg20[%swap3A_506, %swap3A_507] {strides = array<i32>} : memref<16x512xf32, #tpu.memory_space<vmem>>, vector<1x16xf32>,
          %swap3A_509 = vector.shape_cast %swap3A_508 : vector<1x16xf32> to vector<16xf32>
          %swap3A_510 = vector.shape_cast %add3A_505 : vector<16xf32> to vector<1x16xf32>
          tpu.vector_store %arg20[%swap3A_506, %swap3A_507], %swap3A_510 {strides = array<i32>} : memref<16x512xf32, #tpu.memory_space<vmem>>, vector<1x16xf32>,
          %get3A_511 = arith.index_cast %scan3A_374 : i32 to index
          %get3A_512 = arith.constant 128 : index
          %get3A_513 = tpu.vector_load %arg12[%get3A_511, %get3A_512] {strides = array<i32>} : memref<16x512xf32, #tpu.memory_space<vmem>>, vector<1x16xf32>,
          %get3A_514 = vector.shape_cast %get3A_513 : vector<1x16xf32> to vector<16xf32>
          %mul3A_515 = arith.constant 22.6274166 : f32
          %mul3A_516 = vector.broadcast %mul3A_515 : f32 to vector<16xf32>
          %mul3A_517 = arith.mulf %get3A_514, %mul3A_516 : vector<16xf32>
          %get3A_518 = arith.index_cast %scan3A_374 : i32 to index
          %get3A_519 = arith.constant 128 : index
          %get3A_520 = tpu.vector_load %arg16[%get3A_518, %get3A_519] {strides = array<i32>} : memref<16x512xf32, #tpu.memory_space<vmem>>, vector<1x16xf32>,
          %get3A_521 = vector.shape_cast %get3A_520 : vector<1x16xf32> to vector<16xf32>
          %add3A_522 = arith.addf %mul3A_517, %get3A_521 : vector<16xf32>
          %swap3A_523 = arith.index_cast %scan3A_374 : i32 to index
          %swap3A_524 = arith.constant 128 : index
          %swap3A_525 = tpu.vector_load %arg20[%swap3A_523, %swap3A_524] {strides = array<i32>} : memref<16x512xf32, #tpu.memory_space<vmem>>, vector<1x16xf32>,
          %swap3A_526 = vector.shape_cast %swap3A_525 : vector<1x16xf32> to vector<16xf32>
          %swap3A_527 = vector.shape_cast %add3A_522 : vector<16xf32> to vector<1x16xf32>
          tpu.vector_store %arg20[%swap3A_523, %swap3A_524], %swap3A_527 {strides = array<i32>} : memref<16x512xf32, #tpu.memory_space<vmem>>, vector<1x16xf32>,
          %get3A_528 = arith.index_cast %scan3A_374 : i32 to index
          %get3A_529 = arith.constant 144 : index
          %get3A_530 = tpu.vector_load %arg12[%get3A_528, %get3A_529] {strides = array<i32>} : memref<16x512xf32, #tpu.memory_space<vmem>>, vector<1x16xf32>,
          %get3A_531 = vector.shape_cast %get3A_530 : vector<1x16xf32> to vector<16xf32>
          %mul3A_532 = arith.constant 22.6274166 : f32
          %mul3A_533 = vector.broadcast %mul3A_532 : f32 to vector<16xf32>
          %mul3A_534 = arith.mulf %get3A_531, %mul3A_533 : vector<16xf32>
          %get3A_535 = arith.index_cast %scan3A_374 : i32 to index
          %get3A_536 = arith.constant 144 : index
          %get3A_537 = tpu.vector_load %arg16[%get3A_535, %get3A_536] {strides = array<i32>} : memref<16x512xf32, #tpu.memory_space<vmem>>, vector<1x16xf32>,
          %get3A_538 = vector.shape_cast %get3A_537 : vector<1x16xf32> to vector<16xf32>
          %add3A_539 = arith.addf %mul3A_534, %get3A_538 : vector<16xf32>
          %swap3A_540 = arith.index_cast %scan3A_374 : i32 to index
          %swap3A_541 = arith.constant 144 : index
          %swap3A_542 = tpu.vector_load %arg20[%swap3A_540, %swap3A_541] {strides = array<i32>} : memref<16x512xf32, #tpu.memory_space<vmem>>, vector<1x16xf32>,
          %swap3A_543 = vector.shape_cast %swap3A_542 : vector<1x16xf32> to vector<16xf32>
          %swap3A_544 = vector.shape_cast %add3A_539 : vector<16xf32> to vector<1x16xf32>
          tpu.vector_store %arg20[%swap3A_540, %swap3A_541], %swap3A_544 {strides = array<i32>} : memref<16x512xf32, #tpu.memory_space<vmem>>, vector<1x16xf32>,
          %get3A_545 = arith.index_cast %scan3A_374 : i32 to index
          %get3A_546 = arith.constant 160 : index
          %get3A_547 = tpu.vector_load %arg12[%get3A_545, %get3A_546] {strides = array<i32>} : memref<16x512xf32, #tpu.memory_space<vmem>>, vector<1x16xf32>,
          %get3A_548 = vector.shape_cast %get3A_547 : vector<1x16xf32> to vector<16xf32>
          %mul3A_549 = arith.constant 22.6274166 : f32
          %mul3A_550 = vector.broadcast %mul3A_549 : f32 to vector<16xf32>
          %mul3A_551 = arith.mulf %get3A_548, %mul3A_550 : vector<16xf32>
          %get3A_552 = arith.index_cast %scan3A_374 : i32 to index
          %get3A_553 = arith.constant 160 : index
          %get3A_554 = tpu.vector_load %arg16[%get3A_552, %get3A_553] {strides = array<i32>} : memref<16x512xf32, #tpu.memory_space<vmem>>, vector<1x16xf32>,
          %get3A_555 = vector.shape_cast %get3A_554 : vector<1x16xf32> to vector<16xf32>
          %add3A_556 = arith.addf %mul3A_551, %get3A_555 : vector<16xf32>
          %swap3A_557 = arith.index_cast %scan3A_374 : i32 to index
          %swap3A_558 = arith.constant 160 : index
          %swap3A_559 = tpu.vector_load %arg20[%swap3A_557, %swap3A_558] {strides = array<i32>} : memref<16x512xf32, #tpu.memory_space<vmem>>, vector<1x16xf32>,
          %swap3A_560 = vector.shape_cast %swap3A_559 : vector<1x16xf32> to vector<16xf32>
          %swap3A_561 = vector.shape_cast %add3A_556 : vector<16xf32> to vector<1x16xf32>
          tpu.vector_store %arg20[%swap3A_557, %swap3A_558], %swap3A_561 {strides = array<i32>} : memref<16x512xf32, #tpu.memory_space<vmem>>, vector<1x16xf32>,
          %get3A_562 = arith.index_cast %scan3A_374 : i32 to index
          %get3A_563 = arith.constant 176 : index
          %get3A_564 = tpu.vector_load %arg12[%get3A_562, %get3A_563] {strides = array<i32>} : memref<16x512xf32, #tpu.memory_space<vmem>>, vector<1x16xf32>,
          %get3A_565 = vector.shape_cast %get3A_564 : vector<1x16xf32> to vector<16xf32>
          %mul3A_566 = arith.constant 22.6274166 : f32
          %mul3A_567 = vector.broadcast %mul3A_566 : f32 to vector<16xf32>
          %mul3A_568 = arith.mulf %get3A_565, %mul3A_567 : vector<16xf32>
          %get3A_569 = arith.index_cast %scan3A_374 : i32 to index
          %get3A_570 = arith.constant 176 : index
          %get3A_571 = tpu.vector_load %arg16[%get3A_569, %get3A_570] {strides = array<i32>} : memref<16x512xf32, #tpu.memory_space<vmem>>, vector<1x16xf32>,
          %get3A_572 = vector.shape_cast %get3A_571 : vector<1x16xf32> to vector<16xf32>
          %add3A_573 = arith.addf %mul3A_568, %get3A_572 : vector<16xf32>
          %swap3A_574 = arith.index_cast %scan3A_374 : i32 to index
          %swap3A_575 = arith.constant 176 : index
          %swap3A_576 = tpu.vector_load %arg20[%swap3A_574, %swap3A_575] {strides = array<i32>} : memref<16x512xf32, #tpu.memory_space<vmem>>, vector<1x16xf32>,
          %swap3A_577 = vector.shape_cast %swap3A_576 : vector<1x16xf32> to vector<16xf32>
          %swap3A_578 = vector.shape_cast %add3A_573 : vector<16xf32> to vector<1x16xf32>
          tpu.vector_store %arg20[%swap3A_574, %swap3A_575], %swap3A_578 {strides = array<i32>} : memref<16x512xf32, #tpu.memory_space<vmem>>, vector<1x16xf32>,
          %get3A_579 = arith.index_cast %scan3A_374 : i32 to index
          %get3A_580 = arith.constant 192 : index
          %get3A_581 = tpu.vector_load %arg12[%get3A_579, %get3A_580] {strides = array<i32>} : memref<16x512xf32, #tpu.memory_space<vmem>>, vector<1x16xf32>,
          %get3A_582 = vector.shape_cast %get3A_581 : vector<1x16xf32> to vector<16xf32>
          %mul3A_583 = arith.constant 22.6274166 : f32
          %mul3A_584 = vector.broadcast %mul3A_583 : f32 to vector<16xf32>
          %mul3A_585 = arith.mulf %get3A_582, %mul3A_584 : vector<16xf32>
          %get3A_586 = arith.index_cast %scan3A_374 : i32 to index
          %get3A_587 = arith.constant 192 : index
          %get3A_588 = tpu.vector_load %arg16[%get3A_586, %get3A_587] {strides = array<i32>} : memref<16x512xf32, #tpu.memory_space<vmem>>, vector<1x16xf32>,
          %get3A_589 = vector.shape_cast %get3A_588 : vector<1x16xf32> to vector<16xf32>
          %add3A_590 = arith.addf %mul3A_585, %get3A_589 : vector<16xf32>
          %swap3A_591 = arith.index_cast %scan3A_374 : i32 to index
          %swap3A_592 = arith.constant 192 : index
          %swap3A_593 = tpu.vector_load %arg20[%swap3A_591, %swap3A_592] {strides = array<i32>} : memref<16x512xf32, #tpu.memory_space<vmem>>, vector<1x16xf32>,
          %swap3A_594 = vector.shape_cast %swap3A_593 : vector<1x16xf32> to vector<16xf32>
          %swap3A_595 = vector.shape_cast %add3A_590 : vector<16xf32> to vector<1x16xf32>
          tpu.vector_store %arg20[%swap3A_591, %swap3A_592], %swap3A_595 {strides = array<i32>} : memref<16x512xf32, #tpu.memory_space<vmem>>, vector<1x16xf32>,
          %get3A_596 = arith.index_cast %scan3A_374 : i32 to index
          %get3A_597 = arith.constant 208 : index
          %get3A_598 = tpu.vector_load %arg12[%get3A_596, %get3A_597] {strides = array<i32>} : memref<16x512xf32, #tpu.memory_space<vmem>>, vector<1x16xf32>,
          %get3A_599 = vector.shape_cast %get3A_598 : vector<1x16xf32> to vector<16xf32>
          %mul3A_600 = arith.constant 22.6274166 : f32
          %mul3A_601 = vector.broadcast %mul3A_600 : f32 to vector<16xf32>
          %mul3A_602 = arith.mulf %get3A_599, %mul3A_601 : vector<16xf32>
          %get3A_603 = arith.index_cast %scan3A_374 : i32 to index
          %get3A_604 = arith.constant 208 : index
          %get3A_605 = tpu.vector_load %arg16[%get3A_603, %get3A_604] {strides = array<i32>} : memref<16x512xf32, #tpu.memory_space<vmem>>, vector<1x16xf32>,
          %get3A_606 = vector.shape_cast %get3A_605 : vector<1x16xf32> to vector<16xf32>
          %add3A_607 = arith.addf %mul3A_602, %get3A_606 : vector<16xf32>
          %swap3A_608 = arith.index_cast %scan3A_374 : i32 to index
          %swap3A_609 = arith.constant 208 : index
          %swap3A_610 = tpu.vector_load %arg20[%swap3A_608, %swap3A_609] {strides = array<i32>} : memref<16x512xf32, #tpu.memory_space<vmem>>, vector<1x16xf32>,
          %swap3A_611 = vector.shape_cast %swap3A_610 : vector<1x16xf32> to vector<16xf32>
          %swap3A_612 = vector.shape_cast %add3A_607 : vector<16xf32> to vector<1x16xf32>
          tpu.vector_store %arg20[%swap3A_608, %swap3A_609], %swap3A_612 {strides = array<i32>} : memref<16x512xf32, #tpu.memory_space<vmem>>, vector<1x16xf32>,
          %get3A_613 = arith.index_cast %scan3A_374 : i32 to index
          %get3A_614 = arith.constant 224 : index
          %get3A_615 = tpu.vector_load %arg12[%get3A_613, %get3A_614] {strides = array<i32>} : memref<16x512xf32, #tpu.memory_space<vmem>>, vector<1x16xf32>,
          %get3A_616 = vector.shape_cast %get3A_615 : vector<1x16xf32> to vector<16xf32>
          %mul3A_617 = arith.constant 22.6274166 : f32
          %mul3A_618 = vector.broadcast %mul3A_617 : f32 to vector<16xf32>
          %mul3A_619 = arith.mulf %get3A_616, %mul3A_618 : vector<16xf32>
          %get3A_620 = arith.index_cast %scan3A_374 : i32 to index
          %get3A_621 = arith.constant 224 : index
          %get3A_622 = tpu.vector_load %arg16[%get3A_620, %get3A_621] {strides = array<i32>} : memref<16x512xf32, #tpu.memory_space<vmem>>, vector<1x16xf32>,
          %get3A_623 = vector.shape_cast %get3A_622 : vector<1x16xf32> to vector<16xf32>
          %add3A_624 = arith.addf %mul3A_619, %get3A_623 : vector<16xf32>
          %swap3A_625 = arith.index_cast %scan3A_374 : i32 to index
          %swap3A_626 = arith.constant 224 : index
          %swap3A_627 = tpu.vector_load %arg20[%swap3A_625, %swap3A_626] {strides = array<i32>} : memref<16x512xf32, #tpu.memory_space<vmem>>, vector<1x16xf32>,
          %swap3A_628 = vector.shape_cast %swap3A_627 : vector<1x16xf32> to vector<16xf32>
          %swap3A_629 = vector.shape_cast %add3A_624 : vector<16xf32> to vector<1x16xf32>
          tpu.vector_store %arg20[%swap3A_625, %swap3A_626], %swap3A_629 {strides = array<i32>} : memref<16x512xf32, #tpu.memory_space<vmem>>, vector<1x16xf32>,
          %get3A_630 = arith.index_cast %scan3A_374 : i32 to index
          %get3A_631 = arith.constant 240 : index
          %get3A_632 = tpu.vector_load %arg12[%get3A_630, %get3A_631] {strides = array<i32>} : memref<16x512xf32, #tpu.memory_space<vmem>>, vector<1x16xf32>,
          %get3A_633 = vector.shape_cast %get3A_632 : vector<1x16xf32> to vector<16xf32>
          %mul3A_634 = arith.constant 22.6274166 : f32
          %mul3A_635 = vector.broadcast %mul3A_634 : f32 to vector<16xf32>
          %mul3A_636 = arith.mulf %get3A_633, %mul3A_635 : vector<16xf32>
          %get3A_637 = arith.index_cast %scan3A_374 : i32 to index
          %get3A_638 = arith.constant 240 : index
          %get3A_639 = tpu.vector_load %arg16[%get3A_637, %get3A_638] {strides = array<i32>} : memref<16x512xf32, #tpu.memory_space<vmem>>, vector<1x16xf32>,
          %get3A_640 = vector.shape_cast %get3A_639 : vector<1x16xf32> to vector<16xf32>
          %add3A_641 = arith.addf %mul3A_636, %get3A_640 : vector<16xf32>
          %swap3A_642 = arith.index_cast %scan3A_374 : i32 to index
          %swap3A_643 = arith.constant 240 : index
          %swap3A_644 = tpu.vector_load %arg20[%swap3A_642, %swap3A_643] {strides = array<i32>} : memref<16x512xf32, #tpu.memory_space<vmem>>, vector<1x16xf32>,
          %swap3A_645 = vector.shape_cast %swap3A_644 : vector<1x16xf32> to vector<16xf32>
          %swap3A_646 = vector.shape_cast %add3A_641 : vector<16xf32> to vector<1x16xf32>
          tpu.vector_store %arg20[%swap3A_642, %swap3A_643], %swap3A_646 {strides = array<i32>} : memref<16x512xf32, #tpu.memory_space<vmem>>, vector<1x16xf32>,
          %get3A_647 = arith.index_cast %scan3A_374 : i32 to index
          %get3A_648 = arith.constant 256 : index
          %get3A_649 = tpu.vector_load %arg12[%get3A_647, %get3A_648] {strides = array<i32>} : memref<16x512xf32, #tpu.memory_space<vmem>>, vector<1x16xf32>,
          %get3A_650 = vector.shape_cast %get3A_649 : vector<1x16xf32> to vector<16xf32>
          %mul3A_651 = arith.constant 22.6274166 : f32
          %mul3A_652 = vector.broadcast %mul3A_651 : f32 to vector<16xf32>
          %mul3A_653 = arith.mulf %get3A_650, %mul3A_652 : vector<16xf32>
          %get3A_654 = arith.index_cast %scan3A_374 : i32 to index
          %get3A_655 = arith.constant 256 : index
          %get3A_656 = tpu.vector_load %arg16[%get3A_654, %get3A_655] {strides = array<i32>} : memref<16x512xf32, #tpu.memory_space<vmem>>, vector<1x16xf32>,
          %get3A_657 = vector.shape_cast %get3A_656 : vector<1x16xf32> to vector<16xf32>
          %add3A_658 = arith.addf %mul3A_653, %get3A_657 : vector<16xf32>
          %swap3A_659 = arith.index_cast %scan3A_374 : i32 to index
          %swap3A_660 = arith.constant 256 : index
          %swap3A_661 = tpu.vector_load %arg20[%swap3A_659, %swap3A_660] {strides = array<i32>} : memref<16x512xf32, #tpu.memory_space<vmem>>, vector<1x16xf32>,
          %swap3A_662 = vector.shape_cast %swap3A_661 : vector<1x16xf32> to vector<16xf32>
          %swap3A_663 = vector.shape_cast %add3A_658 : vector<16xf32> to vector<1x16xf32>
          tpu.vector_store %arg20[%swap3A_659, %swap3A_660], %swap3A_663 {strides = array<i32>} : memref<16x512xf32, #tpu.memory_space<vmem>>, vector<1x16xf32>,
          %get3A_664 = arith.index_cast %scan3A_374 : i32 to index
          %get3A_665 = arith.constant 272 : index
          %get3A_666 = tpu.vector_load %arg12[%get3A_664, %get3A_665] {strides = array<i32>} : memref<16x512xf32, #tpu.memory_space<vmem>>, vector<1x16xf32>,
          %get3A_667 = vector.shape_cast %get3A_666 : vector<1x16xf32> to vector<16xf32>
          %mul3A_668 = arith.constant 22.6274166 : f32
          %mul3A_669 = vector.broadcast %mul3A_668 : f32 to vector<16xf32>
          %mul3A_670 = arith.mulf %get3A_667, %mul3A_669 : vector<16xf32>
          %get3A_671 = arith.index_cast %scan3A_374 : i32 to index
          %get3A_672 = arith.constant 272 : index
          %get3A_673 = tpu.vector_load %arg16[%get3A_671, %get3A_672] {strides = array<i32>} : memref<16x512xf32, #tpu.memory_space<vmem>>, vector<1x16xf32>,
          %get3A_674 = vector.shape_cast %get3A_673 : vector<1x16xf32> to vector<16xf32>
          %add3A_675 = arith.addf %mul3A_670, %get3A_674 : vector<16xf32>
          %swap3A_676 = arith.index_cast %scan3A_374 : i32 to index
          %swap3A_677 = arith.constant 272 : index
          %swap3A_678 = tpu.vector_load %arg20[%swap3A_676, %swap3A_677] {strides = array<i32>} : memref<16x512xf32, #tpu.memory_space<vmem>>, vector<1x16xf32>,
          %swap3A_679 = vector.shape_cast %swap3A_678 : vector<1x16xf32> to vector<16xf32>
          %swap3A_680 = vector.shape_cast %add3A_675 : vector<16xf32> to vector<1x16xf32>
          tpu.vector_store %arg20[%swap3A_676, %swap3A_677], %swap3A_680 {strides = array<i32>} : memref<16x512xf32, #tpu.memory_space<vmem>>, vector<1x16xf32>,
          %get3A_681 = arith.index_cast %scan3A_374 : i32 to index
          %get3A_682 = arith.constant 288 : index
          %get3A_683 = tpu.vector_load %arg12[%get3A_681, %get3A_682] {strides = array<i32>} : memref<16x512xf32, #tpu.memory_space<vmem>>, vector<1x16xf32>,
          %get3A_684 = vector.shape_cast %get3A_683 : vector<1x16xf32> to vector<16xf32>
          %mul3A_685 = arith.constant 22.6274166 : f32
          %mul3A_686 = vector.broadcast %mul3A_685 : f32 to vector<16xf32>
          %mul3A_687 = arith.mulf %get3A_684, %mul3A_686 : vector<16xf32>
          %get3A_688 = arith.index_cast %scan3A_374 : i32 to index
          %get3A_689 = arith.constant 288 : index
          %get3A_690 = tpu.vector_load %arg16[%get3A_688, %get3A_689] {strides = array<i32>} : memref<16x512xf32, #tpu.memory_space<vmem>>, vector<1x16xf32>,
          %get3A_691 = vector.shape_cast %get3A_690 : vector<1x16xf32> to vector<16xf32>
          %add3A_692 = arith.addf %mul3A_687, %get3A_691 : vector<16xf32>
          %swap3A_693 = arith.index_cast %scan3A_374 : i32 to index
          %swap3A_694 = arith.constant 288 : index
          %swap3A_695 = tpu.vector_load %arg20[%swap3A_693, %swap3A_694] {strides = array<i32>} : memref<16x512xf32, #tpu.memory_space<vmem>>, vector<1x16xf32>,
          %swap3A_696 = vector.shape_cast %swap3A_695 : vector<1x16xf32> to vector<16xf32>
          %swap3A_697 = vector.shape_cast %add3A_692 : vector<16xf32> to vector<1x16xf32>
          tpu.vector_store %arg20[%swap3A_693, %swap3A_694], %swap3A_697 {strides = array<i32>} : memref<16x512xf32, #tpu.memory_space<vmem>>, vector<1x16xf32>,
          %get3A_698 = arith.index_cast %scan3A_374 : i32 to index
          %get3A_699 = arith.constant 304 : index
          %get3A_700 = tpu.vector_load %arg12[%get3A_698, %get3A_699] {strides = array<i32>} : memref<16x512xf32, #tpu.memory_space<vmem>>, vector<1x16xf32>,
          %get3A_701 = vector.shape_cast %get3A_700 : vector<1x16xf32> to vector<16xf32>
          %mul3A_702 = arith.constant 22.6274166 : f32
          %mul3A_703 = vector.broadcast %mul3A_702 : f32 to vector<16xf32>
          %mul3A_704 = arith.mulf %get3A_701, %mul3A_703 : vector<16xf32>
          %get3A_705 = arith.index_cast %scan3A_374 : i32 to index
          %get3A_706 = arith.constant 304 : index
          %get3A_707 = tpu.vector_load %arg16[%get3A_705, %get3A_706] {strides = array<i32>} : memref<16x512xf32, #tpu.memory_space<vmem>>, vector<1x16xf32>,
          %get3A_708 = vector.shape_cast %get3A_707 : vector<1x16xf32> to vector<16xf32>
          %add3A_709 = arith.addf %mul3A_704, %get3A_708 : vector<16xf32>
          %swap3A_710 = arith.index_cast %scan3A_374 : i32 to index
          %swap3A_711 = arith.constant 304 : index
          %swap3A_712 = tpu.vector_load %arg20[%swap3A_710, %swap3A_711] {strides = array<i32>} : memref<16x512xf32, #tpu.memory_space<vmem>>, vector<1x16xf32>,
          %swap3A_713 = vector.shape_cast %swap3A_712 : vector<1x16xf32> to vector<16xf32>
          %swap3A_714 = vector.shape_cast %add3A_709 : vector<16xf32> to vector<1x16xf32>
          tpu.vector_store %arg20[%swap3A_710, %swap3A_711], %swap3A_714 {strides = array<i32>} : memref<16x512xf32, #tpu.memory_space<vmem>>, vector<1x16xf32>,
          %get3A_715 = arith.index_cast %scan3A_374 : i32 to index
          %get3A_716 = arith.constant 320 : index
          %get3A_717 = tpu.vector_load %arg12[%get3A_715, %get3A_716] {strides = array<i32>} : memref<16x512xf32, #tpu.memory_space<vmem>>, vector<1x16xf32>,
          %get3A_718 = vector.shape_cast %get3A_717 : vector<1x16xf32> to vector<16xf32>
          %mul3A_719 = arith.constant 22.6274166 : f32
          %mul3A_720 = vector.broadcast %mul3A_719 : f32 to vector<16xf32>
          %mul3A_721 = arith.mulf %get3A_718, %mul3A_720 : vector<16xf32>
          %get3A_722 = arith.index_cast %scan3A_374 : i32 to index
          %get3A_723 = arith.constant 320 : index
          %get3A_724 = tpu.vector_load %arg16[%get3A_722, %get3A_723] {strides = array<i32>} : memref<16x512xf32, #tpu.memory_space<vmem>>, vector<1x16xf32>,
          %get3A_725 = vector.shape_cast %get3A_724 : vector<1x16xf32> to vector<16xf32>
          %add3A_726 = arith.addf %mul3A_721, %get3A_725 : vector<16xf32>
          %swap3A_727 = arith.index_cast %scan3A_374 : i32 to index
          %swap3A_728 = arith.constant 320 : index
          %swap3A_729 = tpu.vector_load %arg20[%swap3A_727, %swap3A_728] {strides = array<i32>} : memref<16x512xf32, #tpu.memory_space<vmem>>, vector<1x16xf32>,
          %swap3A_730 = vector.shape_cast %swap3A_729 : vector<1x16xf32> to vector<16xf32>
          %swap3A_731 = vector.shape_cast %add3A_726 : vector<16xf32> to vector<1x16xf32>
          tpu.vector_store %arg20[%swap3A_727, %swap3A_728], %swap3A_731 {strides = array<i32>} : memref<16x512xf32, #tpu.memory_space<vmem>>, vector<1x16xf32>,
          %get3A_732 = arith.index_cast %scan3A_374 : i32 to index
          %get3A_733 = arith.constant 336 : index
          %get3A_734 = tpu.vector_load %arg12[%get3A_732, %get3A_733] {strides = array<i32>} : memref<16x512xf32, #tpu.memory_space<vmem>>, vector<1x16xf32>,
          %get3A_735 = vector.shape_cast %get3A_734 : vector<1x16xf32> to vector<16xf32>
          %mul3A_736 = arith.constant 22.6274166 : f32
          %mul3A_737 = vector.broadcast %mul3A_736 : f32 to vector<16xf32>
          %mul3A_738 = arith.mulf %get3A_735, %mul3A_737 : vector<16xf32>
          %get3A_739 = arith.index_cast %scan3A_374 : i32 to index
          %get3A_740 = arith.constant 336 : index
          %get3A_741 = tpu.vector_load %arg16[%get3A_739, %get3A_740] {strides = array<i32>} : memref<16x512xf32, #tpu.memory_space<vmem>>, vector<1x16xf32>,
          %get3A_742 = vector.shape_cast %get3A_741 : vector<1x16xf32> to vector<16xf32>
          %add3A_743 = arith.addf %mul3A_738, %get3A_742 : vector<16xf32>
          %swap3A_744 = arith.index_cast %scan3A_374 : i32 to index
          %swap3A_745 = arith.constant 336 : index
          %swap3A_746 = tpu.vector_load %arg20[%swap3A_744, %swap3A_745] {strides = array<i32>} : memref<16x512xf32, #tpu.memory_space<vmem>>, vector<1x16xf32>,
          %swap3A_747 = vector.shape_cast %swap3A_746 : vector<1x16xf32> to vector<16xf32>
          %swap3A_748 = vector.shape_cast %add3A_743 : vector<16xf32> to vector<1x16xf32>
          tpu.vector_store %arg20[%swap3A_744, %swap3A_745], %swap3A_748 {strides = array<i32>} : memref<16x512xf32, #tpu.memory_space<vmem>>, vector<1x16xf32>,
          %get3A_749 = arith.index_cast %scan3A_374 : i32 to index
          %get3A_750 = arith.constant 352 : index
          %get3A_751 = tpu.vector_load %arg12[%get3A_749, %get3A_750] {strides = array<i32>} : memref<16x512xf32, #tpu.memory_space<vmem>>, vector<1x16xf32>,
          %get3A_752 = vector.shape_cast %get3A_751 : vector<1x16xf32> to vector<16xf32>
          %mul3A_753 = arith.constant 22.6274166 : f32
          %mul3A_754 = vector.broadcast %mul3A_753 : f32 to vector<16xf32>
          %mul3A_755 = arith.mulf %get3A_752, %mul3A_754 : vector<16xf32>
          %get3A_756 = arith.index_cast %scan3A_374 : i32 to index
          %get3A_757 = arith.constant 352 : index
          %get3A_758 = tpu.vector_load %arg16[%get3A_756, %get3A_757] {strides = array<i32>} : memref<16x512xf32, #tpu.memory_space<vmem>>, vector<1x16xf32>,
          %get3A_759 = vector.shape_cast %get3A_758 : vector<1x16xf32> to vector<16xf32>
          %add3A_760 = arith.addf %mul3A_755, %get3A_759 : vector<16xf32>
          %swap3A_761 = arith.index_cast %scan3A_374 : i32 to index
          %swap3A_762 = arith.constant 352 : index
          %swap3A_763 = tpu.vector_load %arg20[%swap3A_761, %swap3A_762] {strides = array<i32>} : memref<16x512xf32, #tpu.memory_space<vmem>>, vector<1x16xf32>,
          %swap3A_764 = vector.shape_cast %swap3A_763 : vector<1x16xf32> to vector<16xf32>
          %swap3A_765 = vector.shape_cast %add3A_760 : vector<16xf32> to vector<1x16xf32>
          tpu.vector_store %arg20[%swap3A_761, %swap3A_762], %swap3A_765 {strides = array<i32>} : memref<16x512xf32, #tpu.memory_space<vmem>>, vector<1x16xf32>,
          %get3A_766 = arith.index_cast %scan3A_374 : i32 to index
          %get3A_767 = arith.constant 368 : index
          %get3A_768 = tpu.vector_load %arg12[%get3A_766, %get3A_767] {strides = array<i32>} : memref<16x512xf32, #tpu.memory_space<vmem>>, vector<1x16xf32>,
          %get3A_769 = vector.shape_cast %get3A_768 : vector<1x16xf32> to vector<16xf32>
          %mul3A_770 = arith.constant 22.6274166 : f32
          %mul3A_771 = vector.broadcast %mul3A_770 : f32 to vector<16xf32>
          %mul3A_772 = arith.mulf %get3A_769, %mul3A_771 : vector<16xf32>
          %get3A_773 = arith.index_cast %scan3A_374 : i32 to index
          %get3A_774 = arith.constant 368 : index
          %get3A_775 = tpu.vector_load %arg16[%get3A_773, %get3A_774] {strides = array<i32>} : memref<16x512xf32, #tpu.memory_space<vmem>>, vector<1x16xf32>,
          %get3A_776 = vector.shape_cast %get3A_775 : vector<1x16xf32> to vector<16xf32>
          %add3A_777 = arith.addf %mul3A_772, %get3A_776 : vector<16xf32>
          %swap3A_778 = arith.index_cast %scan3A_374 : i32 to index
          %swap3A_779 = arith.constant 368 : index
          %swap3A_780 = tpu.vector_load %arg20[%swap3A_778, %swap3A_779] {strides = array<i32>} : memref<16x512xf32, #tpu.memory_space<vmem>>, vector<1x16xf32>,
          %swap3A_781 = vector.shape_cast %swap3A_780 : vector<1x16xf32> to vector<16xf32>
          %swap3A_782 = vector.shape_cast %add3A_777 : vector<16xf32> to vector<1x16xf32>
          tpu.vector_store %arg20[%swap3A_778, %swap3A_779], %swap3A_782 {strides = array<i32>} : memref<16x512xf32, #tpu.memory_space<vmem>>, vector<1x16xf32>,
          %get3A_783 = arith.index_cast %scan3A_374 : i32 to index
          %get3A_784 = arith.constant 384 : index
          %get3A_785 = tpu.vector_load %arg12[%get3A_783, %get3A_784] {strides = array<i32>} : memref<16x512xf32, #tpu.memory_space<vmem>>, vector<1x16xf32>,
          %get3A_786 = vector.shape_cast %get3A_785 : vector<1x16xf32> to vector<16xf32>
          %mul3A_787 = arith.constant 22.6274166 : f32
          %mul3A_788 = vector.broadcast %mul3A_787 : f32 to vector<16xf32>
          %mul3A_789 = arith.mulf %get3A_786, %mul3A_788 : vector<16xf32>
          %get3A_790 = arith.index_cast %scan3A_374 : i32 to index
          %get3A_791 = arith.constant 384 : index
          %get3A_792 = tpu.vector_load %arg16[%get3A_790, %get3A_791] {strides = array<i32>} : memref<16x512xf32, #tpu.memory_space<vmem>>, vector<1x16xf32>,
          %get3A_793 = vector.shape_cast %get3A_792 : vector<1x16xf32> to vector<16xf32>
          %add3A_794 = arith.addf %mul3A_789, %get3A_793 : vector<16xf32>
          %swap3A_795 = arith.index_cast %scan3A_374 : i32 to index
          %swap3A_796 = arith.constant 384 : index
          %swap3A_797 = tpu.vector_load %arg20[%swap3A_795, %swap3A_796] {strides = array<i32>} : memref<16x512xf32, #tpu.memory_space<vmem>>, vector<1x16xf32>,
          %swap3A_798 = vector.shape_cast %swap3A_797 : vector<1x16xf32> to vector<16xf32>
          %swap3A_799 = vector.shape_cast %add3A_794 : vector<16xf32> to vector<1x16xf32>
          tpu.vector_store %arg20[%swap3A_795, %swap3A_796], %swap3A_799 {strides = array<i32>} : memref<16x512xf32, #tpu.memory_space<vmem>>, vector<1x16xf32>,
          %get3A_800 = arith.index_cast %scan3A_374 : i32 to index
          %get3A_801 = arith.constant 400 : index
          %get3A_802 = tpu.vector_load %arg12[%get3A_800, %get3A_801] {strides = array<i32>} : memref<16x512xf32, #tpu.memory_space<vmem>>, vector<1x16xf32>,
          %get3A_803 = vector.shape_cast %get3A_802 : vector<1x16xf32> to vector<16xf32>
          %mul3A_804 = arith.constant 22.6274166 : f32
          %mul3A_805 = vector.broadcast %mul3A_804 : f32 to vector<16xf32>
          %mul3A_806 = arith.mulf %get3A_803, %mul3A_805 : vector<16xf32>
          %get3A_807 = arith.index_cast %scan3A_374 : i32 to index
          %get3A_808 = arith.constant 400 : index
          %get3A_809 = tpu.vector_load %arg16[%get3A_807, %get3A_808] {strides = array<i32>} : memref<16x512xf32, #tpu.memory_space<vmem>>, vector<1x16xf32>,
          %get3A_810 = vector.shape_cast %get3A_809 : vector<1x16xf32> to vector<16xf32>
          %add3A_811 = arith.addf %mul3A_806, %get3A_810 : vector<16xf32>
          %swap3A_812 = arith.index_cast %scan3A_374 : i32 to index
          %swap3A_813 = arith.constant 400 : index
          %swap3A_814 = tpu.vector_load %arg20[%swap3A_812, %swap3A_813] {strides = array<i32>} : memref<16x512xf32, #tpu.memory_space<vmem>>, vector<1x16xf32>,
          %swap3A_815 = vector.shape_cast %swap3A_814 : vector<1x16xf32> to vector<16xf32>
          %swap3A_816 = vector.shape_cast %add3A_811 : vector<16xf32> to vector<1x16xf32>
          tpu.vector_store %arg20[%swap3A_812, %swap3A_813], %swap3A_816 {strides = array<i32>} : memref<16x512xf32, #tpu.memory_space<vmem>>, vector<1x16xf32>,
          %get3A_817 = arith.index_cast %scan3A_374 : i32 to index
          %get3A_818 = arith.constant 416 : index
          %get3A_819 = tpu.vector_load %arg12[%get3A_817, %get3A_818] {strides = array<i32>} : memref<16x512xf32, #tpu.memory_space<vmem>>, vector<1x16xf32>,
          %get3A_820 = vector.shape_cast %get3A_819 : vector<1x16xf32> to vector<16xf32>
          %mul3A_821 = arith.constant 22.6274166 : f32
          %mul3A_822 = vector.broadcast %mul3A_821 : f32 to vector<16xf32>
          %mul3A_823 = arith.mulf %get3A_820, %mul3A_822 : vector<16xf32>
          %get3A_824 = arith.index_cast %scan3A_374 : i32 to index
          %get3A_825 = arith.constant 416 : index
          %get3A_826 = tpu.vector_load %arg16[%get3A_824, %get3A_825] {strides = array<i32>} : memref<16x512xf32, #tpu.memory_space<vmem>>, vector<1x16xf32>,
          %get3A_827 = vector.shape_cast %get3A_826 : vector<1x16xf32> to vector<16xf32>
          %add3A_828 = arith.addf %mul3A_823, %get3A_827 : vector<16xf32>
          %swap3A_829 = arith.index_cast %scan3A_374 : i32 to index
          %swap3A_830 = arith.constant 416 : index
          %swap3A_831 = tpu.vector_load %arg20[%swap3A_829, %swap3A_830] {strides = array<i32>} : memref<16x512xf32, #tpu.memory_space<vmem>>, vector<1x16xf32>,
          %swap3A_832 = vector.shape_cast %swap3A_831 : vector<1x16xf32> to vector<16xf32>
          %swap3A_833 = vector.shape_cast %add3A_828 : vector<16xf32> to vector<1x16xf32>
          tpu.vector_store %arg20[%swap3A_829, %swap3A_830], %swap3A_833 {strides = array<i32>} : memref<16x512xf32, #tpu.memory_space<vmem>>, vector<1x16xf32>,
          %get3A_834 = arith.index_cast %scan3A_374 : i32 to index
          %get3A_835 = arith.constant 432 : index
          %get3A_836 = tpu.vector_load %arg12[%get3A_834, %get3A_835] {strides = array<i32>} : memref<16x512xf32, #tpu.memory_space<vmem>>, vector<1x16xf32>,
          %get3A_837 = vector.shape_cast %get3A_836 : vector<1x16xf32> to vector<16xf32>
          %mul3A_838 = arith.constant 22.6274166 : f32
          %mul3A_839 = vector.broadcast %mul3A_838 : f32 to vector<16xf32>
          %mul3A_840 = arith.mulf %get3A_837, %mul3A_839 : vector<16xf32>
          %get3A_841 = arith.index_cast %scan3A_374 : i32 to index
          %get3A_842 = arith.constant 432 : index
          %get3A_843 = tpu.vector_load %arg16[%get3A_841, %get3A_842] {strides = array<i32>} : memref<16x512xf32, #tpu.memory_space<vmem>>, vector<1x16xf32>,
          %get3A_844 = vector.shape_cast %get3A_843 : vector<1x16xf32> to vector<16xf32>
          %add3A_845 = arith.addf %mul3A_840, %get3A_844 : vector<16xf32>
          %swap3A_846 = arith.index_cast %scan3A_374 : i32 to index
          %swap3A_847 = arith.constant 432 : index
          %swap3A_848 = tpu.vector_load %arg20[%swap3A_846, %swap3A_847] {strides = array<i32>} : memref<16x512xf32, #tpu.memory_space<vmem>>, vector<1x16xf32>,
          %swap3A_849 = vector.shape_cast %swap3A_848 : vector<1x16xf32> to vector<16xf32>
          %swap3A_850 = vector.shape_cast %add3A_845 : vector<16xf32> to vector<1x16xf32>
          tpu.vector_store %arg20[%swap3A_846, %swap3A_847], %swap3A_850 {strides = array<i32>} : memref<16x512xf32, #tpu.memory_space<vmem>>, vector<1x16xf32>,
          %get3A_851 = arith.index_cast %scan3A_374 : i32 to index
          %get3A_852 = arith.constant 448 : index
          %get3A_853 = tpu.vector_load %arg12[%get3A_851, %get3A_852] {strides = array<i32>} : memref<16x512xf32, #tpu.memory_space<vmem>>, vector<1x16xf32>,
          %get3A_854 = vector.shape_cast %get3A_853 : vector<1x16xf32> to vector<16xf32>
          %mul3A_855 = arith.constant 22.6274166 : f32
          %mul3A_856 = vector.broadcast %mul3A_855 : f32 to vector<16xf32>
          %mul3A_857 = arith.mulf %get3A_854, %mul3A_856 : vector<16xf32>
          %get3A_858 = arith.index_cast %scan3A_374 : i32 to index
          %get3A_859 = arith.constant 448 : index
          %get3A_860 = tpu.vector_load %arg16[%get3A_858, %get3A_859] {strides = array<i32>} : memref<16x512xf32, #tpu.memory_space<vmem>>, vector<1x16xf32>,
          %get3A_861 = vector.shape_cast %get3A_860 : vector<1x16xf32> to vector<16xf32>
          %add3A_862 = arith.addf %mul3A_857, %get3A_861 : vector<16xf32>
          %swap3A_863 = arith.index_cast %scan3A_374 : i32 to index
          %swap3A_864 = arith.constant 448 : index
          %swap3A_865 = tpu.vector_load %arg20[%swap3A_863, %swap3A_864] {strides = array<i32>} : memref<16x512xf32, #tpu.memory_space<vmem>>, vector<1x16xf32>,
          %swap3A_866 = vector.shape_cast %swap3A_865 : vector<1x16xf32> to vector<16xf32>
          %swap3A_867 = vector.shape_cast %add3A_862 : vector<16xf32> to vector<1x16xf32>
          tpu.vector_store %arg20[%swap3A_863, %swap3A_864], %swap3A_867 {strides = array<i32>} : memref<16x512xf32, #tpu.memory_space<vmem>>, vector<1x16xf32>,
          %get3A_868 = arith.index_cast %scan3A_374 : i32 to index
          %get3A_869 = arith.constant 464 : index
          %get3A_870 = tpu.vector_load %arg12[%get3A_868, %get3A_869] {strides = array<i32>} : memref<16x512xf32, #tpu.memory_space<vmem>>, vector<1x16xf32>,
          %get3A_871 = vector.shape_cast %get3A_870 : vector<1x16xf32> to vector<16xf32>
          %mul3A_872 = arith.constant 22.6274166 : f32
          %mul3A_873 = vector.broadcast %mul3A_872 : f32 to vector<16xf32>
          %mul3A_874 = arith.mulf %get3A_871, %mul3A_873 : vector<16xf32>
          %get3A_875 = arith.index_cast %scan3A_374 : i32 to index
          %get3A_876 = arith.constant 464 : index
          %get3A_877 = tpu.vector_load %arg16[%get3A_875, %get3A_876] {strides = array<i32>} : memref<16x512xf32, #tpu.memory_space<vmem>>, vector<1x16xf32>,
          %get3A_878 = vector.shape_cast %get3A_877 : vector<1x16xf32> to vector<16xf32>
          %add3A_879 = arith.addf %mul3A_874, %get3A_878 : vector<16xf32>
          %swap3A_880 = arith.index_cast %scan3A_374 : i32 to index
          %swap3A_881 = arith.constant 464 : index
          %swap3A_882 = tpu.vector_load %arg20[%swap3A_880, %swap3A_881] {strides = array<i32>} : memref<16x512xf32, #tpu.memory_space<vmem>>, vector<1x16xf32>,
          %swap3A_883 = vector.shape_cast %swap3A_882 : vector<1x16xf32> to vector<16xf32>
          %swap3A_884 = vector.shape_cast %add3A_879 : vector<16xf32> to vector<1x16xf32>
          tpu.vector_store %arg20[%swap3A_880, %swap3A_881], %swap3A_884 {strides = array<i32>} : memref<16x512xf32, #tpu.memory_space<vmem>>, vector<1x16xf32>,
          %get3A_885 = arith.index_cast %scan3A_374 : i32 to index
          %get3A_886 = arith.constant 480 : index
          %get3A_887 = tpu.vector_load %arg12[%get3A_885, %get3A_886] {strides = array<i32>} : memref<16x512xf32, #tpu.memory_space<vmem>>, vector<1x16xf32>,
          %get3A_888 = vector.shape_cast %get3A_887 : vector<1x16xf32> to vector<16xf32>
          %mul3A_889 = arith.constant 22.6274166 : f32
          %mul3A_890 = vector.broadcast %mul3A_889 : f32 to vector<16xf32>
          %mul3A_891 = arith.mulf %get3A_888, %mul3A_890 : vector<16xf32>
          %get3A_892 = arith.index_cast %scan3A_374 : i32 to index
          %get3A_893 = arith.constant 480 : index
          %get3A_894 = tpu.vector_load %arg16[%get3A_892, %get3A_893] {strides = array<i32>} : memref<16x512xf32, #tpu.memory_space<vmem>>, vector<1x16xf32>,
          %get3A_895 = vector.shape_cast %get3A_894 : vector<1x16xf32> to vector<16xf32>
          %add3A_896 = arith.addf %mul3A_891, %get3A_895 : vector<16xf32>
          %swap3A_897 = arith.index_cast %scan3A_374 : i32 to index
          %swap3A_898 = arith.constant 480 : index
          %swap3A_899 = tpu.vector_load %arg20[%swap3A_897, %swap3A_898] {strides = array<i32>} : memref<16x512xf32, #tpu.memory_space<vmem>>, vector<1x16xf32>,
          %swap3A_900 = vector.shape_cast %swap3A_899 : vector<1x16xf32> to vector<16xf32>
          %swap3A_901 = vector.shape_cast %add3A_896 : vector<16xf32> to vector<1x16xf32>
          tpu.vector_store %arg20[%swap3A_897, %swap3A_898], %swap3A_901 {strides = array<i32>} : memref<16x512xf32, #tpu.memory_space<vmem>>, vector<1x16xf32>,
          %get3A_902 = arith.index_cast %scan3A_374 : i32 to index
          %get3A_903 = arith.constant 496 : index
          %get3A_904 = tpu.vector_load %arg12[%get3A_902, %get3A_903] {strides = array<i32>} : memref<16x512xf32, #tpu.memory_space<vmem>>, vector<1x16xf32>,
          %get3A_905 = vector.shape_cast %get3A_904 : vector<1x16xf32> to vector<16xf32>
          %mul3A_906 = arith.constant 22.6274166 : f32
          %mul3A_907 = vector.broadcast %mul3A_906 : f32 to vector<16xf32>
          %mul3A_908 = arith.mulf %get3A_905, %mul3A_907 : vector<16xf32>
          %get3A_909 = arith.index_cast %scan3A_374 : i32 to index
          %get3A_910 = arith.constant 496 : index
          %get3A_911 = tpu.vector_load %arg16[%get3A_909, %get3A_910] {strides = array<i32>} : memref<16x512xf32, #tpu.memory_space<vmem>>, vector<1x16xf32>,
          %get3A_912 = vector.shape_cast %get3A_911 : vector<1x16xf32> to vector<16xf32>
          %add3A_913 = arith.addf %mul3A_908, %get3A_912 : vector<16xf32>
          %swap3A_914 = arith.index_cast %scan3A_374 : i32 to index
          %swap3A_915 = arith.constant 496 : index
          %swap3A_916 = tpu.vector_load %arg20[%swap3A_914, %swap3A_915] {strides = array<i32>} : memref<16x512xf32, #tpu.memory_space<vmem>>, vector<1x16xf32>,
          %swap3A_917 = vector.shape_cast %swap3A_916 : vector<1x16xf32> to vector<16xf32>
          %swap3A_918 = vector.shape_cast %add3A_913 : vector<16xf32> to vector<1x16xf32>
          tpu.vector_store %arg20[%swap3A_914, %swap3A_915], %swap3A_918 {strides = array<i32>} : memref<16x512xf32, #tpu.memory_space<vmem>>, vector<1x16xf32>,
        }
        %scan3A_363 = arith.constant 16 : i32
        %dma_start3A_364 = arith.constant 0 : i32
        %dma_start3A_365 = tpu.memref_slice %arg5[%mul3A_345, %dma_start3A_364] : memref<15488x512xf32, #tpu.memory_space<hbm>> -> memref<16x512xf32, #tpu.memory_space<hbm>>
        %dma_start3A_366 = arith.constant 0 : i32
        %dma_start3A_367 = tpu.memref_slice %arg5[%mul3A_345, %dma_start3A_366] : memref<15488x512xf32, #tpu.memory_space<hbm>> -> memref<16x512xf32, #tpu.memory_space<hbm>>
        tpu.enqueue_dma source(%arg20 : memref<16x512xf32, #tpu.memory_space<vmem>>) target(%dma_start3A_367 : memref<16x512xf32, #tpu.memory_space<hbm>>) target_semaphore(%arg32 : memref<!tpu.dma_semaphore, #tpu.memory_space<semaphore_mem>>)
        %add3A_368 = arith.constant 4 : i32
        %add3A_369 = arith.addi %add3A_322, %add3A_368 : i32
        %lt3A_370 = arith.cmpi slt, %add3A_369, %sub3A_99 : i32
        %convert_element_type3A_371 = arith.extui %lt3A_370 : i1 to i32
        %cond3A_372 = arith.constant 0 : i32
        %cond3A_373 = arith.cmpi ne, %convert_element_type3A_371, %cond3A_372 : i32
        scf.if %cond3A_373 {
          %add3A_374 = arith.constant 64 : i32
          %add3A_375 = arith.addi %mul3A_345, %add3A_374 : i32
          %add3A_376 = vector.broadcast %add3A_375 : i32 to vector<16xi32>
          %add3A_377 = arith.addi %add3A_376, %iota3A : vector<16xi32>
          %ge3A_378 = arith.cmpi sge, %add3A_377, %get3A_9 : vector<16xi32>
          %select_n3A_379 = arith.select %ge3A_378, %get3A_9, %get3A_4 : vector<16xi1>, vector<16xi32>
          %select_n3A_380 = arith.select %ge3A_378, %get3A_49, %get3A_44 : vector<16xi1>, vector<16xi32>
          %ge3A_381 = arith.cmpi sge, %add3A_377, %get3A_14 : vector<16xi32>
          %select_n3A_382 = arith.select %ge3A_381, %get3A_14, %select_n3A_379 : vector<16xi1>, vector<16xi32>
          %select_n3A_383 = arith.select %ge3A_381, %get3A_54, %select_n3A_380 : vector<16xi1>, vector<16xi32>
          %ge3A_384 = arith.cmpi sge, %add3A_377, %get3A_19 : vector<16xi32>
          %select_n3A_385 = arith.select %ge3A_384, %get3A_19, %select_n3A_382 : vector<16xi1>, vector<16xi32>
          %select_n3A_386 = arith.select %ge3A_384, %get3A_59, %select_n3A_383 : vector<16xi1>, vector<16xi32>
          %ge3A_387 = arith.cmpi sge, %add3A_377, %get3A_24 : vector<16xi32>
          %select_n3A_388 = arith.select %ge3A_387, %get3A_24, %select_n3A_385 : vector<16xi1>, vector<16xi32>
          %select_n3A_389 = arith.select %ge3A_387, %get3A_64, %select_n3A_386 : vector<16xi1>, vector<16xi32>
          %ge3A_390 = arith.cmpi sge, %add3A_377, %get3A_29 : vector<16xi32>
          %select_n3A_391 = arith.select %ge3A_390, %get3A_29, %select_n3A_388 : vector<16xi1>, vector<16xi32>
          %select_n3A_392 = arith.select %ge3A_390, %get3A_69, %select_n3A_389 : vector<16xi1>, vector<16xi32>
          %ge3A_393 = arith.cmpi sge, %add3A_377, %get3A_34 : vector<16xi32>
          %select_n3A_394 = arith.select %ge3A_393, %get3A_34, %select_n3A_391 : vector<16xi1>, vector<16xi32>
          %select_n3A_395 = arith.select %ge3A_393, %get3A_74, %select_n3A_392 : vector<16xi1>, vector<16xi32>
          %ge3A_396 = arith.cmpi sge, %add3A_377, %get3A_39 : vector<16xi32>
          %select_n3A_397 = arith.select %ge3A_396, %get3A_39, %select_n3A_394 : vector<16xi1>, vector<16xi32>
          %select_n3A_398 = arith.select %ge3A_396, %get3A_79, %select_n3A_395 : vector<16xi1>, vector<16xi32>
          %sub3A_399 = arith.subi %add3A_377, %select_n3A_397 : vector<16xi32>
          %min3A_400 = arith.minsi %sub3A_399, %select_n3A_398 : vector<16xi32>
          %min3A_401 = arith.constant 8191 : i32
          %min3A_402 = vector.broadcast %min3A_401 : i32 to vector<16xi32>
          %min3A_403 = arith.minsi %min3A_400, %min3A_402 : vector<16xi32>
          %max3A_404 = arith.constant 0 : i32
          %max3A_405 = vector.broadcast %max3A_404 : i32 to vector<16xi32>
          %max3A_406 = arith.maxsi %min3A_403, %max3A_405 : vector<16xi32>
          %swap3A_407 = arith.constant 0 : index
          %swap3A_408 = tpu.vector_load %arg8[%swap3A_407] {strides = array<i32>} : memref<16xi32, #tpu.memory_space<vmem>>, vector<16xi32>,
          %swap3A_409 = vector.shape_cast %swap3A_408 : vector<16xi32> to vector<16xi32>
          %swap3A_410 = vector.shape_cast %max3A_406 : vector<16xi32> to vector<16xi32>
          tpu.vector_store %arg8[%swap3A_407], %swap3A_410 {strides = array<i32>} : memref<16xi32, #tpu.memory_space<vmem>>, vector<16xi32>,
          %dma_start3A_411 = arith.constant 0 : i32
          %dma_start3A_412 = arith.constant 0 : i32
          %dma_start3A_413 = tpu.memref_slice %arg4[%dma_start3A_411, %dma_start3A_412] : memref<8192x512xf32, #tpu.memory_space<hbm>> -> memref<8192x512xf32, #tpu.memory_space<hbm>>
          tpu.enqueue_indirect_dma source(%dma_start3A_413 : memref<8192x512xf32, #tpu.memory_space<hbm>>) target(%arg16 : memref<16x512xf32, #tpu.memory_space<vmem>>) offsets(%arg8 : memref<16xi32, #tpu.memory_space<vmem>>) semaphore(%arg28 : memref<!tpu.dma_semaphore, #tpu.memory_space<semaphore_mem>>)
          %dma_start3A_414 = arith.constant 0 : i32
          %dma_start3A_415 = tpu.memref_slice %arg3[%add3A_375, %dma_start3A_414] : memref<15488x512xf32, #tpu.memory_space<hbm>> -> memref<16x512xf32, #tpu.memory_space<hbm>>
          %dma_start3A_416 = arith.constant 0 : i32
          %dma_start3A_417 = tpu.memref_slice %arg3[%add3A_375, %dma_start3A_416] : memref<15488x512xf32, #tpu.memory_space<hbm>> -> memref<16x512xf32, #tpu.memory_space<hbm>>
          tpu.enqueue_dma source(%dma_start3A_417 : memref<16x512xf32, #tpu.memory_space<hbm>>) target(%arg12 : memref<16x512xf32, #tpu.memory_space<vmem>>) target_semaphore(%arg24 : memref<!tpu.dma_semaphore, #tpu.memory_space<semaphore_mem>>)
        } else {
        }
      } else {
      }
      %mul3A_327 = arith.constant 4 : i32
      %mul3A_328 = arith.muli %mul3A_327, %scan3A_313 : i32
      %add3A_329 = arith.constant 2 : i32
      %add3A_330 = arith.addi %mul3A_328, %add3A_329 : i32
      %lt3A_331 = arith.cmpi slt, %add3A_330, %sub3A_99 : i32
      %convert_element_type3A_332 = arith.extui %lt3A_331 : i1 to i32
      %cond3A_333 = arith.constant 0 : i32
      %cond3A_334 = arith.cmpi ne, %convert_element_type3A_332, %cond3A_333 : i32
      scf.if %cond3A_334 {
        %add3A_343 = arith.addi %sub3A_105, %add3A_330 : i32
        %mul3A_344 = arith.constant 16 : i32
        %mul3A_345 = arith.muli %add3A_343, %mul3A_344 : i32
        %dma_wait3A_346 = arith.constant 0 : i32
        %dma_wait3A_347 = tpu.memref_slice %arg3[%mul3A_345, %dma_wait3A_346] : memref<15488x512xf32, #tpu.memory_space<hbm>> -> memref<16x512xf32, #tpu.memory_space<hbm>>
        %dma_wait3A_348 = arith.constant 0 : i32
        %dma_wait3A_349 = tpu.memref_slice %arg3[%mul3A_345, %dma_wait3A_348] : memref<15488x512xf32, #tpu.memory_space<hbm>> -> memref<16x512xf32, #tpu.memory_space<hbm>>
        tpu.wait_dma2 semaphore(%arg25 : memref<!tpu.dma_semaphore, #tpu.memory_space<semaphore_mem>>) src(%dma_wait3A_349 : memref<16x512xf32, #tpu.memory_space<hbm>>) dst(%arg13 : memref<16x512xf32, #tpu.memory_space<vmem>>)
        %dma_wait3A_350 = arith.constant 0 : i32
        %dma_wait3A_351 = arith.constant 0 : i32
        %dma_wait3A_352 = tpu.memref_slice %arg4[%dma_wait3A_350, %dma_wait3A_351] : memref<8192x512xf32, #tpu.memory_space<hbm>> -> memref<8192x512xf32, #tpu.memory_space<hbm>>
        tpu.wait_indirect_dma semaphore(%arg29 : memref<!tpu.dma_semaphore, #tpu.memory_space<semaphore_mem>>) src(%dma_wait3A_352 : memref<8192x512xf32, #tpu.memory_space<hbm>>) dst(%arg17 : memref<16x512xf32, #tpu.memory_space<vmem>>)
        %ge3A_353 = arith.constant 4 : i32
        %ge3A_354 = arith.cmpi sge, %add3A_330, %ge3A_353 : i32
        %convert_element_type3A_355 = arith.extui %ge3A_354 : i1 to i32
        %cond3A_356 = arith.constant 0 : i32
        %cond3A_357 = arith.cmpi ne, %convert_element_type3A_355, %cond3A_356 : i32
        scf.if %cond3A_357 {
          %dma_wait3A_374 = arith.constant 0 : i32
          %dma_wait3A_375 = arith.constant 0 : i32
          %dma_wait3A_376 = tpu.memref_slice %arg5[%dma_wait3A_374, %dma_wait3A_375] : memref<15488x512xf32, #tpu.memory_space<hbm>> -> memref<16x512xf32, #tpu.memory_space<hbm>>
          %dma_wait3A_377 = arith.constant 0 : i32
          %dma_wait3A_378 = arith.constant 0 : i32
          %dma_wait3A_379 = tpu.memref_slice %arg5[%dma_wait3A_377, %dma_wait3A_378] : memref<15488x512xf32, #tpu.memory_space<hbm>> -> memref<16x512xf32, #tpu.memory_space<hbm>>
          tpu.wait_dma2 semaphore(%arg33 : memref<!tpu.dma_semaphore, #tpu.memory_space<semaphore_mem>>) src(%arg21 : memref<16x512xf32, #tpu.memory_space<vmem>>) dst(%dma_wait3A_379 : memref<16x512xf32, #tpu.memory_space<hbm>>)
        } else {
        }
        %scan3A_358 = arith.constant 0 : i32
        %scan3A_359 = arith.constant 0 : i32
        %scan3A_360 = arith.constant 16 : i32
        %scan3A_361 = arith.addi %scan3A_359, %scan3A_360 : i32
        %scan3A_362 = arith.constant 1 : i32
        scf.for %scan3A_374 = %scan3A_359 to %scan3A_361 step %scan3A_362  : i32 {
          %get3A_375 = arith.index_cast %scan3A_374 : i32 to index
          %get3A_376 = arith.constant 0 : index
          %get3A_377 = tpu.vector_load %arg13[%get3A_375, %get3A_376] {strides = array<i32>} : memref<16x512xf32, #tpu.memory_space<vmem>>, vector<1x16xf32>,
          %get3A_378 = vector.shape_cast %get3A_377 : vector<1x16xf32> to vector<16xf32>
          %mul3A_379 = arith.constant 22.6274166 : f32
          %mul3A_380 = vector.broadcast %mul3A_379 : f32 to vector<16xf32>
          %mul3A_381 = arith.mulf %get3A_378, %mul3A_380 : vector<16xf32>
          %get3A_382 = arith.index_cast %scan3A_374 : i32 to index
          %get3A_383 = arith.constant 0 : index
          %get3A_384 = tpu.vector_load %arg17[%get3A_382, %get3A_383] {strides = array<i32>} : memref<16x512xf32, #tpu.memory_space<vmem>>, vector<1x16xf32>,
          %get3A_385 = vector.shape_cast %get3A_384 : vector<1x16xf32> to vector<16xf32>
          %add3A_386 = arith.addf %mul3A_381, %get3A_385 : vector<16xf32>
          %swap3A_387 = arith.index_cast %scan3A_374 : i32 to index
          %swap3A_388 = arith.constant 0 : index
          %swap3A_389 = tpu.vector_load %arg21[%swap3A_387, %swap3A_388] {strides = array<i32>} : memref<16x512xf32, #tpu.memory_space<vmem>>, vector<1x16xf32>,
          %swap3A_390 = vector.shape_cast %swap3A_389 : vector<1x16xf32> to vector<16xf32>
          %swap3A_391 = vector.shape_cast %add3A_386 : vector<16xf32> to vector<1x16xf32>
          tpu.vector_store %arg21[%swap3A_387, %swap3A_388], %swap3A_391 {strides = array<i32>} : memref<16x512xf32, #tpu.memory_space<vmem>>, vector<1x16xf32>,
          %get3A_392 = arith.index_cast %scan3A_374 : i32 to index
          %get3A_393 = arith.constant 16 : index
          %get3A_394 = tpu.vector_load %arg13[%get3A_392, %get3A_393] {strides = array<i32>} : memref<16x512xf32, #tpu.memory_space<vmem>>, vector<1x16xf32>,
          %get3A_395 = vector.shape_cast %get3A_394 : vector<1x16xf32> to vector<16xf32>
          %mul3A_396 = arith.constant 22.6274166 : f32
          %mul3A_397 = vector.broadcast %mul3A_396 : f32 to vector<16xf32>
          %mul3A_398 = arith.mulf %get3A_395, %mul3A_397 : vector<16xf32>
          %get3A_399 = arith.index_cast %scan3A_374 : i32 to index
          %get3A_400 = arith.constant 16 : index
          %get3A_401 = tpu.vector_load %arg17[%get3A_399, %get3A_400] {strides = array<i32>} : memref<16x512xf32, #tpu.memory_space<vmem>>, vector<1x16xf32>,
          %get3A_402 = vector.shape_cast %get3A_401 : vector<1x16xf32> to vector<16xf32>
          %add3A_403 = arith.addf %mul3A_398, %get3A_402 : vector<16xf32>
          %swap3A_404 = arith.index_cast %scan3A_374 : i32 to index
          %swap3A_405 = arith.constant 16 : index
          %swap3A_406 = tpu.vector_load %arg21[%swap3A_404, %swap3A_405] {strides = array<i32>} : memref<16x512xf32, #tpu.memory_space<vmem>>, vector<1x16xf32>,
          %swap3A_407 = vector.shape_cast %swap3A_406 : vector<1x16xf32> to vector<16xf32>
          %swap3A_408 = vector.shape_cast %add3A_403 : vector<16xf32> to vector<1x16xf32>
          tpu.vector_store %arg21[%swap3A_404, %swap3A_405], %swap3A_408 {strides = array<i32>} : memref<16x512xf32, #tpu.memory_space<vmem>>, vector<1x16xf32>,
          %get3A_409 = arith.index_cast %scan3A_374 : i32 to index
          %get3A_410 = arith.constant 32 : index
          %get3A_411 = tpu.vector_load %arg13[%get3A_409, %get3A_410] {strides = array<i32>} : memref<16x512xf32, #tpu.memory_space<vmem>>, vector<1x16xf32>,
          %get3A_412 = vector.shape_cast %get3A_411 : vector<1x16xf32> to vector<16xf32>
          %mul3A_413 = arith.constant 22.6274166 : f32
          %mul3A_414 = vector.broadcast %mul3A_413 : f32 to vector<16xf32>
          %mul3A_415 = arith.mulf %get3A_412, %mul3A_414 : vector<16xf32>
          %get3A_416 = arith.index_cast %scan3A_374 : i32 to index
          %get3A_417 = arith.constant 32 : index
          %get3A_418 = tpu.vector_load %arg17[%get3A_416, %get3A_417] {strides = array<i32>} : memref<16x512xf32, #tpu.memory_space<vmem>>, vector<1x16xf32>,
          %get3A_419 = vector.shape_cast %get3A_418 : vector<1x16xf32> to vector<16xf32>
          %add3A_420 = arith.addf %mul3A_415, %get3A_419 : vector<16xf32>
          %swap3A_421 = arith.index_cast %scan3A_374 : i32 to index
          %swap3A_422 = arith.constant 32 : index
          %swap3A_423 = tpu.vector_load %arg21[%swap3A_421, %swap3A_422] {strides = array<i32>} : memref<16x512xf32, #tpu.memory_space<vmem>>, vector<1x16xf32>,
          %swap3A_424 = vector.shape_cast %swap3A_423 : vector<1x16xf32> to vector<16xf32>
          %swap3A_425 = vector.shape_cast %add3A_420 : vector<16xf32> to vector<1x16xf32>
          tpu.vector_store %arg21[%swap3A_421, %swap3A_422], %swap3A_425 {strides = array<i32>} : memref<16x512xf32, #tpu.memory_space<vmem>>, vector<1x16xf32>,
          %get3A_426 = arith.index_cast %scan3A_374 : i32 to index
          %get3A_427 = arith.constant 48 : index
          %get3A_428 = tpu.vector_load %arg13[%get3A_426, %get3A_427] {strides = array<i32>} : memref<16x512xf32, #tpu.memory_space<vmem>>, vector<1x16xf32>,
          %get3A_429 = vector.shape_cast %get3A_428 : vector<1x16xf32> to vector<16xf32>
          %mul3A_430 = arith.constant 22.6274166 : f32
          %mul3A_431 = vector.broadcast %mul3A_430 : f32 to vector<16xf32>
          %mul3A_432 = arith.mulf %get3A_429, %mul3A_431 : vector<16xf32>
          %get3A_433 = arith.index_cast %scan3A_374 : i32 to index
          %get3A_434 = arith.constant 48 : index
          %get3A_435 = tpu.vector_load %arg17[%get3A_433, %get3A_434] {strides = array<i32>} : memref<16x512xf32, #tpu.memory_space<vmem>>, vector<1x16xf32>,
          %get3A_436 = vector.shape_cast %get3A_435 : vector<1x16xf32> to vector<16xf32>
          %add3A_437 = arith.addf %mul3A_432, %get3A_436 : vector<16xf32>
          %swap3A_438 = arith.index_cast %scan3A_374 : i32 to index
          %swap3A_439 = arith.constant 48 : index
          %swap3A_440 = tpu.vector_load %arg21[%swap3A_438, %swap3A_439] {strides = array<i32>} : memref<16x512xf32, #tpu.memory_space<vmem>>, vector<1x16xf32>,
          %swap3A_441 = vector.shape_cast %swap3A_440 : vector<1x16xf32> to vector<16xf32>
          %swap3A_442 = vector.shape_cast %add3A_437 : vector<16xf32> to vector<1x16xf32>
          tpu.vector_store %arg21[%swap3A_438, %swap3A_439], %swap3A_442 {strides = array<i32>} : memref<16x512xf32, #tpu.memory_space<vmem>>, vector<1x16xf32>,
          %get3A_443 = arith.index_cast %scan3A_374 : i32 to index
          %get3A_444 = arith.constant 64 : index
          %get3A_445 = tpu.vector_load %arg13[%get3A_443, %get3A_444] {strides = array<i32>} : memref<16x512xf32, #tpu.memory_space<vmem>>, vector<1x16xf32>,
          %get3A_446 = vector.shape_cast %get3A_445 : vector<1x16xf32> to vector<16xf32>
          %mul3A_447 = arith.constant 22.6274166 : f32
          %mul3A_448 = vector.broadcast %mul3A_447 : f32 to vector<16xf32>
          %mul3A_449 = arith.mulf %get3A_446, %mul3A_448 : vector<16xf32>
          %get3A_450 = arith.index_cast %scan3A_374 : i32 to index
          %get3A_451 = arith.constant 64 : index
          %get3A_452 = tpu.vector_load %arg17[%get3A_450, %get3A_451] {strides = array<i32>} : memref<16x512xf32, #tpu.memory_space<vmem>>, vector<1x16xf32>,
          %get3A_453 = vector.shape_cast %get3A_452 : vector<1x16xf32> to vector<16xf32>
          %add3A_454 = arith.addf %mul3A_449, %get3A_453 : vector<16xf32>
          %swap3A_455 = arith.index_cast %scan3A_374 : i32 to index
          %swap3A_456 = arith.constant 64 : index
          %swap3A_457 = tpu.vector_load %arg21[%swap3A_455, %swap3A_456] {strides = array<i32>} : memref<16x512xf32, #tpu.memory_space<vmem>>, vector<1x16xf32>,
          %swap3A_458 = vector.shape_cast %swap3A_457 : vector<1x16xf32> to vector<16xf32>
          %swap3A_459 = vector.shape_cast %add3A_454 : vector<16xf32> to vector<1x16xf32>
          tpu.vector_store %arg21[%swap3A_455, %swap3A_456], %swap3A_459 {strides = array<i32>} : memref<16x512xf32, #tpu.memory_space<vmem>>, vector<1x16xf32>,
          %get3A_460 = arith.index_cast %scan3A_374 : i32 to index
          %get3A_461 = arith.constant 80 : index
          %get3A_462 = tpu.vector_load %arg13[%get3A_460, %get3A_461] {strides = array<i32>} : memref<16x512xf32, #tpu.memory_space<vmem>>, vector<1x16xf32>,
          %get3A_463 = vector.shape_cast %get3A_462 : vector<1x16xf32> to vector<16xf32>
          %mul3A_464 = arith.constant 22.6274166 : f32
          %mul3A_465 = vector.broadcast %mul3A_464 : f32 to vector<16xf32>
          %mul3A_466 = arith.mulf %get3A_463, %mul3A_465 : vector<16xf32>
          %get3A_467 = arith.index_cast %scan3A_374 : i32 to index
          %get3A_468 = arith.constant 80 : index
          %get3A_469 = tpu.vector_load %arg17[%get3A_467, %get3A_468] {strides = array<i32>} : memref<16x512xf32, #tpu.memory_space<vmem>>, vector<1x16xf32>,
          %get3A_470 = vector.shape_cast %get3A_469 : vector<1x16xf32> to vector<16xf32>
          %add3A_471 = arith.addf %mul3A_466, %get3A_470 : vector<16xf32>
          %swap3A_472 = arith.index_cast %scan3A_374 : i32 to index
          %swap3A_473 = arith.constant 80 : index
          %swap3A_474 = tpu.vector_load %arg21[%swap3A_472, %swap3A_473] {strides = array<i32>} : memref<16x512xf32, #tpu.memory_space<vmem>>, vector<1x16xf32>,
          %swap3A_475 = vector.shape_cast %swap3A_474 : vector<1x16xf32> to vector<16xf32>
          %swap3A_476 = vector.shape_cast %add3A_471 : vector<16xf32> to vector<1x16xf32>
          tpu.vector_store %arg21[%swap3A_472, %swap3A_473], %swap3A_476 {strides = array<i32>} : memref<16x512xf32, #tpu.memory_space<vmem>>, vector<1x16xf32>,
          %get3A_477 = arith.index_cast %scan3A_374 : i32 to index
          %get3A_478 = arith.constant 96 : index
          %get3A_479 = tpu.vector_load %arg13[%get3A_477, %get3A_478] {strides = array<i32>} : memref<16x512xf32, #tpu.memory_space<vmem>>, vector<1x16xf32>,
          %get3A_480 = vector.shape_cast %get3A_479 : vector<1x16xf32> to vector<16xf32>
          %mul3A_481 = arith.constant 22.6274166 : f32
          %mul3A_482 = vector.broadcast %mul3A_481 : f32 to vector<16xf32>
          %mul3A_483 = arith.mulf %get3A_480, %mul3A_482 : vector<16xf32>
          %get3A_484 = arith.index_cast %scan3A_374 : i32 to index
          %get3A_485 = arith.constant 96 : index
          %get3A_486 = tpu.vector_load %arg17[%get3A_484, %get3A_485] {strides = array<i32>} : memref<16x512xf32, #tpu.memory_space<vmem>>, vector<1x16xf32>,
          %get3A_487 = vector.shape_cast %get3A_486 : vector<1x16xf32> to vector<16xf32>
          %add3A_488 = arith.addf %mul3A_483, %get3A_487 : vector<16xf32>
          %swap3A_489 = arith.index_cast %scan3A_374 : i32 to index
          %swap3A_490 = arith.constant 96 : index
          %swap3A_491 = tpu.vector_load %arg21[%swap3A_489, %swap3A_490] {strides = array<i32>} : memref<16x512xf32, #tpu.memory_space<vmem>>, vector<1x16xf32>,
          %swap3A_492 = vector.shape_cast %swap3A_491 : vector<1x16xf32> to vector<16xf32>
          %swap3A_493 = vector.shape_cast %add3A_488 : vector<16xf32> to vector<1x16xf32>
          tpu.vector_store %arg21[%swap3A_489, %swap3A_490], %swap3A_493 {strides = array<i32>} : memref<16x512xf32, #tpu.memory_space<vmem>>, vector<1x16xf32>,
          %get3A_494 = arith.index_cast %scan3A_374 : i32 to index
          %get3A_495 = arith.constant 112 : index
          %get3A_496 = tpu.vector_load %arg13[%get3A_494, %get3A_495] {strides = array<i32>} : memref<16x512xf32, #tpu.memory_space<vmem>>, vector<1x16xf32>,
          %get3A_497 = vector.shape_cast %get3A_496 : vector<1x16xf32> to vector<16xf32>
          %mul3A_498 = arith.constant 22.6274166 : f32
          %mul3A_499 = vector.broadcast %mul3A_498 : f32 to vector<16xf32>
          %mul3A_500 = arith.mulf %get3A_497, %mul3A_499 : vector<16xf32>
          %get3A_501 = arith.index_cast %scan3A_374 : i32 to index
          %get3A_502 = arith.constant 112 : index
          %get3A_503 = tpu.vector_load %arg17[%get3A_501, %get3A_502] {strides = array<i32>} : memref<16x512xf32, #tpu.memory_space<vmem>>, vector<1x16xf32>,
          %get3A_504 = vector.shape_cast %get3A_503 : vector<1x16xf32> to vector<16xf32>
          %add3A_505 = arith.addf %mul3A_500, %get3A_504 : vector<16xf32>
          %swap3A_506 = arith.index_cast %scan3A_374 : i32 to index
          %swap3A_507 = arith.constant 112 : index
          %swap3A_508 = tpu.vector_load %arg21[%swap3A_506, %swap3A_507] {strides = array<i32>} : memref<16x512xf32, #tpu.memory_space<vmem>>, vector<1x16xf32>,
          %swap3A_509 = vector.shape_cast %swap3A_508 : vector<1x16xf32> to vector<16xf32>
          %swap3A_510 = vector.shape_cast %add3A_505 : vector<16xf32> to vector<1x16xf32>
          tpu.vector_store %arg21[%swap3A_506, %swap3A_507], %swap3A_510 {strides = array<i32>} : memref<16x512xf32, #tpu.memory_space<vmem>>, vector<1x16xf32>,
          %get3A_511 = arith.index_cast %scan3A_374 : i32 to index
          %get3A_512 = arith.constant 128 : index
          %get3A_513 = tpu.vector_load %arg13[%get3A_511, %get3A_512] {strides = array<i32>} : memref<16x512xf32, #tpu.memory_space<vmem>>, vector<1x16xf32>,
          %get3A_514 = vector.shape_cast %get3A_513 : vector<1x16xf32> to vector<16xf32>
          %mul3A_515 = arith.constant 22.6274166 : f32
          %mul3A_516 = vector.broadcast %mul3A_515 : f32 to vector<16xf32>
          %mul3A_517 = arith.mulf %get3A_514, %mul3A_516 : vector<16xf32>
          %get3A_518 = arith.index_cast %scan3A_374 : i32 to index
          %get3A_519 = arith.constant 128 : index
          %get3A_520 = tpu.vector_load %arg17[%get3A_518, %get3A_519] {strides = array<i32>} : memref<16x512xf32, #tpu.memory_space<vmem>>, vector<1x16xf32>,
          %get3A_521 = vector.shape_cast %get3A_520 : vector<1x16xf32> to vector<16xf32>
          %add3A_522 = arith.addf %mul3A_517, %get3A_521 : vector<16xf32>
          %swap3A_523 = arith.index_cast %scan3A_374 : i32 to index
          %swap3A_524 = arith.constant 128 : index
          %swap3A_525 = tpu.vector_load %arg21[%swap3A_523, %swap3A_524] {strides = array<i32>} : memref<16x512xf32, #tpu.memory_space<vmem>>, vector<1x16xf32>,
          %swap3A_526 = vector.shape_cast %swap3A_525 : vector<1x16xf32> to vector<16xf32>
          %swap3A_527 = vector.shape_cast %add3A_522 : vector<16xf32> to vector<1x16xf32>
          tpu.vector_store %arg21[%swap3A_523, %swap3A_524], %swap3A_527 {strides = array<i32>} : memref<16x512xf32, #tpu.memory_space<vmem>>, vector<1x16xf32>,
          %get3A_528 = arith.index_cast %scan3A_374 : i32 to index
          %get3A_529 = arith.constant 144 : index
          %get3A_530 = tpu.vector_load %arg13[%get3A_528, %get3A_529] {strides = array<i32>} : memref<16x512xf32, #tpu.memory_space<vmem>>, vector<1x16xf32>,
          %get3A_531 = vector.shape_cast %get3A_530 : vector<1x16xf32> to vector<16xf32>
          %mul3A_532 = arith.constant 22.6274166 : f32
          %mul3A_533 = vector.broadcast %mul3A_532 : f32 to vector<16xf32>
          %mul3A_534 = arith.mulf %get3A_531, %mul3A_533 : vector<16xf32>
          %get3A_535 = arith.index_cast %scan3A_374 : i32 to index
          %get3A_536 = arith.constant 144 : index
          %get3A_537 = tpu.vector_load %arg17[%get3A_535, %get3A_536] {strides = array<i32>} : memref<16x512xf32, #tpu.memory_space<vmem>>, vector<1x16xf32>,
          %get3A_538 = vector.shape_cast %get3A_537 : vector<1x16xf32> to vector<16xf32>
          %add3A_539 = arith.addf %mul3A_534, %get3A_538 : vector<16xf32>
          %swap3A_540 = arith.index_cast %scan3A_374 : i32 to index
          %swap3A_541 = arith.constant 144 : index
          %swap3A_542 = tpu.vector_load %arg21[%swap3A_540, %swap3A_541] {strides = array<i32>} : memref<16x512xf32, #tpu.memory_space<vmem>>, vector<1x16xf32>,
          %swap3A_543 = vector.shape_cast %swap3A_542 : vector<1x16xf32> to vector<16xf32>
          %swap3A_544 = vector.shape_cast %add3A_539 : vector<16xf32> to vector<1x16xf32>
          tpu.vector_store %arg21[%swap3A_540, %swap3A_541], %swap3A_544 {strides = array<i32>} : memref<16x512xf32, #tpu.memory_space<vmem>>, vector<1x16xf32>,
          %get3A_545 = arith.index_cast %scan3A_374 : i32 to index
          %get3A_546 = arith.constant 160 : index
          %get3A_547 = tpu.vector_load %arg13[%get3A_545, %get3A_546] {strides = array<i32>} : memref<16x512xf32, #tpu.memory_space<vmem>>, vector<1x16xf32>,
          %get3A_548 = vector.shape_cast %get3A_547 : vector<1x16xf32> to vector<16xf32>
          %mul3A_549 = arith.constant 22.6274166 : f32
          %mul3A_550 = vector.broadcast %mul3A_549 : f32 to vector<16xf32>
          %mul3A_551 = arith.mulf %get3A_548, %mul3A_550 : vector<16xf32>
          %get3A_552 = arith.index_cast %scan3A_374 : i32 to index
          %get3A_553 = arith.constant 160 : index
          %get3A_554 = tpu.vector_load %arg17[%get3A_552, %get3A_553] {strides = array<i32>} : memref<16x512xf32, #tpu.memory_space<vmem>>, vector<1x16xf32>,
          %get3A_555 = vector.shape_cast %get3A_554 : vector<1x16xf32> to vector<16xf32>
          %add3A_556 = arith.addf %mul3A_551, %get3A_555 : vector<16xf32>
          %swap3A_557 = arith.index_cast %scan3A_374 : i32 to index
          %swap3A_558 = arith.constant 160 : index
          %swap3A_559 = tpu.vector_load %arg21[%swap3A_557, %swap3A_558] {strides = array<i32>} : memref<16x512xf32, #tpu.memory_space<vmem>>, vector<1x16xf32>,
          %swap3A_560 = vector.shape_cast %swap3A_559 : vector<1x16xf32> to vector<16xf32>
          %swap3A_561 = vector.shape_cast %add3A_556 : vector<16xf32> to vector<1x16xf32>
          tpu.vector_store %arg21[%swap3A_557, %swap3A_558], %swap3A_561 {strides = array<i32>} : memref<16x512xf32, #tpu.memory_space<vmem>>, vector<1x16xf32>,
          %get3A_562 = arith.index_cast %scan3A_374 : i32 to index
          %get3A_563 = arith.constant 176 : index
          %get3A_564 = tpu.vector_load %arg13[%get3A_562, %get3A_563] {strides = array<i32>} : memref<16x512xf32, #tpu.memory_space<vmem>>, vector<1x16xf32>,
          %get3A_565 = vector.shape_cast %get3A_564 : vector<1x16xf32> to vector<16xf32>
          %mul3A_566 = arith.constant 22.6274166 : f32
          %mul3A_567 = vector.broadcast %mul3A_566 : f32 to vector<16xf32>
          %mul3A_568 = arith.mulf %get3A_565, %mul3A_567 : vector<16xf32>
          %get3A_569 = arith.index_cast %scan3A_374 : i32 to index
          %get3A_570 = arith.constant 176 : index
          %get3A_571 = tpu.vector_load %arg17[%get3A_569, %get3A_570] {strides = array<i32>} : memref<16x512xf32, #tpu.memory_space<vmem>>, vector<1x16xf32>,
          %get3A_572 = vector.shape_cast %get3A_571 : vector<1x16xf32> to vector<16xf32>
          %add3A_573 = arith.addf %mul3A_568, %get3A_572 : vector<16xf32>
          %swap3A_574 = arith.index_cast %scan3A_374 : i32 to index
          %swap3A_575 = arith.constant 176 : index
          %swap3A_576 = tpu.vector_load %arg21[%swap3A_574, %swap3A_575] {strides = array<i32>} : memref<16x512xf32, #tpu.memory_space<vmem>>, vector<1x16xf32>,
          %swap3A_577 = vector.shape_cast %swap3A_576 : vector<1x16xf32> to vector<16xf32>
          %swap3A_578 = vector.shape_cast %add3A_573 : vector<16xf32> to vector<1x16xf32>
          tpu.vector_store %arg21[%swap3A_574, %swap3A_575], %swap3A_578 {strides = array<i32>} : memref<16x512xf32, #tpu.memory_space<vmem>>, vector<1x16xf32>,
          %get3A_579 = arith.index_cast %scan3A_374 : i32 to index
          %get3A_580 = arith.constant 192 : index
          %get3A_581 = tpu.vector_load %arg13[%get3A_579, %get3A_580] {strides = array<i32>} : memref<16x512xf32, #tpu.memory_space<vmem>>, vector<1x16xf32>,
          %get3A_582 = vector.shape_cast %get3A_581 : vector<1x16xf32> to vector<16xf32>
          %mul3A_583 = arith.constant 22.6274166 : f32
          %mul3A_584 = vector.broadcast %mul3A_583 : f32 to vector<16xf32>
          %mul3A_585 = arith.mulf %get3A_582, %mul3A_584 : vector<16xf32>
          %get3A_586 = arith.index_cast %scan3A_374 : i32 to index
          %get3A_587 = arith.constant 192 : index
          %get3A_588 = tpu.vector_load %arg17[%get3A_586, %get3A_587] {strides = array<i32>} : memref<16x512xf32, #tpu.memory_space<vmem>>, vector<1x16xf32>,
          %get3A_589 = vector.shape_cast %get3A_588 : vector<1x16xf32> to vector<16xf32>
          %add3A_590 = arith.addf %mul3A_585, %get3A_589 : vector<16xf32>
          %swap3A_591 = arith.index_cast %scan3A_374 : i32 to index
          %swap3A_592 = arith.constant 192 : index
          %swap3A_593 = tpu.vector_load %arg21[%swap3A_591, %swap3A_592] {strides = array<i32>} : memref<16x512xf32, #tpu.memory_space<vmem>>, vector<1x16xf32>,
          %swap3A_594 = vector.shape_cast %swap3A_593 : vector<1x16xf32> to vector<16xf32>
          %swap3A_595 = vector.shape_cast %add3A_590 : vector<16xf32> to vector<1x16xf32>
          tpu.vector_store %arg21[%swap3A_591, %swap3A_592], %swap3A_595 {strides = array<i32>} : memref<16x512xf32, #tpu.memory_space<vmem>>, vector<1x16xf32>,
          %get3A_596 = arith.index_cast %scan3A_374 : i32 to index
          %get3A_597 = arith.constant 208 : index
          %get3A_598 = tpu.vector_load %arg13[%get3A_596, %get3A_597] {strides = array<i32>} : memref<16x512xf32, #tpu.memory_space<vmem>>, vector<1x16xf32>,
          %get3A_599 = vector.shape_cast %get3A_598 : vector<1x16xf32> to vector<16xf32>
          %mul3A_600 = arith.constant 22.6274166 : f32
          %mul3A_601 = vector.broadcast %mul3A_600 : f32 to vector<16xf32>
          %mul3A_602 = arith.mulf %get3A_599, %mul3A_601 : vector<16xf32>
          %get3A_603 = arith.index_cast %scan3A_374 : i32 to index
          %get3A_604 = arith.constant 208 : index
          %get3A_605 = tpu.vector_load %arg17[%get3A_603, %get3A_604] {strides = array<i32>} : memref<16x512xf32, #tpu.memory_space<vmem>>, vector<1x16xf32>,
          %get3A_606 = vector.shape_cast %get3A_605 : vector<1x16xf32> to vector<16xf32>
          %add3A_607 = arith.addf %mul3A_602, %get3A_606 : vector<16xf32>
          %swap3A_608 = arith.index_cast %scan3A_374 : i32 to index
          %swap3A_609 = arith.constant 208 : index
          %swap3A_610 = tpu.vector_load %arg21[%swap3A_608, %swap3A_609] {strides = array<i32>} : memref<16x512xf32, #tpu.memory_space<vmem>>, vector<1x16xf32>,
          %swap3A_611 = vector.shape_cast %swap3A_610 : vector<1x16xf32> to vector<16xf32>
          %swap3A_612 = vector.shape_cast %add3A_607 : vector<16xf32> to vector<1x16xf32>
          tpu.vector_store %arg21[%swap3A_608, %swap3A_609], %swap3A_612 {strides = array<i32>} : memref<16x512xf32, #tpu.memory_space<vmem>>, vector<1x16xf32>,
          %get3A_613 = arith.index_cast %scan3A_374 : i32 to index
          %get3A_614 = arith.constant 224 : index
          %get3A_615 = tpu.vector_load %arg13[%get3A_613, %get3A_614] {strides = array<i32>} : memref<16x512xf32, #tpu.memory_space<vmem>>, vector<1x16xf32>,
          %get3A_616 = vector.shape_cast %get3A_615 : vector<1x16xf32> to vector<16xf32>
          %mul3A_617 = arith.constant 22.6274166 : f32
          %mul3A_618 = vector.broadcast %mul3A_617 : f32 to vector<16xf32>
          %mul3A_619 = arith.mulf %get3A_616, %mul3A_618 : vector<16xf32>
          %get3A_620 = arith.index_cast %scan3A_374 : i32 to index
          %get3A_621 = arith.constant 224 : index
          %get3A_622 = tpu.vector_load %arg17[%get3A_620, %get3A_621] {strides = array<i32>} : memref<16x512xf32, #tpu.memory_space<vmem>>, vector<1x16xf32>,
          %get3A_623 = vector.shape_cast %get3A_622 : vector<1x16xf32> to vector<16xf32>
          %add3A_624 = arith.addf %mul3A_619, %get3A_623 : vector<16xf32>
          %swap3A_625 = arith.index_cast %scan3A_374 : i32 to index
          %swap3A_626 = arith.constant 224 : index
          %swap3A_627 = tpu.vector_load %arg21[%swap3A_625, %swap3A_626] {strides = array<i32>} : memref<16x512xf32, #tpu.memory_space<vmem>>, vector<1x16xf32>,
          %swap3A_628 = vector.shape_cast %swap3A_627 : vector<1x16xf32> to vector<16xf32>
          %swap3A_629 = vector.shape_cast %add3A_624 : vector<16xf32> to vector<1x16xf32>
          tpu.vector_store %arg21[%swap3A_625, %swap3A_626], %swap3A_629 {strides = array<i32>} : memref<16x512xf32, #tpu.memory_space<vmem>>, vector<1x16xf32>,
          %get3A_630 = arith.index_cast %scan3A_374 : i32 to index
          %get3A_631 = arith.constant 240 : index
          %get3A_632 = tpu.vector_load %arg13[%get3A_630, %get3A_631] {strides = array<i32>} : memref<16x512xf32, #tpu.memory_space<vmem>>, vector<1x16xf32>,
          %get3A_633 = vector.shape_cast %get3A_632 : vector<1x16xf32> to vector<16xf32>
          %mul3A_634 = arith.constant 22.6274166 : f32
          %mul3A_635 = vector.broadcast %mul3A_634 : f32 to vector<16xf32>
          %mul3A_636 = arith.mulf %get3A_633, %mul3A_635 : vector<16xf32>
          %get3A_637 = arith.index_cast %scan3A_374 : i32 to index
          %get3A_638 = arith.constant 240 : index
          %get3A_639 = tpu.vector_load %arg17[%get3A_637, %get3A_638] {strides = array<i32>} : memref<16x512xf32, #tpu.memory_space<vmem>>, vector<1x16xf32>,
          %get3A_640 = vector.shape_cast %get3A_639 : vector<1x16xf32> to vector<16xf32>
          %add3A_641 = arith.addf %mul3A_636, %get3A_640 : vector<16xf32>
          %swap3A_642 = arith.index_cast %scan3A_374 : i32 to index
          %swap3A_643 = arith.constant 240 : index
          %swap3A_644 = tpu.vector_load %arg21[%swap3A_642, %swap3A_643] {strides = array<i32>} : memref<16x512xf32, #tpu.memory_space<vmem>>, vector<1x16xf32>,
          %swap3A_645 = vector.shape_cast %swap3A_644 : vector<1x16xf32> to vector<16xf32>
          %swap3A_646 = vector.shape_cast %add3A_641 : vector<16xf32> to vector<1x16xf32>
          tpu.vector_store %arg21[%swap3A_642, %swap3A_643], %swap3A_646 {strides = array<i32>} : memref<16x512xf32, #tpu.memory_space<vmem>>, vector<1x16xf32>,
          %get3A_647 = arith.index_cast %scan3A_374 : i32 to index
          %get3A_648 = arith.constant 256 : index
          %get3A_649 = tpu.vector_load %arg13[%get3A_647, %get3A_648] {strides = array<i32>} : memref<16x512xf32, #tpu.memory_space<vmem>>, vector<1x16xf32>,
          %get3A_650 = vector.shape_cast %get3A_649 : vector<1x16xf32> to vector<16xf32>
          %mul3A_651 = arith.constant 22.6274166 : f32
          %mul3A_652 = vector.broadcast %mul3A_651 : f32 to vector<16xf32>
          %mul3A_653 = arith.mulf %get3A_650, %mul3A_652 : vector<16xf32>
          %get3A_654 = arith.index_cast %scan3A_374 : i32 to index
          %get3A_655 = arith.constant 256 : index
          %get3A_656 = tpu.vector_load %arg17[%get3A_654, %get3A_655] {strides = array<i32>} : memref<16x512xf32, #tpu.memory_space<vmem>>, vector<1x16xf32>,
          %get3A_657 = vector.shape_cast %get3A_656 : vector<1x16xf32> to vector<16xf32>
          %add3A_658 = arith.addf %mul3A_653, %get3A_657 : vector<16xf32>
          %swap3A_659 = arith.index_cast %scan3A_374 : i32 to index
          %swap3A_660 = arith.constant 256 : index
          %swap3A_661 = tpu.vector_load %arg21[%swap3A_659, %swap3A_660] {strides = array<i32>} : memref<16x512xf32, #tpu.memory_space<vmem>>, vector<1x16xf32>,
          %swap3A_662 = vector.shape_cast %swap3A_661 : vector<1x16xf32> to vector<16xf32>
          %swap3A_663 = vector.shape_cast %add3A_658 : vector<16xf32> to vector<1x16xf32>
          tpu.vector_store %arg21[%swap3A_659, %swap3A_660], %swap3A_663 {strides = array<i32>} : memref<16x512xf32, #tpu.memory_space<vmem>>, vector<1x16xf32>,
          %get3A_664 = arith.index_cast %scan3A_374 : i32 to index
          %get3A_665 = arith.constant 272 : index
          %get3A_666 = tpu.vector_load %arg13[%get3A_664, %get3A_665] {strides = array<i32>} : memref<16x512xf32, #tpu.memory_space<vmem>>, vector<1x16xf32>,
          %get3A_667 = vector.shape_cast %get3A_666 : vector<1x16xf32> to vector<16xf32>
          %mul3A_668 = arith.constant 22.6274166 : f32
          %mul3A_669 = vector.broadcast %mul3A_668 : f32 to vector<16xf32>
          %mul3A_670 = arith.mulf %get3A_667, %mul3A_669 : vector<16xf32>
          %get3A_671 = arith.index_cast %scan3A_374 : i32 to index
          %get3A_672 = arith.constant 272 : index
          %get3A_673 = tpu.vector_load %arg17[%get3A_671, %get3A_672] {strides = array<i32>} : memref<16x512xf32, #tpu.memory_space<vmem>>, vector<1x16xf32>,
          %get3A_674 = vector.shape_cast %get3A_673 : vector<1x16xf32> to vector<16xf32>
          %add3A_675 = arith.addf %mul3A_670, %get3A_674 : vector<16xf32>
          %swap3A_676 = arith.index_cast %scan3A_374 : i32 to index
          %swap3A_677 = arith.constant 272 : index
          %swap3A_678 = tpu.vector_load %arg21[%swap3A_676, %swap3A_677] {strides = array<i32>} : memref<16x512xf32, #tpu.memory_space<vmem>>, vector<1x16xf32>,
          %swap3A_679 = vector.shape_cast %swap3A_678 : vector<1x16xf32> to vector<16xf32>
          %swap3A_680 = vector.shape_cast %add3A_675 : vector<16xf32> to vector<1x16xf32>
          tpu.vector_store %arg21[%swap3A_676, %swap3A_677], %swap3A_680 {strides = array<i32>} : memref<16x512xf32, #tpu.memory_space<vmem>>, vector<1x16xf32>,
          %get3A_681 = arith.index_cast %scan3A_374 : i32 to index
          %get3A_682 = arith.constant 288 : index
          %get3A_683 = tpu.vector_load %arg13[%get3A_681, %get3A_682] {strides = array<i32>} : memref<16x512xf32, #tpu.memory_space<vmem>>, vector<1x16xf32>,
          %get3A_684 = vector.shape_cast %get3A_683 : vector<1x16xf32> to vector<16xf32>
          %mul3A_685 = arith.constant 22.6274166 : f32
          %mul3A_686 = vector.broadcast %mul3A_685 : f32 to vector<16xf32>
          %mul3A_687 = arith.mulf %get3A_684, %mul3A_686 : vector<16xf32>
          %get3A_688 = arith.index_cast %scan3A_374 : i32 to index
          %get3A_689 = arith.constant 288 : index
          %get3A_690 = tpu.vector_load %arg17[%get3A_688, %get3A_689] {strides = array<i32>} : memref<16x512xf32, #tpu.memory_space<vmem>>, vector<1x16xf32>,
          %get3A_691 = vector.shape_cast %get3A_690 : vector<1x16xf32> to vector<16xf32>
          %add3A_692 = arith.addf %mul3A_687, %get3A_691 : vector<16xf32>
          %swap3A_693 = arith.index_cast %scan3A_374 : i32 to index
          %swap3A_694 = arith.constant 288 : index
          %swap3A_695 = tpu.vector_load %arg21[%swap3A_693, %swap3A_694] {strides = array<i32>} : memref<16x512xf32, #tpu.memory_space<vmem>>, vector<1x16xf32>,
          %swap3A_696 = vector.shape_cast %swap3A_695 : vector<1x16xf32> to vector<16xf32>
          %swap3A_697 = vector.shape_cast %add3A_692 : vector<16xf32> to vector<1x16xf32>
          tpu.vector_store %arg21[%swap3A_693, %swap3A_694], %swap3A_697 {strides = array<i32>} : memref<16x512xf32, #tpu.memory_space<vmem>>, vector<1x16xf32>,
          %get3A_698 = arith.index_cast %scan3A_374 : i32 to index
          %get3A_699 = arith.constant 304 : index
          %get3A_700 = tpu.vector_load %arg13[%get3A_698, %get3A_699] {strides = array<i32>} : memref<16x512xf32, #tpu.memory_space<vmem>>, vector<1x16xf32>,
          %get3A_701 = vector.shape_cast %get3A_700 : vector<1x16xf32> to vector<16xf32>
          %mul3A_702 = arith.constant 22.6274166 : f32
          %mul3A_703 = vector.broadcast %mul3A_702 : f32 to vector<16xf32>
          %mul3A_704 = arith.mulf %get3A_701, %mul3A_703 : vector<16xf32>
          %get3A_705 = arith.index_cast %scan3A_374 : i32 to index
          %get3A_706 = arith.constant 304 : index
          %get3A_707 = tpu.vector_load %arg17[%get3A_705, %get3A_706] {strides = array<i32>} : memref<16x512xf32, #tpu.memory_space<vmem>>, vector<1x16xf32>,
          %get3A_708 = vector.shape_cast %get3A_707 : vector<1x16xf32> to vector<16xf32>
          %add3A_709 = arith.addf %mul3A_704, %get3A_708 : vector<16xf32>
          %swap3A_710 = arith.index_cast %scan3A_374 : i32 to index
          %swap3A_711 = arith.constant 304 : index
          %swap3A_712 = tpu.vector_load %arg21[%swap3A_710, %swap3A_711] {strides = array<i32>} : memref<16x512xf32, #tpu.memory_space<vmem>>, vector<1x16xf32>,
          %swap3A_713 = vector.shape_cast %swap3A_712 : vector<1x16xf32> to vector<16xf32>
          %swap3A_714 = vector.shape_cast %add3A_709 : vector<16xf32> to vector<1x16xf32>
          tpu.vector_store %arg21[%swap3A_710, %swap3A_711], %swap3A_714 {strides = array<i32>} : memref<16x512xf32, #tpu.memory_space<vmem>>, vector<1x16xf32>,
          %get3A_715 = arith.index_cast %scan3A_374 : i32 to index
          %get3A_716 = arith.constant 320 : index
          %get3A_717 = tpu.vector_load %arg13[%get3A_715, %get3A_716] {strides = array<i32>} : memref<16x512xf32, #tpu.memory_space<vmem>>, vector<1x16xf32>,
          %get3A_718 = vector.shape_cast %get3A_717 : vector<1x16xf32> to vector<16xf32>
          %mul3A_719 = arith.constant 22.6274166 : f32
          %mul3A_720 = vector.broadcast %mul3A_719 : f32 to vector<16xf32>
          %mul3A_721 = arith.mulf %get3A_718, %mul3A_720 : vector<16xf32>
          %get3A_722 = arith.index_cast %scan3A_374 : i32 to index
          %get3A_723 = arith.constant 320 : index
          %get3A_724 = tpu.vector_load %arg17[%get3A_722, %get3A_723] {strides = array<i32>} : memref<16x512xf32, #tpu.memory_space<vmem>>, vector<1x16xf32>,
          %get3A_725 = vector.shape_cast %get3A_724 : vector<1x16xf32> to vector<16xf32>
          %add3A_726 = arith.addf %mul3A_721, %get3A_725 : vector<16xf32>
          %swap3A_727 = arith.index_cast %scan3A_374 : i32 to index
          %swap3A_728 = arith.constant 320 : index
          %swap3A_729 = tpu.vector_load %arg21[%swap3A_727, %swap3A_728] {strides = array<i32>} : memref<16x512xf32, #tpu.memory_space<vmem>>, vector<1x16xf32>,
          %swap3A_730 = vector.shape_cast %swap3A_729 : vector<1x16xf32> to vector<16xf32>
          %swap3A_731 = vector.shape_cast %add3A_726 : vector<16xf32> to vector<1x16xf32>
          tpu.vector_store %arg21[%swap3A_727, %swap3A_728], %swap3A_731 {strides = array<i32>} : memref<16x512xf32, #tpu.memory_space<vmem>>, vector<1x16xf32>,
          %get3A_732 = arith.index_cast %scan3A_374 : i32 to index
          %get3A_733 = arith.constant 336 : index
          %get3A_734 = tpu.vector_load %arg13[%get3A_732, %get3A_733] {strides = array<i32>} : memref<16x512xf32, #tpu.memory_space<vmem>>, vector<1x16xf32>,
          %get3A_735 = vector.shape_cast %get3A_734 : vector<1x16xf32> to vector<16xf32>
          %mul3A_736 = arith.constant 22.6274166 : f32
          %mul3A_737 = vector.broadcast %mul3A_736 : f32 to vector<16xf32>
          %mul3A_738 = arith.mulf %get3A_735, %mul3A_737 : vector<16xf32>
          %get3A_739 = arith.index_cast %scan3A_374 : i32 to index
          %get3A_740 = arith.constant 336 : index
          %get3A_741 = tpu.vector_load %arg17[%get3A_739, %get3A_740] {strides = array<i32>} : memref<16x512xf32, #tpu.memory_space<vmem>>, vector<1x16xf32>,
          %get3A_742 = vector.shape_cast %get3A_741 : vector<1x16xf32> to vector<16xf32>
          %add3A_743 = arith.addf %mul3A_738, %get3A_742 : vector<16xf32>
          %swap3A_744 = arith.index_cast %scan3A_374 : i32 to index
          %swap3A_745 = arith.constant 336 : index
          %swap3A_746 = tpu.vector_load %arg21[%swap3A_744, %swap3A_745] {strides = array<i32>} : memref<16x512xf32, #tpu.memory_space<vmem>>, vector<1x16xf32>,
          %swap3A_747 = vector.shape_cast %swap3A_746 : vector<1x16xf32> to vector<16xf32>
          %swap3A_748 = vector.shape_cast %add3A_743 : vector<16xf32> to vector<1x16xf32>
          tpu.vector_store %arg21[%swap3A_744, %swap3A_745], %swap3A_748 {strides = array<i32>} : memref<16x512xf32, #tpu.memory_space<vmem>>, vector<1x16xf32>,
          %get3A_749 = arith.index_cast %scan3A_374 : i32 to index
          %get3A_750 = arith.constant 352 : index
          %get3A_751 = tpu.vector_load %arg13[%get3A_749, %get3A_750] {strides = array<i32>} : memref<16x512xf32, #tpu.memory_space<vmem>>, vector<1x16xf32>,
          %get3A_752 = vector.shape_cast %get3A_751 : vector<1x16xf32> to vector<16xf32>
          %mul3A_753 = arith.constant 22.6274166 : f32
          %mul3A_754 = vector.broadcast %mul3A_753 : f32 to vector<16xf32>
          %mul3A_755 = arith.mulf %get3A_752, %mul3A_754 : vector<16xf32>
          %get3A_756 = arith.index_cast %scan3A_374 : i32 to index
          %get3A_757 = arith.constant 352 : index
          %get3A_758 = tpu.vector_load %arg17[%get3A_756, %get3A_757] {strides = array<i32>} : memref<16x512xf32, #tpu.memory_space<vmem>>, vector<1x16xf32>,
          %get3A_759 = vector.shape_cast %get3A_758 : vector<1x16xf32> to vector<16xf32>
          %add3A_760 = arith.addf %mul3A_755, %get3A_759 : vector<16xf32>
          %swap3A_761 = arith.index_cast %scan3A_374 : i32 to index
          %swap3A_762 = arith.constant 352 : index
          %swap3A_763 = tpu.vector_load %arg21[%swap3A_761, %swap3A_762] {strides = array<i32>} : memref<16x512xf32, #tpu.memory_space<vmem>>, vector<1x16xf32>,
          %swap3A_764 = vector.shape_cast %swap3A_763 : vector<1x16xf32> to vector<16xf32>
          %swap3A_765 = vector.shape_cast %add3A_760 : vector<16xf32> to vector<1x16xf32>
          tpu.vector_store %arg21[%swap3A_761, %swap3A_762], %swap3A_765 {strides = array<i32>} : memref<16x512xf32, #tpu.memory_space<vmem>>, vector<1x16xf32>,
          %get3A_766 = arith.index_cast %scan3A_374 : i32 to index
          %get3A_767 = arith.constant 368 : index
          %get3A_768 = tpu.vector_load %arg13[%get3A_766, %get3A_767] {strides = array<i32>} : memref<16x512xf32, #tpu.memory_space<vmem>>, vector<1x16xf32>,
          %get3A_769 = vector.shape_cast %get3A_768 : vector<1x16xf32> to vector<16xf32>
          %mul3A_770 = arith.constant 22.6274166 : f32
          %mul3A_771 = vector.broadcast %mul3A_770 : f32 to vector<16xf32>
          %mul3A_772 = arith.mulf %get3A_769, %mul3A_771 : vector<16xf32>
          %get3A_773 = arith.index_cast %scan3A_374 : i32 to index
          %get3A_774 = arith.constant 368 : index
          %get3A_775 = tpu.vector_load %arg17[%get3A_773, %get3A_774] {strides = array<i32>} : memref<16x512xf32, #tpu.memory_space<vmem>>, vector<1x16xf32>,
          %get3A_776 = vector.shape_cast %get3A_775 : vector<1x16xf32> to vector<16xf32>
          %add3A_777 = arith.addf %mul3A_772, %get3A_776 : vector<16xf32>
          %swap3A_778 = arith.index_cast %scan3A_374 : i32 to index
          %swap3A_779 = arith.constant 368 : index
          %swap3A_780 = tpu.vector_load %arg21[%swap3A_778, %swap3A_779] {strides = array<i32>} : memref<16x512xf32, #tpu.memory_space<vmem>>, vector<1x16xf32>,
          %swap3A_781 = vector.shape_cast %swap3A_780 : vector<1x16xf32> to vector<16xf32>
          %swap3A_782 = vector.shape_cast %add3A_777 : vector<16xf32> to vector<1x16xf32>
          tpu.vector_store %arg21[%swap3A_778, %swap3A_779], %swap3A_782 {strides = array<i32>} : memref<16x512xf32, #tpu.memory_space<vmem>>, vector<1x16xf32>,
          %get3A_783 = arith.index_cast %scan3A_374 : i32 to index
          %get3A_784 = arith.constant 384 : index
          %get3A_785 = tpu.vector_load %arg13[%get3A_783, %get3A_784] {strides = array<i32>} : memref<16x512xf32, #tpu.memory_space<vmem>>, vector<1x16xf32>,
          %get3A_786 = vector.shape_cast %get3A_785 : vector<1x16xf32> to vector<16xf32>
          %mul3A_787 = arith.constant 22.6274166 : f32
          %mul3A_788 = vector.broadcast %mul3A_787 : f32 to vector<16xf32>
          %mul3A_789 = arith.mulf %get3A_786, %mul3A_788 : vector<16xf32>
          %get3A_790 = arith.index_cast %scan3A_374 : i32 to index
          %get3A_791 = arith.constant 384 : index
          %get3A_792 = tpu.vector_load %arg17[%get3A_790, %get3A_791] {strides = array<i32>} : memref<16x512xf32, #tpu.memory_space<vmem>>, vector<1x16xf32>,
          %get3A_793 = vector.shape_cast %get3A_792 : vector<1x16xf32> to vector<16xf32>
          %add3A_794 = arith.addf %mul3A_789, %get3A_793 : vector<16xf32>
          %swap3A_795 = arith.index_cast %scan3A_374 : i32 to index
          %swap3A_796 = arith.constant 384 : index
          %swap3A_797 = tpu.vector_load %arg21[%swap3A_795, %swap3A_796] {strides = array<i32>} : memref<16x512xf32, #tpu.memory_space<vmem>>, vector<1x16xf32>,
          %swap3A_798 = vector.shape_cast %swap3A_797 : vector<1x16xf32> to vector<16xf32>
          %swap3A_799 = vector.shape_cast %add3A_794 : vector<16xf32> to vector<1x16xf32>
          tpu.vector_store %arg21[%swap3A_795, %swap3A_796], %swap3A_799 {strides = array<i32>} : memref<16x512xf32, #tpu.memory_space<vmem>>, vector<1x16xf32>,
          %get3A_800 = arith.index_cast %scan3A_374 : i32 to index
          %get3A_801 = arith.constant 400 : index
          %get3A_802 = tpu.vector_load %arg13[%get3A_800, %get3A_801] {strides = array<i32>} : memref<16x512xf32, #tpu.memory_space<vmem>>, vector<1x16xf32>,
          %get3A_803 = vector.shape_cast %get3A_802 : vector<1x16xf32> to vector<16xf32>
          %mul3A_804 = arith.constant 22.6274166 : f32
          %mul3A_805 = vector.broadcast %mul3A_804 : f32 to vector<16xf32>
          %mul3A_806 = arith.mulf %get3A_803, %mul3A_805 : vector<16xf32>
          %get3A_807 = arith.index_cast %scan3A_374 : i32 to index
          %get3A_808 = arith.constant 400 : index
          %get3A_809 = tpu.vector_load %arg17[%get3A_807, %get3A_808] {strides = array<i32>} : memref<16x512xf32, #tpu.memory_space<vmem>>, vector<1x16xf32>,
          %get3A_810 = vector.shape_cast %get3A_809 : vector<1x16xf32> to vector<16xf32>
          %add3A_811 = arith.addf %mul3A_806, %get3A_810 : vector<16xf32>
          %swap3A_812 = arith.index_cast %scan3A_374 : i32 to index
          %swap3A_813 = arith.constant 400 : index
          %swap3A_814 = tpu.vector_load %arg21[%swap3A_812, %swap3A_813] {strides = array<i32>} : memref<16x512xf32, #tpu.memory_space<vmem>>, vector<1x16xf32>,
          %swap3A_815 = vector.shape_cast %swap3A_814 : vector<1x16xf32> to vector<16xf32>
          %swap3A_816 = vector.shape_cast %add3A_811 : vector<16xf32> to vector<1x16xf32>
          tpu.vector_store %arg21[%swap3A_812, %swap3A_813], %swap3A_816 {strides = array<i32>} : memref<16x512xf32, #tpu.memory_space<vmem>>, vector<1x16xf32>,
          %get3A_817 = arith.index_cast %scan3A_374 : i32 to index
          %get3A_818 = arith.constant 416 : index
          %get3A_819 = tpu.vector_load %arg13[%get3A_817, %get3A_818] {strides = array<i32>} : memref<16x512xf32, #tpu.memory_space<vmem>>, vector<1x16xf32>,
          %get3A_820 = vector.shape_cast %get3A_819 : vector<1x16xf32> to vector<16xf32>
          %mul3A_821 = arith.constant 22.6274166 : f32
          %mul3A_822 = vector.broadcast %mul3A_821 : f32 to vector<16xf32>
          %mul3A_823 = arith.mulf %get3A_820, %mul3A_822 : vector<16xf32>
          %get3A_824 = arith.index_cast %scan3A_374 : i32 to index
          %get3A_825 = arith.constant 416 : index
          %get3A_826 = tpu.vector_load %arg17[%get3A_824, %get3A_825] {strides = array<i32>} : memref<16x512xf32, #tpu.memory_space<vmem>>, vector<1x16xf32>,
          %get3A_827 = vector.shape_cast %get3A_826 : vector<1x16xf32> to vector<16xf32>
          %add3A_828 = arith.addf %mul3A_823, %get3A_827 : vector<16xf32>
          %swap3A_829 = arith.index_cast %scan3A_374 : i32 to index
          %swap3A_830 = arith.constant 416 : index
          %swap3A_831 = tpu.vector_load %arg21[%swap3A_829, %swap3A_830] {strides = array<i32>} : memref<16x512xf32, #tpu.memory_space<vmem>>, vector<1x16xf32>,
          %swap3A_832 = vector.shape_cast %swap3A_831 : vector<1x16xf32> to vector<16xf32>
          %swap3A_833 = vector.shape_cast %add3A_828 : vector<16xf32> to vector<1x16xf32>
          tpu.vector_store %arg21[%swap3A_829, %swap3A_830], %swap3A_833 {strides = array<i32>} : memref<16x512xf32, #tpu.memory_space<vmem>>, vector<1x16xf32>,
          %get3A_834 = arith.index_cast %scan3A_374 : i32 to index
          %get3A_835 = arith.constant 432 : index
          %get3A_836 = tpu.vector_load %arg13[%get3A_834, %get3A_835] {strides = array<i32>} : memref<16x512xf32, #tpu.memory_space<vmem>>, vector<1x16xf32>,
          %get3A_837 = vector.shape_cast %get3A_836 : vector<1x16xf32> to vector<16xf32>
          %mul3A_838 = arith.constant 22.6274166 : f32
          %mul3A_839 = vector.broadcast %mul3A_838 : f32 to vector<16xf32>
          %mul3A_840 = arith.mulf %get3A_837, %mul3A_839 : vector<16xf32>
          %get3A_841 = arith.index_cast %scan3A_374 : i32 to index
          %get3A_842 = arith.constant 432 : index
          %get3A_843 = tpu.vector_load %arg17[%get3A_841, %get3A_842] {strides = array<i32>} : memref<16x512xf32, #tpu.memory_space<vmem>>, vector<1x16xf32>,
          %get3A_844 = vector.shape_cast %get3A_843 : vector<1x16xf32> to vector<16xf32>
          %add3A_845 = arith.addf %mul3A_840, %get3A_844 : vector<16xf32>
          %swap3A_846 = arith.index_cast %scan3A_374 : i32 to index
          %swap3A_847 = arith.constant 432 : index
          %swap3A_848 = tpu.vector_load %arg21[%swap3A_846, %swap3A_847] {strides = array<i32>} : memref<16x512xf32, #tpu.memory_space<vmem>>, vector<1x16xf32>,
          %swap3A_849 = vector.shape_cast %swap3A_848 : vector<1x16xf32> to vector<16xf32>
          %swap3A_850 = vector.shape_cast %add3A_845 : vector<16xf32> to vector<1x16xf32>
          tpu.vector_store %arg21[%swap3A_846, %swap3A_847], %swap3A_850 {strides = array<i32>} : memref<16x512xf32, #tpu.memory_space<vmem>>, vector<1x16xf32>,
          %get3A_851 = arith.index_cast %scan3A_374 : i32 to index
          %get3A_852 = arith.constant 448 : index
          %get3A_853 = tpu.vector_load %arg13[%get3A_851, %get3A_852] {strides = array<i32>} : memref<16x512xf32, #tpu.memory_space<vmem>>, vector<1x16xf32>,
          %get3A_854 = vector.shape_cast %get3A_853 : vector<1x16xf32> to vector<16xf32>
          %mul3A_855 = arith.constant 22.6274166 : f32
          %mul3A_856 = vector.broadcast %mul3A_855 : f32 to vector<16xf32>
          %mul3A_857 = arith.mulf %get3A_854, %mul3A_856 : vector<16xf32>
          %get3A_858 = arith.index_cast %scan3A_374 : i32 to index
          %get3A_859 = arith.constant 448 : index
          %get3A_860 = tpu.vector_load %arg17[%get3A_858, %get3A_859] {strides = array<i32>} : memref<16x512xf32, #tpu.memory_space<vmem>>, vector<1x16xf32>,
          %get3A_861 = vector.shape_cast %get3A_860 : vector<1x16xf32> to vector<16xf32>
          %add3A_862 = arith.addf %mul3A_857, %get3A_861 : vector<16xf32>
          %swap3A_863 = arith.index_cast %scan3A_374 : i32 to index
          %swap3A_864 = arith.constant 448 : index
          %swap3A_865 = tpu.vector_load %arg21[%swap3A_863, %swap3A_864] {strides = array<i32>} : memref<16x512xf32, #tpu.memory_space<vmem>>, vector<1x16xf32>,
          %swap3A_866 = vector.shape_cast %swap3A_865 : vector<1x16xf32> to vector<16xf32>
          %swap3A_867 = vector.shape_cast %add3A_862 : vector<16xf32> to vector<1x16xf32>
          tpu.vector_store %arg21[%swap3A_863, %swap3A_864], %swap3A_867 {strides = array<i32>} : memref<16x512xf32, #tpu.memory_space<vmem>>, vector<1x16xf32>,
          %get3A_868 = arith.index_cast %scan3A_374 : i32 to index
          %get3A_869 = arith.constant 464 : index
          %get3A_870 = tpu.vector_load %arg13[%get3A_868, %get3A_869] {strides = array<i32>} : memref<16x512xf32, #tpu.memory_space<vmem>>, vector<1x16xf32>,
          %get3A_871 = vector.shape_cast %get3A_870 : vector<1x16xf32> to vector<16xf32>
          %mul3A_872 = arith.constant 22.6274166 : f32
          %mul3A_873 = vector.broadcast %mul3A_872 : f32 to vector<16xf32>
          %mul3A_874 = arith.mulf %get3A_871, %mul3A_873 : vector<16xf32>
          %get3A_875 = arith.index_cast %scan3A_374 : i32 to index
          %get3A_876 = arith.constant 464 : index
          %get3A_877 = tpu.vector_load %arg17[%get3A_875, %get3A_876] {strides = array<i32>} : memref<16x512xf32, #tpu.memory_space<vmem>>, vector<1x16xf32>,
          %get3A_878 = vector.shape_cast %get3A_877 : vector<1x16xf32> to vector<16xf32>
          %add3A_879 = arith.addf %mul3A_874, %get3A_878 : vector<16xf32>
          %swap3A_880 = arith.index_cast %scan3A_374 : i32 to index
          %swap3A_881 = arith.constant 464 : index
          %swap3A_882 = tpu.vector_load %arg21[%swap3A_880, %swap3A_881] {strides = array<i32>} : memref<16x512xf32, #tpu.memory_space<vmem>>, vector<1x16xf32>,
          %swap3A_883 = vector.shape_cast %swap3A_882 : vector<1x16xf32> to vector<16xf32>
          %swap3A_884 = vector.shape_cast %add3A_879 : vector<16xf32> to vector<1x16xf32>
          tpu.vector_store %arg21[%swap3A_880, %swap3A_881], %swap3A_884 {strides = array<i32>} : memref<16x512xf32, #tpu.memory_space<vmem>>, vector<1x16xf32>,
          %get3A_885 = arith.index_cast %scan3A_374 : i32 to index
          %get3A_886 = arith.constant 480 : index
          %get3A_887 = tpu.vector_load %arg13[%get3A_885, %get3A_886] {strides = array<i32>} : memref<16x512xf32, #tpu.memory_space<vmem>>, vector<1x16xf32>,
          %get3A_888 = vector.shape_cast %get3A_887 : vector<1x16xf32> to vector<16xf32>
          %mul3A_889 = arith.constant 22.6274166 : f32
          %mul3A_890 = vector.broadcast %mul3A_889 : f32 to vector<16xf32>
          %mul3A_891 = arith.mulf %get3A_888, %mul3A_890 : vector<16xf32>
          %get3A_892 = arith.index_cast %scan3A_374 : i32 to index
          %get3A_893 = arith.constant 480 : index
          %get3A_894 = tpu.vector_load %arg17[%get3A_892, %get3A_893] {strides = array<i32>} : memref<16x512xf32, #tpu.memory_space<vmem>>, vector<1x16xf32>,
          %get3A_895 = vector.shape_cast %get3A_894 : vector<1x16xf32> to vector<16xf32>
          %add3A_896 = arith.addf %mul3A_891, %get3A_895 : vector<16xf32>
          %swap3A_897 = arith.index_cast %scan3A_374 : i32 to index
          %swap3A_898 = arith.constant 480 : index
          %swap3A_899 = tpu.vector_load %arg21[%swap3A_897, %swap3A_898] {strides = array<i32>} : memref<16x512xf32, #tpu.memory_space<vmem>>, vector<1x16xf32>,
          %swap3A_900 = vector.shape_cast %swap3A_899 : vector<1x16xf32> to vector<16xf32>
          %swap3A_901 = vector.shape_cast %add3A_896 : vector<16xf32> to vector<1x16xf32>
          tpu.vector_store %arg21[%swap3A_897, %swap3A_898], %swap3A_901 {strides = array<i32>} : memref<16x512xf32, #tpu.memory_space<vmem>>, vector<1x16xf32>,
          %get3A_902 = arith.index_cast %scan3A_374 : i32 to index
          %get3A_903 = arith.constant 496 : index
          %get3A_904 = tpu.vector_load %arg13[%get3A_902, %get3A_903] {strides = array<i32>} : memref<16x512xf32, #tpu.memory_space<vmem>>, vector<1x16xf32>,
          %get3A_905 = vector.shape_cast %get3A_904 : vector<1x16xf32> to vector<16xf32>
          %mul3A_906 = arith.constant 22.6274166 : f32
          %mul3A_907 = vector.broadcast %mul3A_906 : f32 to vector<16xf32>
          %mul3A_908 = arith.mulf %get3A_905, %mul3A_907 : vector<16xf32>
          %get3A_909 = arith.index_cast %scan3A_374 : i32 to index
          %get3A_910 = arith.constant 496 : index
          %get3A_911 = tpu.vector_load %arg17[%get3A_909, %get3A_910] {strides = array<i32>} : memref<16x512xf32, #tpu.memory_space<vmem>>, vector<1x16xf32>,
          %get3A_912 = vector.shape_cast %get3A_911 : vector<1x16xf32> to vector<16xf32>
          %add3A_913 = arith.addf %mul3A_908, %get3A_912 : vector<16xf32>
          %swap3A_914 = arith.index_cast %scan3A_374 : i32 to index
          %swap3A_915 = arith.constant 496 : index
          %swap3A_916 = tpu.vector_load %arg21[%swap3A_914, %swap3A_915] {strides = array<i32>} : memref<16x512xf32, #tpu.memory_space<vmem>>, vector<1x16xf32>,
          %swap3A_917 = vector.shape_cast %swap3A_916 : vector<1x16xf32> to vector<16xf32>
          %swap3A_918 = vector.shape_cast %add3A_913 : vector<16xf32> to vector<1x16xf32>
          tpu.vector_store %arg21[%swap3A_914, %swap3A_915], %swap3A_918 {strides = array<i32>} : memref<16x512xf32, #tpu.memory_space<vmem>>, vector<1x16xf32>,
        }
        %scan3A_363 = arith.constant 16 : i32
        %dma_start3A_364 = arith.constant 0 : i32
        %dma_start3A_365 = tpu.memref_slice %arg5[%mul3A_345, %dma_start3A_364] : memref<15488x512xf32, #tpu.memory_space<hbm>> -> memref<16x512xf32, #tpu.memory_space<hbm>>
        %dma_start3A_366 = arith.constant 0 : i32
        %dma_start3A_367 = tpu.memref_slice %arg5[%mul3A_345, %dma_start3A_366] : memref<15488x512xf32, #tpu.memory_space<hbm>> -> memref<16x512xf32, #tpu.memory_space<hbm>>
        tpu.enqueue_dma source(%arg21 : memref<16x512xf32, #tpu.memory_space<vmem>>) target(%dma_start3A_367 : memref<16x512xf32, #tpu.memory_space<hbm>>) target_semaphore(%arg33 : memref<!tpu.dma_semaphore, #tpu.memory_space<semaphore_mem>>)
        %add3A_368 = arith.constant 4 : i32
        %add3A_369 = arith.addi %add3A_330, %add3A_368 : i32
        %lt3A_370 = arith.cmpi slt, %add3A_369, %sub3A_99 : i32
        %convert_element_type3A_371 = arith.extui %lt3A_370 : i1 to i32
        %cond3A_372 = arith.constant 0 : i32
        %cond3A_373 = arith.cmpi ne, %convert_element_type3A_371, %cond3A_372 : i32
        scf.if %cond3A_373 {
          %add3A_374 = arith.constant 64 : i32
          %add3A_375 = arith.addi %mul3A_345, %add3A_374 : i32
          %add3A_376 = vector.broadcast %add3A_375 : i32 to vector<16xi32>
          %add3A_377 = arith.addi %add3A_376, %iota3A : vector<16xi32>
          %ge3A_378 = arith.cmpi sge, %add3A_377, %get3A_9 : vector<16xi32>
          %select_n3A_379 = arith.select %ge3A_378, %get3A_9, %get3A_4 : vector<16xi1>, vector<16xi32>
          %select_n3A_380 = arith.select %ge3A_378, %get3A_49, %get3A_44 : vector<16xi1>, vector<16xi32>
          %ge3A_381 = arith.cmpi sge, %add3A_377, %get3A_14 : vector<16xi32>
          %select_n3A_382 = arith.select %ge3A_381, %get3A_14, %select_n3A_379 : vector<16xi1>, vector<16xi32>
          %select_n3A_383 = arith.select %ge3A_381, %get3A_54, %select_n3A_380 : vector<16xi1>, vector<16xi32>
          %ge3A_384 = arith.cmpi sge, %add3A_377, %get3A_19 : vector<16xi32>
          %select_n3A_385 = arith.select %ge3A_384, %get3A_19, %select_n3A_382 : vector<16xi1>, vector<16xi32>
          %select_n3A_386 = arith.select %ge3A_384, %get3A_59, %select_n3A_383 : vector<16xi1>, vector<16xi32>
          %ge3A_387 = arith.cmpi sge, %add3A_377, %get3A_24 : vector<16xi32>
          %select_n3A_388 = arith.select %ge3A_387, %get3A_24, %select_n3A_385 : vector<16xi1>, vector<16xi32>
          %select_n3A_389 = arith.select %ge3A_387, %get3A_64, %select_n3A_386 : vector<16xi1>, vector<16xi32>
          %ge3A_390 = arith.cmpi sge, %add3A_377, %get3A_29 : vector<16xi32>
          %select_n3A_391 = arith.select %ge3A_390, %get3A_29, %select_n3A_388 : vector<16xi1>, vector<16xi32>
          %select_n3A_392 = arith.select %ge3A_390, %get3A_69, %select_n3A_389 : vector<16xi1>, vector<16xi32>
          %ge3A_393 = arith.cmpi sge, %add3A_377, %get3A_34 : vector<16xi32>
          %select_n3A_394 = arith.select %ge3A_393, %get3A_34, %select_n3A_391 : vector<16xi1>, vector<16xi32>
          %select_n3A_395 = arith.select %ge3A_393, %get3A_74, %select_n3A_392 : vector<16xi1>, vector<16xi32>
          %ge3A_396 = arith.cmpi sge, %add3A_377, %get3A_39 : vector<16xi32>
          %select_n3A_397 = arith.select %ge3A_396, %get3A_39, %select_n3A_394 : vector<16xi1>, vector<16xi32>
          %select_n3A_398 = arith.select %ge3A_396, %get3A_79, %select_n3A_395 : vector<16xi1>, vector<16xi32>
          %sub3A_399 = arith.subi %add3A_377, %select_n3A_397 : vector<16xi32>
          %min3A_400 = arith.minsi %sub3A_399, %select_n3A_398 : vector<16xi32>
          %min3A_401 = arith.constant 8191 : i32
          %min3A_402 = vector.broadcast %min3A_401 : i32 to vector<16xi32>
          %min3A_403 = arith.minsi %min3A_400, %min3A_402 : vector<16xi32>
          %max3A_404 = arith.constant 0 : i32
          %max3A_405 = vector.broadcast %max3A_404 : i32 to vector<16xi32>
          %max3A_406 = arith.maxsi %min3A_403, %max3A_405 : vector<16xi32>
          %swap3A_407 = arith.constant 0 : index
          %swap3A_408 = tpu.vector_load %arg9[%swap3A_407] {strides = array<i32>} : memref<16xi32, #tpu.memory_space<vmem>>, vector<16xi32>,
          %swap3A_409 = vector.shape_cast %swap3A_408 : vector<16xi32> to vector<16xi32>
          %swap3A_410 = vector.shape_cast %max3A_406 : vector<16xi32> to vector<16xi32>
          tpu.vector_store %arg9[%swap3A_407], %swap3A_410 {strides = array<i32>} : memref<16xi32, #tpu.memory_space<vmem>>, vector<16xi32>,
          %dma_start3A_411 = arith.constant 0 : i32
          %dma_start3A_412 = arith.constant 0 : i32
          %dma_start3A_413 = tpu.memref_slice %arg4[%dma_start3A_411, %dma_start3A_412] : memref<8192x512xf32, #tpu.memory_space<hbm>> -> memref<8192x512xf32, #tpu.memory_space<hbm>>
          tpu.enqueue_indirect_dma source(%dma_start3A_413 : memref<8192x512xf32, #tpu.memory_space<hbm>>) target(%arg17 : memref<16x512xf32, #tpu.memory_space<vmem>>) offsets(%arg9 : memref<16xi32, #tpu.memory_space<vmem>>) semaphore(%arg29 : memref<!tpu.dma_semaphore, #tpu.memory_space<semaphore_mem>>)
          %dma_start3A_414 = arith.constant 0 : i32
          %dma_start3A_415 = tpu.memref_slice %arg3[%add3A_375, %dma_start3A_414] : memref<15488x512xf32, #tpu.memory_space<hbm>> -> memref<16x512xf32, #tpu.memory_space<hbm>>
          %dma_start3A_416 = arith.constant 0 : i32
          %dma_start3A_417 = tpu.memref_slice %arg3[%add3A_375, %dma_start3A_416] : memref<15488x512xf32, #tpu.memory_space<hbm>> -> memref<16x512xf32, #tpu.memory_space<hbm>>
          tpu.enqueue_dma source(%dma_start3A_417 : memref<16x512xf32, #tpu.memory_space<hbm>>) target(%arg13 : memref<16x512xf32, #tpu.memory_space<vmem>>) target_semaphore(%arg25 : memref<!tpu.dma_semaphore, #tpu.memory_space<semaphore_mem>>)
        } else {
        }
      } else {
      }
      %mul3A_335 = arith.constant 4 : i32
      %mul3A_336 = arith.muli %mul3A_335, %scan3A_313 : i32
      %add3A_337 = arith.constant 3 : i32
      %add3A_338 = arith.addi %mul3A_336, %add3A_337 : i32
      %lt3A_339 = arith.cmpi slt, %add3A_338, %sub3A_99 : i32
      %convert_element_type3A_340 = arith.extui %lt3A_339 : i1 to i32
      %cond3A_341 = arith.constant 0 : i32
      %cond3A_342 = arith.cmpi ne, %convert_element_type3A_340, %cond3A_341 : i32
      scf.if %cond3A_342 {
        %add3A_343 = arith.addi %sub3A_105, %add3A_338 : i32
        %mul3A_344 = arith.constant 16 : i32
        %mul3A_345 = arith.muli %add3A_343, %mul3A_344 : i32
        %dma_wait3A_346 = arith.constant 0 : i32
        %dma_wait3A_347 = tpu.memref_slice %arg3[%mul3A_345, %dma_wait3A_346] : memref<15488x512xf32, #tpu.memory_space<hbm>> -> memref<16x512xf32, #tpu.memory_space<hbm>>
        %dma_wait3A_348 = arith.constant 0 : i32
        %dma_wait3A_349 = tpu.memref_slice %arg3[%mul3A_345, %dma_wait3A_348] : memref<15488x512xf32, #tpu.memory_space<hbm>> -> memref<16x512xf32, #tpu.memory_space<hbm>>
        tpu.wait_dma2 semaphore(%arg26 : memref<!tpu.dma_semaphore, #tpu.memory_space<semaphore_mem>>) src(%dma_wait3A_349 : memref<16x512xf32, #tpu.memory_space<hbm>>) dst(%arg14 : memref<16x512xf32, #tpu.memory_space<vmem>>)
        %dma_wait3A_350 = arith.constant 0 : i32
        %dma_wait3A_351 = arith.constant 0 : i32
        %dma_wait3A_352 = tpu.memref_slice %arg4[%dma_wait3A_350, %dma_wait3A_351] : memref<8192x512xf32, #tpu.memory_space<hbm>> -> memref<8192x512xf32, #tpu.memory_space<hbm>>
        tpu.wait_indirect_dma semaphore(%arg30 : memref<!tpu.dma_semaphore, #tpu.memory_space<semaphore_mem>>) src(%dma_wait3A_352 : memref<8192x512xf32, #tpu.memory_space<hbm>>) dst(%arg18 : memref<16x512xf32, #tpu.memory_space<vmem>>)
        %ge3A_353 = arith.constant 4 : i32
        %ge3A_354 = arith.cmpi sge, %add3A_338, %ge3A_353 : i32
        %convert_element_type3A_355 = arith.extui %ge3A_354 : i1 to i32
        %cond3A_356 = arith.constant 0 : i32
        %cond3A_357 = arith.cmpi ne, %convert_element_type3A_355, %cond3A_356 : i32
        scf.if %cond3A_357 {
          %dma_wait3A_374 = arith.constant 0 : i32
          %dma_wait3A_375 = arith.constant 0 : i32
          %dma_wait3A_376 = tpu.memref_slice %arg5[%dma_wait3A_374, %dma_wait3A_375] : memref<15488x512xf32, #tpu.memory_space<hbm>> -> memref<16x512xf32, #tpu.memory_space<hbm>>
          %dma_wait3A_377 = arith.constant 0 : i32
          %dma_wait3A_378 = arith.constant 0 : i32
          %dma_wait3A_379 = tpu.memref_slice %arg5[%dma_wait3A_377, %dma_wait3A_378] : memref<15488x512xf32, #tpu.memory_space<hbm>> -> memref<16x512xf32, #tpu.memory_space<hbm>>
          tpu.wait_dma2 semaphore(%arg34 : memref<!tpu.dma_semaphore, #tpu.memory_space<semaphore_mem>>) src(%arg22 : memref<16x512xf32, #tpu.memory_space<vmem>>) dst(%dma_wait3A_379 : memref<16x512xf32, #tpu.memory_space<hbm>>)
        } else {
        }
        %scan3A_358 = arith.constant 0 : i32
        %scan3A_359 = arith.constant 0 : i32
        %scan3A_360 = arith.constant 16 : i32
        %scan3A_361 = arith.addi %scan3A_359, %scan3A_360 : i32
        %scan3A_362 = arith.constant 1 : i32
        scf.for %scan3A_374 = %scan3A_359 to %scan3A_361 step %scan3A_362  : i32 {
          %get3A_375 = arith.index_cast %scan3A_374 : i32 to index
          %get3A_376 = arith.constant 0 : index
          %get3A_377 = tpu.vector_load %arg14[%get3A_375, %get3A_376] {strides = array<i32>} : memref<16x512xf32, #tpu.memory_space<vmem>>, vector<1x16xf32>,
          %get3A_378 = vector.shape_cast %get3A_377 : vector<1x16xf32> to vector<16xf32>
          %mul3A_379 = arith.constant 22.6274166 : f32
          %mul3A_380 = vector.broadcast %mul3A_379 : f32 to vector<16xf32>
          %mul3A_381 = arith.mulf %get3A_378, %mul3A_380 : vector<16xf32>
          %get3A_382 = arith.index_cast %scan3A_374 : i32 to index
          %get3A_383 = arith.constant 0 : index
          %get3A_384 = tpu.vector_load %arg18[%get3A_382, %get3A_383] {strides = array<i32>} : memref<16x512xf32, #tpu.memory_space<vmem>>, vector<1x16xf32>,
          %get3A_385 = vector.shape_cast %get3A_384 : vector<1x16xf32> to vector<16xf32>
          %add3A_386 = arith.addf %mul3A_381, %get3A_385 : vector<16xf32>
          %swap3A_387 = arith.index_cast %scan3A_374 : i32 to index
          %swap3A_388 = arith.constant 0 : index
          %swap3A_389 = tpu.vector_load %arg22[%swap3A_387, %swap3A_388] {strides = array<i32>} : memref<16x512xf32, #tpu.memory_space<vmem>>, vector<1x16xf32>,
          %swap3A_390 = vector.shape_cast %swap3A_389 : vector<1x16xf32> to vector<16xf32>
          %swap3A_391 = vector.shape_cast %add3A_386 : vector<16xf32> to vector<1x16xf32>
          tpu.vector_store %arg22[%swap3A_387, %swap3A_388], %swap3A_391 {strides = array<i32>} : memref<16x512xf32, #tpu.memory_space<vmem>>, vector<1x16xf32>,
          %get3A_392 = arith.index_cast %scan3A_374 : i32 to index
          %get3A_393 = arith.constant 16 : index
          %get3A_394 = tpu.vector_load %arg14[%get3A_392, %get3A_393] {strides = array<i32>} : memref<16x512xf32, #tpu.memory_space<vmem>>, vector<1x16xf32>,
          %get3A_395 = vector.shape_cast %get3A_394 : vector<1x16xf32> to vector<16xf32>
          %mul3A_396 = arith.constant 22.6274166 : f32
          %mul3A_397 = vector.broadcast %mul3A_396 : f32 to vector<16xf32>
          %mul3A_398 = arith.mulf %get3A_395, %mul3A_397 : vector<16xf32>
          %get3A_399 = arith.index_cast %scan3A_374 : i32 to index
          %get3A_400 = arith.constant 16 : index
          %get3A_401 = tpu.vector_load %arg18[%get3A_399, %get3A_400] {strides = array<i32>} : memref<16x512xf32, #tpu.memory_space<vmem>>, vector<1x16xf32>,
          %get3A_402 = vector.shape_cast %get3A_401 : vector<1x16xf32> to vector<16xf32>
          %add3A_403 = arith.addf %mul3A_398, %get3A_402 : vector<16xf32>
          %swap3A_404 = arith.index_cast %scan3A_374 : i32 to index
          %swap3A_405 = arith.constant 16 : index
          %swap3A_406 = tpu.vector_load %arg22[%swap3A_404, %swap3A_405] {strides = array<i32>} : memref<16x512xf32, #tpu.memory_space<vmem>>, vector<1x16xf32>,
          %swap3A_407 = vector.shape_cast %swap3A_406 : vector<1x16xf32> to vector<16xf32>
          %swap3A_408 = vector.shape_cast %add3A_403 : vector<16xf32> to vector<1x16xf32>
          tpu.vector_store %arg22[%swap3A_404, %swap3A_405], %swap3A_408 {strides = array<i32>} : memref<16x512xf32, #tpu.memory_space<vmem>>, vector<1x16xf32>,
          %get3A_409 = arith.index_cast %scan3A_374 : i32 to index
          %get3A_410 = arith.constant 32 : index
          %get3A_411 = tpu.vector_load %arg14[%get3A_409, %get3A_410] {strides = array<i32>} : memref<16x512xf32, #tpu.memory_space<vmem>>, vector<1x16xf32>,
          %get3A_412 = vector.shape_cast %get3A_411 : vector<1x16xf32> to vector<16xf32>
          %mul3A_413 = arith.constant 22.6274166 : f32
          %mul3A_414 = vector.broadcast %mul3A_413 : f32 to vector<16xf32>
          %mul3A_415 = arith.mulf %get3A_412, %mul3A_414 : vector<16xf32>
          %get3A_416 = arith.index_cast %scan3A_374 : i32 to index
          %get3A_417 = arith.constant 32 : index
          %get3A_418 = tpu.vector_load %arg18[%get3A_416, %get3A_417] {strides = array<i32>} : memref<16x512xf32, #tpu.memory_space<vmem>>, vector<1x16xf32>,
          %get3A_419 = vector.shape_cast %get3A_418 : vector<1x16xf32> to vector<16xf32>
          %add3A_420 = arith.addf %mul3A_415, %get3A_419 : vector<16xf32>
          %swap3A_421 = arith.index_cast %scan3A_374 : i32 to index
          %swap3A_422 = arith.constant 32 : index
          %swap3A_423 = tpu.vector_load %arg22[%swap3A_421, %swap3A_422] {strides = array<i32>} : memref<16x512xf32, #tpu.memory_space<vmem>>, vector<1x16xf32>,
          %swap3A_424 = vector.shape_cast %swap3A_423 : vector<1x16xf32> to vector<16xf32>
          %swap3A_425 = vector.shape_cast %add3A_420 : vector<16xf32> to vector<1x16xf32>
          tpu.vector_store %arg22[%swap3A_421, %swap3A_422], %swap3A_425 {strides = array<i32>} : memref<16x512xf32, #tpu.memory_space<vmem>>, vector<1x16xf32>,
          %get3A_426 = arith.index_cast %scan3A_374 : i32 to index
          %get3A_427 = arith.constant 48 : index
          %get3A_428 = tpu.vector_load %arg14[%get3A_426, %get3A_427] {strides = array<i32>} : memref<16x512xf32, #tpu.memory_space<vmem>>, vector<1x16xf32>,
          %get3A_429 = vector.shape_cast %get3A_428 : vector<1x16xf32> to vector<16xf32>
          %mul3A_430 = arith.constant 22.6274166 : f32
          %mul3A_431 = vector.broadcast %mul3A_430 : f32 to vector<16xf32>
          %mul3A_432 = arith.mulf %get3A_429, %mul3A_431 : vector<16xf32>
          %get3A_433 = arith.index_cast %scan3A_374 : i32 to index
          %get3A_434 = arith.constant 48 : index
          %get3A_435 = tpu.vector_load %arg18[%get3A_433, %get3A_434] {strides = array<i32>} : memref<16x512xf32, #tpu.memory_space<vmem>>, vector<1x16xf32>,
          %get3A_436 = vector.shape_cast %get3A_435 : vector<1x16xf32> to vector<16xf32>
          %add3A_437 = arith.addf %mul3A_432, %get3A_436 : vector<16xf32>
          %swap3A_438 = arith.index_cast %scan3A_374 : i32 to index
          %swap3A_439 = arith.constant 48 : index
          %swap3A_440 = tpu.vector_load %arg22[%swap3A_438, %swap3A_439] {strides = array<i32>} : memref<16x512xf32, #tpu.memory_space<vmem>>, vector<1x16xf32>,
          %swap3A_441 = vector.shape_cast %swap3A_440 : vector<1x16xf32> to vector<16xf32>
          %swap3A_442 = vector.shape_cast %add3A_437 : vector<16xf32> to vector<1x16xf32>
          tpu.vector_store %arg22[%swap3A_438, %swap3A_439], %swap3A_442 {strides = array<i32>} : memref<16x512xf32, #tpu.memory_space<vmem>>, vector<1x16xf32>,
          %get3A_443 = arith.index_cast %scan3A_374 : i32 to index
          %get3A_444 = arith.constant 64 : index
          %get3A_445 = tpu.vector_load %arg14[%get3A_443, %get3A_444] {strides = array<i32>} : memref<16x512xf32, #tpu.memory_space<vmem>>, vector<1x16xf32>,
          %get3A_446 = vector.shape_cast %get3A_445 : vector<1x16xf32> to vector<16xf32>
          %mul3A_447 = arith.constant 22.6274166 : f32
          %mul3A_448 = vector.broadcast %mul3A_447 : f32 to vector<16xf32>
          %mul3A_449 = arith.mulf %get3A_446, %mul3A_448 : vector<16xf32>
          %get3A_450 = arith.index_cast %scan3A_374 : i32 to index
          %get3A_451 = arith.constant 64 : index
          %get3A_452 = tpu.vector_load %arg18[%get3A_450, %get3A_451] {strides = array<i32>} : memref<16x512xf32, #tpu.memory_space<vmem>>, vector<1x16xf32>,
          %get3A_453 = vector.shape_cast %get3A_452 : vector<1x16xf32> to vector<16xf32>
          %add3A_454 = arith.addf %mul3A_449, %get3A_453 : vector<16xf32>
          %swap3A_455 = arith.index_cast %scan3A_374 : i32 to index
          %swap3A_456 = arith.constant 64 : index
          %swap3A_457 = tpu.vector_load %arg22[%swap3A_455, %swap3A_456] {strides = array<i32>} : memref<16x512xf32, #tpu.memory_space<vmem>>, vector<1x16xf32>,
          %swap3A_458 = vector.shape_cast %swap3A_457 : vector<1x16xf32> to vector<16xf32>
          %swap3A_459 = vector.shape_cast %add3A_454 : vector<16xf32> to vector<1x16xf32>
          tpu.vector_store %arg22[%swap3A_455, %swap3A_456], %swap3A_459 {strides = array<i32>} : memref<16x512xf32, #tpu.memory_space<vmem>>, vector<1x16xf32>,
          %get3A_460 = arith.index_cast %scan3A_374 : i32 to index
          %get3A_461 = arith.constant 80 : index
          %get3A_462 = tpu.vector_load %arg14[%get3A_460, %get3A_461] {strides = array<i32>} : memref<16x512xf32, #tpu.memory_space<vmem>>, vector<1x16xf32>,
          %get3A_463 = vector.shape_cast %get3A_462 : vector<1x16xf32> to vector<16xf32>
          %mul3A_464 = arith.constant 22.6274166 : f32
          %mul3A_465 = vector.broadcast %mul3A_464 : f32 to vector<16xf32>
          %mul3A_466 = arith.mulf %get3A_463, %mul3A_465 : vector<16xf32>
          %get3A_467 = arith.index_cast %scan3A_374 : i32 to index
          %get3A_468 = arith.constant 80 : index
          %get3A_469 = tpu.vector_load %arg18[%get3A_467, %get3A_468] {strides = array<i32>} : memref<16x512xf32, #tpu.memory_space<vmem>>, vector<1x16xf32>,
          %get3A_470 = vector.shape_cast %get3A_469 : vector<1x16xf32> to vector<16xf32>
          %add3A_471 = arith.addf %mul3A_466, %get3A_470 : vector<16xf32>
          %swap3A_472 = arith.index_cast %scan3A_374 : i32 to index
          %swap3A_473 = arith.constant 80 : index
          %swap3A_474 = tpu.vector_load %arg22[%swap3A_472, %swap3A_473] {strides = array<i32>} : memref<16x512xf32, #tpu.memory_space<vmem>>, vector<1x16xf32>,
          %swap3A_475 = vector.shape_cast %swap3A_474 : vector<1x16xf32> to vector<16xf32>
          %swap3A_476 = vector.shape_cast %add3A_471 : vector<16xf32> to vector<1x16xf32>
          tpu.vector_store %arg22[%swap3A_472, %swap3A_473], %swap3A_476 {strides = array<i32>} : memref<16x512xf32, #tpu.memory_space<vmem>>, vector<1x16xf32>,
          %get3A_477 = arith.index_cast %scan3A_374 : i32 to index
          %get3A_478 = arith.constant 96 : index
          %get3A_479 = tpu.vector_load %arg14[%get3A_477, %get3A_478] {strides = array<i32>} : memref<16x512xf32, #tpu.memory_space<vmem>>, vector<1x16xf32>,
          %get3A_480 = vector.shape_cast %get3A_479 : vector<1x16xf32> to vector<16xf32>
          %mul3A_481 = arith.constant 22.6274166 : f32
          %mul3A_482 = vector.broadcast %mul3A_481 : f32 to vector<16xf32>
          %mul3A_483 = arith.mulf %get3A_480, %mul3A_482 : vector<16xf32>
          %get3A_484 = arith.index_cast %scan3A_374 : i32 to index
          %get3A_485 = arith.constant 96 : index
          %get3A_486 = tpu.vector_load %arg18[%get3A_484, %get3A_485] {strides = array<i32>} : memref<16x512xf32, #tpu.memory_space<vmem>>, vector<1x16xf32>,
          %get3A_487 = vector.shape_cast %get3A_486 : vector<1x16xf32> to vector<16xf32>
          %add3A_488 = arith.addf %mul3A_483, %get3A_487 : vector<16xf32>
          %swap3A_489 = arith.index_cast %scan3A_374 : i32 to index
          %swap3A_490 = arith.constant 96 : index
          %swap3A_491 = tpu.vector_load %arg22[%swap3A_489, %swap3A_490] {strides = array<i32>} : memref<16x512xf32, #tpu.memory_space<vmem>>, vector<1x16xf32>,
          %swap3A_492 = vector.shape_cast %swap3A_491 : vector<1x16xf32> to vector<16xf32>
          %swap3A_493 = vector.shape_cast %add3A_488 : vector<16xf32> to vector<1x16xf32>
          tpu.vector_store %arg22[%swap3A_489, %swap3A_490], %swap3A_493 {strides = array<i32>} : memref<16x512xf32, #tpu.memory_space<vmem>>, vector<1x16xf32>,
          %get3A_494 = arith.index_cast %scan3A_374 : i32 to index
          %get3A_495 = arith.constant 112 : index
          %get3A_496 = tpu.vector_load %arg14[%get3A_494, %get3A_495] {strides = array<i32>} : memref<16x512xf32, #tpu.memory_space<vmem>>, vector<1x16xf32>,
          %get3A_497 = vector.shape_cast %get3A_496 : vector<1x16xf32> to vector<16xf32>
          %mul3A_498 = arith.constant 22.6274166 : f32
          %mul3A_499 = vector.broadcast %mul3A_498 : f32 to vector<16xf32>
          %mul3A_500 = arith.mulf %get3A_497, %mul3A_499 : vector<16xf32>
          %get3A_501 = arith.index_cast %scan3A_374 : i32 to index
          %get3A_502 = arith.constant 112 : index
          %get3A_503 = tpu.vector_load %arg18[%get3A_501, %get3A_502] {strides = array<i32>} : memref<16x512xf32, #tpu.memory_space<vmem>>, vector<1x16xf32>,
          %get3A_504 = vector.shape_cast %get3A_503 : vector<1x16xf32> to vector<16xf32>
          %add3A_505 = arith.addf %mul3A_500, %get3A_504 : vector<16xf32>
          %swap3A_506 = arith.index_cast %scan3A_374 : i32 to index
          %swap3A_507 = arith.constant 112 : index
          %swap3A_508 = tpu.vector_load %arg22[%swap3A_506, %swap3A_507] {strides = array<i32>} : memref<16x512xf32, #tpu.memory_space<vmem>>, vector<1x16xf32>,
          %swap3A_509 = vector.shape_cast %swap3A_508 : vector<1x16xf32> to vector<16xf32>
          %swap3A_510 = vector.shape_cast %add3A_505 : vector<16xf32> to vector<1x16xf32>
          tpu.vector_store %arg22[%swap3A_506, %swap3A_507], %swap3A_510 {strides = array<i32>} : memref<16x512xf32, #tpu.memory_space<vmem>>, vector<1x16xf32>,
          %get3A_511 = arith.index_cast %scan3A_374 : i32 to index
          %get3A_512 = arith.constant 128 : index
          %get3A_513 = tpu.vector_load %arg14[%get3A_511, %get3A_512] {strides = array<i32>} : memref<16x512xf32, #tpu.memory_space<vmem>>, vector<1x16xf32>,
          %get3A_514 = vector.shape_cast %get3A_513 : vector<1x16xf32> to vector<16xf32>
          %mul3A_515 = arith.constant 22.6274166 : f32
          %mul3A_516 = vector.broadcast %mul3A_515 : f32 to vector<16xf32>
          %mul3A_517 = arith.mulf %get3A_514, %mul3A_516 : vector<16xf32>
          %get3A_518 = arith.index_cast %scan3A_374 : i32 to index
          %get3A_519 = arith.constant 128 : index
          %get3A_520 = tpu.vector_load %arg18[%get3A_518, %get3A_519] {strides = array<i32>} : memref<16x512xf32, #tpu.memory_space<vmem>>, vector<1x16xf32>,
          %get3A_521 = vector.shape_cast %get3A_520 : vector<1x16xf32> to vector<16xf32>
          %add3A_522 = arith.addf %mul3A_517, %get3A_521 : vector<16xf32>
          %swap3A_523 = arith.index_cast %scan3A_374 : i32 to index
          %swap3A_524 = arith.constant 128 : index
          %swap3A_525 = tpu.vector_load %arg22[%swap3A_523, %swap3A_524] {strides = array<i32>} : memref<16x512xf32, #tpu.memory_space<vmem>>, vector<1x16xf32>,
          %swap3A_526 = vector.shape_cast %swap3A_525 : vector<1x16xf32> to vector<16xf32>
          %swap3A_527 = vector.shape_cast %add3A_522 : vector<16xf32> to vector<1x16xf32>
          tpu.vector_store %arg22[%swap3A_523, %swap3A_524], %swap3A_527 {strides = array<i32>} : memref<16x512xf32, #tpu.memory_space<vmem>>, vector<1x16xf32>,
          %get3A_528 = arith.index_cast %scan3A_374 : i32 to index
          %get3A_529 = arith.constant 144 : index
          %get3A_530 = tpu.vector_load %arg14[%get3A_528, %get3A_529] {strides = array<i32>} : memref<16x512xf32, #tpu.memory_space<vmem>>, vector<1x16xf32>,
          %get3A_531 = vector.shape_cast %get3A_530 : vector<1x16xf32> to vector<16xf32>
          %mul3A_532 = arith.constant 22.6274166 : f32
          %mul3A_533 = vector.broadcast %mul3A_532 : f32 to vector<16xf32>
          %mul3A_534 = arith.mulf %get3A_531, %mul3A_533 : vector<16xf32>
          %get3A_535 = arith.index_cast %scan3A_374 : i32 to index
          %get3A_536 = arith.constant 144 : index
          %get3A_537 = tpu.vector_load %arg18[%get3A_535, %get3A_536] {strides = array<i32>} : memref<16x512xf32, #tpu.memory_space<vmem>>, vector<1x16xf32>,
          %get3A_538 = vector.shape_cast %get3A_537 : vector<1x16xf32> to vector<16xf32>
          %add3A_539 = arith.addf %mul3A_534, %get3A_538 : vector<16xf32>
          %swap3A_540 = arith.index_cast %scan3A_374 : i32 to index
          %swap3A_541 = arith.constant 144 : index
          %swap3A_542 = tpu.vector_load %arg22[%swap3A_540, %swap3A_541] {strides = array<i32>} : memref<16x512xf32, #tpu.memory_space<vmem>>, vector<1x16xf32>,
          %swap3A_543 = vector.shape_cast %swap3A_542 : vector<1x16xf32> to vector<16xf32>
          %swap3A_544 = vector.shape_cast %add3A_539 : vector<16xf32> to vector<1x16xf32>
          tpu.vector_store %arg22[%swap3A_540, %swap3A_541], %swap3A_544 {strides = array<i32>} : memref<16x512xf32, #tpu.memory_space<vmem>>, vector<1x16xf32>,
          %get3A_545 = arith.index_cast %scan3A_374 : i32 to index
          %get3A_546 = arith.constant 160 : index
          %get3A_547 = tpu.vector_load %arg14[%get3A_545, %get3A_546] {strides = array<i32>} : memref<16x512xf32, #tpu.memory_space<vmem>>, vector<1x16xf32>,
          %get3A_548 = vector.shape_cast %get3A_547 : vector<1x16xf32> to vector<16xf32>
          %mul3A_549 = arith.constant 22.6274166 : f32
          %mul3A_550 = vector.broadcast %mul3A_549 : f32 to vector<16xf32>
          %mul3A_551 = arith.mulf %get3A_548, %mul3A_550 : vector<16xf32>
          %get3A_552 = arith.index_cast %scan3A_374 : i32 to index
          %get3A_553 = arith.constant 160 : index
          %get3A_554 = tpu.vector_load %arg18[%get3A_552, %get3A_553] {strides = array<i32>} : memref<16x512xf32, #tpu.memory_space<vmem>>, vector<1x16xf32>,
          %get3A_555 = vector.shape_cast %get3A_554 : vector<1x16xf32> to vector<16xf32>
          %add3A_556 = arith.addf %mul3A_551, %get3A_555 : vector<16xf32>
          %swap3A_557 = arith.index_cast %scan3A_374 : i32 to index
          %swap3A_558 = arith.constant 160 : index
          %swap3A_559 = tpu.vector_load %arg22[%swap3A_557, %swap3A_558] {strides = array<i32>} : memref<16x512xf32, #tpu.memory_space<vmem>>, vector<1x16xf32>,
          %swap3A_560 = vector.shape_cast %swap3A_559 : vector<1x16xf32> to vector<16xf32>
          %swap3A_561 = vector.shape_cast %add3A_556 : vector<16xf32> to vector<1x16xf32>
          tpu.vector_store %arg22[%swap3A_557, %swap3A_558], %swap3A_561 {strides = array<i32>} : memref<16x512xf32, #tpu.memory_space<vmem>>, vector<1x16xf32>,
          %get3A_562 = arith.index_cast %scan3A_374 : i32 to index
          %get3A_563 = arith.constant 176 : index
          %get3A_564 = tpu.vector_load %arg14[%get3A_562, %get3A_563] {strides = array<i32>} : memref<16x512xf32, #tpu.memory_space<vmem>>, vector<1x16xf32>,
          %get3A_565 = vector.shape_cast %get3A_564 : vector<1x16xf32> to vector<16xf32>
          %mul3A_566 = arith.constant 22.6274166 : f32
          %mul3A_567 = vector.broadcast %mul3A_566 : f32 to vector<16xf32>
          %mul3A_568 = arith.mulf %get3A_565, %mul3A_567 : vector<16xf32>
          %get3A_569 = arith.index_cast %scan3A_374 : i32 to index
          %get3A_570 = arith.constant 176 : index
          %get3A_571 = tpu.vector_load %arg18[%get3A_569, %get3A_570] {strides = array<i32>} : memref<16x512xf32, #tpu.memory_space<vmem>>, vector<1x16xf32>,
          %get3A_572 = vector.shape_cast %get3A_571 : vector<1x16xf32> to vector<16xf32>
          %add3A_573 = arith.addf %mul3A_568, %get3A_572 : vector<16xf32>
          %swap3A_574 = arith.index_cast %scan3A_374 : i32 to index
          %swap3A_575 = arith.constant 176 : index
          %swap3A_576 = tpu.vector_load %arg22[%swap3A_574, %swap3A_575] {strides = array<i32>} : memref<16x512xf32, #tpu.memory_space<vmem>>, vector<1x16xf32>,
          %swap3A_577 = vector.shape_cast %swap3A_576 : vector<1x16xf32> to vector<16xf32>
          %swap3A_578 = vector.shape_cast %add3A_573 : vector<16xf32> to vector<1x16xf32>
          tpu.vector_store %arg22[%swap3A_574, %swap3A_575], %swap3A_578 {strides = array<i32>} : memref<16x512xf32, #tpu.memory_space<vmem>>, vector<1x16xf32>,
          %get3A_579 = arith.index_cast %scan3A_374 : i32 to index
          %get3A_580 = arith.constant 192 : index
          %get3A_581 = tpu.vector_load %arg14[%get3A_579, %get3A_580] {strides = array<i32>} : memref<16x512xf32, #tpu.memory_space<vmem>>, vector<1x16xf32>,
          %get3A_582 = vector.shape_cast %get3A_581 : vector<1x16xf32> to vector<16xf32>
          %mul3A_583 = arith.constant 22.6274166 : f32
          %mul3A_584 = vector.broadcast %mul3A_583 : f32 to vector<16xf32>
          %mul3A_585 = arith.mulf %get3A_582, %mul3A_584 : vector<16xf32>
          %get3A_586 = arith.index_cast %scan3A_374 : i32 to index
          %get3A_587 = arith.constant 192 : index
          %get3A_588 = tpu.vector_load %arg18[%get3A_586, %get3A_587] {strides = array<i32>} : memref<16x512xf32, #tpu.memory_space<vmem>>, vector<1x16xf32>,
          %get3A_589 = vector.shape_cast %get3A_588 : vector<1x16xf32> to vector<16xf32>
          %add3A_590 = arith.addf %mul3A_585, %get3A_589 : vector<16xf32>
          %swap3A_591 = arith.index_cast %scan3A_374 : i32 to index
          %swap3A_592 = arith.constant 192 : index
          %swap3A_593 = tpu.vector_load %arg22[%swap3A_591, %swap3A_592] {strides = array<i32>} : memref<16x512xf32, #tpu.memory_space<vmem>>, vector<1x16xf32>,
          %swap3A_594 = vector.shape_cast %swap3A_593 : vector<1x16xf32> to vector<16xf32>
          %swap3A_595 = vector.shape_cast %add3A_590 : vector<16xf32> to vector<1x16xf32>
          tpu.vector_store %arg22[%swap3A_591, %swap3A_592], %swap3A_595 {strides = array<i32>} : memref<16x512xf32, #tpu.memory_space<vmem>>, vector<1x16xf32>,
          %get3A_596 = arith.index_cast %scan3A_374 : i32 to index
          %get3A_597 = arith.constant 208 : index
          %get3A_598 = tpu.vector_load %arg14[%get3A_596, %get3A_597] {strides = array<i32>} : memref<16x512xf32, #tpu.memory_space<vmem>>, vector<1x16xf32>,
          %get3A_599 = vector.shape_cast %get3A_598 : vector<1x16xf32> to vector<16xf32>
          %mul3A_600 = arith.constant 22.6274166 : f32
          %mul3A_601 = vector.broadcast %mul3A_600 : f32 to vector<16xf32>
          %mul3A_602 = arith.mulf %get3A_599, %mul3A_601 : vector<16xf32>
          %get3A_603 = arith.index_cast %scan3A_374 : i32 to index
          %get3A_604 = arith.constant 208 : index
          %get3A_605 = tpu.vector_load %arg18[%get3A_603, %get3A_604] {strides = array<i32>} : memref<16x512xf32, #tpu.memory_space<vmem>>, vector<1x16xf32>,
          %get3A_606 = vector.shape_cast %get3A_605 : vector<1x16xf32> to vector<16xf32>
          %add3A_607 = arith.addf %mul3A_602, %get3A_606 : vector<16xf32>
          %swap3A_608 = arith.index_cast %scan3A_374 : i32 to index
          %swap3A_609 = arith.constant 208 : index
          %swap3A_610 = tpu.vector_load %arg22[%swap3A_608, %swap3A_609] {strides = array<i32>} : memref<16x512xf32, #tpu.memory_space<vmem>>, vector<1x16xf32>,
          %swap3A_611 = vector.shape_cast %swap3A_610 : vector<1x16xf32> to vector<16xf32>
          %swap3A_612 = vector.shape_cast %add3A_607 : vector<16xf32> to vector<1x16xf32>
          tpu.vector_store %arg22[%swap3A_608, %swap3A_609], %swap3A_612 {strides = array<i32>} : memref<16x512xf32, #tpu.memory_space<vmem>>, vector<1x16xf32>,
          %get3A_613 = arith.index_cast %scan3A_374 : i32 to index
          %get3A_614 = arith.constant 224 : index
          %get3A_615 = tpu.vector_load %arg14[%get3A_613, %get3A_614] {strides = array<i32>} : memref<16x512xf32, #tpu.memory_space<vmem>>, vector<1x16xf32>,
          %get3A_616 = vector.shape_cast %get3A_615 : vector<1x16xf32> to vector<16xf32>
          %mul3A_617 = arith.constant 22.6274166 : f32
          %mul3A_618 = vector.broadcast %mul3A_617 : f32 to vector<16xf32>
          %mul3A_619 = arith.mulf %get3A_616, %mul3A_618 : vector<16xf32>
          %get3A_620 = arith.index_cast %scan3A_374 : i32 to index
          %get3A_621 = arith.constant 224 : index
          %get3A_622 = tpu.vector_load %arg18[%get3A_620, %get3A_621] {strides = array<i32>} : memref<16x512xf32, #tpu.memory_space<vmem>>, vector<1x16xf32>,
          %get3A_623 = vector.shape_cast %get3A_622 : vector<1x16xf32> to vector<16xf32>
          %add3A_624 = arith.addf %mul3A_619, %get3A_623 : vector<16xf32>
          %swap3A_625 = arith.index_cast %scan3A_374 : i32 to index
          %swap3A_626 = arith.constant 224 : index
          %swap3A_627 = tpu.vector_load %arg22[%swap3A_625, %swap3A_626] {strides = array<i32>} : memref<16x512xf32, #tpu.memory_space<vmem>>, vector<1x16xf32>,
          %swap3A_628 = vector.shape_cast %swap3A_627 : vector<1x16xf32> to vector<16xf32>
          %swap3A_629 = vector.shape_cast %add3A_624 : vector<16xf32> to vector<1x16xf32>
          tpu.vector_store %arg22[%swap3A_625, %swap3A_626], %swap3A_629 {strides = array<i32>} : memref<16x512xf32, #tpu.memory_space<vmem>>, vector<1x16xf32>,
          %get3A_630 = arith.index_cast %scan3A_374 : i32 to index
          %get3A_631 = arith.constant 240 : index
          %get3A_632 = tpu.vector_load %arg14[%get3A_630, %get3A_631] {strides = array<i32>} : memref<16x512xf32, #tpu.memory_space<vmem>>, vector<1x16xf32>,
          %get3A_633 = vector.shape_cast %get3A_632 : vector<1x16xf32> to vector<16xf32>
          %mul3A_634 = arith.constant 22.6274166 : f32
          %mul3A_635 = vector.broadcast %mul3A_634 : f32 to vector<16xf32>
          %mul3A_636 = arith.mulf %get3A_633, %mul3A_635 : vector<16xf32>
          %get3A_637 = arith.index_cast %scan3A_374 : i32 to index
          %get3A_638 = arith.constant 240 : index
          %get3A_639 = tpu.vector_load %arg18[%get3A_637, %get3A_638] {strides = array<i32>} : memref<16x512xf32, #tpu.memory_space<vmem>>, vector<1x16xf32>,
          %get3A_640 = vector.shape_cast %get3A_639 : vector<1x16xf32> to vector<16xf32>
          %add3A_641 = arith.addf %mul3A_636, %get3A_640 : vector<16xf32>
          %swap3A_642 = arith.index_cast %scan3A_374 : i32 to index
          %swap3A_643 = arith.constant 240 : index
          %swap3A_644 = tpu.vector_load %arg22[%swap3A_642, %swap3A_643] {strides = array<i32>} : memref<16x512xf32, #tpu.memory_space<vmem>>, vector<1x16xf32>,
          %swap3A_645 = vector.shape_cast %swap3A_644 : vector<1x16xf32> to vector<16xf32>
          %swap3A_646 = vector.shape_cast %add3A_641 : vector<16xf32> to vector<1x16xf32>
          tpu.vector_store %arg22[%swap3A_642, %swap3A_643], %swap3A_646 {strides = array<i32>} : memref<16x512xf32, #tpu.memory_space<vmem>>, vector<1x16xf32>,
          %get3A_647 = arith.index_cast %scan3A_374 : i32 to index
          %get3A_648 = arith.constant 256 : index
          %get3A_649 = tpu.vector_load %arg14[%get3A_647, %get3A_648] {strides = array<i32>} : memref<16x512xf32, #tpu.memory_space<vmem>>, vector<1x16xf32>,
          %get3A_650 = vector.shape_cast %get3A_649 : vector<1x16xf32> to vector<16xf32>
          %mul3A_651 = arith.constant 22.6274166 : f32
          %mul3A_652 = vector.broadcast %mul3A_651 : f32 to vector<16xf32>
          %mul3A_653 = arith.mulf %get3A_650, %mul3A_652 : vector<16xf32>
          %get3A_654 = arith.index_cast %scan3A_374 : i32 to index
          %get3A_655 = arith.constant 256 : index
          %get3A_656 = tpu.vector_load %arg18[%get3A_654, %get3A_655] {strides = array<i32>} : memref<16x512xf32, #tpu.memory_space<vmem>>, vector<1x16xf32>,
          %get3A_657 = vector.shape_cast %get3A_656 : vector<1x16xf32> to vector<16xf32>
          %add3A_658 = arith.addf %mul3A_653, %get3A_657 : vector<16xf32>
          %swap3A_659 = arith.index_cast %scan3A_374 : i32 to index
          %swap3A_660 = arith.constant 256 : index
          %swap3A_661 = tpu.vector_load %arg22[%swap3A_659, %swap3A_660] {strides = array<i32>} : memref<16x512xf32, #tpu.memory_space<vmem>>, vector<1x16xf32>,
          %swap3A_662 = vector.shape_cast %swap3A_661 : vector<1x16xf32> to vector<16xf32>
          %swap3A_663 = vector.shape_cast %add3A_658 : vector<16xf32> to vector<1x16xf32>
          tpu.vector_store %arg22[%swap3A_659, %swap3A_660], %swap3A_663 {strides = array<i32>} : memref<16x512xf32, #tpu.memory_space<vmem>>, vector<1x16xf32>,
          %get3A_664 = arith.index_cast %scan3A_374 : i32 to index
          %get3A_665 = arith.constant 272 : index
          %get3A_666 = tpu.vector_load %arg14[%get3A_664, %get3A_665] {strides = array<i32>} : memref<16x512xf32, #tpu.memory_space<vmem>>, vector<1x16xf32>,
          %get3A_667 = vector.shape_cast %get3A_666 : vector<1x16xf32> to vector<16xf32>
          %mul3A_668 = arith.constant 22.6274166 : f32
          %mul3A_669 = vector.broadcast %mul3A_668 : f32 to vector<16xf32>
          %mul3A_670 = arith.mulf %get3A_667, %mul3A_669 : vector<16xf32>
          %get3A_671 = arith.index_cast %scan3A_374 : i32 to index
          %get3A_672 = arith.constant 272 : index
          %get3A_673 = tpu.vector_load %arg18[%get3A_671, %get3A_672] {strides = array<i32>} : memref<16x512xf32, #tpu.memory_space<vmem>>, vector<1x16xf32>,
          %get3A_674 = vector.shape_cast %get3A_673 : vector<1x16xf32> to vector<16xf32>
          %add3A_675 = arith.addf %mul3A_670, %get3A_674 : vector<16xf32>
          %swap3A_676 = arith.index_cast %scan3A_374 : i32 to index
          %swap3A_677 = arith.constant 272 : index
          %swap3A_678 = tpu.vector_load %arg22[%swap3A_676, %swap3A_677] {strides = array<i32>} : memref<16x512xf32, #tpu.memory_space<vmem>>, vector<1x16xf32>,
          %swap3A_679 = vector.shape_cast %swap3A_678 : vector<1x16xf32> to vector<16xf32>
          %swap3A_680 = vector.shape_cast %add3A_675 : vector<16xf32> to vector<1x16xf32>
          tpu.vector_store %arg22[%swap3A_676, %swap3A_677], %swap3A_680 {strides = array<i32>} : memref<16x512xf32, #tpu.memory_space<vmem>>, vector<1x16xf32>,
          %get3A_681 = arith.index_cast %scan3A_374 : i32 to index
          %get3A_682 = arith.constant 288 : index
          %get3A_683 = tpu.vector_load %arg14[%get3A_681, %get3A_682] {strides = array<i32>} : memref<16x512xf32, #tpu.memory_space<vmem>>, vector<1x16xf32>,
          %get3A_684 = vector.shape_cast %get3A_683 : vector<1x16xf32> to vector<16xf32>
          %mul3A_685 = arith.constant 22.6274166 : f32
          %mul3A_686 = vector.broadcast %mul3A_685 : f32 to vector<16xf32>
          %mul3A_687 = arith.mulf %get3A_684, %mul3A_686 : vector<16xf32>
          %get3A_688 = arith.index_cast %scan3A_374 : i32 to index
          %get3A_689 = arith.constant 288 : index
          %get3A_690 = tpu.vector_load %arg18[%get3A_688, %get3A_689] {strides = array<i32>} : memref<16x512xf32, #tpu.memory_space<vmem>>, vector<1x16xf32>,
          %get3A_691 = vector.shape_cast %get3A_690 : vector<1x16xf32> to vector<16xf32>
          %add3A_692 = arith.addf %mul3A_687, %get3A_691 : vector<16xf32>
          %swap3A_693 = arith.index_cast %scan3A_374 : i32 to index
          %swap3A_694 = arith.constant 288 : index
          %swap3A_695 = tpu.vector_load %arg22[%swap3A_693, %swap3A_694] {strides = array<i32>} : memref<16x512xf32, #tpu.memory_space<vmem>>, vector<1x16xf32>,
          %swap3A_696 = vector.shape_cast %swap3A_695 : vector<1x16xf32> to vector<16xf32>
          %swap3A_697 = vector.shape_cast %add3A_692 : vector<16xf32> to vector<1x16xf32>
          tpu.vector_store %arg22[%swap3A_693, %swap3A_694], %swap3A_697 {strides = array<i32>} : memref<16x512xf32, #tpu.memory_space<vmem>>, vector<1x16xf32>,
          %get3A_698 = arith.index_cast %scan3A_374 : i32 to index
          %get3A_699 = arith.constant 304 : index
          %get3A_700 = tpu.vector_load %arg14[%get3A_698, %get3A_699] {strides = array<i32>} : memref<16x512xf32, #tpu.memory_space<vmem>>, vector<1x16xf32>,
          %get3A_701 = vector.shape_cast %get3A_700 : vector<1x16xf32> to vector<16xf32>
          %mul3A_702 = arith.constant 22.6274166 : f32
          %mul3A_703 = vector.broadcast %mul3A_702 : f32 to vector<16xf32>
          %mul3A_704 = arith.mulf %get3A_701, %mul3A_703 : vector<16xf32>
          %get3A_705 = arith.index_cast %scan3A_374 : i32 to index
          %get3A_706 = arith.constant 304 : index
          %get3A_707 = tpu.vector_load %arg18[%get3A_705, %get3A_706] {strides = array<i32>} : memref<16x512xf32, #tpu.memory_space<vmem>>, vector<1x16xf32>,
          %get3A_708 = vector.shape_cast %get3A_707 : vector<1x16xf32> to vector<16xf32>
          %add3A_709 = arith.addf %mul3A_704, %get3A_708 : vector<16xf32>
          %swap3A_710 = arith.index_cast %scan3A_374 : i32 to index
          %swap3A_711 = arith.constant 304 : index
          %swap3A_712 = tpu.vector_load %arg22[%swap3A_710, %swap3A_711] {strides = array<i32>} : memref<16x512xf32, #tpu.memory_space<vmem>>, vector<1x16xf32>,
          %swap3A_713 = vector.shape_cast %swap3A_712 : vector<1x16xf32> to vector<16xf32>
          %swap3A_714 = vector.shape_cast %add3A_709 : vector<16xf32> to vector<1x16xf32>
          tpu.vector_store %arg22[%swap3A_710, %swap3A_711], %swap3A_714 {strides = array<i32>} : memref<16x512xf32, #tpu.memory_space<vmem>>, vector<1x16xf32>,
          %get3A_715 = arith.index_cast %scan3A_374 : i32 to index
          %get3A_716 = arith.constant 320 : index
          %get3A_717 = tpu.vector_load %arg14[%get3A_715, %get3A_716] {strides = array<i32>} : memref<16x512xf32, #tpu.memory_space<vmem>>, vector<1x16xf32>,
          %get3A_718 = vector.shape_cast %get3A_717 : vector<1x16xf32> to vector<16xf32>
          %mul3A_719 = arith.constant 22.6274166 : f32
          %mul3A_720 = vector.broadcast %mul3A_719 : f32 to vector<16xf32>
          %mul3A_721 = arith.mulf %get3A_718, %mul3A_720 : vector<16xf32>
          %get3A_722 = arith.index_cast %scan3A_374 : i32 to index
          %get3A_723 = arith.constant 320 : index
          %get3A_724 = tpu.vector_load %arg18[%get3A_722, %get3A_723] {strides = array<i32>} : memref<16x512xf32, #tpu.memory_space<vmem>>, vector<1x16xf32>,
          %get3A_725 = vector.shape_cast %get3A_724 : vector<1x16xf32> to vector<16xf32>
          %add3A_726 = arith.addf %mul3A_721, %get3A_725 : vector<16xf32>
          %swap3A_727 = arith.index_cast %scan3A_374 : i32 to index
          %swap3A_728 = arith.constant 320 : index
          %swap3A_729 = tpu.vector_load %arg22[%swap3A_727, %swap3A_728] {strides = array<i32>} : memref<16x512xf32, #tpu.memory_space<vmem>>, vector<1x16xf32>,
          %swap3A_730 = vector.shape_cast %swap3A_729 : vector<1x16xf32> to vector<16xf32>
          %swap3A_731 = vector.shape_cast %add3A_726 : vector<16xf32> to vector<1x16xf32>
          tpu.vector_store %arg22[%swap3A_727, %swap3A_728], %swap3A_731 {strides = array<i32>} : memref<16x512xf32, #tpu.memory_space<vmem>>, vector<1x16xf32>,
          %get3A_732 = arith.index_cast %scan3A_374 : i32 to index
          %get3A_733 = arith.constant 336 : index
          %get3A_734 = tpu.vector_load %arg14[%get3A_732, %get3A_733] {strides = array<i32>} : memref<16x512xf32, #tpu.memory_space<vmem>>, vector<1x16xf32>,
          %get3A_735 = vector.shape_cast %get3A_734 : vector<1x16xf32> to vector<16xf32>
          %mul3A_736 = arith.constant 22.6274166 : f32
          %mul3A_737 = vector.broadcast %mul3A_736 : f32 to vector<16xf32>
          %mul3A_738 = arith.mulf %get3A_735, %mul3A_737 : vector<16xf32>
          %get3A_739 = arith.index_cast %scan3A_374 : i32 to index
          %get3A_740 = arith.constant 336 : index
          %get3A_741 = tpu.vector_load %arg18[%get3A_739, %get3A_740] {strides = array<i32>} : memref<16x512xf32, #tpu.memory_space<vmem>>, vector<1x16xf32>,
          %get3A_742 = vector.shape_cast %get3A_741 : vector<1x16xf32> to vector<16xf32>
          %add3A_743 = arith.addf %mul3A_738, %get3A_742 : vector<16xf32>
          %swap3A_744 = arith.index_cast %scan3A_374 : i32 to index
          %swap3A_745 = arith.constant 336 : index
          %swap3A_746 = tpu.vector_load %arg22[%swap3A_744, %swap3A_745] {strides = array<i32>} : memref<16x512xf32, #tpu.memory_space<vmem>>, vector<1x16xf32>,
          %swap3A_747 = vector.shape_cast %swap3A_746 : vector<1x16xf32> to vector<16xf32>
          %swap3A_748 = vector.shape_cast %add3A_743 : vector<16xf32> to vector<1x16xf32>
          tpu.vector_store %arg22[%swap3A_744, %swap3A_745], %swap3A_748 {strides = array<i32>} : memref<16x512xf32, #tpu.memory_space<vmem>>, vector<1x16xf32>,
          %get3A_749 = arith.index_cast %scan3A_374 : i32 to index
          %get3A_750 = arith.constant 352 : index
          %get3A_751 = tpu.vector_load %arg14[%get3A_749, %get3A_750] {strides = array<i32>} : memref<16x512xf32, #tpu.memory_space<vmem>>, vector<1x16xf32>,
          %get3A_752 = vector.shape_cast %get3A_751 : vector<1x16xf32> to vector<16xf32>
          %mul3A_753 = arith.constant 22.6274166 : f32
          %mul3A_754 = vector.broadcast %mul3A_753 : f32 to vector<16xf32>
          %mul3A_755 = arith.mulf %get3A_752, %mul3A_754 : vector<16xf32>
          %get3A_756 = arith.index_cast %scan3A_374 : i32 to index
          %get3A_757 = arith.constant 352 : index
          %get3A_758 = tpu.vector_load %arg18[%get3A_756, %get3A_757] {strides = array<i32>} : memref<16x512xf32, #tpu.memory_space<vmem>>, vector<1x16xf32>,
          %get3A_759 = vector.shape_cast %get3A_758 : vector<1x16xf32> to vector<16xf32>
          %add3A_760 = arith.addf %mul3A_755, %get3A_759 : vector<16xf32>
          %swap3A_761 = arith.index_cast %scan3A_374 : i32 to index
          %swap3A_762 = arith.constant 352 : index
          %swap3A_763 = tpu.vector_load %arg22[%swap3A_761, %swap3A_762] {strides = array<i32>} : memref<16x512xf32, #tpu.memory_space<vmem>>, vector<1x16xf32>,
          %swap3A_764 = vector.shape_cast %swap3A_763 : vector<1x16xf32> to vector<16xf32>
          %swap3A_765 = vector.shape_cast %add3A_760 : vector<16xf32> to vector<1x16xf32>
          tpu.vector_store %arg22[%swap3A_761, %swap3A_762], %swap3A_765 {strides = array<i32>} : memref<16x512xf32, #tpu.memory_space<vmem>>, vector<1x16xf32>,
          %get3A_766 = arith.index_cast %scan3A_374 : i32 to index
          %get3A_767 = arith.constant 368 : index
          %get3A_768 = tpu.vector_load %arg14[%get3A_766, %get3A_767] {strides = array<i32>} : memref<16x512xf32, #tpu.memory_space<vmem>>, vector<1x16xf32>,
          %get3A_769 = vector.shape_cast %get3A_768 : vector<1x16xf32> to vector<16xf32>
          %mul3A_770 = arith.constant 22.6274166 : f32
          %mul3A_771 = vector.broadcast %mul3A_770 : f32 to vector<16xf32>
          %mul3A_772 = arith.mulf %get3A_769, %mul3A_771 : vector<16xf32>
          %get3A_773 = arith.index_cast %scan3A_374 : i32 to index
          %get3A_774 = arith.constant 368 : index
          %get3A_775 = tpu.vector_load %arg18[%get3A_773, %get3A_774] {strides = array<i32>} : memref<16x512xf32, #tpu.memory_space<vmem>>, vector<1x16xf32>,
          %get3A_776 = vector.shape_cast %get3A_775 : vector<1x16xf32> to vector<16xf32>
          %add3A_777 = arith.addf %mul3A_772, %get3A_776 : vector<16xf32>
          %swap3A_778 = arith.index_cast %scan3A_374 : i32 to index
          %swap3A_779 = arith.constant 368 : index
          %swap3A_780 = tpu.vector_load %arg22[%swap3A_778, %swap3A_779] {strides = array<i32>} : memref<16x512xf32, #tpu.memory_space<vmem>>, vector<1x16xf32>,
          %swap3A_781 = vector.shape_cast %swap3A_780 : vector<1x16xf32> to vector<16xf32>
          %swap3A_782 = vector.shape_cast %add3A_777 : vector<16xf32> to vector<1x16xf32>
          tpu.vector_store %arg22[%swap3A_778, %swap3A_779], %swap3A_782 {strides = array<i32>} : memref<16x512xf32, #tpu.memory_space<vmem>>, vector<1x16xf32>,
          %get3A_783 = arith.index_cast %scan3A_374 : i32 to index
          %get3A_784 = arith.constant 384 : index
          %get3A_785 = tpu.vector_load %arg14[%get3A_783, %get3A_784] {strides = array<i32>} : memref<16x512xf32, #tpu.memory_space<vmem>>, vector<1x16xf32>,
          %get3A_786 = vector.shape_cast %get3A_785 : vector<1x16xf32> to vector<16xf32>
          %mul3A_787 = arith.constant 22.6274166 : f32
          %mul3A_788 = vector.broadcast %mul3A_787 : f32 to vector<16xf32>
          %mul3A_789 = arith.mulf %get3A_786, %mul3A_788 : vector<16xf32>
          %get3A_790 = arith.index_cast %scan3A_374 : i32 to index
          %get3A_791 = arith.constant 384 : index
          %get3A_792 = tpu.vector_load %arg18[%get3A_790, %get3A_791] {strides = array<i32>} : memref<16x512xf32, #tpu.memory_space<vmem>>, vector<1x16xf32>,
          %get3A_793 = vector.shape_cast %get3A_792 : vector<1x16xf32> to vector<16xf32>
          %add3A_794 = arith.addf %mul3A_789, %get3A_793 : vector<16xf32>
          %swap3A_795 = arith.index_cast %scan3A_374 : i32 to index
          %swap3A_796 = arith.constant 384 : index
          %swap3A_797 = tpu.vector_load %arg22[%swap3A_795, %swap3A_796] {strides = array<i32>} : memref<16x512xf32, #tpu.memory_space<vmem>>, vector<1x16xf32>,
          %swap3A_798 = vector.shape_cast %swap3A_797 : vector<1x16xf32> to vector<16xf32>
          %swap3A_799 = vector.shape_cast %add3A_794 : vector<16xf32> to vector<1x16xf32>
          tpu.vector_store %arg22[%swap3A_795, %swap3A_796], %swap3A_799 {strides = array<i32>} : memref<16x512xf32, #tpu.memory_space<vmem>>, vector<1x16xf32>,
          %get3A_800 = arith.index_cast %scan3A_374 : i32 to index
          %get3A_801 = arith.constant 400 : index
          %get3A_802 = tpu.vector_load %arg14[%get3A_800, %get3A_801] {strides = array<i32>} : memref<16x512xf32, #tpu.memory_space<vmem>>, vector<1x16xf32>,
          %get3A_803 = vector.shape_cast %get3A_802 : vector<1x16xf32> to vector<16xf32>
          %mul3A_804 = arith.constant 22.6274166 : f32
          %mul3A_805 = vector.broadcast %mul3A_804 : f32 to vector<16xf32>
          %mul3A_806 = arith.mulf %get3A_803, %mul3A_805 : vector<16xf32>
          %get3A_807 = arith.index_cast %scan3A_374 : i32 to index
          %get3A_808 = arith.constant 400 : index
          %get3A_809 = tpu.vector_load %arg18[%get3A_807, %get3A_808] {strides = array<i32>} : memref<16x512xf32, #tpu.memory_space<vmem>>, vector<1x16xf32>,
          %get3A_810 = vector.shape_cast %get3A_809 : vector<1x16xf32> to vector<16xf32>
          %add3A_811 = arith.addf %mul3A_806, %get3A_810 : vector<16xf32>
          %swap3A_812 = arith.index_cast %scan3A_374 : i32 to index
          %swap3A_813 = arith.constant 400 : index
          %swap3A_814 = tpu.vector_load %arg22[%swap3A_812, %swap3A_813] {strides = array<i32>} : memref<16x512xf32, #tpu.memory_space<vmem>>, vector<1x16xf32>,
          %swap3A_815 = vector.shape_cast %swap3A_814 : vector<1x16xf32> to vector<16xf32>
          %swap3A_816 = vector.shape_cast %add3A_811 : vector<16xf32> to vector<1x16xf32>
          tpu.vector_store %arg22[%swap3A_812, %swap3A_813], %swap3A_816 {strides = array<i32>} : memref<16x512xf32, #tpu.memory_space<vmem>>, vector<1x16xf32>,
          %get3A_817 = arith.index_cast %scan3A_374 : i32 to index
          %get3A_818 = arith.constant 416 : index
          %get3A_819 = tpu.vector_load %arg14[%get3A_817, %get3A_818] {strides = array<i32>} : memref<16x512xf32, #tpu.memory_space<vmem>>, vector<1x16xf32>,
          %get3A_820 = vector.shape_cast %get3A_819 : vector<1x16xf32> to vector<16xf32>
          %mul3A_821 = arith.constant 22.6274166 : f32
          %mul3A_822 = vector.broadcast %mul3A_821 : f32 to vector<16xf32>
          %mul3A_823 = arith.mulf %get3A_820, %mul3A_822 : vector<16xf32>
          %get3A_824 = arith.index_cast %scan3A_374 : i32 to index
          %get3A_825 = arith.constant 416 : index
          %get3A_826 = tpu.vector_load %arg18[%get3A_824, %get3A_825] {strides = array<i32>} : memref<16x512xf32, #tpu.memory_space<vmem>>, vector<1x16xf32>,
          %get3A_827 = vector.shape_cast %get3A_826 : vector<1x16xf32> to vector<16xf32>
          %add3A_828 = arith.addf %mul3A_823, %get3A_827 : vector<16xf32>
          %swap3A_829 = arith.index_cast %scan3A_374 : i32 to index
          %swap3A_830 = arith.constant 416 : index
          %swap3A_831 = tpu.vector_load %arg22[%swap3A_829, %swap3A_830] {strides = array<i32>} : memref<16x512xf32, #tpu.memory_space<vmem>>, vector<1x16xf32>,
          %swap3A_832 = vector.shape_cast %swap3A_831 : vector<1x16xf32> to vector<16xf32>
          %swap3A_833 = vector.shape_cast %add3A_828 : vector<16xf32> to vector<1x16xf32>
          tpu.vector_store %arg22[%swap3A_829, %swap3A_830], %swap3A_833 {strides = array<i32>} : memref<16x512xf32, #tpu.memory_space<vmem>>, vector<1x16xf32>,
          %get3A_834 = arith.index_cast %scan3A_374 : i32 to index
          %get3A_835 = arith.constant 432 : index
          %get3A_836 = tpu.vector_load %arg14[%get3A_834, %get3A_835] {strides = array<i32>} : memref<16x512xf32, #tpu.memory_space<vmem>>, vector<1x16xf32>,
          %get3A_837 = vector.shape_cast %get3A_836 : vector<1x16xf32> to vector<16xf32>
          %mul3A_838 = arith.constant 22.6274166 : f32
          %mul3A_839 = vector.broadcast %mul3A_838 : f32 to vector<16xf32>
          %mul3A_840 = arith.mulf %get3A_837, %mul3A_839 : vector<16xf32>
          %get3A_841 = arith.index_cast %scan3A_374 : i32 to index
          %get3A_842 = arith.constant 432 : index
          %get3A_843 = tpu.vector_load %arg18[%get3A_841, %get3A_842] {strides = array<i32>} : memref<16x512xf32, #tpu.memory_space<vmem>>, vector<1x16xf32>,
          %get3A_844 = vector.shape_cast %get3A_843 : vector<1x16xf32> to vector<16xf32>
          %add3A_845 = arith.addf %mul3A_840, %get3A_844 : vector<16xf32>
          %swap3A_846 = arith.index_cast %scan3A_374 : i32 to index
          %swap3A_847 = arith.constant 432 : index
          %swap3A_848 = tpu.vector_load %arg22[%swap3A_846, %swap3A_847] {strides = array<i32>} : memref<16x512xf32, #tpu.memory_space<vmem>>, vector<1x16xf32>,
          %swap3A_849 = vector.shape_cast %swap3A_848 : vector<1x16xf32> to vector<16xf32>
          %swap3A_850 = vector.shape_cast %add3A_845 : vector<16xf32> to vector<1x16xf32>
          tpu.vector_store %arg22[%swap3A_846, %swap3A_847], %swap3A_850 {strides = array<i32>} : memref<16x512xf32, #tpu.memory_space<vmem>>, vector<1x16xf32>,
          %get3A_851 = arith.index_cast %scan3A_374 : i32 to index
          %get3A_852 = arith.constant 448 : index
          %get3A_853 = tpu.vector_load %arg14[%get3A_851, %get3A_852] {strides = array<i32>} : memref<16x512xf32, #tpu.memory_space<vmem>>, vector<1x16xf32>,
          %get3A_854 = vector.shape_cast %get3A_853 : vector<1x16xf32> to vector<16xf32>
          %mul3A_855 = arith.constant 22.6274166 : f32
          %mul3A_856 = vector.broadcast %mul3A_855 : f32 to vector<16xf32>
          %mul3A_857 = arith.mulf %get3A_854, %mul3A_856 : vector<16xf32>
          %get3A_858 = arith.index_cast %scan3A_374 : i32 to index
          %get3A_859 = arith.constant 448 : index
          %get3A_860 = tpu.vector_load %arg18[%get3A_858, %get3A_859] {strides = array<i32>} : memref<16x512xf32, #tpu.memory_space<vmem>>, vector<1x16xf32>,
          %get3A_861 = vector.shape_cast %get3A_860 : vector<1x16xf32> to vector<16xf32>
          %add3A_862 = arith.addf %mul3A_857, %get3A_861 : vector<16xf32>
          %swap3A_863 = arith.index_cast %scan3A_374 : i32 to index
          %swap3A_864 = arith.constant 448 : index
          %swap3A_865 = tpu.vector_load %arg22[%swap3A_863, %swap3A_864] {strides = array<i32>} : memref<16x512xf32, #tpu.memory_space<vmem>>, vector<1x16xf32>,
          %swap3A_866 = vector.shape_cast %swap3A_865 : vector<1x16xf32> to vector<16xf32>
          %swap3A_867 = vector.shape_cast %add3A_862 : vector<16xf32> to vector<1x16xf32>
          tpu.vector_store %arg22[%swap3A_863, %swap3A_864], %swap3A_867 {strides = array<i32>} : memref<16x512xf32, #tpu.memory_space<vmem>>, vector<1x16xf32>,
          %get3A_868 = arith.index_cast %scan3A_374 : i32 to index
          %get3A_869 = arith.constant 464 : index
          %get3A_870 = tpu.vector_load %arg14[%get3A_868, %get3A_869] {strides = array<i32>} : memref<16x512xf32, #tpu.memory_space<vmem>>, vector<1x16xf32>,
          %get3A_871 = vector.shape_cast %get3A_870 : vector<1x16xf32> to vector<16xf32>
          %mul3A_872 = arith.constant 22.6274166 : f32
          %mul3A_873 = vector.broadcast %mul3A_872 : f32 to vector<16xf32>
          %mul3A_874 = arith.mulf %get3A_871, %mul3A_873 : vector<16xf32>
          %get3A_875 = arith.index_cast %scan3A_374 : i32 to index
          %get3A_876 = arith.constant 464 : index
          %get3A_877 = tpu.vector_load %arg18[%get3A_875, %get3A_876] {strides = array<i32>} : memref<16x512xf32, #tpu.memory_space<vmem>>, vector<1x16xf32>,
          %get3A_878 = vector.shape_cast %get3A_877 : vector<1x16xf32> to vector<16xf32>
          %add3A_879 = arith.addf %mul3A_874, %get3A_878 : vector<16xf32>
          %swap3A_880 = arith.index_cast %scan3A_374 : i32 to index
          %swap3A_881 = arith.constant 464 : index
          %swap3A_882 = tpu.vector_load %arg22[%swap3A_880, %swap3A_881] {strides = array<i32>} : memref<16x512xf32, #tpu.memory_space<vmem>>, vector<1x16xf32>,
          %swap3A_883 = vector.shape_cast %swap3A_882 : vector<1x16xf32> to vector<16xf32>
          %swap3A_884 = vector.shape_cast %add3A_879 : vector<16xf32> to vector<1x16xf32>
          tpu.vector_store %arg22[%swap3A_880, %swap3A_881], %swap3A_884 {strides = array<i32>} : memref<16x512xf32, #tpu.memory_space<vmem>>, vector<1x16xf32>,
          %get3A_885 = arith.index_cast %scan3A_374 : i32 to index
          %get3A_886 = arith.constant 480 : index
          %get3A_887 = tpu.vector_load %arg14[%get3A_885, %get3A_886] {strides = array<i32>} : memref<16x512xf32, #tpu.memory_space<vmem>>, vector<1x16xf32>,
          %get3A_888 = vector.shape_cast %get3A_887 : vector<1x16xf32> to vector<16xf32>
          %mul3A_889 = arith.constant 22.6274166 : f32
          %mul3A_890 = vector.broadcast %mul3A_889 : f32 to vector<16xf32>
          %mul3A_891 = arith.mulf %get3A_888, %mul3A_890 : vector<16xf32>
          %get3A_892 = arith.index_cast %scan3A_374 : i32 to index
          %get3A_893 = arith.constant 480 : index
          %get3A_894 = tpu.vector_load %arg18[%get3A_892, %get3A_893] {strides = array<i32>} : memref<16x512xf32, #tpu.memory_space<vmem>>, vector<1x16xf32>,
          %get3A_895 = vector.shape_cast %get3A_894 : vector<1x16xf32> to vector<16xf32>
          %add3A_896 = arith.addf %mul3A_891, %get3A_895 : vector<16xf32>
          %swap3A_897 = arith.index_cast %scan3A_374 : i32 to index
          %swap3A_898 = arith.constant 480 : index
          %swap3A_899 = tpu.vector_load %arg22[%swap3A_897, %swap3A_898] {strides = array<i32>} : memref<16x512xf32, #tpu.memory_space<vmem>>, vector<1x16xf32>,
          %swap3A_900 = vector.shape_cast %swap3A_899 : vector<1x16xf32> to vector<16xf32>
          %swap3A_901 = vector.shape_cast %add3A_896 : vector<16xf32> to vector<1x16xf32>
          tpu.vector_store %arg22[%swap3A_897, %swap3A_898], %swap3A_901 {strides = array<i32>} : memref<16x512xf32, #tpu.memory_space<vmem>>, vector<1x16xf32>,
          %get3A_902 = arith.index_cast %scan3A_374 : i32 to index
          %get3A_903 = arith.constant 496 : index
          %get3A_904 = tpu.vector_load %arg14[%get3A_902, %get3A_903] {strides = array<i32>} : memref<16x512xf32, #tpu.memory_space<vmem>>, vector<1x16xf32>,
          %get3A_905 = vector.shape_cast %get3A_904 : vector<1x16xf32> to vector<16xf32>
          %mul3A_906 = arith.constant 22.6274166 : f32
          %mul3A_907 = vector.broadcast %mul3A_906 : f32 to vector<16xf32>
          %mul3A_908 = arith.mulf %get3A_905, %mul3A_907 : vector<16xf32>
          %get3A_909 = arith.index_cast %scan3A_374 : i32 to index
          %get3A_910 = arith.constant 496 : index
          %get3A_911 = tpu.vector_load %arg18[%get3A_909, %get3A_910] {strides = array<i32>} : memref<16x512xf32, #tpu.memory_space<vmem>>, vector<1x16xf32>,
          %get3A_912 = vector.shape_cast %get3A_911 : vector<1x16xf32> to vector<16xf32>
          %add3A_913 = arith.addf %mul3A_908, %get3A_912 : vector<16xf32>
          %swap3A_914 = arith.index_cast %scan3A_374 : i32 to index
          %swap3A_915 = arith.constant 496 : index
          %swap3A_916 = tpu.vector_load %arg22[%swap3A_914, %swap3A_915] {strides = array<i32>} : memref<16x512xf32, #tpu.memory_space<vmem>>, vector<1x16xf32>,
          %swap3A_917 = vector.shape_cast %swap3A_916 : vector<1x16xf32> to vector<16xf32>
          %swap3A_918 = vector.shape_cast %add3A_913 : vector<16xf32> to vector<1x16xf32>
          tpu.vector_store %arg22[%swap3A_914, %swap3A_915], %swap3A_918 {strides = array<i32>} : memref<16x512xf32, #tpu.memory_space<vmem>>, vector<1x16xf32>,
        }
        %scan3A_363 = arith.constant 16 : i32
        %dma_start3A_364 = arith.constant 0 : i32
        %dma_start3A_365 = tpu.memref_slice %arg5[%mul3A_345, %dma_start3A_364] : memref<15488x512xf32, #tpu.memory_space<hbm>> -> memref<16x512xf32, #tpu.memory_space<hbm>>
        %dma_start3A_366 = arith.constant 0 : i32
        %dma_start3A_367 = tpu.memref_slice %arg5[%mul3A_345, %dma_start3A_366] : memref<15488x512xf32, #tpu.memory_space<hbm>> -> memref<16x512xf32, #tpu.memory_space<hbm>>
        tpu.enqueue_dma source(%arg22 : memref<16x512xf32, #tpu.memory_space<vmem>>) target(%dma_start3A_367 : memref<16x512xf32, #tpu.memory_space<hbm>>) target_semaphore(%arg34 : memref<!tpu.dma_semaphore, #tpu.memory_space<semaphore_mem>>)
        %add3A_368 = arith.constant 4 : i32
        %add3A_369 = arith.addi %add3A_338, %add3A_368 : i32
        %lt3A_370 = arith.cmpi slt, %add3A_369, %sub3A_99 : i32
        %convert_element_type3A_371 = arith.extui %lt3A_370 : i1 to i32
        %cond3A_372 = arith.constant 0 : i32
        %cond3A_373 = arith.cmpi ne, %convert_element_type3A_371, %cond3A_372 : i32
        scf.if %cond3A_373 {
          %add3A_374 = arith.constant 64 : i32
          %add3A_375 = arith.addi %mul3A_345, %add3A_374 : i32
          %add3A_376 = vector.broadcast %add3A_375 : i32 to vector<16xi32>
          %add3A_377 = arith.addi %add3A_376, %iota3A : vector<16xi32>
          %ge3A_378 = arith.cmpi sge, %add3A_377, %get3A_9 : vector<16xi32>
          %select_n3A_379 = arith.select %ge3A_378, %get3A_9, %get3A_4 : vector<16xi1>, vector<16xi32>
          %select_n3A_380 = arith.select %ge3A_378, %get3A_49, %get3A_44 : vector<16xi1>, vector<16xi32>
          %ge3A_381 = arith.cmpi sge, %add3A_377, %get3A_14 : vector<16xi32>
          %select_n3A_382 = arith.select %ge3A_381, %get3A_14, %select_n3A_379 : vector<16xi1>, vector<16xi32>
          %select_n3A_383 = arith.select %ge3A_381, %get3A_54, %select_n3A_380 : vector<16xi1>, vector<16xi32>
          %ge3A_384 = arith.cmpi sge, %add3A_377, %get3A_19 : vector<16xi32>
          %select_n3A_385 = arith.select %ge3A_384, %get3A_19, %select_n3A_382 : vector<16xi1>, vector<16xi32>
          %select_n3A_386 = arith.select %ge3A_384, %get3A_59, %select_n3A_383 : vector<16xi1>, vector<16xi32>
          %ge3A_387 = arith.cmpi sge, %add3A_377, %get3A_24 : vector<16xi32>
          %select_n3A_388 = arith.select %ge3A_387, %get3A_24, %select_n3A_385 : vector<16xi1>, vector<16xi32>
          %select_n3A_389 = arith.select %ge3A_387, %get3A_64, %select_n3A_386 : vector<16xi1>, vector<16xi32>
          %ge3A_390 = arith.cmpi sge, %add3A_377, %get3A_29 : vector<16xi32>
          %select_n3A_391 = arith.select %ge3A_390, %get3A_29, %select_n3A_388 : vector<16xi1>, vector<16xi32>
          %select_n3A_392 = arith.select %ge3A_390, %get3A_69, %select_n3A_389 : vector<16xi1>, vector<16xi32>
          %ge3A_393 = arith.cmpi sge, %add3A_377, %get3A_34 : vector<16xi32>
          %select_n3A_394 = arith.select %ge3A_393, %get3A_34, %select_n3A_391 : vector<16xi1>, vector<16xi32>
          %select_n3A_395 = arith.select %ge3A_393, %get3A_74, %select_n3A_392 : vector<16xi1>, vector<16xi32>
          %ge3A_396 = arith.cmpi sge, %add3A_377, %get3A_39 : vector<16xi32>
          %select_n3A_397 = arith.select %ge3A_396, %get3A_39, %select_n3A_394 : vector<16xi1>, vector<16xi32>
          %select_n3A_398 = arith.select %ge3A_396, %get3A_79, %select_n3A_395 : vector<16xi1>, vector<16xi32>
          %sub3A_399 = arith.subi %add3A_377, %select_n3A_397 : vector<16xi32>
          %min3A_400 = arith.minsi %sub3A_399, %select_n3A_398 : vector<16xi32>
          %min3A_401 = arith.constant 8191 : i32
          %min3A_402 = vector.broadcast %min3A_401 : i32 to vector<16xi32>
          %min3A_403 = arith.minsi %min3A_400, %min3A_402 : vector<16xi32>
          %max3A_404 = arith.constant 0 : i32
          %max3A_405 = vector.broadcast %max3A_404 : i32 to vector<16xi32>
          %max3A_406 = arith.maxsi %min3A_403, %max3A_405 : vector<16xi32>
          %swap3A_407 = arith.constant 0 : index
          %swap3A_408 = tpu.vector_load %arg10[%swap3A_407] {strides = array<i32>} : memref<16xi32, #tpu.memory_space<vmem>>, vector<16xi32>,
          %swap3A_409 = vector.shape_cast %swap3A_408 : vector<16xi32> to vector<16xi32>
          %swap3A_410 = vector.shape_cast %max3A_406 : vector<16xi32> to vector<16xi32>
          tpu.vector_store %arg10[%swap3A_407], %swap3A_410 {strides = array<i32>} : memref<16xi32, #tpu.memory_space<vmem>>, vector<16xi32>,
          %dma_start3A_411 = arith.constant 0 : i32
          %dma_start3A_412 = arith.constant 0 : i32
          %dma_start3A_413 = tpu.memref_slice %arg4[%dma_start3A_411, %dma_start3A_412] : memref<8192x512xf32, #tpu.memory_space<hbm>> -> memref<8192x512xf32, #tpu.memory_space<hbm>>
          tpu.enqueue_indirect_dma source(%dma_start3A_413 : memref<8192x512xf32, #tpu.memory_space<hbm>>) target(%arg18 : memref<16x512xf32, #tpu.memory_space<vmem>>) offsets(%arg10 : memref<16xi32, #tpu.memory_space<vmem>>) semaphore(%arg30 : memref<!tpu.dma_semaphore, #tpu.memory_space<semaphore_mem>>)
          %dma_start3A_414 = arith.constant 0 : i32
          %dma_start3A_415 = tpu.memref_slice %arg3[%add3A_375, %dma_start3A_414] : memref<15488x512xf32, #tpu.memory_space<hbm>> -> memref<16x512xf32, #tpu.memory_space<hbm>>
          %dma_start3A_416 = arith.constant 0 : i32
          %dma_start3A_417 = tpu.memref_slice %arg3[%add3A_375, %dma_start3A_416] : memref<15488x512xf32, #tpu.memory_space<hbm>> -> memref<16x512xf32, #tpu.memory_space<hbm>>
          tpu.enqueue_dma source(%dma_start3A_417 : memref<16x512xf32, #tpu.memory_space<hbm>>) target(%arg14 : memref<16x512xf32, #tpu.memory_space<vmem>>) target_semaphore(%arg26 : memref<!tpu.dma_semaphore, #tpu.memory_space<semaphore_mem>>)
        } else {
        }
      } else {
      }
    }
    %scan3A_289 = arith.constant 8 : i32
    %dma_wait3A = arith.constant 0 : i32
    %dma_wait3A_290 = arith.constant 0 : i32
    %dma_wait3A_291 = tpu.memref_slice %arg5[%dma_wait3A, %dma_wait3A_290] : memref<15488x512xf32, #tpu.memory_space<hbm>> -> memref<16x512xf32, #tpu.memory_space<hbm>>
    %dma_wait3A_292 = arith.constant 0 : i32
    %dma_wait3A_293 = arith.constant 0 : i32
    %dma_wait3A_294 = tpu.memref_slice %arg5[%dma_wait3A_292, %dma_wait3A_293] : memref<15488x512xf32, #tpu.memory_space<hbm>> -> memref<16x512xf32, #tpu.memory_space<hbm>>
    tpu.wait_dma2 semaphore(%arg31 : memref<!tpu.dma_semaphore, #tpu.memory_space<semaphore_mem>>) src(%arg19 : memref<16x512xf32, #tpu.memory_space<vmem>>) dst(%dma_wait3A_294 : memref<16x512xf32, #tpu.memory_space<hbm>>)
    %dma_wait3A_295 = arith.constant 0 : i32
    %dma_wait3A_296 = arith.constant 0 : i32
    %dma_wait3A_297 = tpu.memref_slice %arg5[%dma_wait3A_295, %dma_wait3A_296] : memref<15488x512xf32, #tpu.memory_space<hbm>> -> memref<16x512xf32, #tpu.memory_space<hbm>>
    %dma_wait3A_298 = arith.constant 0 : i32
    %dma_wait3A_299 = arith.constant 0 : i32
    %dma_wait3A_300 = tpu.memref_slice %arg5[%dma_wait3A_298, %dma_wait3A_299] : memref<15488x512xf32, #tpu.memory_space<hbm>> -> memref<16x512xf32, #tpu.memory_space<hbm>>
    tpu.wait_dma2 semaphore(%arg32 : memref<!tpu.dma_semaphore, #tpu.memory_space<semaphore_mem>>) src(%arg20 : memref<16x512xf32, #tpu.memory_space<vmem>>) dst(%dma_wait3A_300 : memref<16x512xf32, #tpu.memory_space<hbm>>)
    %dma_wait3A_301 = arith.constant 0 : i32
    %dma_wait3A_302 = arith.constant 0 : i32
    %dma_wait3A_303 = tpu.memref_slice %arg5[%dma_wait3A_301, %dma_wait3A_302] : memref<15488x512xf32, #tpu.memory_space<hbm>> -> memref<16x512xf32, #tpu.memory_space<hbm>>
    %dma_wait3A_304 = arith.constant 0 : i32
    %dma_wait3A_305 = arith.constant 0 : i32
    %dma_wait3A_306 = tpu.memref_slice %arg5[%dma_wait3A_304, %dma_wait3A_305] : memref<15488x512xf32, #tpu.memory_space<hbm>> -> memref<16x512xf32, #tpu.memory_space<hbm>>
    tpu.wait_dma2 semaphore(%arg33 : memref<!tpu.dma_semaphore, #tpu.memory_space<semaphore_mem>>) src(%arg21 : memref<16x512xf32, #tpu.memory_space<vmem>>) dst(%dma_wait3A_306 : memref<16x512xf32, #tpu.memory_space<hbm>>)
    %dma_wait3A_307 = arith.constant 0 : i32
    %dma_wait3A_308 = arith.constant 0 : i32
    %dma_wait3A_309 = tpu.memref_slice %arg5[%dma_wait3A_307, %dma_wait3A_308] : memref<15488x512xf32, #tpu.memory_space<hbm>> -> memref<16x512xf32, #tpu.memory_space<hbm>>
    %dma_wait3A_310 = arith.constant 0 : i32
    %dma_wait3A_311 = arith.constant 0 : i32
    %dma_wait3A_312 = tpu.memref_slice %arg5[%dma_wait3A_310, %dma_wait3A_311] : memref<15488x512xf32, #tpu.memory_space<hbm>> -> memref<16x512xf32, #tpu.memory_space<hbm>>
    tpu.wait_dma2 semaphore(%arg34 : memref<!tpu.dma_semaphore, #tpu.memory_space<semaphore_mem>>) src(%arg22 : memref<16x512xf32, #tpu.memory_space<vmem>>) dst(%dma_wait3A_312 : memref<16x512xf32, #tpu.memory_space<hbm>>)
    return
  }
}

</mosaic_0001>

<sc_bundles>
// kernel: kernel.3.cloned.1.call-start
scs
__scs_entry_jumppad:
0x0: {  	(pc) =	sbr.rel $0x88, $3  }
0x1: {  	(tag) =	ssettag $0x0;
	lr =	simm.s32 $0x1  }
0x2: {  	[smem:$0x3F9C] =	sst lr;
	_ =	strace $0xD0000000  }
0x3: {  	_ = 	snop  }
0x4: {  	_ = 	snop  }
0x5: {  	_ = 	snop  }
0x6: {  	_ = 	snop  }
0x7: {  	_ = 	snop  }
__scs_overlays_trampoline_lowered:
0x8: {  	[smem:$0x3FAB] =	sst s0  }
0x9: {  	[smem:$0x3FAC] =	sst s1  }
0xa: {  	[smem:$0x3FAD] =	sst s2  }
0xb: {  	[smem:$0x3FAE] =	sst s3  }
0xc: {  	[smem:$0x3FAF] =	sst s4  }
0xd: {  	[smem:$0x3FB0] =	sst s5  }
0xe: {  	[smem:$0x3FB1] =	sst s6  }
0xf: {  	[smem:$0x3FB2] =	sst s7  }
0x10: {  	[smem:$0x3FB3] =	sst s8  }
0x11: {  	[smem:$0x3FB4] =	sst s9;
	s0 =	simm.s32 @!p0 $0x0  }
0x12: {  	s1 =	sld [smem:$0x3F9A];
	s0 =	simm.s32 @p0 $0x1  }
0x13: {  	[smem:$0x3FB5] =	sst s0;
	s0 =	simm.s32 @!p1 $0x0  }
0x14: {  	s2 =	sld [smem:$0x3F99];
	s0 =	simm.s32 @p1 $0x1  }
0x15: {  	[smem:$0x3FB6] =	sst s0;
	s0 =	simm.s32 @!p2 $0x0  }
0x16: {  	s3 =	sld [smem:$0x3FDB];
	s0 =	simm.s32 @p2 $0x1  }
0x17: {  	s4 =	simm.s32 $0x1BF5;
	[smem:$0x3FB8] =	sst s0  }
0x18: {  	s0 =	sld [smem:$0x3F9B];
	_ =	swait.ge [sflag:s4], $0x0  }
0x19: {  	s7 =	sld [smem:$0x3F9C]  }
0x1a: {  	s8 =	sadd.s32 $0xFFFFE003, lr  }
0x1b: {  	s9 =	sadd.s32 $0xFFFFFEF7, lr;
	s5 =	simm.s32 $0xFFFFFFFF;
	p2 =	slt.u32 s8, $0xFFFFF086  }
0x1c: {  	p1 =	slt.u32 s9, $0xF7A;
	s5 =	simm.s32 @!p2 $0x0  }
0x1d: {  	s5 =	simm.s32 @p1 $0x1;
	p0 =	seq.s32 s7, s2  }
0x1e: {  	s7 =	smul.u32 @!p0 $0xF7A, s2;
	p2 =	seq.s32 @!p0 s5, $0x0  }
0x1f: {  	s9 =	smul.u32 $0xF7A, s1;
	s8 =	simm.s32 @!p0 $0x1BF5;
	p2 =	por !p2, p0  }
0x20: {  	[sflag:s8] =	ssyncset.s32 @!p0 $0xFFFFF086;
	s6 =	sadd.s32 @!p0 s3, s7;
	s7 =	simm.s32 @!p0 $0x108  }
0x21: {  	s3 =	sadd.s32 s3, s9;
	s6 =	sadd.s32 @!p0 $0x88, s6;
	s7 =	simm.s32 @p2 $0x1082  }
0x22: {  	[simem:s7], [sflag:s8] =	dma.local @!p0 [hbm:s6], $0xF7A  }
0x23: {  	s9 =	sor.u32 $0xD0000000, s2;
	s6 =	simm.s32 $0x108;
	_ =	swait.ge @!p0 [sflag:s8], $0x0  }
0x24: {  	s3 =	sadd.s32 $0x88, s3;
	s6 =	simm.s32 @!p1 $0x1082;
	[sflag:s4] =	ssyncset.s32 $0xFFFFF086  }
0x25: {  	[simem:s6], [sflag:s4] =	dma.local [hbm:s3], $0xF7A  }
0x26: {  	[smem:$0x3F9C] =	sst s1;
	(tag) =	ssettag s2;
	_ =	strace s9  }
0x27: {  	s1 =	sld [smem:$0x3FAC]  }
0x28: {  	s2 =	sld [smem:$0x3FAD]  }
0x29: {  	s4 =	sld [smem:$0x3FAF]  }
0x2a: {  	p0 =	seq.s32 s5, $0x0;
	s5 =	sld [smem:$0x3FB0]  }
0x2b: {  	s6 =	sld [smem:$0x3FB1]  }
0x2c: {  	s7 =	sld [smem:$0x3FB2]  }
0x2d: {  	s3 =	simm.s32 $0x108;
	s8 =	sld [smem:$0x3FB3]  }
0x2e: {  	s3 =	simm.s32 @!p0 $0x1082;
	s9 =	sld [smem:$0x3FB4]  }
0x2f: {  	lr =	sadd.s32 s0, s3;
	s0 =	sld [smem:$0x3FAB]  }
0x30: {  	s3 =	sld [smem:$0x3FAE]  }
0x31: {  	[smem:$0x3FB7] =	sst s10  }
0x32: {  	s10 =	sld [smem:$0x3FB5];
	_ =	sdelay $0x3  }
0x33: {  	p0 =	seq.s32 s10, $0x1;
	s10 =	sld [smem:$0x3FB7];
	_ =	sdelay $0x3  }
0x34: {  	[smem:$0x3FB7] =	sst s10  }
0x35: {  	s10 =	sld [smem:$0x3FB6];
	_ =	sdelay $0x3  }
0x36: {  	p1 =	seq.s32 s10, $0x1;
	s10 =	sld [smem:$0x3FB7];
	_ =	sdelay $0x3  }
0x37: {  	[smem:$0x3FB7] =	sst s10  }
0x38: {  	s10 =	sld [smem:$0x3FB8]  }
0x39: {  	_ = 	snop;
	(pc) =	sbr.ind lr, $3  }
0x3a: {  	_ = 	snop  }
0x3b: {  	_ = 	snop  }
0x3c: {  	p2 =	seq.s32 s10, $0x1;
	s10 =	sld [smem:$0x3FB7]  }
0x3d: {  	_ =	shalt  }
0x3e: {  	_ =	shalt  }
0x3f: {  	_ =	shalt  }
0x40: {  	_ =	shalt  }
0x41: {  	_ =	shalt  }
0x42: {  	_ =	shalt  }
0x43: {  	_ =	shalt  }
0x44: {  	_ =	shalt  }
0x45: {  	_ =	shalt  }
0x46: {  	_ =	shalt  }
0x47: {  	_ =	shalt  }
0x48: {  	_ =	shalt  }
0x49: {  	_ =	shalt  }
0x4a: {  	_ =	shalt  }
0x4b: {  	_ =	shalt  }
0x4c: {  	_ =	shalt  }
0x4d: {  	_ =	shalt  }
0x4e: {  	_ =	shalt  }
0x4f: {  	_ =	shalt  }
0x50: {  	_ =	shalt  }
0x51: {  	_ =	shalt  }
0x52: {  	_ =	shalt  }
0x53: {  	_ =	shalt  }
0x54: {  	_ =	shalt  }
0x55: {  	_ =	shalt  }
0x56: {  	_ =	shalt  }
0x57: {  	_ =	shalt  }
0x58: {  	_ =	shalt  }
0x59: {  	_ =	shalt  }
0x5a: {  	_ =	shalt  }
0x5b: {  	_ =	shalt  }
0x5c: {  	_ =	shalt  }
0x5d: {  	_ =	shalt  }
0x5e: {  	_ =	shalt  }
0x5f: {  	_ =	shalt  }
0x60: {  	_ =	shalt  }
0x61: {  	_ =	shalt  }
0x62: {  	_ =	shalt  }
0x63: {  	_ =	shalt  }
0x64: {  	_ =	shalt  }
0x65: {  	_ =	shalt  }
0x66: {  	_ =	shalt  }
0x67: {  	_ =	shalt  }
0x68: {  	_ =	shalt  }
0x69: {  	_ =	shalt  }
0x6a: {  	_ =	shalt  }
0x6b: {  	_ =	shalt  }
0x6c: {  	_ =	shalt  }
0x6d: {  	_ =	shalt  }
0x6e: {  	_ =	shalt  }
0x6f: {  	_ =	shalt  }
0x70: {  	_ =	shalt  }
0x71: {  	_ =	shalt  }
0x72: {  	_ =	shalt  }
0x73: {  	_ =	shalt  }
0x74: {  	_ =	shalt  }
0x75: {  	_ =	shalt  }
0x76: {  	_ =	shalt  }
0x77: {  	_ =	shalt  }
0x78: {  	_ =	shalt  }
0x79: {  	_ =	shalt  }
0x7a: {  	_ =	shalt  }
0x7b: {  	_ =	shalt  }
0x7c: {  	_ =	shalt  }
0x7d: {  	_ =	shalt  }
0x7e: {  	_ =	shalt  }
0x7f: {  	_ =	shalt  }
0x80: {  	_ =	shalt  }
0x81: {  	_ =	shalt  }
0x82: {  	_ =	shalt  }
0x83: {  	_ =	shalt  }
0x84: {  	_ =	shalt  }
0x85: {  	_ =	shalt  }
0x86: {  	_ =	shalt  }
0x87: {  	_ =	shalt  }
.Lfunc_end0:
.L_simem_size_0:
called_computation_lowered:
.L_overlay_start_0:
0x88: {  	s2 =	sld [smem:$0x3FD9]  }
0x89: {  	s3 =	sld [smem:$0x3FFE];
	_ =	sdelay $0x1  }
0x8a: {  	s1 =	srdreg.scid  }
0x8b: {  	s0 =	sand.u32 $0x1, s1  }
0x8c: {  	s17 =	sshll.u32 s0, $0xA;
	s2 =	sadd.s32 s3, s2  }
0x8d: {  	s2 =	sadd.s32 s2, s17  }
0x8e: {  	[smem:$0x3FC3] =	sst s2  }
0x8f: {  	_ = 	snop  }
0x90: {  	s2 =	sld [smem:$0x3FC7]  }
0x91: {  	s18 =	sld [smem:$0x3FC5]  }
0x92: {  	s4 =	sld [smem:$0x3FD0];
	(tm) =	ssettm $0x1  }
0x93: {  	s5 =	sld [smem:$0x3FFB];
	_ =	sdelay $0x3  }
0x94: {  	_ =	strace s5  }
0x95: {  	s5 =	sld [smem:$0x3FFC];
	_ =	sdelay $0x3  }
0x96: {  	_ =	strace s5  }
0x97: {  	s5 =	sld [smem:$0x3FFD];
	_ =	sdelay $0x3  }
0x98: {  	_ =	strace s5  }
0x99: {  	_ =	strace $0x8FFFFFFF  }
0x9a: {  	s19 =	sld [smem:$0x3FDB];
	_ =	sdelay $0x1  }
0x9b: {  	s6 =	simm.s32 $_scs_section_size  }
0x9c: {  	s7 =	simm.s32 $_size__tile_overlayer_lowered;
	s8 =	simm.s32 $_tile_overlayer_lowered  }
0x9d: {  	s22 =	simm.s32 $0x1BFF;
	s21 =	sshll.u32 s8, $0x1;
	s5 =	sadd.s32 s6, s19  }
0x9e: {  	s9 =	simm.s32 $0x0;
	s20 =	sshll.u32 s7, $0x1;
	s7 =	sadd.s32 s21, s5  }
0x9f: {  	[timem:s9], [sflag:s22] =	dma.local [hbm:s7], s20  }
0xa0: {  	_ =	swait.ge [sflag:s22], s20  }
0xa1: {  	s6 =	ssub.s32 $0x0, s20;
	[sflag:s22] =	ssyncset.done $0x0  }
0xa2: {  	[sflag:s22] =	ssyncadd.s32 s6;
	_ =	sdelay $0x1  }
0xa3: {  	s23 =	simm.s32 $0x1B8B  }
0xa4: {  	_ =	swait.ge [sflag:s23], $0x1  }
0xa5: {  	[sflag:s23] =	ssyncset.done $0x0  }
0xa6: {  	s25 =	simm.s32 $0x1B8E;
	s24 =	sld [smem:$0x3FFE];
	[sflag:s23] =	ssyncadd.s32 $0xFFFFFFFF  }
0xa7: {  	s26 =	simm.s32 $execute0_lowered;
	[smem:$0x3FD2] =	sst s25  }
0xa8: {  	s7 =	sshll.u32 s26, $0x1;
	_ =	strace $0x80000046;
	[dreg:$0x1] =	wrdreg $0xFFFFFFFF  }
0xa9: {  	s28 =	simm.s32 $_size_execute0_lowered;
	s5 =	sadd.s32 s5, s7;
	[dreg:$0x0] =	wrdreg $0x0  }
0xaa: {  	s7 =	sshll.u32 s28, $0x1;
	[dreg:$0x2] =	wrdreg s5  }
0xab: {  	[dreg:$0x3] =	wrdreg s7  }
0xac: {  	[dreg:$0x4] =	wrdreg $0xC0  }
0xad: {  	_ =	task [dreg:s9], $0x5FFFF  }
0xae: {  	[dreg:$0x1] =	wrdreg $0xFFFFFFFF  }
0xaf: {  	[dreg:$0x0] =	wrdreg $0x60  }
0xb0: {  	[dreg:$0x2] =	wrdreg s24  }
0xb1: {  	[dreg:$0x3] =	wrdreg s2  }
0xb2: {  	[dreg:$0x4] =	wrdreg s18  }
0xb3: {  	[dreg:$0x5] =	wrdreg s4  }
0xb4: {  	[dreg:$0x6] =	wrdreg $0x9  }
0xb5: {  	_ =	task.clear_ibuf [dreg:s9], $0x7FFFF;
	_ =	strace $0x90000046  }
0xb6: {  	s29 =	simm.s32 $0x9;
	_ =	strace $0x80000048  }
0xb7: {  	_ =	swait.ge [sflag:s29], $0x1  }
0xb8: {  	[sflag:s29] =	ssyncadd.s32 $0xFFFFFFFF  }
0xb9: {  	_ =	strace $0x90000048  }
0xba: {  	_ =	sfence  }
0xbb: {  	s30 =	sld [smem:$0x0];
	_ =	sdelay $0x2  }
0xbc: {  	s31 =	sshll.u32 s1, $0xD;
	s1 =	sshrl.u32 s1, $0x2  }
0xbd: {  	s3 =	sand.u32 $0x4000, s31;
	s1 =	sadd.s32 s1, s30  }
0xbe: {  	s0 =	sor.u32 s3, s0;
	s1 =	sshll.u32 s1, $0x11  }
0xbf: {  	s0 =	sor.u32 s1, s0  }
0xc0: {  	s0 =	sadd.s32 $0x8F2B, s0  }
0xc1: {  	[sflag:s0] =	ssyncadd.remote.s32 $0x1  }
0xc2: {  	_ =	sfence.sel $0xFFFF  }
0xc3: {  	[dreg:$0x0] =	wrdreg $0xFFFFFFFF;
	(pc) =	sbr.abs _section_cstart, $3  }
0xc4: {  	[dreg:$0x1] =	wrdreg $0xFFFFFFFF  }
0xc5: {  	_ =	task.clear_ibuf [dreg:s9], $0x2FFFF;
	_ =	strace $0x9FFFFFFF  }
0xc6: {  	(tm) =	ssettm $0x7FFFFFFF  }
0xc7: {  	_ =	shalt  }
tec
execute0_lowered:
.L_overlay_start_1:
0x0: {  	(tag) =	ssettag $0x1  }
0x1: {  	s0 =	rddreg [dreg:$0x0]  }
0x2: {  	s1 =	rddreg [dreg:$0x1]  }
0x3: {  	s3 =	srdreg.scid;
	s4 =	stileid.u32  }
0x4: {  	s2 =	rddreg [dreg:$0x2];
	s28 =	simm.s32 $0x1;
	s29 =	simm.s32 $0x5  }
0x5: {  	s30 =	simm.s32 $0x10A00;
	s31 =	simm.s32 $0x2;
	s20 =	simm.s32 $0x3  }
0x6: {  	s21 =	simm.s32 $0x7;
	s3 =	sand.u32 $0x1, s3;
	s5 =	sshll.u32 s4, $0x1  }
0x7: {  	s4 =	rddreg [dreg:$0x3];
	s6 =	sor.u32 s3, s5;
	s5 =	sadd.s32 $0x18, s5  }
0x8: {  	s0 =	sadd.s32 $0x400, s0;
	s3 =	ssub.s32 $0x2, s3;
	s7 =	sshrl.u32 s5, $0x5  }
0x9: {  	s8 =	smul.u32 $0x1F, s6;
	s6 =	sadd.s32 $0xFFFFFFF8, s6;
	s5 =	simm.s32 $0x0  }
0xa: {  	s9 =	sshrl.u32 s3, $0x1;
	s6 =	smul.u32 s6, s7;
	[smem:$0x7FF] =	sst s5  }
0xb: {  	s22 =	ssub.s32 s3, s9;
	s9 =	sadd.s32 $0x100, s2;
	s15 =	ssub.s32 $0x1A, s7  }
0xc: {  	s16 =	sxor.u32 $0x19, s7;
	s17 =	ssub.s32 $0x18, s7;
	_ =	strace $0x80000047  }
0xd: {  	[dreg:$0x5] =	wrdreg s0;
	s0 =	smax.u32 s22, $0x1;
	s6 =	ssub.s32 s8, s6  }
0xe: {  	s8 =	sxor.u32 $0x1F, s7;
	[dreg:$0xa] =	wrdreg s0;
	s23 =	sshll.u32 s6, $0xA  }
0xf: {  	s0 =	simm.s32 $0x12A00;
	s10 =	sshll.u32 s6, $0x4;
	s3 =	sand.u32 $0x1FFFFC00, s23  }
0x10: {  	s11 =	sadd.s32 $0x10, s10;
	s12 =	sadd.s32 $0x20, s10;
	s13 =	sadd.s32 $0x30, s10  }
0x11: {  	s23 =	simm.s32 $0x4;
	s3 =	sadd.s32 s1, s3;
	s24 =	sshll.u32 s11, $0x6  }
.Ltmp0:
0x12: {  	v6 =	vlaneseq.u32;
	s25 =	sshll.u32 s12, $0x6;
	s14 =	sshll.u32 s13, $0x6;
	(pc) =	sbr.rel .LBB2_1-.Ltmp0, $4  }
0x13: {  	v1 =	vor.u32 s11, v6;
	s11 =	simm.s32 $0x0;
	[dreg:$0x6] =	wrdreg s3;
	s3 =	sadd.s32 s1, s24  }
0x14: {  	vm0 =	vmmov $0xffff;
	v5 =	vshrl.u32 v6, $0x3;
	s26 =	sadd.s32 s1, s14;
	s14 =	sxor.u32 $0x1B, s7;
	[dreg:$0x7] =	wrdreg s3  }
0x15: {  	v4 =	vand.u32 $0x7, v6;
	v5 =	vmul.u32 $0x8, v5;
	v0 =	vor.u32 s10, v6;
	s24 =	simm.s32 $0x8;
	s3 =	sadd.s32 s1, s25;
	[dreg:$0x9] =	wrdreg s26  }
0x16: {  	v2 =	vor.u32 s12, v6;
	v3 =	vor.u32 s13, v6;
	v6 =	vor.u32 $0x8, v6;
	s25 =	simm.s32 $0x16A00;
	[dreg:$0x8] =	wrdreg s3;
	s3 =	simm.s32 $0x6  }
.LBB2_15:
0x17: {  	s7 =	simm.s32 $0x9  }
0x18: {  	_ =	swait.ge [sflag:s7], $0x2000  }
0x19: {  	[sflag:s7] =	ssyncset.done $0x0  }
0x1a: {  	s19 =	simm.s32 $0xA;
	[sflag:s7] =	ssyncadd.s32 $0xFFFFE000  }
0x1b: {  	_ =	swait.ge [sflag:s19], $0x2000  }
0x1c: {  	[sflag:s19] =	ssyncset.done $0x0  }
0x1d: {  	s22 =	simm.s32 $0xB;
	[sflag:s19] =	ssyncadd.s32 $0xFFFFE000  }
0x1e: {  	_ =	swait.ge [sflag:s22], $0x2000  }
0x1f: {  	[sflag:s22] =	ssyncset.done $0x0  }
0x20: {  	s10 =	simm.s32 $0xC;
	[sflag:s22] =	ssyncadd.s32 $0xFFFFE000  }
0x21: {  	_ =	swait.ge [sflag:s10], $0x2000  }
0x22: {  	s11 =	rddreg [dreg:$0xb]  }
0x23: {  	s26 =	rddreg [dreg:$0xa];
	s11 =	sadd.s32 $0x1, s11  }
0x24: {  	p0 =	sne.s32 s11, s26  }
.Ltmp1:
0x25: {  	_ = 	snop;
	(pc) =	sbr.rel @!p0 .LBB2_16-.Ltmp1, $3  }
0x26: {  	_ =	sdelay $0x1  }
0x27: {  	[sflag:s10] =	ssyncset.done $0x0  }
0x28: {  	[sflag:s10] =	ssyncadd.s32 $0xFFFFE000  }
.LBB2_1:
0x29: {  	[dreg:$0xb] =	wrdreg s11  }
0x2a: {  	s7 =	rddreg [dreg:$0x5];
	s10 =	simm.s32 $0xD  }
0x2b: {  	[tilespmem:s5], [sflag:$0xD] =	stream.linear.gather [hbm4b:s7+s5], $0x800, $0x38;
	[tilespmem:$0x18A00] =	vst v63  }
0x2c: {  	_ =	swait.ge [sflag:s10], $0x800  }
0x2d: {  	[sflag:s10] =	ssyncset.done $0x0  }
0x2e: {  	[sflag:s10] =	ssyncadd.s32 $0xFFFFF800  }
0x2f: {  	v7 =	vld [tilespmem:$0x0]  }
0x30: {  	v8 =	vld [tilespmem:$0x80]  }
0x31: {  	v9 =	vld [tilespmem:$0x100]  }
0x32: {  	v10 =	vld [tilespmem:$0x180]  }
0x33: {  	v11 =	vld [tilespmem:$0x200]  }
0x34: {  	v12 =	vld [tilespmem:$0x280]  }
0x35: {  	v13 =	vld [tilespmem:$0x300]  }
0x36: {  	v14 =	vld [tilespmem:$0x380]  }
0x37: {  	v15 =	vld [tilespmem:$0x400]  }
0x38: {  	v16 =	vld [tilespmem:$0x480]  }
0x39: {  	v17 =	vld [tilespmem:$0x500]  }
0x3a: {  	v18 =	vld [tilespmem:$0x580]  }
0x3b: {  	v19 =	vld [tilespmem:$0x600];
	vm1 =	vlt.s32 v0, v8  }
0x3c: {  	v20 =	vld [tilespmem:$0x680];
	vm2 =	vlt.s32 v0, v9;
	v22 =	vsel vm1, v7, v8  }
0x3d: {  	v21 =	vld [tilespmem:$0x700];
	v23 =	vsel vm1, v15, v16;
	vm1 =	vlt.s32 v0, v10;
	v24 =	vsel vm2, v22, v9  }
0x3e: {  	v22 =	vld [tilespmem:$0x780];
	v23 =	vsel vm2, v23, v17;
	vm2 =	vlt.s32 v0, v11;
	v24 =	vsel vm1, v24, v10  }
0x3f: {  	v23 =	vsel vm1, v23, v18;
	vm1 =	vlt.s32 v0, v12;
	v24 =	vsel vm2, v24, v11  }
0x40: {  	v23 =	vsel vm2, v23, v19;
	vm2 =	vlt.s32 v0, v13;
	v24 =	vsel vm1, v24, v12  }
0x41: {  	v23 =	vsel vm1, v23, v20;
	vm1 =	vlt.s32 v0, v14;
	v24 =	vsel vm2, v24, v13  }
0x42: {  	v23 =	vsel vm2, v23, v21;
	v24 =	vsel vm1, v24, v14  }
0x43: {  	v23 =	vsel vm1, v23, v22;
	v24 =	vsub.s32 v0, v24  }
0x44: {  	vm1 =	vlt.s32 v24, v23  }
0x45: {  	v23 =	vsel vm1, v24, v23  }
0x46: {  	vm1 =	vgt.s32 v23, $0x0  }
0x47: {  	v23 =	vnsel vm1, $0x0, v23;
	vm1 =	vlt.s32 v1, v8  }
0x48: {  	vm2 =	vlt.s32 v1, v9;
	v23 =	vmin.u32 v23, $0x1FFF;
	v26 =	vsel vm1, v7, v8  }
0x49: {  	v27 =	vsel vm1, v15, v16;
	vm1 =	vlt.s32 v1, v10;
	v47 =	vand.u32 $0x7, v23  }
0x4a: {  	v25 =	vshll.u32 v23, $0x2;
	v26 =	vsel vm2, v26, v9;
	v27 =	vsel vm2, v27, v17  }
0x4b: {  	vm2 =	vlt.s32 v1, v11;
	v25 =	vand.u32 $0x7FE0, v25;
	v26 =	vsel vm1, v26, v10  }
0x4c: {  	v27 =	vsel vm1, v27, v18;
	vm1 =	vlt.s32 v1, v12;
	v26 =	vsel vm2, v26, v11  }
0x4d: {  	v27 =	vsel vm2, v27, v19;
	vm2 =	vlt.s32 v1, v13;
	v26 =	vsel vm1, v26, v12  }
0x4e: {  	v27 =	vsel vm1, v27, v20;
	vm1 =	vlt.s32 v1, v14;
	v26 =	vsel vm2, v26, v13  }
0x4f: {  	v24 =	vor.u32 v47, v25;
	v48 =	vsel vm2, v27, v21;
	v26 =	vsel vm1, v26, v14  }
0x50: {  	v49 =	vperm.xlane v24, v4;
	v25 =	vsel vm1, v48, v22;
	v26 =	vsub.s32 v1, v26  }
0x51: {  	v24 =	vperm.xlane v24, v6;
	vm2 =	vlt.s32 v2, v8;
	vm1 =	vlt.s32 v26, v25  }
0x52: {  	v27 =	vadd.s32 v5, v49;
	v50 =	vsel vm2, v7, v8;
	v25 =	vsel vm1, v26, v25  }
0x53: {  	v28 =	vsel vm2, v15, v16;
	vm2 =	vlt.s32 v2, v10;
	vm1 =	vgt.s32 v25, $0x0  }
0x54: {  	v24 =	vadd.s32 v5, v24;
	v25 =	vnsel vm1, $0x0, v25;
	vm1 =	vlt.s32 v2, v9  }
0x55: {  	v26 =	vsel vm1, v50, v9;
	v28 =	vsel vm1, v28, v17;
	vm1 =	vlt.s32 v2, v11  }
0x56: {  	[tilespmem:$0x800] =	vst v23;
	v23 =	vmin.u32 v25, $0x1FFF;
	v26 =	vsel vm2, v26, v10;
	v28 =	vsel vm2, v28, v18  }
0x57: {  	vm2 =	vlt.s32 v2, v12;
	v52 =	vshll.u32 v23, $0x2;
	v26 =	vsel vm1, v26, v11  }
0x58: {  	v28 =	vsel vm1, v28, v19;
	vm1 =	vlt.s32 v2, v13;
	v26 =	vsel vm2, v26, v12  }
0x59: {  	s11 =	simm.s32 $0x8A00;
	v28 =	vsel vm2, v28, v20;
	vm2 =	vlt.s32 v2, v14;
	v26 =	vsel vm1, v26, v13  }
0x5a: {  	[tilespmem:s11], [sflag:$0x5] =	stream.indirect_vreg.gather [hbm4b:s2+s5], $0x80, v27, vm0, $0xb8;
	v29 =	vand.u32 $0x7, v23;
	v28 =	vsel vm1, v28, v21;
	v26 =	vsel vm2, v26, v14;
	[tilespmem:$0x18A00] =	vst v63  }
0x5b: {  	s12 =	simm.s32 $0x9200;
	v51 =	vsel vm2, v28, v22;
	v28 =	vand.u32 $0x7FE0, v52;
	v26 =	vsub.s32 v2, v26  }
0x5c: {  	[tilespmem:s12], [sflag:$0x5] =	stream.indirect_vreg.gather [hbm4b:s9+s5], $0x80, v27, vm0, $0xb8;
	v53 =	vor.u32 v29, v28;
	vm1 =	vlt.s32 v26, v51;
	[tilespmem:$0x18A00] =	vst v63  }
0x5d: {  	s13 =	simm.s32 $0x9A00;
	v54 =	vperm.xlane v53, v4;
	v25 =	vsel vm1, v26, v51  }
0x5e: {  	[tilespmem:s13], [sflag:$0x5] =	stream.indirect_vreg.gather [hbm4b:s2+s5], $0x80, v24, vm0, $0xb8;
	v26 =	vperm.xlane v53, v6;
	vm1 =	vgt.s32 v25, $0x0;
	[tilespmem:$0x18A00] =	vst v63  }
0x5f: {  	s18 =	simm.s32 $0xA200;
	vm2 =	vlt.s32 v3, v9;
	v27 =	vadd.s32 v5, v54;
	v25 =	vnsel vm1, $0x0, v25  }
0x60: {  	[tilespmem:s18], [sflag:$0x5] =	stream.indirect_vreg.gather [hbm4b:s9+s5], $0x80, v24, vm0, $0xb8;
	v26 =	vadd.s32 v5, v26;
	vm1 =	vlt.s32 v3, v8;
	v25 =	vmin.u32 v25, $0x1FFF;
	[tilespmem:$0x18A00] =	vst v63  }
0x61: {  	s19 =	rddreg [dreg:$0x6];
	s10 =	simm.s32 $0xA00;
	v57 =	vsel vm1, v7, v8;
	v58 =	vsel vm1, v15, v16;
	v55 =	vshll.u32 v25, $0x2  }
0x62: {  	[tilespmem:s10], [sflag:$0x1] =	stream.linear.gather [hbm4b:s19+s5], $0x2000, $0x38;
	vm1 =	vlt.s32 v3, v10;
	v56 =	vand.u32 $0x7, v25;
	v28 =	vand.u32 $0x7FE0, v55;
	[tilespmem:$0x18A00] =	vst v63  }
0x63: {  	[tilespmem:$0x880] =	vst v23;
	v23 =	vsel vm2, v58, v17;
	v24 =	vor.u32 v56, v28;
	v28 =	vsel vm2, v57, v9  }
0x64: {  	s22 =	simm.s32 $0xAA00;
	v23 =	vsel vm1, v23, v18;
	vm2 =	vlt.s32 v3, v11;
	v28 =	vsel vm1, v28, v10  }
0x65: {  	[tilespmem:s22], [sflag:$0x6] =	stream.indirect_vreg.gather [hbm4b:s2+s5], $0x80, v27, vm0, $0xb8;
	vm1 =	vlt.s32 v3, v12;
	v28 =	vsel vm2, v28, v11;
	[tilespmem:$0x18A00] =	vst v63  }
0x66: {  	s26 =	simm.s32 $0xB200;
	v23 =	vsel vm2, v23, v19;
	vm2 =	vlt.s32 v3, v13;
	v28 =	vsel vm1, v28, v12  }
0x67: {  	[tilespmem:s26], [sflag:$0x6] =	stream.indirect_vreg.gather [hbm4b:s9+s5], $0x80, v27, vm0, $0xb8;
	v23 =	vsel vm1, v23, v20;
	vm1 =	vlt.s32 v3, v14;
	v59 =	vsel vm2, v28, v13;
	[tilespmem:$0x18A00] =	vst v63  }
0x68: {  	s10 =	simm.s32 $0xBA00;
	v60 =	vperm.xlane v24, v4;
	v23 =	vsel vm2, v23, v21;
	v27 =	vsel vm1, v59, v14  }
0x69: {  	[tilespmem:s10], [sflag:$0x6] =	stream.indirect_vreg.gather [hbm4b:s2+s5], $0x80, v26, vm0, $0xb8;
	v23 =	vsel vm1, v23, v22;
	v27 =	vsub.s32 v3, v27;
	[tilespmem:$0x18A00] =	vst v63  }
0x6a: {  	s11 =	simm.s32 $0xC200;
	v28 =	vadd.s32 v5, v60;
	vm1 =	vlt.s32 v27, v23  }
0x6b: {  	[tilespmem:s11], [sflag:$0x6] =	stream.indirect_vreg.gather [hbm4b:s9+s5], $0x80, v26, vm0, $0xb8;
	v23 =	vsel vm1, v27, v23;
	[tilespmem:$0x18A00] =	vst v63  }
0x6c: {  	s12 =	rddreg [dreg:$0x7];
	s13 =	simm.s32 $0x2A00;
	v24 =	vperm.xlane v24, v6;
	vm1 =	vgt.s32 v23, $0x0  }
0x6d: {  	[tilespmem:s13], [sflag:$0x2] =	stream.linear.gather [hbm4b:s12+s5], $0x2000, $0x38;
	v23 =	vnsel vm1, $0x0, v23;
	[tilespmem:$0x18A00] =	vst v63  }
0x6e: {  	s18 =	simm.s32 $0xCA00;
	v24 =	vadd.s32 v5, v24;
	[tilespmem:$0x900] =	vst v25;
	v23 =	vmin.u32 v23, $0x1FFF  }
0x6f: {  	[tilespmem:s18], [sflag:$0x7] =	stream.indirect_vreg.gather [hbm4b:s2+s5], $0x80, v28, vm0, $0xb8;
	v61 =	vshll.u32 v23, $0x2;
	[tilespmem:$0x18A00] =	vst v63  }
0x70: {  	s19 =	simm.s32 $0xD200;
	v62 =	vand.u32 $0x7, v23;
	v25 =	vand.u32 $0x7FE0, v61  }
0x71: {  	[tilespmem:s19], [sflag:$0x7] =	stream.indirect_vreg.gather [hbm4b:s9+s5], $0x80, v28, vm0, $0xb8;
	v25 =	vor.u32 v62, v25;
	[tilespmem:$0x18A00] =	vst v63  }
0x72: {  	s22 =	simm.s32 $0xDA00;
	v26 =	vperm.xlane v25, v4  }
0x73: {  	[tilespmem:s22], [sflag:$0x7] =	stream.indirect_vreg.gather [hbm4b:s2+s5], $0x80, v24, vm0, $0xb8;
	[tilespmem:$0x18A00] =	vst v63  }
0x74: {  	s26 =	simm.s32 $0xE200;
	v26 =	vadd.s32 v5, v26  }
0x75: {  	[tilespmem:s26], [sflag:$0x7] =	stream.indirect_vreg.gather [hbm4b:s9+s5], $0x80, v24, vm0, $0xb8;
	[tilespmem:$0x18A00] =	vst v63  }
0x76: {  	s10 =	rddreg [dreg:$0x8];
	s11 =	simm.s32 $0x4A00;
	v63 =	vperm.xlane v25, v6  }
0x77: {  	[tilespmem:s11], [sflag:$0x3] =	stream.linear.gather [hbm4b:s10+s5], $0x2000, $0x38;
	[tilespmem:$0x18A00] =	vst v63  }
0x78: {  	s12 =	simm.s32 $0xEA00;
	[tilespmem:$0x980] =	vst v23;
	v23 =	vadd.s32 v5, v63  }
0x79: {  	[tilespmem:s12], [sflag:$0x8] =	stream.indirect_vreg.gather [hbm4b:s2+s5], $0x80, v26, vm0, $0xb8;
	[tilespmem:$0x18A00] =	vst v63  }
0x7a: {  	s13 =	simm.s32 $0xF200  }
0x7b: {  	[tilespmem:s13], [sflag:$0x8] =	stream.indirect_vreg.gather [hbm4b:s9+s5], $0x80, v26, vm0, $0xb8;
	[tilespmem:$0x18A00] =	vst v63  }
0x7c: {  	s18 =	simm.s32 $0xFA00  }
0x7d: {  	[tilespmem:s18], [sflag:$0x8] =	stream.indirect_vreg.gather [hbm4b:s2+s5], $0x80, v23, vm0, $0xb8;
	[tilespmem:$0x18A00] =	vst v63  }
.Ltmp2:
0x7e: {  	_ = 	snop;
	(pc) =	sbr.rel .LBB2_2-.Ltmp2, $4  }
0x7f: {  	s19 =	simm.s32 $0x10200  }
0x80: {  	[tilespmem:s19], [sflag:$0x8] =	stream.indirect_vreg.gather [hbm4b:s9+s5], $0x80, v23, vm0, $0xb8;
	[tilespmem:$0x18A00] =	vst v63  }
0x81: {  	s22 =	rddreg [dreg:$0x9];
	s26 =	simm.s32 $0x6A00;
	s13 =	simm.s32 $0x0  }
0x82: {  	[tilespmem:s26], [sflag:$0x4] =	stream.linear.gather [hbm4b:s22+s5], $0x2000, $0x38;
	[tilespmem:$0x18A00] =	vst v63  }
.LBB2_14:
0x83: {  	s13 =	sadd.s32 $0x1, s13  }
0x84: {  	p0 =	sne.s32 s13, $0x8  }
.Ltmp3:
0x85: {  	_ = 	snop;
	(pc) =	sbr.rel @!p0 .LBB2_15-.Ltmp3, $1  }
0x86: {  	_ =	sdelay $0x3  }
.LBB2_2:
0x87: {  	_ =	swait.ge [sflag:s28], $0x2000  }
0x88: {  	[sflag:s28] =	ssyncset.done $0x0  }
0x89: {  	[sflag:s28] =	ssyncadd.s32 $0xFFFFE000  }
0x8a: {  	_ =	swait.ge [sflag:s29], $0x2000  }
0x8b: {  	p0 =	seq.s32 s13, $0x0;
	[sflag:s29] =	ssyncset.done $0x0  }
0x8c: {  	s7 =	simm.s32 @!p0 $0x9;
	[sflag:s29] =	ssyncadd.s32 $0xFFFFE000  }
0x8d: {  	s10 =	simm.s32 $0x0;
	_ =	swait.ge @!p0 [sflag:s7], $0x2000  }
0x8e: {  	s11 =	sand.u32 $0x1000, s10;
	s10 =	sand.u32 $0x380, s10;
	[sflag:s7] =	ssyncset.done @!p0 $0x0  }
0x8f: {  	s26 =	sor.u32 s10, s11;
	[sflag:s7] =	ssyncadd.s32 @!p0 $0xFFFFE000  }
0x90: {  	v23 =	vld [tilespmem:s26+$0x1670]  }
0x91: {  	v24 =	vld [tilespmem:s26+$0xA00]  }
0x92: {  	v25 =	vld [tilespmem:s26+$0x9670]  }
0x93: {  	v26 =	vld [tilespmem:s26+$0xA10]  }
0x94: {  	v27 =	vld [tilespmem:s26+$0xA20]  }
0x95: {  	v28 =	vld [tilespmem:s26+$0xA30]  }
0x96: {  	v29 =	vld [tilespmem:s26+$0xA40]  }
0x97: {  	v30 =	vld [tilespmem:s26+$0xA50]  }
0x98: {  	v31 =	vld [tilespmem:s26+$0xA70]  }
0x99: {  	v32 =	vld [tilespmem:s26+$0xE10]  }
0x9a: {  	v33 =	vld [tilespmem:s26+$0xE20]  }
0x9b: {  	v34 =	vld [tilespmem:s26+$0xE30]  }
0x9c: {  	v35 =	vld [tilespmem:s26+$0xE40]  }
0x9d: {  	v36 =	vld [tilespmem:s26+$0xE50]  }
0x9e: {  	v37 =	vld [tilespmem:s26+$0xE60]  }
0x9f: {  	v38 =	vld [tilespmem:s26+$0xE70]  }
0xa0: {  	v39 =	vld [tilespmem:s26+$0x1200]  }
0xa1: {  	v40 =	vld [tilespmem:s26+$0x1210]  }
0xa2: {  	v41 =	vld [tilespmem:s26+$0x1220]  }
0xa3: {  	v42 =	vld [tilespmem:s26+$0x1230]  }
0xa4: {  	v43 =	vld [tilespmem:s26+$0x1240]  }
0xa5: {  	v44 =	vld [tilespmem:s26+$0x1250]  }
0xa6: {  	v45 =	vld [tilespmem:s26+$0x1260]  }
0xa7: {  	v46 =	vld [tilespmem:s26+$0x1270]  }
0xa8: {  	v47 =	vld [tilespmem:s26+$0x1600]  }
0xa9: {  	v48 =	vld [tilespmem:s26+$0x1610]  }
0xaa: {  	v49 =	vld [tilespmem:s26+$0x1620]  }
0xab: {  	v50 =	vld [tilespmem:s26+$0x1630]  }
0xac: {  	v51 =	vld [tilespmem:s26+$0x1640]  }
0xad: {  	v54 =	vld [tilespmem:s26+$0x8A00]  }
0xae: {  	v55 =	vld [tilespmem:s26+$0x8A10]  }
0xaf: {  	v56 =	vld [tilespmem:s26+$0x8A20]  }
0xb0: {  	v57 =	vld [tilespmem:s26+$0x8A30]  }
0xb1: {  	v58 =	vld [tilespmem:s26+$0x8A40];
	v23 =	vmul.f32 $2.262741660e+01, v23  }
0xb2: {  	v63 =	vld [tilespmem:s26+$0x8A50];
	v24 =	vmul.f32 $2.262741660e+01, v24  }
0xb3: {  	v26 =	vmul.f32 $2.262741660e+01, v26;
	v23 =	vadd.f32 v25, v23;
	v25 =	vld [tilespmem:s26+$0xA60]  }
0xb4: {  	v59 =	vld [tilespmem:s26+$0x8A60];
	v27 =	vmul.f32 $2.262741660e+01, v27;
	v24 =	vadd.f32 v54, v24  }
0xb5: {  	v28 =	vmul.f32 $2.262741660e+01, v28;
	v26 =	vadd.f32 v55, v26;
	[tilespmem:s26+$0x11670] =	vst v23;
	v23 =	vld [tilespmem:s26+$0xE00]  }
0xb6: {  	v29 =	vmul.f32 $2.262741660e+01, v29;
	v27 =	vadd.f32 v56, v27;
	[tilespmem:s26+$0x10A00] =	vst v24;
	v24 =	vld [tilespmem:s26+$0x8A70]  }
0xb7: {  	v30 =	vmul.f32 $2.262741660e+01, v30;
	v28 =	vadd.f32 v57, v28;
	[tilespmem:s26+$0x10A10] =	vst v26;
	v26 =	vld [tilespmem:s26+$0x8E00]  }
0xb8: {  	v29 =	vadd.f32 v58, v29;
	[tilespmem:s26+$0x10A20] =	vst v27;
	v27 =	vld [tilespmem:s26+$0x8E10];
	v25 =	vmul.f32 $2.262741660e+01, v25  }
0xb9: {  	v31 =	vmul.f32 $2.262741660e+01, v31;
	v30 =	vadd.f32 v63, v30;
	[tilespmem:s26+$0x10A30] =	vst v28;
	v28 =	vld [tilespmem:s26+$0x8E20]  }
0xba: {  	[tilespmem:s26+$0x10A40] =	vst v29;
	v29 =	vld [tilespmem:s26+$0x8E30];
	v25 =	vadd.f32 v59, v25;
	v23 =	vmul.f32 $2.262741660e+01, v23  }
0xbb: {  	[tilespmem:s26+$0x10A50] =	vst v30;
	v30 =	vld [tilespmem:s26+$0x8E40];
	v24 =	vadd.f32 v24, v31;
	v31 =	vmul.f32 $2.262741660e+01, v32  }
0xbc: {  	[tilespmem:s26+$0x10A60] =	vst v25;
	v25 =	vld [tilespmem:s26+$0x8E50];
	v23 =	vadd.f32 v26, v23;
	v26 =	vmul.f32 $2.262741660e+01, v33  }
0xbd: {  	[tilespmem:s26+$0x10A70] =	vst v24;
	v24 =	vld [tilespmem:s26+$0x8E60];
	v27 =	vadd.f32 v27, v31;
	v31 =	vmul.f32 $2.262741660e+01, v34  }
0xbe: {  	[tilespmem:s26+$0x10E00] =	vst v23;
	v23 =	vld [tilespmem:s26+$0x8E70];
	v26 =	vadd.f32 v28, v26;
	v28 =	vmul.f32 $2.262741660e+01, v35  }
0xbf: {  	[tilespmem:s26+$0x10E10] =	vst v27;
	v27 =	vld [tilespmem:s26+$0x9200];
	v29 =	vadd.f32 v29, v31;
	v31 =	vmul.f32 $2.262741660e+01, v36  }
0xc0: {  	v52 =	vld [tilespmem:s26+$0x1650];
	v28 =	vadd.f32 v30, v28;
	v30 =	vmul.f32 $2.262741660e+01, v37  }
0xc1: {  	[tilespmem:s26+$0x10E20] =	vst v26;
	v26 =	vld [tilespmem:s26+$0x9210];
	v25 =	vadd.f32 v25, v31  }
0xc2: {  	[tilespmem:s26+$0x10E30] =	vst v29;
	v29 =	vld [tilespmem:s26+$0x9220];
	v31 =	vmul.f32 $2.262741660e+01, v38;
	v24 =	vadd.f32 v24, v30;
	v30 =	vmul.f32 $2.262741660e+01, v39  }
0xc3: {  	[tilespmem:s26+$0x10E40] =	vst v28;
	v28 =	vld [tilespmem:s26+$0x9230]  }
0xc4: {  	v53 =	vld [tilespmem:s26+$0x1660];
	[tilespmem:s26+$0x10E50] =	vst v25;
	v23 =	vadd.f32 v23, v31;
	v31 =	vmul.f32 $2.262741660e+01, v40;
	v27 =	vadd.f32 v27, v30  }
0xc5: {  	v25 =	vld [tilespmem:s26+$0x9240];
	[tilespmem:s26+$0x10E60] =	vst v24;
	v30 =	vmul.f32 $2.262741660e+01, v41  }
0xc6: {  	v24 =	vld [tilespmem:s26+$0x9250];
	v26 =	vadd.f32 v26, v31;
	[tilespmem:s26+$0x11200] =	vst v27;
	v27 =	vmul.f32 $2.262741660e+01, v42  }
0xc7: {  	[tilespmem:s26+$0x10E70] =	vst v23;
	v23 =	vld [tilespmem:s26+$0x9260];
	v29 =	vadd.f32 v29, v30  }
0xc8: {  	v59 =	vld [tilespmem:s26+$0x9270];
	[tilespmem:s26+$0x11210] =	vst v26;
	v26 =	vmul.f32 $2.262741660e+01, v43;
	v27 =	vadd.f32 v28, v27  }
0xc9: {  	v60 =	vld [tilespmem:s26+$0x9600];
	[tilespmem:s26+$0x11220] =	vst v29;
	v28 =	vmul.f32 $2.262741660e+01, v44  }
0xca: {  	v29 =	vld [tilespmem:s26+$0x9610];
	v25 =	vadd.f32 v25, v26;
	[tilespmem:s26+$0x11230] =	vst v27;
	v27 =	vmul.f32 $2.262741660e+01, v45  }
0xcb: {  	v61 =	vmul.f32 $2.262741660e+01, v46;
	v62 =	vmul.f32 $2.262741660e+01, v47;
	v30 =	vld [tilespmem:s26+$0x9620];
	v24 =	vadd.f32 v24, v28  }
0xcc: {  	s18 =	sshll.u32 s13, $0x2;
	s22 =	simm.s32 $0x200;
	v31 =	vld [tilespmem:s26+$0x9630];
	v26 =	vmul.f32 $2.262741660e+01, v49;
	v28 =	vmul.f32 $2.262741660e+01, v48;
	[tilespmem:s26+$0x11240] =	vst v25;
	v63 =	vadd.f32 v23, v27  }
0xcd: {  	s19 =	sadd.s32 s6, s18;
	s12 =	sand.u32 $0x1000, s22;
	s10 =	simm.s32 $0x80;
	v32 =	vld [tilespmem:s26+$0x9640];
	v34 =	vadd.f32 v59, v61;
	v25 =	vmul.f32 $2.262741660e+01, v52;
	[tilespmem:s26+$0x11250] =	vst v24;
	v27 =	vmul.f32 $2.262741660e+01, v50  }
0xce: {  	s11 =	simm.s32 $0x400;
	s22 =	sand.u32 $0x380, s10;
	s7 =	sshll.u32 s19, $0x4;
	v33 =	vld [tilespmem:s26+$0x9650];
	v35 =	vadd.f32 v60, v62;
	v24 =	vmul.f32 $2.262741660e+01, v51;
	v23 =	vmul.f32 $2.262741660e+01, v53;
	[tilespmem:s26+$0x11260] =	vst v63  }
.LBB2_3:
0xcf: {  	p1 =	sne.s32 s11, $0x1E00;
	s12 =	sor.u32 s22, s12;
	[tilespmem:s26+$0x11270] =	vst v34;
	v28 =	vadd.f32 v29, v28;
	v29 =	vld [tilespmem:s26+$0x9660]  }
0xd0: {  	v34 =	vld [tilespmem:s12+$0x1670];
	[tilespmem:s26+$0x11600] =	vst v35;
	v26 =	vadd.f32 v30, v26  }
0xd1: {  	v30 =	vld [tilespmem:s12+$0xA00];
	[tilespmem:s26+$0x11610] =	vst v28;
	v27 =	vadd.f32 v31, v27  }
0xd2: {  	v28 =	vld [tilespmem:s12+$0x9670];
	[tilespmem:s26+$0x11620] =	vst v26;
	v24 =	vadd.f32 v32, v24  }
0xd3: {  	v26 =	vld [tilespmem:s12+$0xA10];
	[tilespmem:s26+$0x11630] =	vst v27;
	v25 =	vadd.f32 v33, v25  }
0xd4: {  	v27 =	vld [tilespmem:s12+$0xA20];
	[tilespmem:s26+$0x11640] =	vst v24;
	v23 =	vadd.f32 v29, v23  }
0xd5: {  	v24 =	vld [tilespmem:s12+$0xA30];
	v29 =	vmul.f32 $2.262741660e+01, v34;
	[tilespmem:s26+$0x11650] =	vst v25  }
0xd6: {  	v30 =	vmul.f32 $2.262741660e+01, v30;
	v25 =	vld [tilespmem:s12+$0xA40];
	[tilespmem:s26+$0x11660] =	vst v23;
	s26 =	smov.u32 s12  }
0xd7: {  	v23 =	vld [tilespmem:s26+$0xA50];
	v28 =	vadd.f32 v28, v29  }
0xd8: {  	v29 =	vmul.f32 $2.262741660e+01, v26;
	v26 =	vld [tilespmem:s26+$0xA60]  }
0xd9: {  	v31 =	vmul.f32 $2.262741660e+01, v27;
	v27 =	vld [tilespmem:s26+$0xA70];
	[tilespmem:s26+$0x11670] =	vst v28  }
0xda: {  	v32 =	vmul.f32 $2.262741660e+01, v24;
	v24 =	vld [tilespmem:s26+$0xE00]  }
0xdb: {  	v33 =	vmul.f32 $2.262741660e+01, v25;
	v25 =	vld [tilespmem:s26+$0xE10]  }
0xdc: {  	v34 =	vmul.f32 $2.262741660e+01, v23;
	v23 =	vld [tilespmem:s26+$0xE20]  }
0xdd: {  	v35 =	vmul.f32 $2.262741660e+01, v26;
	v26 =	vld [tilespmem:s26+$0xE30]  }
0xde: {  	v36 =	vmul.f32 $2.262741660e+01, v27;
	v27 =	vld [tilespmem:s26+$0xE40]  }
0xdf: {  	v37 =	vmul.f32 $2.262741660e+01, v24;
	v24 =	vld [tilespmem:s26+$0xE50]  }
0xe0: {  	v38 =	vmul.f32 $2.262741660e+01, v25;
	v25 =	vld [tilespmem:s26+$0xE60]  }
0xe1: {  	v39 =	vmul.f32 $2.262741660e+01, v23;
	v23 =	vld [tilespmem:s26+$0xE70]  }
0xe2: {  	v40 =	vmul.f32 $2.262741660e+01, v26;
	v26 =	vld [tilespmem:s26+$0x1200]  }
0xe3: {  	v41 =	vmul.f32 $2.262741660e+01, v27;
	v27 =	vld [tilespmem:s26+$0x1210]  }
0xe4: {  	v42 =	vmul.f32 $2.262741660e+01, v24;
	v24 =	vld [tilespmem:s26+$0x1220]  }
0xe5: {  	v43 =	vmul.f32 $2.262741660e+01, v25;
	v25 =	vld [tilespmem:s26+$0x1230]  }
0xe6: {  	v44 =	vmul.f32 $2.262741660e+01, v23;
	v23 =	vld [tilespmem:s26+$0x1240]  }
0xe7: {  	v45 =	vmul.f32 $2.262741660e+01, v26;
	v26 =	vld [tilespmem:s26+$0x1250]  }
0xe8: {  	v46 =	vmul.f32 $2.262741660e+01, v27;
	v27 =	vld [tilespmem:s26+$0x1260]  }
0xe9: {  	v47 =	vmul.f32 $2.262741660e+01, v24;
	v24 =	vld [tilespmem:s26+$0x1270]  }
0xea: {  	v48 =	vmul.f32 $2.262741660e+01, v25;
	v25 =	vld [tilespmem:s26+$0x1600]  }
0xeb: {  	v49 =	vmul.f32 $2.262741660e+01, v23;
	v23 =	vld [tilespmem:s26+$0x1610]  }
0xec: {  	v50 =	vmul.f32 $2.262741660e+01, v26;
	v26 =	vld [tilespmem:s26+$0x1620]  }
0xed: {  	v51 =	vmul.f32 $2.262741660e+01, v27;
	v27 =	vld [tilespmem:s26+$0x1630]  }
0xee: {  	v52 =	vmul.f32 $2.262741660e+01, v24;
	v24 =	vld [tilespmem:s26+$0x1640]  }
0xef: {  	v53 =	vmul.f32 $2.262741660e+01, v25;
	v25 =	vld [tilespmem:s26+$0x1650]  }
0xf0: {  	v28 =	vmul.f32 $2.262741660e+01, v23;
	v23 =	vld [tilespmem:s26+$0x1660]  }
0xf1: {  	v54 =	vld [tilespmem:s26+$0x8A00];
	v26 =	vmul.f32 $2.262741660e+01, v26  }
0xf2: {  	v55 =	vld [tilespmem:s26+$0x8A10];
	v27 =	vmul.f32 $2.262741660e+01, v27  }
0xf3: {  	v56 =	vld [tilespmem:s26+$0x8A20];
	v24 =	vmul.f32 $2.262741660e+01, v24  }
0xf4: {  	v57 =	vld [tilespmem:s26+$0x8A30];
	v25 =	vmul.f32 $2.262741660e+01, v25  }
0xf5: {  	v58 =	vld [tilespmem:s26+$0x8A40];
	v23 =	vmul.f32 $2.262741660e+01, v23  }
0xf6: {  	v30 =	vadd.f32 v54, v30;
	v54 =	vld [tilespmem:s26+$0x8A50]  }
0xf7: {  	v29 =	vadd.f32 v55, v29;
	v55 =	vld [tilespmem:s26+$0x8A60]  }
0xf8: {  	[tilespmem:s26+$0x10A00] =	vst v30;
	v30 =	vadd.f32 v56, v31;
	v31 =	vld [tilespmem:s26+$0x8A70]  }
0xf9: {  	[tilespmem:s26+$0x10A10] =	vst v29;
	v29 =	vadd.f32 v57, v32;
	v32 =	vld [tilespmem:s26+$0x8E00]  }
0xfa: {  	[tilespmem:s26+$0x10A20] =	vst v30;
	v30 =	vadd.f32 v58, v33;
	v33 =	vld [tilespmem:s26+$0x8E10]  }
0xfb: {  	[tilespmem:s26+$0x10A30] =	vst v29;
	v29 =	vadd.f32 v54, v34;
	v34 =	vld [tilespmem:s26+$0x8E20]  }
0xfc: {  	[tilespmem:s26+$0x10A40] =	vst v30;
	v30 =	vadd.f32 v55, v35;
	v35 =	vld [tilespmem:s26+$0x8E30]  }
0xfd: {  	[tilespmem:s26+$0x10A50] =	vst v29;
	v29 =	vadd.f32 v31, v36;
	v31 =	vld [tilespmem:s26+$0x8E40]  }
0xfe: {  	[tilespmem:s26+$0x10A60] =	vst v30;
	v30 =	vadd.f32 v32, v37;
	v32 =	vld [tilespmem:s26+$0x8E50]  }
0xff: {  	[tilespmem:s26+$0x10A70] =	vst v29;
	v29 =	vadd.f32 v33, v38;
	v33 =	vld [tilespmem:s26+$0x8E60]  }
0x100: {  	[tilespmem:s26+$0x10E00] =	vst v30;
	v30 =	vadd.f32 v34, v39;
	v34 =	vld [tilespmem:s26+$0x8E70]  }
0x101: {  	[tilespmem:s26+$0x10E10] =	vst v29;
	v29 =	vadd.f32 v35, v40;
	v35 =	vld [tilespmem:s26+$0x9200]  }
0x102: {  	[tilespmem:s26+$0x10E20] =	vst v30;
	v30 =	vadd.f32 v31, v41;
	v31 =	vld [tilespmem:s26+$0x9210]  }
0x103: {  	[tilespmem:s26+$0x10E30] =	vst v29;
	v29 =	vadd.f32 v32, v42;
	v32 =	vld [tilespmem:s26+$0x9220]  }
0x104: {  	[tilespmem:s26+$0x10E40] =	vst v30;
	v30 =	vadd.f32 v33, v43;
	v33 =	vld [tilespmem:s26+$0x9230]  }
0x105: {  	[tilespmem:s26+$0x10E50] =	vst v29;
	v29 =	vadd.f32 v34, v44;
	v34 =	vld [tilespmem:s26+$0x9240]  }
0x106: {  	[tilespmem:s26+$0x10E60] =	vst v30;
	v30 =	vadd.f32 v35, v45;
	v35 =	vld [tilespmem:s26+$0x9250]  }
0x107: {  	[tilespmem:s26+$0x10E70] =	vst v29;
	v29 =	vadd.f32 v31, v46;
	v31 =	vld [tilespmem:s26+$0x9260]  }
0x108: {  	[tilespmem:s26+$0x11200] =	vst v30;
	v30 =	vadd.f32 v32, v47;
	v32 =	vld [tilespmem:s26+$0x9270]  }
0x109: {  	[tilespmem:s26+$0x11210] =	vst v29;
	v33 =	vadd.f32 v33, v48;
	v36 =	vld [tilespmem:s26+$0x9600]  }
.Ltmp4:
0x10a: {  	[tilespmem:s26+$0x11220] =	vst v30;
	v34 =	vadd.f32 v34, v49;
	v29 =	vld [tilespmem:s26+$0x9610];
	(pc) =	sbr.rel @p1 .LBB2_3-.Ltmp4, $4  }
0x10b: {  	[tilespmem:s26+$0x11230] =	vst v33;
	v33 =	vadd.f32 v35, v50;
	v30 =	vld [tilespmem:s26+$0x9620]  }
0x10c: {  	[tilespmem:s26+$0x11240] =	vst v34;
	v35 =	vadd.f32 v31, v51;
	v31 =	vld [tilespmem:s26+$0x9630]  }
0x10d: {  	s10 =	sadd.s32 $0x80, s10;
	[tilespmem:s26+$0x11250] =	vst v33;
	v34 =	vadd.f32 v32, v52;
	v32 =	vld [tilespmem:s26+$0x9640]  }
0x10e: {  	s22 =	sand.u32 $0x380, s10;
	s12 =	sand.u32 $0x1000, s11;
	s11 =	sadd.s32 $0x200, s11;
	[tilespmem:s26+$0x11260] =	vst v35;
	v35 =	vadd.f32 v36, v53;
	v33 =	vld [tilespmem:s26+$0x9650]  }
0x10f: {  	[tilespmem:s26+$0x11270] =	vst v34;
	s10 =	sor.u32 s22, s12;
	v60 =	vld [tilespmem:s26+$0x9660];
	v28 =	vadd.f32 v29, v28  }
0x110: {  	v36 =	vld [tilespmem:s10+$0x1670];
	[tilespmem:s26+$0x11600] =	vst v35;
	v26 =	vadd.f32 v30, v26  }
0x111: {  	v29 =	vld [tilespmem:s10+$0xA00];
	[tilespmem:s26+$0x11610] =	vst v28;
	v27 =	vadd.f32 v31, v27  }
0x112: {  	v28 =	vld [tilespmem:s10+$0x9670];
	[tilespmem:s26+$0x11620] =	vst v26;
	v24 =	vadd.f32 v32, v24  }
0x113: {  	v26 =	vld [tilespmem:s10+$0xA10];
	[tilespmem:s26+$0x11630] =	vst v27;
	v25 =	vadd.f32 v33, v25  }
0x114: {  	v27 =	vld [tilespmem:s10+$0xA20];
	[tilespmem:s26+$0x11640] =	vst v24;
	v23 =	vadd.f32 v60, v23  }
0x115: {  	v24 =	vld [tilespmem:s10+$0xA30];
	[tilespmem:s26+$0x11650] =	vst v25  }
0x116: {  	v25 =	vld [tilespmem:s10+$0xA40];
	[tilespmem:s26+$0x11660] =	vst v23  }
0x117: {  	v23 =	vld [tilespmem:s10+$0xA50]  }
0x118: {  	v30 =	vld [tilespmem:s10+$0xA60]  }
0x119: {  	v31 =	vld [tilespmem:s10+$0xA70]  }
0x11a: {  	v32 =	vld [tilespmem:s10+$0xE00]  }
0x11b: {  	v33 =	vld [tilespmem:s10+$0xE10]  }
0x11c: {  	v34 =	vld [tilespmem:s10+$0xE20]  }
0x11d: {  	v35 =	vld [tilespmem:s10+$0xE30]  }
0x11e: {  	v37 =	vld [tilespmem:s10+$0xE40]  }
0x11f: {  	v38 =	vld [tilespmem:s10+$0xE50]  }
0x120: {  	v39 =	vld [tilespmem:s10+$0xE60]  }
0x121: {  	v40 =	vld [tilespmem:s10+$0xE70]  }
0x122: {  	v41 =	vld [tilespmem:s10+$0x1200]  }
0x123: {  	v42 =	vld [tilespmem:s10+$0x1210]  }
0x124: {  	v43 =	vld [tilespmem:s10+$0x1220]  }
0x125: {  	v44 =	vld [tilespmem:s10+$0x1230]  }
0x126: {  	v45 =	vld [tilespmem:s10+$0x1240]  }
0x127: {  	v46 =	vld [tilespmem:s10+$0x1250]  }
0x128: {  	v47 =	vld [tilespmem:s10+$0x1260]  }
0x129: {  	v48 =	vld [tilespmem:s10+$0x1270]  }
0x12a: {  	v49 =	vld [tilespmem:s10+$0x1600]  }
0x12b: {  	v50 =	vld [tilespmem:s10+$0x1610]  }
0x12c: {  	v51 =	vld [tilespmem:s10+$0x8A00]  }
0x12d: {  	v52 =	vld [tilespmem:s10+$0x8A10]  }
0x12e: {  	v53 =	vld [tilespmem:s10+$0x8A20]  }
0x12f: {  	v54 =	vld [tilespmem:s10+$0x8A30]  }
0x130: {  	v55 =	vld [tilespmem:s10+$0x8A40]  }
0x131: {  	v36 =	vmul.f32 $2.262741660e+01, v36;
	v56 =	vld [tilespmem:s10+$0x8A50]  }
0x132: {  	v29 =	vmul.f32 $2.262741660e+01, v29;
	v57 =	vld [tilespmem:s10+$0x8A60];
	v26 =	vmul.f32 $2.262741660e+01, v26  }
0x133: {  	v58 =	vld [tilespmem:s10+$0x8A70];
	v27 =	vmul.f32 $2.262741660e+01, v27;
	v24 =	vmul.f32 $2.262741660e+01, v24  }
0x134: {  	v59 =	vld [tilespmem:s10+$0x8E00];
	v25 =	vmul.f32 $2.262741660e+01, v25;
	v23 =	vmul.f32 $2.262741660e+01, v23  }
0x135: {  	v60 =	vld [tilespmem:s10+$0x8E10];
	v30 =	vmul.f32 $2.262741660e+01, v30;
	v31 =	vmul.f32 $2.262741660e+01, v31  }
0x136: {  	v28 =	vadd.f32 v28, v36;
	v36 =	vld [tilespmem:s10+$0x8E20];
	v32 =	vmul.f32 $2.262741660e+01, v32;
	v33 =	vmul.f32 $2.262741660e+01, v33  }
0x137: {  	v34 =	vmul.f32 $2.262741660e+01, v34;
	v35 =	vmul.f32 $2.262741660e+01, v35;
	v29 =	vadd.f32 v51, v29;
	v51 =	vld [tilespmem:s10+$0x8E30]  }
0x138: {  	[tilespmem:s10+$0x11670] =	vst v28;
	v28 =	vmul.f32 $2.262741660e+01, v37;
	v37 =	vmul.f32 $2.262741660e+01, v38;
	v26 =	vadd.f32 v52, v26;
	v38 =	vld [tilespmem:s10+$0x8E40]  }
0x139: {  	v39 =	vmul.f32 $2.262741660e+01, v39;
	v40 =	vmul.f32 $2.262741660e+01, v40;
	v27 =	vadd.f32 v53, v27;
	[tilespmem:s10+$0x10A00] =	vst v29;
	v29 =	vld [tilespmem:s10+$0x8E50]  }
0x13a: {  	v41 =	vmul.f32 $2.262741660e+01, v41;
	v42 =	vmul.f32 $2.262741660e+01, v42;
	v24 =	vadd.f32 v54, v24;
	[tilespmem:s10+$0x10A10] =	vst v26;
	v26 =	vld [tilespmem:s10+$0x8E60]  }
0x13b: {  	v43 =	vmul.f32 $2.262741660e+01, v43;
	v44 =	vmul.f32 $2.262741660e+01, v44;
	v25 =	vadd.f32 v55, v25;
	[tilespmem:s10+$0x10A20] =	vst v27;
	v27 =	vld [tilespmem:s10+$0x8E70]  }
0x13c: {  	v45 =	vmul.f32 $2.262741660e+01, v45;
	v46 =	vmul.f32 $2.262741660e+01, v46;
	[tilespmem:s10+$0x10A30] =	vst v24;
	v23 =	vadd.f32 v56, v23;
	v24 =	vld [tilespmem:s10+$0x9200]  }
0x13d: {  	v47 =	vmul.f32 $2.262741660e+01, v47;
	[tilespmem:s10+$0x10A40] =	vst v25;
	v25 =	vadd.f32 v57, v30;
	v30 =	vadd.f32 v58, v31;
	v31 =	vld [tilespmem:s10+$0x9210]  }
0x13e: {  	v61 =	vld [tilespmem:s10+$0x1620];
	v48 =	vmul.f32 $2.262741660e+01, v48;
	v62 =	vadd.f32 v60, v33;
	[tilespmem:s10+$0x10A50] =	vst v23;
	v23 =	vadd.f32 v59, v32  }
0x13f: {  	p1 =	sge.u32 s18, s14;
	v63 =	vld [tilespmem:s10+$0x1630];
	v49 =	vmul.f32 $2.262741660e+01, v49;
	[tilespmem:s10+$0x10A60] =	vst v25;
	v25 =	vadd.f32 v36, v34;
	v53 =	vadd.f32 v51, v35  }
0x140: {  	s7 =	sadd.s32 @!p1 $0x40, s7;
	v54 =	vld [tilespmem:s10+$0x1640];
	[tilespmem:s10+$0x10A70] =	vst v30;
	v28 =	vadd.f32 v38, v28;
	v30 =	vlaneseq.u32 @!p1;
	v29 =	vadd.f32 v29, v37  }
0x141: {  	v55 =	vld [tilespmem:s10+$0x1650];
	[tilespmem:s10+$0x10E00] =	vst v23;
	v23 =	vadd.f32 v26, v39;
	v26 =	vadd.f32 v27, v40;
	v27 =	vor.u32 @!p1 s7, v30  }
0x142: {  	v56 =	vld [tilespmem:s10+$0x1660];
	[tilespmem:s10+$0x10E10] =	vst v62;
	v24 =	vadd.f32 v24, v41;
	v31 =	vadd.f32 v31, v42;
	vm1 =	vlt.s32 @!p1 v27, v8  }
0x143: {  	v57 =	vld [tilespmem:s10+$0x9230];
	[tilespmem:s10+$0x10E20] =	vst v25;
	v32 =	vsel @!p1 vm1, v7, v8;
	v38 =	vsel @!p1 vm1, v15, v16;
	vm1 =	vlt.s32 @!p1 v27, v9  }
0x144: {  	v25 =	vld [tilespmem:s10+$0x9220];
	[tilespmem:s10+$0x10E30] =	vst v53;
	v32 =	vsel @!p1 vm1, v32, v9;
	v38 =	vsel @!p1 vm1, v38, v17;
	vm1 =	vlt.s32 @!p1 v27, v10  }
0x145: {  	v59 =	vld [tilespmem:s10+$0x9610];
	[tilespmem:s10+$0x10E40] =	vst v28;
	v32 =	vsel @!p1 vm1, v32, v10;
	v38 =	vsel @!p1 vm1, v38, v18;
	vm1 =	vlt.s32 @!p1 v27, v11  }
0x146: {  	v28 =	vld [tilespmem:s10+$0x9240];
	[tilespmem:s10+$0x10E50] =	vst v29;
	v32 =	vsel @!p1 vm1, v32, v11;
	v38 =	vsel @!p1 vm1, v38, v19;
	vm1 =	vlt.s32 @!p1 v27, v12  }
0x147: {  	v29 =	vld [tilespmem:s10+$0x9250];
	[tilespmem:s10+$0x10E60] =	vst v23;
	v32 =	vsel @!p1 vm1, v32, v12;
	v38 =	vsel @!p1 vm1, v38, v20;
	vm1 =	vlt.s32 @!p1 v27, v13  }
0x148: {  	v23 =	vld [tilespmem:s10+$0x9260];
	[tilespmem:s10+$0x10E70] =	vst v26;
	v32 =	vsel @!p1 vm1, v32, v13;
	v38 =	vsel @!p1 vm1, v38, v21;
	vm1 =	vlt.s32 @!p1 v27, v14  }
0x149: {  	v60 =	vmul.f32 $2.262741660e+01, v61;
	v26 =	vld [tilespmem:s10+$0x9270];
	[tilespmem:s10+$0x11200] =	vst v24;
	v24 =	vadd.f32 v25, v43;
	v32 =	vsel @!p1 vm1, v32, v14  }
0x14a: {  	[tilespmem:s10+$0x11210] =	vst v31;
	v31 =	vadd.f32 v57, v44;
	v25 =	vld [tilespmem:s10+$0x9600];
	v38 =	vsel @!p1 vm1, v38, v22;
	v27 =	vsub.s32 @!p1 v27, v32  }
0x14b: {  	v33 =	vmul.f32 $2.262741660e+01, v63;
	[tilespmem:s10+$0x11220] =	vst v24;
	v24 =	vadd.f32 v28, v45;
	v28 =	vld [tilespmem:s10+$0x9620];
	vm1 =	vlt.s32 @!p1 v27, v38  }
0x14c: {  	v58 =	vmul.f32 $2.262741660e+01, v50;
	[tilespmem:s10+$0x11230] =	vst v31;
	v31 =	vld [tilespmem:s10+$0x9630];
	v29 =	vadd.f32 v29, v46;
	v27 =	vsel @!p1 vm1, v27, v38  }
0x14d: {  	v35 =	vmul.f32 $2.262741660e+01, v54;
	v23 =	vadd.f32 v23, v47;
	[tilespmem:s10+$0x11240] =	vst v24;
	vm1 =	vgt.s32 @!p1 v27, $0x0  }
0x14e: {  	v61 =	vmul.f32 $2.262741660e+01, v56;
	v26 =	vadd.f32 v26, v48;
	[tilespmem:s10+$0x11250] =	vst v29;
	v29 =	vld [tilespmem:s10+$0x9640];
	v27 =	vnsel @!p1 vm1, $0x0, v27  }
0x14f: {  	v24 =	vmul.f32 $2.262741660e+01, v55;
	[tilespmem:s10+$0x11260] =	vst v23;
	v23 =	vadd.f32 v25, v49;
	v25 =	vld [tilespmem:s10+$0x9650];
	v27 =	vmin.u32 @!p1 v27, $0x1FFF  }
0x150: {  	v62 =	vld [tilespmem:s10+$0x9660];
	[tilespmem:s10+$0x11270] =	vst v26;
	v26 =	vadd.f32 v59, v58;
	v28 =	vadd.f32 v28, v60;
	v32 =	vshll.u32 @!p1 v27, $0x2  }
0x151: {  	[tilespmem:s10+$0x11600] =	vst v23;
	v23 =	vadd.f32 v31, v33;
	v31 =	vand.u32 @!p1 $0x7, v27;
	v32 =	vand.u32 @!p1 $0x7FE0, v32  }
0x152: {  	[tilespmem:s10+$0x11610] =	vst v26;
	v26 =	vor.u32 @!p1 v31, v32;
	v31 =	vand.u32 @!p1 $0x7, v30;
	v32 =	vshrl.u32 @!p1 v30, $0x3  }
0x153: {  	[tilespmem:s10+$0x11620] =	vst v28;
	v28 =	vadd.f32 v29, v35;
	v29 =	vperm.xlane @!p1 v26, v31;
	v31 =	vmul.u32 @!p1 $0x8, v32  }
0x154: {  	[tilespmem:s10+$0x11630] =	vst v23;
	v23 =	vadd.f32 v25, v24  }
0x155: {  	s11 =	sshll.u32 s19, $0xA;
	v24 =	vadd.f32 v62, v61;
	[tilespmem:s10+$0x11640] =	vst v28;
	v25 =	vadd.s32 @!p1 v31, v29  }
0x156: {  	s11 =	sand.u32 $0x1FFFFC00, s11;
	[tilespmem:s10+$0x11650] =	vst v23;
	v23 =	vor.u32 @!p1 $0x8, v30  }
0x157: {  	s26 =	sadd.s32 s4, s11;
	[tilespmem:s10+$0x11660] =	vst v24;
	v23 =	vperm.xlane @!p1 v26, v23  }
0x158: {  	[hbm4b:s26+s5] =	stream.linear.scatter [tilespmem:s30], [sflag:$0x9], $0x2000, $0x38;
	[tilespmem:$0x18A00] =	vst v63  }
0x159: {  	s11 =	simm.s32 @!p1 $0x8A00;
	vm1 =	vmmov @!p1 $0xffff;
	s10 =	simm.s32 @!p1 $0x0;
	[tilespmem:$0x800] =	vst @!p1 v27;
	v23 =	vadd.s32 @!p1 v31, v23  }
0x15a: {  	[tilespmem:s11], [sflag:$0x5] =	stream.indirect_vreg.gather @!p1 [hbm4b:s2+s10], $0x80, v25, vm1, $0xb8;
	[tilespmem:$0x18A00] =	vst v63  }
0x15b: {  	s11 =	simm.s32 @!p1 $0x9200  }
0x15c: {  	[tilespmem:s11], [sflag:$0x5] =	stream.indirect_vreg.gather @!p1 [hbm4b:s9+s10], $0x80, v25, vm1, $0xb8;
	[tilespmem:$0x18A00] =	vst v63  }
0x15d: {  	s11 =	simm.s32 @!p1 $0x9A00  }
0x15e: {  	[tilespmem:s11], [sflag:$0x5] =	stream.indirect_vreg.gather @!p1 [hbm4b:s2+s10], $0x80, v23, vm1, $0xb8;
	[tilespmem:$0x18A00] =	vst v63  }
0x15f: {  	s7 =	sshll.u32 @!p1 s7, $0x6;
	s11 =	simm.s32 @!p1 $0xA200  }
0x160: {  	[tilespmem:s11], [sflag:$0x5] =	stream.indirect_vreg.gather @!p1 [hbm4b:s9+s10], $0x80, v23, vm1, $0xb8;
	[tilespmem:$0x18A00] =	vst v63  }
0x161: {  	s7 =	sadd.s32 @!p1 s1, s7;
	s11 =	simm.s32 @!p1 $0xA00  }
0x162: {  	[tilespmem:s11], [sflag:$0x1] =	stream.linear.gather @!p1 [hbm4b:s7+s10], $0x2000, $0x38;
	[tilespmem:$0x18A00] =	vst v63  }
0x163: {  	_ =	swait.ge [sflag:s31], $0x2000  }
0x164: {  	[sflag:s31] =	ssyncset.done $0x0  }
0x165: {  	[sflag:s31] =	ssyncadd.s32 $0xFFFFE000  }
0x166: {  	_ =	swait.ge [sflag:s3], $0x2000  }
0x167: {  	[sflag:s3] =	ssyncset.done $0x0  }
0x168: {  	s7 =	simm.s32 @!p0 $0xA;
	[sflag:s3] =	ssyncadd.s32 $0xFFFFE000  }
0x169: {  	s11 =	simm.s32 $0x0;
	_ =	swait.ge @!p0 [sflag:s7], $0x2000  }
0x16a: {  	s12 =	sand.u32 $0x1000, s11;
	s10 =	sand.u32 $0x380, s11;
	[sflag:s7] =	ssyncset.done @!p0 $0x0  }
0x16b: {  	s26 =	sor.u32 s10, s12;
	[sflag:s7] =	ssyncadd.s32 @!p0 $0xFFFFE000  }
0x16c: {  	v23 =	vld [tilespmem:s26+$0x3670]  }
0x16d: {  	v24 =	vld [tilespmem:s26+$0x2A00]  }
0x16e: {  	v25 =	vld [tilespmem:s26+$0xB670]  }
0x16f: {  	v26 =	vld [tilespmem:s26+$0x2A10]  }
0x170: {  	v27 =	vld [tilespmem:s26+$0x2A20]  }
0x171: {  	v28 =	vld [tilespmem:s26+$0x2A30]  }
0x172: {  	v29 =	vld [tilespmem:s26+$0x2A40]  }
0x173: {  	v30 =	vld [tilespmem:s26+$0x2A50]  }
0x174: {  	v31 =	vld [tilespmem:s26+$0x2A70]  }
0x175: {  	v32 =	vld [tilespmem:s26+$0x2E10]  }
0x176: {  	v33 =	vld [tilespmem:s26+$0x2E20]  }
0x177: {  	v34 =	vld [tilespmem:s26+$0x2E30]  }
0x178: {  	v35 =	vld [tilespmem:s26+$0x2E40]  }
0x179: {  	v36 =	vld [tilespmem:s26+$0x2E50]  }
0x17a: {  	v37 =	vld [tilespmem:s26+$0x2E60]  }
0x17b: {  	v38 =	vld [tilespmem:s26+$0x2E70]  }
0x17c: {  	v39 =	vld [tilespmem:s26+$0x3200]  }
0x17d: {  	v40 =	vld [tilespmem:s26+$0x3210]  }
0x17e: {  	v41 =	vld [tilespmem:s26+$0x3220]  }
0x17f: {  	v42 =	vld [tilespmem:s26+$0x3230]  }
0x180: {  	v43 =	vld [tilespmem:s26+$0x3240]  }
0x181: {  	v44 =	vld [tilespmem:s26+$0x3250]  }
0x182: {  	v45 =	vld [tilespmem:s26+$0x3260]  }
0x183: {  	v46 =	vld [tilespmem:s26+$0x3270]  }
0x184: {  	v47 =	vld [tilespmem:s26+$0x3600]  }
0x185: {  	v48 =	vld [tilespmem:s26+$0x3610]  }
0x186: {  	v49 =	vld [tilespmem:s26+$0x3620]  }
0x187: {  	v50 =	vld [tilespmem:s26+$0x3630]  }
0x188: {  	v51 =	vld [tilespmem:s26+$0x3640]  }
0x189: {  	v63 =	vld [tilespmem:s26+$0xAA00]  }
0x18a: {  	v55 =	vld [tilespmem:s26+$0xAA10]  }
0x18b: {  	v56 =	vld [tilespmem:s26+$0xAA20]  }
0x18c: {  	v60 =	vld [tilespmem:s26+$0xAA30]  }
0x18d: {  	v61 =	vld [tilespmem:s26+$0xAA40];
	v23 =	vmul.f32 $2.262741660e+01, v23  }
0x18e: {  	v62 =	vld [tilespmem:s26+$0xAA50];
	v24 =	vmul.f32 $2.262741660e+01, v24  }
0x18f: {  	v26 =	vmul.f32 $2.262741660e+01, v26;
	v23 =	vadd.f32 v25, v23;
	v25 =	vld [tilespmem:s26+$0x2A60]  }
0x190: {  	v27 =	vmul.f32 $2.262741660e+01, v27;
	v24 =	vadd.f32 v63, v24;
	v63 =	vld [tilespmem:s26+$0xAA60]  }
0x191: {  	v28 =	vmul.f32 $2.262741660e+01, v28;
	v26 =	vadd.f32 v55, v26;
	[tilespmem:s26+$0x13670] =	vst v23;
	v23 =	vld [tilespmem:s26+$0x2E00]  }
0x192: {  	v29 =	vmul.f32 $2.262741660e+01, v29;
	v27 =	vadd.f32 v56, v27;
	[tilespmem:s26+$0x12A00] =	vst v24;
	v24 =	vld [tilespmem:s26+$0xAA70]  }
0x193: {  	v30 =	vmul.f32 $2.262741660e+01, v30;
	v28 =	vadd.f32 v60, v28;
	[tilespmem:s26+$0x12A10] =	vst v26;
	v26 =	vld [tilespmem:s26+$0xAE00]  }
0x194: {  	v29 =	vadd.f32 v61, v29;
	[tilespmem:s26+$0x12A20] =	vst v27;
	v27 =	vld [tilespmem:s26+$0xAE10];
	v25 =	vmul.f32 $2.262741660e+01, v25  }
0x195: {  	v31 =	vmul.f32 $2.262741660e+01, v31;
	v30 =	vadd.f32 v62, v30;
	[tilespmem:s26+$0x12A30] =	vst v28;
	v28 =	vld [tilespmem:s26+$0xAE20]  }
0x196: {  	[tilespmem:s26+$0x12A40] =	vst v29;
	v29 =	vld [tilespmem:s26+$0xAE30];
	v25 =	vadd.f32 v63, v25;
	v23 =	vmul.f32 $2.262741660e+01, v23  }
0x197: {  	[tilespmem:s26+$0x12A50] =	vst v30;
	v30 =	vld [tilespmem:s26+$0xAE40];
	v24 =	vadd.f32 v24, v31;
	v31 =	vmul.f32 $2.262741660e+01, v32  }
0x198: {  	[tilespmem:s26+$0x12A60] =	vst v25;
	v25 =	vld [tilespmem:s26+$0xAE50];
	v23 =	vadd.f32 v26, v23;
	v26 =	vmul.f32 $2.262741660e+01, v33  }
0x199: {  	[tilespmem:s26+$0x12A70] =	vst v24;
	v24 =	vld [tilespmem:s26+$0xAE60];
	v27 =	vadd.f32 v27, v31;
	v31 =	vmul.f32 $2.262741660e+01, v34  }
0x19a: {  	[tilespmem:s26+$0x12E00] =	vst v23;
	v23 =	vld [tilespmem:s26+$0xAE70];
	v26 =	vadd.f32 v28, v26;
	v28 =	vmul.f32 $2.262741660e+01, v35  }
0x19b: {  	[tilespmem:s26+$0x12E10] =	vst v27;
	v27 =	vld [tilespmem:s26+$0xB200];
	v29 =	vadd.f32 v29, v31;
	v31 =	vmul.f32 $2.262741660e+01, v36  }
0x19c: {  	v52 =	vld [tilespmem:s26+$0x3650];
	v28 =	vadd.f32 v30, v28;
	v30 =	vmul.f32 $2.262741660e+01, v37  }
0x19d: {  	[tilespmem:s26+$0x12E20] =	vst v26;
	v26 =	vld [tilespmem:s26+$0xB210];
	v25 =	vadd.f32 v25, v31  }
0x19e: {  	[tilespmem:s26+$0x12E30] =	vst v29;
	v29 =	vld [tilespmem:s26+$0xB220];
	v31 =	vmul.f32 $2.262741660e+01, v38;
	v24 =	vadd.f32 v24, v30;
	v30 =	vmul.f32 $2.262741660e+01, v39  }
0x19f: {  	[tilespmem:s26+$0x12E40] =	vst v28;
	v28 =	vld [tilespmem:s26+$0xB230]  }
0x1a0: {  	v53 =	vld [tilespmem:s26+$0x3660];
	[tilespmem:s26+$0x12E50] =	vst v25;
	v23 =	vadd.f32 v23, v31;
	v31 =	vmul.f32 $2.262741660e+01, v40;
	v27 =	vadd.f32 v27, v30  }
0x1a1: {  	v25 =	vld [tilespmem:s26+$0xB240];
	[tilespmem:s26+$0x12E60] =	vst v24;
	v30 =	vmul.f32 $2.262741660e+01, v41  }
0x1a2: {  	v24 =	vld [tilespmem:s26+$0xB250];
	v26 =	vadd.f32 v26, v31;
	[tilespmem:s26+$0x13200] =	vst v27;
	v27 =	vmul.f32 $2.262741660e+01, v42  }
0x1a3: {  	[tilespmem:s26+$0x12E70] =	vst v23;
	v23 =	vld [tilespmem:s26+$0xB260];
	v29 =	vadd.f32 v29, v30  }
0x1a4: {  	v59 =	vld [tilespmem:s26+$0xB270];
	[tilespmem:s26+$0x13210] =	vst v26;
	v26 =	vmul.f32 $2.262741660e+01, v43;
	v27 =	vadd.f32 v28, v27  }
0x1a5: {  	v60 =	vld [tilespmem:s26+$0xB600];
	[tilespmem:s26+$0x13220] =	vst v29;
	v28 =	vmul.f32 $2.262741660e+01, v44  }
0x1a6: {  	v29 =	vld [tilespmem:s26+$0xB610];
	v25 =	vadd.f32 v25, v26;
	[tilespmem:s26+$0x13230] =	vst v27;
	v27 =	vmul.f32 $2.262741660e+01, v45  }
0x1a7: {  	v61 =	vmul.f32 $2.262741660e+01, v46;
	v62 =	vmul.f32 $2.262741660e+01, v47;
	v30 =	vld [tilespmem:s26+$0xB620];
	v24 =	vadd.f32 v24, v28  }
0x1a8: {  	s19 =	sadd.s32 s18, s6;
	s22 =	simm.s32 $0x200;
	v31 =	vld [tilespmem:s26+$0xB630];
	v26 =	vmul.f32 $2.262741660e+01, v49;
	v28 =	vmul.f32 $2.262741660e+01, v48;
	[tilespmem:s26+$0x13240] =	vst v25;
	v63 =	vadd.f32 v23, v27  }
0x1a9: {  	s19 =	sadd.s32 $0x1, s19;
	s11 =	simm.s32 $0x400;
	s10 =	simm.s32 $0x80;
	v32 =	vld [tilespmem:s26+$0xB640];
	v34 =	vadd.f32 v59, v61;
	v25 =	vmul.f32 $2.262741660e+01, v52;
	[tilespmem:s26+$0x13250] =	vst v24;
	v27 =	vmul.f32 $2.262741660e+01, v50  }
0x1aa: {  	s12 =	sand.u32 $0x1000, s22;
	s22 =	sand.u32 $0x380, s10;
	s7 =	sshll.u32 s19, $0x4;
	v33 =	vld [tilespmem:s26+$0xB650];
	v35 =	vadd.f32 v60, v62;
	v24 =	vmul.f32 $2.262741660e+01, v51;
	v23 =	vmul.f32 $2.262741660e+01, v53;
	[tilespmem:s26+$0x13260] =	vst v63  }
.LBB2_5:
0x1ab: {  	p1 =	sne.s32 s11, $0x1E00;
	s12 =	sor.u32 s22, s12;
	[tilespmem:s26+$0x13270] =	vst v34;
	v28 =	vadd.f32 v29, v28;
	v29 =	vld [tilespmem:s26+$0xB660]  }
0x1ac: {  	v34 =	vld [tilespmem:s12+$0x3670];
	[tilespmem:s26+$0x13600] =	vst v35;
	v26 =	vadd.f32 v30, v26  }
0x1ad: {  	v30 =	vld [tilespmem:s12+$0x2A00];
	[tilespmem:s26+$0x13610] =	vst v28;
	v27 =	vadd.f32 v31, v27  }
0x1ae: {  	v28 =	vld [tilespmem:s12+$0xB670];
	[tilespmem:s26+$0x13620] =	vst v26;
	v24 =	vadd.f32 v32, v24  }
0x1af: {  	v26 =	vld [tilespmem:s12+$0x2A10];
	[tilespmem:s26+$0x13630] =	vst v27;
	v25 =	vadd.f32 v33, v25  }
0x1b0: {  	v27 =	vld [tilespmem:s12+$0x2A20];
	[tilespmem:s26+$0x13640] =	vst v24;
	v23 =	vadd.f32 v29, v23  }
0x1b1: {  	v24 =	vld [tilespmem:s12+$0x2A30];
	v29 =	vmul.f32 $2.262741660e+01, v34;
	[tilespmem:s26+$0x13650] =	vst v25  }
0x1b2: {  	v30 =	vmul.f32 $2.262741660e+01, v30;
	v25 =	vld [tilespmem:s12+$0x2A40];
	[tilespmem:s26+$0x13660] =	vst v23;
	s26 =	smov.u32 s12  }
0x1b3: {  	v23 =	vld [tilespmem:s26+$0x2A50];
	v28 =	vadd.f32 v28, v29  }
0x1b4: {  	v29 =	vmul.f32 $2.262741660e+01, v26;
	v26 =	vld [tilespmem:s26+$0x2A60]  }
0x1b5: {  	v31 =	vmul.f32 $2.262741660e+01, v27;
	v27 =	vld [tilespmem:s26+$0x2A70];
	[tilespmem:s26+$0x13670] =	vst v28  }
0x1b6: {  	v32 =	vmul.f32 $2.262741660e+01, v24;
	v24 =	vld [tilespmem:s26+$0x2E00]  }
0x1b7: {  	v33 =	vmul.f32 $2.262741660e+01, v25;
	v25 =	vld [tilespmem:s26+$0x2E10]  }
0x1b8: {  	v34 =	vmul.f32 $2.262741660e+01, v23;
	v23 =	vld [tilespmem:s26+$0x2E20]  }
0x1b9: {  	v35 =	vmul.f32 $2.262741660e+01, v26;
	v26 =	vld [tilespmem:s26+$0x2E30]  }
0x1ba: {  	v36 =	vmul.f32 $2.262741660e+01, v27;
	v27 =	vld [tilespmem:s26+$0x2E40]  }
0x1bb: {  	v37 =	vmul.f32 $2.262741660e+01, v24;
	v24 =	vld [tilespmem:s26+$0x2E50]  }
0x1bc: {  	v38 =	vmul.f32 $2.262741660e+01, v25;
	v25 =	vld [tilespmem:s26+$0x2E60]  }
0x1bd: {  	v39 =	vmul.f32 $2.262741660e+01, v23;
	v23 =	vld [tilespmem:s26+$0x2E70]  }
0x1be: {  	v40 =	vmul.f32 $2.262741660e+01, v26;
	v26 =	vld [tilespmem:s26+$0x3200]  }
0x1bf: {  	v41 =	vmul.f32 $2.262741660e+01, v27;
	v27 =	vld [tilespmem:s26+$0x3210]  }
0x1c0: {  	v42 =	vmul.f32 $2.262741660e+01, v24;
	v24 =	vld [tilespmem:s26+$0x3220]  }
0x1c1: {  	v43 =	vmul.f32 $2.262741660e+01, v25;
	v25 =	vld [tilespmem:s26+$0x3230]  }
0x1c2: {  	v44 =	vmul.f32 $2.262741660e+01, v23;
	v23 =	vld [tilespmem:s26+$0x3240]  }
0x1c3: {  	v45 =	vmul.f32 $2.262741660e+01, v26;
	v26 =	vld [tilespmem:s26+$0x3250]  }
0x1c4: {  	v46 =	vmul.f32 $2.262741660e+01, v27;
	v27 =	vld [tilespmem:s26+$0x3260]  }
0x1c5: {  	v47 =	vmul.f32 $2.262741660e+01, v24;
	v24 =	vld [tilespmem:s26+$0x3270]  }
0x1c6: {  	v48 =	vmul.f32 $2.262741660e+01, v25;
	v25 =	vld [tilespmem:s26+$0x3600]  }
0x1c7: {  	v49 =	vmul.f32 $2.262741660e+01, v23;
	v23 =	vld [tilespmem:s26+$0x3610]  }
0x1c8: {  	v50 =	vmul.f32 $2.262741660e+01, v26;
	v26 =	vld [tilespmem:s26+$0x3620]  }
0x1c9: {  	v51 =	vmul.f32 $2.262741660e+01, v27;
	v27 =	vld [tilespmem:s26+$0x3630]  }
0x1ca: {  	v52 =	vmul.f32 $2.262741660e+01, v24;
	v24 =	vld [tilespmem:s26+$0x3640]  }
0x1cb: {  	v53 =	vmul.f32 $2.262741660e+01, v25;
	v25 =	vld [tilespmem:s26+$0x3650]  }
0x1cc: {  	v28 =	vmul.f32 $2.262741660e+01, v23;
	v23 =	vld [tilespmem:s26+$0x3660]  }
0x1cd: {  	v54 =	vld [tilespmem:s26+$0xAA00];
	v26 =	vmul.f32 $2.262741660e+01, v26  }
0x1ce: {  	v55 =	vld [tilespmem:s26+$0xAA10];
	v27 =	vmul.f32 $2.262741660e+01, v27  }
0x1cf: {  	v56 =	vld [tilespmem:s26+$0xAA20];
	v24 =	vmul.f32 $2.262741660e+01, v24  }
0x1d0: {  	v57 =	vld [tilespmem:s26+$0xAA30];
	v25 =	vmul.f32 $2.262741660e+01, v25  }
0x1d1: {  	v58 =	vld [tilespmem:s26+$0xAA40];
	v23 =	vmul.f32 $2.262741660e+01, v23  }
0x1d2: {  	v30 =	vadd.f32 v54, v30;
	v54 =	vld [tilespmem:s26+$0xAA50]  }
0x1d3: {  	v29 =	vadd.f32 v55, v29;
	v55 =	vld [tilespmem:s26+$0xAA60]  }
0x1d4: {  	[tilespmem:s26+$0x12A00] =	vst v30;
	v30 =	vadd.f32 v56, v31;
	v31 =	vld [tilespmem:s26+$0xAA70]  }
0x1d5: {  	[tilespmem:s26+$0x12A10] =	vst v29;
	v29 =	vadd.f32 v57, v32;
	v32 =	vld [tilespmem:s26+$0xAE00]  }
0x1d6: {  	[tilespmem:s26+$0x12A20] =	vst v30;
	v30 =	vadd.f32 v58, v33;
	v33 =	vld [tilespmem:s26+$0xAE10]  }
0x1d7: {  	[tilespmem:s26+$0x12A30] =	vst v29;
	v29 =	vadd.f32 v54, v34;
	v34 =	vld [tilespmem:s26+$0xAE20]  }
0x1d8: {  	[tilespmem:s26+$0x12A40] =	vst v30;
	v30 =	vadd.f32 v55, v35;
	v35 =	vld [tilespmem:s26+$0xAE30]  }
0x1d9: {  	[tilespmem:s26+$0x12A50] =	vst v29;
	v29 =	vadd.f32 v31, v36;
	v31 =	vld [tilespmem:s26+$0xAE40]  }
0x1da: {  	[tilespmem:s26+$0x12A60] =	vst v30;
	v30 =	vadd.f32 v32, v37;
	v32 =	vld [tilespmem:s26+$0xAE50]  }
0x1db: {  	[tilespmem:s26+$0x12A70] =	vst v29;
	v29 =	vadd.f32 v33, v38;
	v33 =	vld [tilespmem:s26+$0xAE60]  }
0x1dc: {  	[tilespmem:s26+$0x12E00] =	vst v30;
	v30 =	vadd.f32 v34, v39;
	v34 =	vld [tilespmem:s26+$0xAE70]  }
0x1dd: {  	[tilespmem:s26+$0x12E10] =	vst v29;
	v29 =	vadd.f32 v35, v40;
	v35 =	vld [tilespmem:s26+$0xB200]  }
0x1de: {  	[tilespmem:s26+$0x12E20] =	vst v30;
	v30 =	vadd.f32 v31, v41;
	v31 =	vld [tilespmem:s26+$0xB210]  }
0x1df: {  	[tilespmem:s26+$0x12E30] =	vst v29;
	v29 =	vadd.f32 v32, v42;
	v32 =	vld [tilespmem:s26+$0xB220]  }
0x1e0: {  	[tilespmem:s26+$0x12E40] =	vst v30;
	v30 =	vadd.f32 v33, v43;
	v33 =	vld [tilespmem:s26+$0xB230]  }
0x1e1: {  	[tilespmem:s26+$0x12E50] =	vst v29;
	v29 =	vadd.f32 v34, v44;
	v34 =	vld [tilespmem:s26+$0xB240]  }
0x1e2: {  	[tilespmem:s26+$0x12E60] =	vst v30;
	v30 =	vadd.f32 v35, v45;
	v35 =	vld [tilespmem:s26+$0xB250]  }
0x1e3: {  	[tilespmem:s26+$0x12E70] =	vst v29;
	v29 =	vadd.f32 v31, v46;
	v31 =	vld [tilespmem:s26+$0xB260]  }
0x1e4: {  	[tilespmem:s26+$0x13200] =	vst v30;
	v30 =	vadd.f32 v32, v47;
	v32 =	vld [tilespmem:s26+$0xB270]  }
0x1e5: {  	[tilespmem:s26+$0x13210] =	vst v29;
	v33 =	vadd.f32 v33, v48;
	v36 =	vld [tilespmem:s26+$0xB600]  }
.Ltmp5:
0x1e6: {  	[tilespmem:s26+$0x13220] =	vst v30;
	v34 =	vadd.f32 v34, v49;
	v29 =	vld [tilespmem:s26+$0xB610];
	(pc) =	sbr.rel @p1 .LBB2_5-.Ltmp5, $4  }
0x1e7: {  	[tilespmem:s26+$0x13230] =	vst v33;
	v33 =	vadd.f32 v35, v50;
	v30 =	vld [tilespmem:s26+$0xB620]  }
0x1e8: {  	[tilespmem:s26+$0x13240] =	vst v34;
	v35 =	vadd.f32 v31, v51;
	v31 =	vld [tilespmem:s26+$0xB630]  }
0x1e9: {  	s10 =	sadd.s32 $0x80, s10;
	[tilespmem:s26+$0x13250] =	vst v33;
	v34 =	vadd.f32 v32, v52;
	v32 =	vld [tilespmem:s26+$0xB640]  }
0x1ea: {  	s22 =	sand.u32 $0x380, s10;
	s12 =	sand.u32 $0x1000, s11;
	s11 =	sadd.s32 $0x200, s11;
	[tilespmem:s26+$0x13260] =	vst v35;
	v35 =	vadd.f32 v36, v53;
	v33 =	vld [tilespmem:s26+$0xB650]  }
0x1eb: {  	[tilespmem:s26+$0x13270] =	vst v34;
	s10 =	sor.u32 s22, s12;
	v61 =	vld [tilespmem:s26+$0xB660];
	v28 =	vadd.f32 v29, v28  }
0x1ec: {  	v36 =	vld [tilespmem:s10+$0x3670];
	[tilespmem:s26+$0x13600] =	vst v35;
	v26 =	vadd.f32 v30, v26  }
0x1ed: {  	v62 =	vld [tilespmem:s10+$0x2A00];
	[tilespmem:s26+$0x13610] =	vst v28;
	v27 =	vadd.f32 v31, v27  }
0x1ee: {  	v28 =	vld [tilespmem:s10+$0xB670];
	[tilespmem:s26+$0x13620] =	vst v26;
	v24 =	vadd.f32 v32, v24  }
0x1ef: {  	v26 =	vld [tilespmem:s10+$0x2A10];
	[tilespmem:s26+$0x13630] =	vst v27;
	v25 =	vadd.f32 v33, v25  }
0x1f0: {  	v27 =	vld [tilespmem:s10+$0x2A20];
	[tilespmem:s26+$0x13640] =	vst v24;
	v23 =	vadd.f32 v61, v23  }
0x1f1: {  	v24 =	vld [tilespmem:s10+$0x2A30];
	[tilespmem:s26+$0x13650] =	vst v25  }
0x1f2: {  	v25 =	vld [tilespmem:s10+$0x2A40];
	[tilespmem:s26+$0x13660] =	vst v23  }
0x1f3: {  	v23 =	vld [tilespmem:s10+$0x2A50]  }
0x1f4: {  	v63 =	vld [tilespmem:s10+$0x2A60]  }
0x1f5: {  	v60 =	vld [tilespmem:s10+$0x2A70]  }
0x1f6: {  	v32 =	vld [tilespmem:s10+$0x2E00]  }
0x1f7: {  	v33 =	vld [tilespmem:s10+$0x2E10]  }
0x1f8: {  	v34 =	vld [tilespmem:s10+$0x2E20]  }
0x1f9: {  	v35 =	vld [tilespmem:s10+$0x2E30]  }
0x1fa: {  	v37 =	vld [tilespmem:s10+$0x2E40]  }
0x1fb: {  	v38 =	vld [tilespmem:s10+$0x2E50]  }
0x1fc: {  	v39 =	vld [tilespmem:s10+$0x2E60]  }
0x1fd: {  	v40 =	vld [tilespmem:s10+$0x2E70]  }
0x1fe: {  	v41 =	vld [tilespmem:s10+$0x3200]  }
0x1ff: {  	v42 =	vld [tilespmem:s10+$0x3210]  }
0x200: {  	v43 =	vld [tilespmem:s10+$0x3220]  }
0x201: {  	v44 =	vld [tilespmem:s10+$0x3230]  }
0x202: {  	v45 =	vld [tilespmem:s10+$0x3240]  }
0x203: {  	v46 =	vld [tilespmem:s10+$0x3250]  }
0x204: {  	v47 =	vld [tilespmem:s10+$0x3260]  }
0x205: {  	v48 =	vld [tilespmem:s10+$0x3270]  }
0x206: {  	v49 =	vld [tilespmem:s10+$0x3600]  }
0x207: {  	v50 =	vld [tilespmem:s10+$0x3610]  }
0x208: {  	v51 =	vld [tilespmem:s10+$0xAA00]  }
0x209: {  	v52 =	vld [tilespmem:s10+$0xAA10]  }
0x20a: {  	v53 =	vld [tilespmem:s10+$0xAA20]  }
0x20b: {  	v54 =	vld [tilespmem:s10+$0xAA30]  }
0x20c: {  	v55 =	vld [tilespmem:s10+$0xAA40]  }
0x20d: {  	v36 =	vmul.f32 $2.262741660e+01, v36;
	v56 =	vld [tilespmem:s10+$0xAA50]  }
0x20e: {  	v29 =	vmul.f32 $2.262741660e+01, v62;
	v57 =	vld [tilespmem:s10+$0xAA60];
	v26 =	vmul.f32 $2.262741660e+01, v26  }
0x20f: {  	v58 =	vld [tilespmem:s10+$0xAA70];
	v27 =	vmul.f32 $2.262741660e+01, v27;
	v24 =	vmul.f32 $2.262741660e+01, v24  }
0x210: {  	v59 =	vld [tilespmem:s10+$0xAE00];
	v25 =	vmul.f32 $2.262741660e+01, v25;
	v23 =	vmul.f32 $2.262741660e+01, v23  }
0x211: {  	v28 =	vadd.f32 v28, v36;
	v36 =	vld [tilespmem:s10+$0xAE20];
	v30 =	vmul.f32 $2.262741660e+01, v63;
	v31 =	vmul.f32 $2.262741660e+01, v60  }
0x212: {  	v60 =	vld [tilespmem:s10+$0xAE10];
	v32 =	vmul.f32 $2.262741660e+01, v32;
	v33 =	vmul.f32 $2.262741660e+01, v33  }
0x213: {  	v34 =	vmul.f32 $2.262741660e+01, v34;
	v35 =	vmul.f32 $2.262741660e+01, v35;
	v29 =	vadd.f32 v51, v29;
	v51 =	vld [tilespmem:s10+$0xAE30]  }
0x214: {  	[tilespmem:s10+$0x13670] =	vst v28;
	v28 =	vmul.f32 $2.262741660e+01, v37;
	v37 =	vmul.f32 $2.262741660e+01, v38;
	v26 =	vadd.f32 v52, v26;
	v38 =	vld [tilespmem:s10+$0xAE40]  }
0x215: {  	v27 =	vadd.f32 v53, v27;
	v41 =	vmul.f32 $2.262741660e+01, v41;
	v42 =	vmul.f32 $2.262741660e+01, v42;
	v63 =	vld [tilespmem:s10+$0xB210];
	[tilespmem:s10+$0x12A00] =	vst v29  }
0x216: {  	v24 =	vadd.f32 v54, v24;
	v29 =	vmul.f32 $2.262741660e+01, v39;
	v39 =	vmul.f32 $2.262741660e+01, v40;
	v40 =	vld [tilespmem:s10+$0xAE50];
	[tilespmem:s10+$0x12A10] =	vst v26  }
0x217: {  	v43 =	vmul.f32 $2.262741660e+01, v43;
	v44 =	vmul.f32 $2.262741660e+01, v44;
	v25 =	vadd.f32 v55, v25;
	v26 =	vld [tilespmem:s10+$0xAE60];
	[tilespmem:s10+$0x12A20] =	vst v27  }
0x218: {  	v45 =	vmul.f32 $2.262741660e+01, v45;
	v46 =	vmul.f32 $2.262741660e+01, v46;
	v27 =	vld [tilespmem:s10+$0xAE70];
	[tilespmem:s10+$0x12A30] =	vst v24;
	v23 =	vadd.f32 v56, v23  }
0x219: {  	v47 =	vmul.f32 $2.262741660e+01, v47;
	v24 =	vld [tilespmem:s10+$0xB200];
	v61 =	vadd.f32 v57, v30;
	v62 =	vadd.f32 v58, v31;
	[tilespmem:s10+$0x12A40] =	vst v25  }
0x21a: {  	v52 =	vld [tilespmem:s10+$0x3620];
	v48 =	vmul.f32 $2.262741660e+01, v48;
	v54 =	vadd.f32 v36, v34;
	[tilespmem:s10+$0x12A50] =	vst v23;
	v23 =	vadd.f32 v59, v32  }
0x21b: {  	p1 =	sge.u32 s18, s15;
	v49 =	vmul.f32 $2.262741660e+01, v49;
	v58 =	vld [tilespmem:s10+$0xB220];
	[tilespmem:s10+$0x12A60] =	vst v61;
	v53 =	vadd.f32 v60, v33;
	v55 =	vadd.f32 v51, v35  }
0x21c: {  	s7 =	sadd.s32 @!p1 $0x40, s7;
	v36 =	vlaneseq.u32 @!p1;
	[tilespmem:s10+$0x12A70] =	vst v62;
	v59 =	vld [tilespmem:s10+$0xB230];
	v28 =	vadd.f32 v38, v28;
	v31 =	vadd.f32 v63, v42  }
0x21d: {  	[tilespmem:s10+$0x12E20] =	vst v54;
	v61 =	vld [tilespmem:s10+$0xB250];
	v56 =	vadd.f32 v40, v37;
	v57 =	vadd.f32 v27, v39;
	v27 =	vor.u32 @!p1 s7, v36  }
0x21e: {  	v62 =	vld [tilespmem:s10+$0xB270];
	[tilespmem:s10+$0x12E00] =	vst v23;
	v23 =	vadd.f32 v26, v29;
	v24 =	vadd.f32 v24, v41;
	vm1 =	vlt.s32 @!p1 v27, v8  }
0x21f: {  	v33 =	vld [tilespmem:s10+$0x3630];
	[tilespmem:s10+$0x12E10] =	vst v53;
	v32 =	vsel @!p1 vm1, v7, v8;
	v38 =	vsel @!p1 vm1, v15, v16;
	vm1 =	vlt.s32 @!p1 v27, v9  }
0x220: {  	v35 =	vld [tilespmem:s10+$0x3640];
	[tilespmem:s10+$0x12E30] =	vst v55;
	v32 =	vsel @!p1 vm1, v32, v9;
	v38 =	vsel @!p1 vm1, v38, v17;
	vm1 =	vlt.s32 @!p1 v27, v10  }
0x221: {  	v60 =	vld [tilespmem:s10+$0xB240];
	[tilespmem:s10+$0x12E40] =	vst v28;
	v32 =	vsel @!p1 vm1, v32, v10;
	v38 =	vsel @!p1 vm1, v38, v18;
	vm1 =	vlt.s32 @!p1 v27, v11  }
0x222: {  	v51 =	vld [tilespmem:s10+$0xB610];
	[tilespmem:s10+$0x13210] =	vst v31;
	v32 =	vsel @!p1 vm1, v32, v11;
	v38 =	vsel @!p1 vm1, v38, v19;
	vm1 =	vlt.s32 @!p1 v27, v12  }
0x223: {  	v37 =	vld [tilespmem:s10+$0x3650];
	[tilespmem:s10+$0x12E50] =	vst v56;
	v32 =	vsel @!p1 vm1, v32, v12;
	v38 =	vsel @!p1 vm1, v38, v20;
	vm1 =	vlt.s32 @!p1 v27, v13  }
0x224: {  	[tilespmem:s10+$0x12E60] =	vst v23;
	v23 =	vld [tilespmem:s10+$0xB260];
	v32 =	vsel @!p1 vm1, v32, v13;
	v38 =	vsel @!p1 vm1, v38, v21;
	vm1 =	vlt.s32 @!p1 v27, v14  }
0x225: {  	v63 =	vmul.f32 $2.262741660e+01, v50;
	v29 =	vld [tilespmem:s10+$0x3660];
	v42 =	vadd.f32 v58, v43;
	[tilespmem:s10+$0x12E70] =	vst v57;
	v32 =	vsel @!p1 vm1, v32, v14  }
0x226: {  	v43 =	vld [tilespmem:s10+$0xB600];
	[tilespmem:s10+$0x13200] =	vst v24;
	v50 =	vadd.f32 v59, v44;
	v38 =	vsel @!p1 vm1, v38, v22;
	v27 =	vsub.s32 @!p1 v27, v32  }
0x227: {  	v53 =	vmul.f32 $2.262741660e+01, v52;
	v55 =	vld [tilespmem:s10+$0xB620];
	[tilespmem:s10+$0x13220] =	vst v42;
	v30 =	vadd.f32 v61, v46;
	vm1 =	vlt.s32 @!p1 v27, v38  }
0x228: {  	v56 =	vld [tilespmem:s10+$0xB630];
	v26 =	vadd.f32 v62, v48;
	v54 =	vadd.f32 v60, v45;
	[tilespmem:s10+$0x13230] =	vst v50;
	v27 =	vsel @!p1 vm1, v27, v38  }
0x229: {  	v33 =	vmul.f32 $2.262741660e+01, v33;
	[tilespmem:s10+$0x13250] =	vst v30;
	v23 =	vadd.f32 v23, v47;
	vm1 =	vgt.s32 @!p1 v27, $0x0  }
0x22a: {  	v58 =	vld [tilespmem:s10+$0xB640];
	v35 =	vmul.f32 $2.262741660e+01, v35;
	v60 =	vadd.f32 v51, v63;
	[tilespmem:s10+$0x13270] =	vst v26;
	v27 =	vnsel @!p1 vm1, $0x0, v27  }
0x22b: {  	v59 =	vld [tilespmem:s10+$0xB650];
	v57 =	vmul.f32 $2.262741660e+01, v37;
	[tilespmem:s10+$0x13260] =	vst v23;
	v23 =	vadd.f32 v43, v49;
	v27 =	vmin.u32 @!p1 v27, $0x1FFF  }
0x22c: {  	v61 =	vld [tilespmem:s10+$0xB660];
	[tilespmem:s10+$0x13240] =	vst v54;
	v29 =	vmul.f32 $2.262741660e+01, v29;
	v28 =	vadd.f32 v55, v53;
	v32 =	vshll.u32 @!p1 v27, $0x2  }
0x22d: {  	[tilespmem:s10+$0x13600] =	vst v23;
	v23 =	vadd.f32 v56, v33;
	v31 =	vand.u32 @!p1 $0x7, v27;
	v32 =	vand.u32 @!p1 $0x7FE0, v32  }
0x22e: {  	[tilespmem:s10+$0x13610] =	vst v60;
	v26 =	vor.u32 @!p1 v31, v32;
	v31 =	vand.u32 @!p1 $0x7, v36;
	v32 =	vshrl.u32 @!p1 v36, $0x3  }
0x22f: {  	v62 =	vadd.f32 v58, v35;
	[tilespmem:s10+$0x13620] =	vst v28;
	v30 =	vperm.xlane @!p1 v26, v31;
	v31 =	vmul.u32 @!p1 $0x8, v32  }
0x230: {  	[tilespmem:s10+$0x13630] =	vst v23;
	v23 =	vadd.f32 v59, v57  }
0x231: {  	s11 =	sshll.u32 s19, $0xA;
	[tilespmem:s10+$0x13640] =	vst v62;
	v63 =	vadd.f32 v61, v29;
	v25 =	vadd.s32 @!p1 v31, v30  }
0x232: {  	s11 =	sand.u32 $0x1FFFFC00, s11;
	[tilespmem:s10+$0x13650] =	vst v23;
	v23 =	vor.u32 @!p1 $0x8, v36  }
0x233: {  	s26 =	sadd.s32 s4, s11;
	[tilespmem:s10+$0x13660] =	vst v63;
	v23 =	vperm.xlane @!p1 v26, v23  }
0x234: {  	[hbm4b:s26+s5] =	stream.linear.scatter [tilespmem:s0], [sflag:$0xA], $0x2000, $0x38;
	[tilespmem:$0x18A00] =	vst v63  }
0x235: {  	s11 =	simm.s32 @!p1 $0xAA00;
	vm1 =	vmmov @!p1 $0xffff;
	s10 =	simm.s32 @!p1 $0x0;
	[tilespmem:$0x880] =	vst @!p1 v27;
	v23 =	vadd.s32 @!p1 v31, v23  }
0x236: {  	[tilespmem:s11], [sflag:$0x6] =	stream.indirect_vreg.gather @!p1 [hbm4b:s2+s10], $0x80, v25, vm1, $0xb8;
	[tilespmem:$0x18A00] =	vst v63  }
0x237: {  	s11 =	simm.s32 @!p1 $0xB200  }
0x238: {  	[tilespmem:s11], [sflag:$0x6] =	stream.indirect_vreg.gather @!p1 [hbm4b:s9+s10], $0x80, v25, vm1, $0xb8;
	[tilespmem:$0x18A00] =	vst v63  }
0x239: {  	s11 =	simm.s32 @!p1 $0xBA00  }
0x23a: {  	[tilespmem:s11], [sflag:$0x6] =	stream.indirect_vreg.gather @!p1 [hbm4b:s2+s10], $0x80, v23, vm1, $0xb8;
	[tilespmem:$0x18A00] =	vst v63  }
0x23b: {  	s7 =	sshll.u32 @!p1 s7, $0x6;
	s11 =	simm.s32 @!p1 $0xC200  }
0x23c: {  	[tilespmem:s11], [sflag:$0x6] =	stream.indirect_vreg.gather @!p1 [hbm4b:s9+s10], $0x80, v23, vm1, $0xb8;
	[tilespmem:$0x18A00] =	vst v63  }
0x23d: {  	s7 =	sadd.s32 @!p1 s1, s7;
	s11 =	simm.s32 @!p1 $0x2A00  }
0x23e: {  	[tilespmem:s11], [sflag:$0x2] =	stream.linear.gather @!p1 [hbm4b:s7+s10], $0x2000, $0x38;
	[tilespmem:$0x18A00] =	vst v63  }
0x23f: {  	s7 =	sor.u32 $0x2, s18  }
0x240: {  	p1 =	sge.u32 s7, s8  }
.Ltmp6:
0x241: {  	_ = 	snop;
	(pc) =	sbr.rel @p1 .LBB2_10-.Ltmp6, $1  }
0x242: {  	_ =	sdelay $0x3  }
0x243: {  	_ =	swait.ge [sflag:s20], $0x2000  }
0x244: {  	[sflag:s20] =	ssyncset.done $0x0  }
0x245: {  	[sflag:s20] =	ssyncadd.s32 $0xFFFFE000  }
0x246: {  	_ =	swait.ge [sflag:s21], $0x2000  }
0x247: {  	[sflag:s21] =	ssyncset.done $0x0  }
0x248: {  	s10 =	simm.s32 @!p0 $0xB;
	[sflag:s21] =	ssyncadd.s32 $0xFFFFE000  }
0x249: {  	s11 =	simm.s32 $0x0;
	_ =	swait.ge @!p0 [sflag:s10], $0x2000  }
0x24a: {  	s12 =	sand.u32 $0x1000, s11;
	s11 =	sand.u32 $0x380, s11;
	[sflag:s10] =	ssyncset.done @!p0 $0x0  }
0x24b: {  	s26 =	sor.u32 s11, s12;
	[sflag:s10] =	ssyncadd.s32 @!p0 $0xFFFFE000  }
0x24c: {  	v23 =	vld [tilespmem:s26+$0x5670]  }
0x24d: {  	v24 =	vld [tilespmem:s26+$0x4A00]  }
0x24e: {  	v25 =	vld [tilespmem:s26+$0xD670]  }
0x24f: {  	v26 =	vld [tilespmem:s26+$0x4A10]  }
0x250: {  	v27 =	vld [tilespmem:s26+$0x4A20]  }
0x251: {  	v28 =	vld [tilespmem:s26+$0x4A30]  }
0x252: {  	v29 =	vld [tilespmem:s26+$0x4A40]  }
0x253: {  	v30 =	vld [tilespmem:s26+$0x4A50]  }
0x254: {  	v31 =	vld [tilespmem:s26+$0x4A70]  }
0x255: {  	v32 =	vld [tilespmem:s26+$0x4E10]  }
0x256: {  	v33 =	vld [tilespmem:s26+$0x4E20]  }
0x257: {  	v34 =	vld [tilespmem:s26+$0x4E30]  }
0x258: {  	v35 =	vld [tilespmem:s26+$0x4E40]  }
0x259: {  	v36 =	vld [tilespmem:s26+$0x4E50]  }
0x25a: {  	v37 =	vld [tilespmem:s26+$0x4E60]  }
0x25b: {  	v38 =	vld [tilespmem:s26+$0x4E70]  }
0x25c: {  	v39 =	vld [tilespmem:s26+$0x5200]  }
0x25d: {  	v40 =	vld [tilespmem:s26+$0x5210]  }
0x25e: {  	v41 =	vld [tilespmem:s26+$0x5220]  }
0x25f: {  	v42 =	vld [tilespmem:s26+$0x5230]  }
0x260: {  	v43 =	vld [tilespmem:s26+$0x5240]  }
0x261: {  	v44 =	vld [tilespmem:s26+$0x5250]  }
0x262: {  	v45 =	vld [tilespmem:s26+$0x5260]  }
0x263: {  	v46 =	vld [tilespmem:s26+$0x5270]  }
0x264: {  	v47 =	vld [tilespmem:s26+$0x5600]  }
0x265: {  	v48 =	vld [tilespmem:s26+$0x5610]  }
0x266: {  	v49 =	vld [tilespmem:s26+$0x5620]  }
0x267: {  	v50 =	vld [tilespmem:s26+$0x5630]  }
0x268: {  	v51 =	vld [tilespmem:s26+$0x5640]  }
0x269: {  	v54 =	vld [tilespmem:s26+$0xCA00]  }
0x26a: {  	v55 =	vld [tilespmem:s26+$0xCA10]  }
0x26b: {  	v56 =	vld [tilespmem:s26+$0xCA20]  }
0x26c: {  	v57 =	vld [tilespmem:s26+$0xCA30]  }
0x26d: {  	v58 =	vld [tilespmem:s26+$0xCA40];
	v23 =	vmul.f32 $2.262741660e+01, v23  }
0x26e: {  	v63 =	vld [tilespmem:s26+$0xCA50];
	v24 =	vmul.f32 $2.262741660e+01, v24  }
0x26f: {  	v26 =	vmul.f32 $2.262741660e+01, v26;
	v23 =	vadd.f32 v25, v23;
	v25 =	vld [tilespmem:s26+$0x4A60]  }
0x270: {  	v59 =	vld [tilespmem:s26+$0xCA60];
	v27 =	vmul.f32 $2.262741660e+01, v27;
	v24 =	vadd.f32 v54, v24  }
0x271: {  	v28 =	vmul.f32 $2.262741660e+01, v28;
	v26 =	vadd.f32 v55, v26;
	[tilespmem:s26+$0x15670] =	vst v23;
	v23 =	vld [tilespmem:s26+$0x4E00]  }
0x272: {  	v29 =	vmul.f32 $2.262741660e+01, v29;
	v27 =	vadd.f32 v56, v27;
	[tilespmem:s26+$0x14A00] =	vst v24;
	v24 =	vld [tilespmem:s26+$0xCA70]  }
0x273: {  	v30 =	vmul.f32 $2.262741660e+01, v30;
	v28 =	vadd.f32 v57, v28;
	[tilespmem:s26+$0x14A10] =	vst v26;
	v26 =	vld [tilespmem:s26+$0xCE00]  }
0x274: {  	v29 =	vadd.f32 v58, v29;
	[tilespmem:s26+$0x14A20] =	vst v27;
	v27 =	vld [tilespmem:s26+$0xCE10];
	v25 =	vmul.f32 $2.262741660e+01, v25  }
0x275: {  	v31 =	vmul.f32 $2.262741660e+01, v31;
	v30 =	vadd.f32 v63, v30;
	[tilespmem:s26+$0x14A30] =	vst v28;
	v28 =	vld [tilespmem:s26+$0xCE20]  }
0x276: {  	[tilespmem:s26+$0x14A40] =	vst v29;
	v29 =	vld [tilespmem:s26+$0xCE30];
	v25 =	vadd.f32 v59, v25;
	v23 =	vmul.f32 $2.262741660e+01, v23  }
0x277: {  	[tilespmem:s26+$0x14A50] =	vst v30;
	v30 =	vld [tilespmem:s26+$0xCE40];
	v24 =	vadd.f32 v24, v31;
	v31 =	vmul.f32 $2.262741660e+01, v32  }
0x278: {  	[tilespmem:s26+$0x14A60] =	vst v25;
	v25 =	vld [tilespmem:s26+$0xCE50];
	v23 =	vadd.f32 v26, v23;
	v26 =	vmul.f32 $2.262741660e+01, v33  }
0x279: {  	[tilespmem:s26+$0x14A70] =	vst v24;
	v24 =	vld [tilespmem:s26+$0xCE60];
	v27 =	vadd.f32 v27, v31;
	v31 =	vmul.f32 $2.262741660e+01, v34  }
0x27a: {  	[tilespmem:s26+$0x14E00] =	vst v23;
	v23 =	vld [tilespmem:s26+$0xCE70];
	v26 =	vadd.f32 v28, v26;
	v28 =	vmul.f32 $2.262741660e+01, v35  }
0x27b: {  	[tilespmem:s26+$0x14E10] =	vst v27;
	v27 =	vld [tilespmem:s26+$0xD200];
	v29 =	vadd.f32 v29, v31;
	v31 =	vmul.f32 $2.262741660e+01, v36  }
0x27c: {  	v52 =	vld [tilespmem:s26+$0x5650];
	v28 =	vadd.f32 v30, v28;
	v30 =	vmul.f32 $2.262741660e+01, v37  }
0x27d: {  	[tilespmem:s26+$0x14E20] =	vst v26;
	v26 =	vld [tilespmem:s26+$0xD210];
	v25 =	vadd.f32 v25, v31  }
0x27e: {  	[tilespmem:s26+$0x14E30] =	vst v29;
	v29 =	vld [tilespmem:s26+$0xD220];
	v31 =	vmul.f32 $2.262741660e+01, v38;
	v24 =	vadd.f32 v24, v30;
	v30 =	vmul.f32 $2.262741660e+01, v39  }
0x27f: {  	[tilespmem:s26+$0x14E40] =	vst v28;
	v28 =	vld [tilespmem:s26+$0xD230]  }
0x280: {  	v53 =	vld [tilespmem:s26+$0x5660];
	[tilespmem:s26+$0x14E50] =	vst v25;
	v23 =	vadd.f32 v23, v31;
	v31 =	vmul.f32 $2.262741660e+01, v40;
	v27 =	vadd.f32 v27, v30  }
0x281: {  	v25 =	vld [tilespmem:s26+$0xD240];
	[tilespmem:s26+$0x14E60] =	vst v24;
	v30 =	vmul.f32 $2.262741660e+01, v41  }
0x282: {  	v24 =	vld [tilespmem:s26+$0xD250];
	v26 =	vadd.f32 v26, v31;
	[tilespmem:s26+$0x15200] =	vst v27;
	v27 =	vmul.f32 $2.262741660e+01, v42  }
0x283: {  	[tilespmem:s26+$0x14E70] =	vst v23;
	v23 =	vld [tilespmem:s26+$0xD260];
	v29 =	vadd.f32 v29, v30  }
0x284: {  	v59 =	vld [tilespmem:s26+$0xD270];
	[tilespmem:s26+$0x15210] =	vst v26;
	v26 =	vmul.f32 $2.262741660e+01, v43;
	v27 =	vadd.f32 v28, v27  }
0x285: {  	v60 =	vld [tilespmem:s26+$0xD600];
	[tilespmem:s26+$0x15220] =	vst v29;
	v28 =	vmul.f32 $2.262741660e+01, v44  }
0x286: {  	v29 =	vld [tilespmem:s26+$0xD610];
	v25 =	vadd.f32 v25, v26;
	[tilespmem:s26+$0x15230] =	vst v27;
	v27 =	vmul.f32 $2.262741660e+01, v45  }
0x287: {  	v61 =	vmul.f32 $2.262741660e+01, v46;
	v62 =	vmul.f32 $2.262741660e+01, v47;
	v30 =	vld [tilespmem:s26+$0xD620];
	v24 =	vadd.f32 v24, v28  }
0x288: {  	s22 =	simm.s32 $0x200;
	v31 =	vld [tilespmem:s26+$0xD630];
	v26 =	vmul.f32 $2.262741660e+01, v49;
	v28 =	vmul.f32 $2.262741660e+01, v48;
	[tilespmem:s26+$0x15240] =	vst v25;
	v63 =	vadd.f32 v23, v27  }
0x289: {  	s19 =	sadd.s32 s6, s7;
	s12 =	sand.u32 $0x1000, s22;
	s10 =	simm.s32 $0x80;
	v32 =	vld [tilespmem:s26+$0xD640];
	v34 =	vadd.f32 v59, v61;
	v25 =	vmul.f32 $2.262741660e+01, v52;
	[tilespmem:s26+$0x15250] =	vst v24;
	v27 =	vmul.f32 $2.262741660e+01, v50  }
0x28a: {  	s7 =	sshll.u32 s19, $0x4;
	s11 =	simm.s32 $0x400;
	s22 =	sand.u32 $0x380, s10;
	v33 =	vld [tilespmem:s26+$0xD650];
	v35 =	vadd.f32 v60, v62;
	v24 =	vmul.f32 $2.262741660e+01, v51;
	v23 =	vmul.f32 $2.262741660e+01, v53;
	[tilespmem:s26+$0x15260] =	vst v63  }
.LBB2_8:
0x28b: {  	p1 =	sne.s32 s11, $0x1E00;
	s12 =	sor.u32 s22, s12;
	[tilespmem:s26+$0x15270] =	vst v34;
	v28 =	vadd.f32 v29, v28;
	v29 =	vld [tilespmem:s26+$0xD660]  }
0x28c: {  	v34 =	vld [tilespmem:s12+$0x5670];
	[tilespmem:s26+$0x15600] =	vst v35;
	v26 =	vadd.f32 v30, v26  }
0x28d: {  	v30 =	vld [tilespmem:s12+$0x4A00];
	[tilespmem:s26+$0x15610] =	vst v28;
	v27 =	vadd.f32 v31, v27  }
0x28e: {  	v28 =	vld [tilespmem:s12+$0xD670];
	[tilespmem:s26+$0x15620] =	vst v26;
	v24 =	vadd.f32 v32, v24  }
0x28f: {  	v26 =	vld [tilespmem:s12+$0x4A10];
	[tilespmem:s26+$0x15630] =	vst v27;
	v25 =	vadd.f32 v33, v25  }
0x290: {  	v27 =	vld [tilespmem:s12+$0x4A20];
	[tilespmem:s26+$0x15640] =	vst v24;
	v23 =	vadd.f32 v29, v23  }
0x291: {  	v24 =	vld [tilespmem:s12+$0x4A30];
	v29 =	vmul.f32 $2.262741660e+01, v34;
	[tilespmem:s26+$0x15650] =	vst v25  }
0x292: {  	v30 =	vmul.f32 $2.262741660e+01, v30;
	v25 =	vld [tilespmem:s12+$0x4A40];
	[tilespmem:s26+$0x15660] =	vst v23;
	s26 =	smov.u32 s12  }
0x293: {  	v23 =	vld [tilespmem:s26+$0x4A50];
	v28 =	vadd.f32 v28, v29  }
0x294: {  	v29 =	vmul.f32 $2.262741660e+01, v26;
	v26 =	vld [tilespmem:s26+$0x4A60]  }
0x295: {  	v31 =	vmul.f32 $2.262741660e+01, v27;
	v27 =	vld [tilespmem:s26+$0x4A70];
	[tilespmem:s26+$0x15670] =	vst v28  }
0x296: {  	v32 =	vmul.f32 $2.262741660e+01, v24;
	v24 =	vld [tilespmem:s26+$0x4E00]  }
0x297: {  	v33 =	vmul.f32 $2.262741660e+01, v25;
	v25 =	vld [tilespmem:s26+$0x4E10]  }
0x298: {  	v34 =	vmul.f32 $2.262741660e+01, v23;
	v23 =	vld [tilespmem:s26+$0x4E20]  }
0x299: {  	v35 =	vmul.f32 $2.262741660e+01, v26;
	v26 =	vld [tilespmem:s26+$0x4E30]  }
0x29a: {  	v36 =	vmul.f32 $2.262741660e+01, v27;
	v27 =	vld [tilespmem:s26+$0x4E40]  }
0x29b: {  	v37 =	vmul.f32 $2.262741660e+01, v24;
	v24 =	vld [tilespmem:s26+$0x4E50]  }
0x29c: {  	v38 =	vmul.f32 $2.262741660e+01, v25;
	v25 =	vld [tilespmem:s26+$0x4E60]  }
0x29d: {  	v39 =	vmul.f32 $2.262741660e+01, v23;
	v23 =	vld [tilespmem:s26+$0x4E70]  }
0x29e: {  	v40 =	vmul.f32 $2.262741660e+01, v26;
	v26 =	vld [tilespmem:s26+$0x5200]  }
0x29f: {  	v41 =	vmul.f32 $2.262741660e+01, v27;
	v27 =	vld [tilespmem:s26+$0x5210]  }
0x2a0: {  	v42 =	vmul.f32 $2.262741660e+01, v24;
	v24 =	vld [tilespmem:s26+$0x5220]  }
0x2a1: {  	v43 =	vmul.f32 $2.262741660e+01, v25;
	v25 =	vld [tilespmem:s26+$0x5230]  }
0x2a2: {  	v44 =	vmul.f32 $2.262741660e+01, v23;
	v23 =	vld [tilespmem:s26+$0x5240]  }
0x2a3: {  	v45 =	vmul.f32 $2.262741660e+01, v26;
	v26 =	vld [tilespmem:s26+$0x5250]  }
0x2a4: {  	v46 =	vmul.f32 $2.262741660e+01, v27;
	v27 =	vld [tilespmem:s26+$0x5260]  }
0x2a5: {  	v47 =	vmul.f32 $2.262741660e+01, v24;
	v24 =	vld [tilespmem:s26+$0x5270]  }
0x2a6: {  	v48 =	vmul.f32 $2.262741660e+01, v25;
	v25 =	vld [tilespmem:s26+$0x5600]  }
0x2a7: {  	v49 =	vmul.f32 $2.262741660e+01, v23;
	v23 =	vld [tilespmem:s26+$0x5610]  }
0x2a8: {  	v50 =	vmul.f32 $2.262741660e+01, v26;
	v26 =	vld [tilespmem:s26+$0x5620]  }
0x2a9: {  	v51 =	vmul.f32 $2.262741660e+01, v27;
	v27 =	vld [tilespmem:s26+$0x5630]  }
0x2aa: {  	v52 =	vmul.f32 $2.262741660e+01, v24;
	v24 =	vld [tilespmem:s26+$0x5640]  }
0x2ab: {  	v53 =	vmul.f32 $2.262741660e+01, v25;
	v25 =	vld [tilespmem:s26+$0x5650]  }
0x2ac: {  	v28 =	vmul.f32 $2.262741660e+01, v23;
	v23 =	vld [tilespmem:s26+$0x5660]  }
0x2ad: {  	v54 =	vld [tilespmem:s26+$0xCA00];
	v26 =	vmul.f32 $2.262741660e+01, v26  }
0x2ae: {  	v55 =	vld [tilespmem:s26+$0xCA10];
	v27 =	vmul.f32 $2.262741660e+01, v27  }
0x2af: {  	v56 =	vld [tilespmem:s26+$0xCA20];
	v24 =	vmul.f32 $2.262741660e+01, v24  }
0x2b0: {  	v57 =	vld [tilespmem:s26+$0xCA30];
	v25 =	vmul.f32 $2.262741660e+01, v25  }
0x2b1: {  	v58 =	vld [tilespmem:s26+$0xCA40];
	v23 =	vmul.f32 $2.262741660e+01, v23  }
0x2b2: {  	v30 =	vadd.f32 v54, v30;
	v54 =	vld [tilespmem:s26+$0xCA50]  }
0x2b3: {  	v29 =	vadd.f32 v55, v29;
	v55 =	vld [tilespmem:s26+$0xCA60]  }
0x2b4: {  	[tilespmem:s26+$0x14A00] =	vst v30;
	v30 =	vadd.f32 v56, v31;
	v31 =	vld [tilespmem:s26+$0xCA70]  }
0x2b5: {  	[tilespmem:s26+$0x14A10] =	vst v29;
	v29 =	vadd.f32 v57, v32;
	v32 =	vld [tilespmem:s26+$0xCE00]  }
0x2b6: {  	[tilespmem:s26+$0x14A20] =	vst v30;
	v30 =	vadd.f32 v58, v33;
	v33 =	vld [tilespmem:s26+$0xCE10]  }
0x2b7: {  	[tilespmem:s26+$0x14A30] =	vst v29;
	v29 =	vadd.f32 v54, v34;
	v34 =	vld [tilespmem:s26+$0xCE20]  }
0x2b8: {  	[tilespmem:s26+$0x14A40] =	vst v30;
	v30 =	vadd.f32 v55, v35;
	v35 =	vld [tilespmem:s26+$0xCE30]  }
0x2b9: {  	[tilespmem:s26+$0x14A50] =	vst v29;
	v29 =	vadd.f32 v31, v36;
	v31 =	vld [tilespmem:s26+$0xCE40]  }
0x2ba: {  	[tilespmem:s26+$0x14A60] =	vst v30;
	v30 =	vadd.f32 v32, v37;
	v32 =	vld [tilespmem:s26+$0xCE50]  }
0x2bb: {  	[tilespmem:s26+$0x14A70] =	vst v29;
	v29 =	vadd.f32 v33, v38;
	v33 =	vld [tilespmem:s26+$0xCE60]  }
0x2bc: {  	[tilespmem:s26+$0x14E00] =	vst v30;
	v30 =	vadd.f32 v34, v39;
	v34 =	vld [tilespmem:s26+$0xCE70]  }
0x2bd: {  	[tilespmem:s26+$0x14E10] =	vst v29;
	v29 =	vadd.f32 v35, v40;
	v35 =	vld [tilespmem:s26+$0xD200]  }
0x2be: {  	[tilespmem:s26+$0x14E20] =	vst v30;
	v30 =	vadd.f32 v31, v41;
	v31 =	vld [tilespmem:s26+$0xD210]  }
0x2bf: {  	[tilespmem:s26+$0x14E30] =	vst v29;
	v29 =	vadd.f32 v32, v42;
	v32 =	vld [tilespmem:s26+$0xD220]  }
0x2c0: {  	[tilespmem:s26+$0x14E40] =	vst v30;
	v30 =	vadd.f32 v33, v43;
	v33 =	vld [tilespmem:s26+$0xD230]  }
0x2c1: {  	[tilespmem:s26+$0x14E50] =	vst v29;
	v29 =	vadd.f32 v34, v44;
	v34 =	vld [tilespmem:s26+$0xD240]  }
0x2c2: {  	[tilespmem:s26+$0x14E60] =	vst v30;
	v30 =	vadd.f32 v35, v45;
	v35 =	vld [tilespmem:s26+$0xD250]  }
0x2c3: {  	[tilespmem:s26+$0x14E70] =	vst v29;
	v29 =	vadd.f32 v31, v46;
	v31 =	vld [tilespmem:s26+$0xD260]  }
0x2c4: {  	[tilespmem:s26+$0x15200] =	vst v30;
	v30 =	vadd.f32 v32, v47;
	v32 =	vld [tilespmem:s26+$0xD270]  }
0x2c5: {  	[tilespmem:s26+$0x15210] =	vst v29;
	v33 =	vadd.f32 v33, v48;
	v36 =	vld [tilespmem:s26+$0xD600]  }
.Ltmp7:
0x2c6: {  	[tilespmem:s26+$0x15220] =	vst v30;
	v34 =	vadd.f32 v34, v49;
	v29 =	vld [tilespmem:s26+$0xD610];
	(pc) =	sbr.rel @p1 .LBB2_8-.Ltmp7, $4  }
0x2c7: {  	[tilespmem:s26+$0x15230] =	vst v33;
	v33 =	vadd.f32 v35, v50;
	v30 =	vld [tilespmem:s26+$0xD620]  }
0x2c8: {  	[tilespmem:s26+$0x15240] =	vst v34;
	v35 =	vadd.f32 v31, v51;
	v31 =	vld [tilespmem:s26+$0xD630]  }
0x2c9: {  	s10 =	sadd.s32 $0x80, s10;
	[tilespmem:s26+$0x15250] =	vst v33;
	v34 =	vadd.f32 v32, v52;
	v32 =	vld [tilespmem:s26+$0xD640]  }
0x2ca: {  	s22 =	sand.u32 $0x380, s10;
	s12 =	sand.u32 $0x1000, s11;
	s11 =	sadd.s32 $0x200, s11;
	[tilespmem:s26+$0x15260] =	vst v35;
	v35 =	vadd.f32 v36, v53;
	v33 =	vld [tilespmem:s26+$0xD650]  }
0x2cb: {  	[tilespmem:s26+$0x15270] =	vst v34;
	s10 =	sor.u32 s22, s12;
	v61 =	vld [tilespmem:s26+$0xD660];
	v28 =	vadd.f32 v29, v28  }
0x2cc: {  	v36 =	vld [tilespmem:s10+$0x5670];
	[tilespmem:s26+$0x15600] =	vst v35;
	v26 =	vadd.f32 v30, v26  }
0x2cd: {  	v62 =	vld [tilespmem:s10+$0x4A00];
	[tilespmem:s26+$0x15610] =	vst v28;
	v27 =	vadd.f32 v31, v27  }
0x2ce: {  	v28 =	vld [tilespmem:s10+$0xD670];
	[tilespmem:s26+$0x15620] =	vst v26;
	v24 =	vadd.f32 v32, v24  }
0x2cf: {  	v26 =	vld [tilespmem:s10+$0x4A10];
	[tilespmem:s26+$0x15630] =	vst v27;
	v25 =	vadd.f32 v33, v25  }
0x2d0: {  	v27 =	vld [tilespmem:s10+$0x4A20];
	[tilespmem:s26+$0x15640] =	vst v24;
	v23 =	vadd.f32 v61, v23  }
0x2d1: {  	v24 =	vld [tilespmem:s10+$0x4A30];
	[tilespmem:s26+$0x15650] =	vst v25  }
0x2d2: {  	v25 =	vld [tilespmem:s10+$0x4A40];
	[tilespmem:s26+$0x15660] =	vst v23  }
0x2d3: {  	v23 =	vld [tilespmem:s10+$0x4A50]  }
0x2d4: {  	v63 =	vld [tilespmem:s10+$0x4A60]  }
0x2d5: {  	v60 =	vld [tilespmem:s10+$0x4A70]  }
0x2d6: {  	v32 =	vld [tilespmem:s10+$0x4E00]  }
0x2d7: {  	v33 =	vld [tilespmem:s10+$0x4E10]  }
0x2d8: {  	v34 =	vld [tilespmem:s10+$0x4E20]  }
0x2d9: {  	v35 =	vld [tilespmem:s10+$0x4E30]  }
0x2da: {  	v37 =	vld [tilespmem:s10+$0x4E40]  }
0x2db: {  	v38 =	vld [tilespmem:s10+$0x4E50]  }
0x2dc: {  	v39 =	vld [tilespmem:s10+$0x4E60]  }
0x2dd: {  	v40 =	vld [tilespmem:s10+$0x4E70]  }
0x2de: {  	v41 =	vld [tilespmem:s10+$0x5200]  }
0x2df: {  	v42 =	vld [tilespmem:s10+$0x5210]  }
0x2e0: {  	v43 =	vld [tilespmem:s10+$0x5220]  }
0x2e1: {  	v44 =	vld [tilespmem:s10+$0x5230]  }
0x2e2: {  	v45 =	vld [tilespmem:s10+$0x5240]  }
0x2e3: {  	v46 =	vld [tilespmem:s10+$0x5250]  }
0x2e4: {  	v47 =	vld [tilespmem:s10+$0x5260]  }
0x2e5: {  	v48 =	vld [tilespmem:s10+$0x5270]  }
0x2e6: {  	v49 =	vld [tilespmem:s10+$0x5600]  }
0x2e7: {  	v50 =	vld [tilespmem:s10+$0x5610]  }
0x2e8: {  	v51 =	vld [tilespmem:s10+$0xCA00]  }
0x2e9: {  	v52 =	vld [tilespmem:s10+$0xCA10]  }
0x2ea: {  	v53 =	vld [tilespmem:s10+$0xCA20]  }
0x2eb: {  	v54 =	vld [tilespmem:s10+$0xCA30]  }
0x2ec: {  	v55 =	vld [tilespmem:s10+$0xCA40]  }
0x2ed: {  	v36 =	vmul.f32 $2.262741660e+01, v36;
	v56 =	vld [tilespmem:s10+$0xCA50]  }
0x2ee: {  	v29 =	vmul.f32 $2.262741660e+01, v62;
	v57 =	vld [tilespmem:s10+$0xCA60];
	v26 =	vmul.f32 $2.262741660e+01, v26  }
0x2ef: {  	v58 =	vld [tilespmem:s10+$0xCA70];
	v27 =	vmul.f32 $2.262741660e+01, v27;
	v24 =	vmul.f32 $2.262741660e+01, v24  }
0x2f0: {  	v59 =	vld [tilespmem:s10+$0xCE00];
	v25 =	vmul.f32 $2.262741660e+01, v25;
	v23 =	vmul.f32 $2.262741660e+01, v23  }
0x2f1: {  	v28 =	vadd.f32 v28, v36;
	v36 =	vld [tilespmem:s10+$0xCE20];
	v30 =	vmul.f32 $2.262741660e+01, v63;
	v31 =	vmul.f32 $2.262741660e+01, v60  }
0x2f2: {  	v60 =	vld [tilespmem:s10+$0xCE10];
	v32 =	vmul.f32 $2.262741660e+01, v32;
	v33 =	vmul.f32 $2.262741660e+01, v33  }
0x2f3: {  	v34 =	vmul.f32 $2.262741660e+01, v34;
	v35 =	vmul.f32 $2.262741660e+01, v35;
	v29 =	vadd.f32 v51, v29;
	v51 =	vld [tilespmem:s10+$0xCE30]  }
0x2f4: {  	[tilespmem:s10+$0x15670] =	vst v28;
	v28 =	vmul.f32 $2.262741660e+01, v37;
	v37 =	vmul.f32 $2.262741660e+01, v38;
	v26 =	vadd.f32 v52, v26;
	v38 =	vld [tilespmem:s10+$0xCE40]  }
0x2f5: {  	v27 =	vadd.f32 v53, v27;
	v41 =	vmul.f32 $2.262741660e+01, v41;
	v42 =	vmul.f32 $2.262741660e+01, v42;
	v63 =	vld [tilespmem:s10+$0xD210];
	[tilespmem:s10+$0x14A00] =	vst v29  }
0x2f6: {  	v24 =	vadd.f32 v54, v24;
	v29 =	vmul.f32 $2.262741660e+01, v39;
	v39 =	vmul.f32 $2.262741660e+01, v40;
	v40 =	vld [tilespmem:s10+$0xCE50];
	[tilespmem:s10+$0x14A10] =	vst v26  }
0x2f7: {  	v43 =	vmul.f32 $2.262741660e+01, v43;
	v44 =	vmul.f32 $2.262741660e+01, v44;
	v25 =	vadd.f32 v55, v25;
	v26 =	vld [tilespmem:s10+$0xCE60];
	[tilespmem:s10+$0x14A20] =	vst v27  }
0x2f8: {  	v45 =	vmul.f32 $2.262741660e+01, v45;
	v46 =	vmul.f32 $2.262741660e+01, v46;
	v27 =	vld [tilespmem:s10+$0xCE70];
	[tilespmem:s10+$0x14A30] =	vst v24;
	v23 =	vadd.f32 v56, v23  }
0x2f9: {  	v47 =	vmul.f32 $2.262741660e+01, v47;
	v24 =	vld [tilespmem:s10+$0xD200];
	v61 =	vadd.f32 v57, v30;
	v62 =	vadd.f32 v58, v31;
	[tilespmem:s10+$0x14A40] =	vst v25  }
0x2fa: {  	v52 =	vld [tilespmem:s10+$0x5620];
	v48 =	vmul.f32 $2.262741660e+01, v48;
	v54 =	vadd.f32 v36, v34;
	[tilespmem:s10+$0x14A50] =	vst v23;
	v23 =	vadd.f32 v59, v32  }
0x2fb: {  	p1 =	sge.u32 s18, s16;
	v49 =	vmul.f32 $2.262741660e+01, v49;
	v58 =	vld [tilespmem:s10+$0xD220];
	[tilespmem:s10+$0x14A60] =	vst v61;
	v53 =	vadd.f32 v60, v33;
	v55 =	vadd.f32 v51, v35  }
0x2fc: {  	s7 =	sadd.s32 @!p1 $0x40, s7;
	v36 =	vlaneseq.u32 @!p1;
	[tilespmem:s10+$0x14A70] =	vst v62;
	v59 =	vld [tilespmem:s10+$0xD230];
	v28 =	vadd.f32 v38, v28;
	v31 =	vadd.f32 v63, v42  }
0x2fd: {  	[tilespmem:s10+$0x14E20] =	vst v54;
	v61 =	vld [tilespmem:s10+$0xD250];
	v56 =	vadd.f32 v40, v37;
	v57 =	vadd.f32 v27, v39;
	v27 =	vor.u32 @!p1 s7, v36  }
0x2fe: {  	v62 =	vld [tilespmem:s10+$0xD270];
	[tilespmem:s10+$0x14E00] =	vst v23;
	v23 =	vadd.f32 v26, v29;
	v24 =	vadd.f32 v24, v41;
	vm1 =	vlt.s32 @!p1 v27, v8  }
0x2ff: {  	v33 =	vld [tilespmem:s10+$0x5630];
	[tilespmem:s10+$0x14E10] =	vst v53;
	v32 =	vsel @!p1 vm1, v7, v8;
	v38 =	vsel @!p1 vm1, v15, v16;
	vm1 =	vlt.s32 @!p1 v27, v9  }
0x300: {  	v35 =	vld [tilespmem:s10+$0x5640];
	[tilespmem:s10+$0x14E30] =	vst v55;
	v32 =	vsel @!p1 vm1, v32, v9;
	v38 =	vsel @!p1 vm1, v38, v17;
	vm1 =	vlt.s32 @!p1 v27, v10  }
0x301: {  	v60 =	vld [tilespmem:s10+$0xD240];
	[tilespmem:s10+$0x14E40] =	vst v28;
	v32 =	vsel @!p1 vm1, v32, v10;
	v38 =	vsel @!p1 vm1, v38, v18;
	vm1 =	vlt.s32 @!p1 v27, v11  }
0x302: {  	v51 =	vld [tilespmem:s10+$0xD610];
	[tilespmem:s10+$0x15210] =	vst v31;
	v32 =	vsel @!p1 vm1, v32, v11;
	v38 =	vsel @!p1 vm1, v38, v19;
	vm1 =	vlt.s32 @!p1 v27, v12  }
0x303: {  	v37 =	vld [tilespmem:s10+$0x5650];
	[tilespmem:s10+$0x14E50] =	vst v56;
	v32 =	vsel @!p1 vm1, v32, v12;
	v38 =	vsel @!p1 vm1, v38, v20;
	vm1 =	vlt.s32 @!p1 v27, v13  }
0x304: {  	[tilespmem:s10+$0x14E60] =	vst v23;
	v23 =	vld [tilespmem:s10+$0xD260];
	v32 =	vsel @!p1 vm1, v32, v13;
	v38 =	vsel @!p1 vm1, v38, v21;
	vm1 =	vlt.s32 @!p1 v27, v14  }
0x305: {  	v63 =	vmul.f32 $2.262741660e+01, v50;
	v29 =	vld [tilespmem:s10+$0x5660];
	v42 =	vadd.f32 v58, v43;
	[tilespmem:s10+$0x14E70] =	vst v57;
	v32 =	vsel @!p1 vm1, v32, v14  }
0x306: {  	v43 =	vld [tilespmem:s10+$0xD600];
	[tilespmem:s10+$0x15200] =	vst v24;
	v50 =	vadd.f32 v59, v44;
	v38 =	vsel @!p1 vm1, v38, v22;
	v27 =	vsub.s32 @!p1 v27, v32  }
0x307: {  	v53 =	vmul.f32 $2.262741660e+01, v52;
	v55 =	vld [tilespmem:s10+$0xD620];
	[tilespmem:s10+$0x15220] =	vst v42;
	v30 =	vadd.f32 v61, v46;
	vm1 =	vlt.s32 @!p1 v27, v38  }
0x308: {  	v56 =	vld [tilespmem:s10+$0xD630];
	v26 =	vadd.f32 v62, v48;
	v54 =	vadd.f32 v60, v45;
	[tilespmem:s10+$0x15230] =	vst v50;
	v27 =	vsel @!p1 vm1, v27, v38  }
0x309: {  	v33 =	vmul.f32 $2.262741660e+01, v33;
	[tilespmem:s10+$0x15250] =	vst v30;
	v23 =	vadd.f32 v23, v47;
	vm1 =	vgt.s32 @!p1 v27, $0x0  }
0x30a: {  	v58 =	vld [tilespmem:s10+$0xD640];
	v35 =	vmul.f32 $2.262741660e+01, v35;
	v60 =	vadd.f32 v51, v63;
	[tilespmem:s10+$0x15270] =	vst v26;
	v27 =	vnsel @!p1 vm1, $0x0, v27  }
0x30b: {  	v59 =	vld [tilespmem:s10+$0xD650];
	v57 =	vmul.f32 $2.262741660e+01, v37;
	[tilespmem:s10+$0x15260] =	vst v23;
	v23 =	vadd.f32 v43, v49;
	v27 =	vmin.u32 @!p1 v27, $0x1FFF  }
0x30c: {  	v61 =	vld [tilespmem:s10+$0xD660];
	[tilespmem:s10+$0x15240] =	vst v54;
	v29 =	vmul.f32 $2.262741660e+01, v29;
	v28 =	vadd.f32 v55, v53;
	v32 =	vshll.u32 @!p1 v27, $0x2  }
0x30d: {  	[tilespmem:s10+$0x15600] =	vst v23;
	v23 =	vadd.f32 v56, v33;
	v31 =	vand.u32 @!p1 $0x7, v27;
	v32 =	vand.u32 @!p1 $0x7FE0, v32  }
0x30e: {  	[tilespmem:s10+$0x15610] =	vst v60;
	v26 =	vor.u32 @!p1 v31, v32;
	v31 =	vand.u32 @!p1 $0x7, v36;
	v32 =	vshrl.u32 @!p1 v36, $0x3  }
0x30f: {  	v62 =	vadd.f32 v58, v35;
	[tilespmem:s10+$0x15620] =	vst v28;
	v30 =	vperm.xlane @!p1 v26, v31;
	v31 =	vmul.u32 @!p1 $0x8, v32  }
0x310: {  	[tilespmem:s10+$0x15630] =	vst v23;
	v23 =	vadd.f32 v59, v57  }
0x311: {  	s11 =	sshll.u32 s19, $0xA;
	[tilespmem:s10+$0x15640] =	vst v62;
	v63 =	vadd.f32 v61, v29;
	v25 =	vadd.s32 @!p1 v31, v30  }
0x312: {  	s11 =	sand.u32 $0x1FFFFC00, s11;
	[tilespmem:s10+$0x15650] =	vst v23;
	v23 =	vor.u32 @!p1 $0x8, v36  }
0x313: {  	s22 =	sadd.s32 s4, s11;
	s26 =	simm.s32 $0x14A00;
	[tilespmem:s10+$0x15660] =	vst v63;
	v23 =	vperm.xlane @!p1 v26, v23  }
0x314: {  	[hbm4b:s22+s5] =	stream.linear.scatter [tilespmem:s26], [sflag:$0xB], $0x2000, $0x38;
	[tilespmem:$0x18A00] =	vst v63  }
0x315: {  	s11 =	simm.s32 @!p1 $0xCA00;
	vm1 =	vmmov @!p1 $0xffff;
	s10 =	simm.s32 @!p1 $0x0;
	[tilespmem:$0x900] =	vst @!p1 v27;
	v23 =	vadd.s32 @!p1 v31, v23  }
0x316: {  	[tilespmem:s11], [sflag:$0x7] =	stream.indirect_vreg.gather @!p1 [hbm4b:s2+s10], $0x80, v25, vm1, $0xb8;
	[tilespmem:$0x18A00] =	vst v63  }
0x317: {  	s11 =	simm.s32 @!p1 $0xD200  }
0x318: {  	[tilespmem:s11], [sflag:$0x7] =	stream.indirect_vreg.gather @!p1 [hbm4b:s9+s10], $0x80, v25, vm1, $0xb8;
	[tilespmem:$0x18A00] =	vst v63  }
0x319: {  	s11 =	simm.s32 @!p1 $0xDA00  }
0x31a: {  	[tilespmem:s11], [sflag:$0x7] =	stream.indirect_vreg.gather @!p1 [hbm4b:s2+s10], $0x80, v23, vm1, $0xb8;
	[tilespmem:$0x18A00] =	vst v63  }
0x31b: {  	s7 =	sshll.u32 @!p1 s7, $0x6;
	s11 =	simm.s32 @!p1 $0xE200  }
0x31c: {  	[tilespmem:s11], [sflag:$0x7] =	stream.indirect_vreg.gather @!p1 [hbm4b:s9+s10], $0x80, v23, vm1, $0xb8;
	[tilespmem:$0x18A00] =	vst v63  }
0x31d: {  	s7 =	sadd.s32 @!p1 s1, s7;
	s11 =	simm.s32 @!p1 $0x4A00  }
0x31e: {  	[tilespmem:s11], [sflag:$0x3] =	stream.linear.gather @!p1 [hbm4b:s7+s10], $0x2000, $0x38;
	[tilespmem:$0x18A00] =	vst v63  }
.LBB2_10:
0x31f: {  	s7 =	sor.u32 $0x3, s18  }
0x320: {  	p1 =	sge.u32 s7, s8  }
.Ltmp8:
0x321: {  	_ = 	snop;
	(pc) =	sbr.rel @p1 .LBB2_14-.Ltmp8, $1  }
0x322: {  	_ =	sdelay $0x3  }
0x323: {  	_ =	swait.ge [sflag:s23], $0x2000  }
0x324: {  	[sflag:s23] =	ssyncset.done $0x0  }
0x325: {  	[sflag:s23] =	ssyncadd.s32 $0xFFFFE000  }
0x326: {  	_ =	swait.ge [sflag:s24], $0x2000  }
0x327: {  	[sflag:s24] =	ssyncset.done $0x0  }
0x328: {  	s10 =	simm.s32 @!p0 $0xC;
	[sflag:s24] =	ssyncadd.s32 $0xFFFFE000  }
0x329: {  	s11 =	simm.s32 $0x0;
	_ =	swait.ge @!p0 [sflag:s10], $0x2000  }
0x32a: {  	s12 =	sand.u32 $0x1000, s11;
	s11 =	sand.u32 $0x380, s11;
	[sflag:s10] =	ssyncset.done @!p0 $0x0  }
0x32b: {  	s26 =	sor.u32 s11, s12;
	[sflag:s10] =	ssyncadd.s32 @!p0 $0xFFFFE000  }
0x32c: {  	v23 =	vld [tilespmem:s26+$0x7670]  }
0x32d: {  	v24 =	vld [tilespmem:s26+$0x6A00]  }
0x32e: {  	v25 =	vld [tilespmem:s26+$0xF670]  }
0x32f: {  	v26 =	vld [tilespmem:s26+$0x6A10]  }
0x330: {  	v27 =	vld [tilespmem:s26+$0x6A20]  }
0x331: {  	v28 =	vld [tilespmem:s26+$0x6A30]  }
0x332: {  	v29 =	vld [tilespmem:s26+$0x6A40]  }
0x333: {  	v30 =	vld [tilespmem:s26+$0x6A50]  }
0x334: {  	v31 =	vld [tilespmem:s26+$0x6A70]  }
0x335: {  	v32 =	vld [tilespmem:s26+$0x6E10]  }
0x336: {  	v33 =	vld [tilespmem:s26+$0x6E20]  }
0x337: {  	v34 =	vld [tilespmem:s26+$0x6E30]  }
0x338: {  	v35 =	vld [tilespmem:s26+$0x6E40]  }
0x339: {  	v36 =	vld [tilespmem:s26+$0x6E50]  }
0x33a: {  	v37 =	vld [tilespmem:s26+$0x6E60]  }
0x33b: {  	v38 =	vld [tilespmem:s26+$0x6E70]  }
0x33c: {  	v39 =	vld [tilespmem:s26+$0x7200]  }
0x33d: {  	v40 =	vld [tilespmem:s26+$0x7210]  }
0x33e: {  	v41 =	vld [tilespmem:s26+$0x7220]  }
0x33f: {  	v42 =	vld [tilespmem:s26+$0x7230]  }
0x340: {  	v43 =	vld [tilespmem:s26+$0x7240]  }
0x341: {  	v44 =	vld [tilespmem:s26+$0x7250]  }
0x342: {  	v45 =	vld [tilespmem:s26+$0x7260]  }
0x343: {  	v46 =	vld [tilespmem:s26+$0x7270]  }
0x344: {  	v47 =	vld [tilespmem:s26+$0x7600]  }
0x345: {  	v48 =	vld [tilespmem:s26+$0x7610]  }
0x346: {  	v49 =	vld [tilespmem:s26+$0x7620]  }
0x347: {  	v50 =	vld [tilespmem:s26+$0x7630]  }
0x348: {  	v51 =	vld [tilespmem:s26+$0x7640]  }
0x349: {  	v54 =	vld [tilespmem:s26+$0xEA00]  }
0x34a: {  	v55 =	vld [tilespmem:s26+$0xEA10]  }
0x34b: {  	v56 =	vld [tilespmem:s26+$0xEA20]  }
0x34c: {  	v57 =	vld [tilespmem:s26+$0xEA30]  }
0x34d: {  	v58 =	vld [tilespmem:s26+$0xEA40];
	v23 =	vmul.f32 $2.262741660e+01, v23  }
0x34e: {  	v63 =	vld [tilespmem:s26+$0xEA50];
	v24 =	vmul.f32 $2.262741660e+01, v24  }
0x34f: {  	v26 =	vmul.f32 $2.262741660e+01, v26;
	v23 =	vadd.f32 v25, v23;
	v25 =	vld [tilespmem:s26+$0x6A60]  }
0x350: {  	v59 =	vld [tilespmem:s26+$0xEA60];
	v27 =	vmul.f32 $2.262741660e+01, v27;
	v24 =	vadd.f32 v54, v24  }
0x351: {  	v28 =	vmul.f32 $2.262741660e+01, v28;
	v26 =	vadd.f32 v55, v26;
	[tilespmem:s26+$0x17670] =	vst v23;
	v23 =	vld [tilespmem:s26+$0x6E00]  }
0x352: {  	v29 =	vmul.f32 $2.262741660e+01, v29;
	v27 =	vadd.f32 v56, v27;
	[tilespmem:s26+$0x16A00] =	vst v24;
	v24 =	vld [tilespmem:s26+$0xEA70]  }
0x353: {  	v30 =	vmul.f32 $2.262741660e+01, v30;
	v28 =	vadd.f32 v57, v28;
	[tilespmem:s26+$0x16A10] =	vst v26;
	v26 =	vld [tilespmem:s26+$0xEE00]  }
0x354: {  	v29 =	vadd.f32 v58, v29;
	[tilespmem:s26+$0x16A20] =	vst v27;
	v27 =	vld [tilespmem:s26+$0xEE10];
	v25 =	vmul.f32 $2.262741660e+01, v25  }
0x355: {  	v31 =	vmul.f32 $2.262741660e+01, v31;
	v30 =	vadd.f32 v63, v30;
	[tilespmem:s26+$0x16A30] =	vst v28;
	v28 =	vld [tilespmem:s26+$0xEE20]  }
0x356: {  	[tilespmem:s26+$0x16A40] =	vst v29;
	v29 =	vld [tilespmem:s26+$0xEE30];
	v25 =	vadd.f32 v59, v25;
	v23 =	vmul.f32 $2.262741660e+01, v23  }
0x357: {  	[tilespmem:s26+$0x16A50] =	vst v30;
	v30 =	vld [tilespmem:s26+$0xEE40];
	v24 =	vadd.f32 v24, v31;
	v31 =	vmul.f32 $2.262741660e+01, v32  }
0x358: {  	[tilespmem:s26+$0x16A60] =	vst v25;
	v25 =	vld [tilespmem:s26+$0xEE50];
	v23 =	vadd.f32 v26, v23;
	v26 =	vmul.f32 $2.262741660e+01, v33  }
0x359: {  	[tilespmem:s26+$0x16A70] =	vst v24;
	v24 =	vld [tilespmem:s26+$0xEE60];
	v27 =	vadd.f32 v27, v31;
	v31 =	vmul.f32 $2.262741660e+01, v34  }
0x35a: {  	[tilespmem:s26+$0x16E00] =	vst v23;
	v23 =	vld [tilespmem:s26+$0xEE70];
	v26 =	vadd.f32 v28, v26;
	v28 =	vmul.f32 $2.262741660e+01, v35  }
0x35b: {  	[tilespmem:s26+$0x16E10] =	vst v27;
	v27 =	vld [tilespmem:s26+$0xF200];
	v29 =	vadd.f32 v29, v31;
	v31 =	vmul.f32 $2.262741660e+01, v36  }
0x35c: {  	v52 =	vld [tilespmem:s26+$0x7650];
	v28 =	vadd.f32 v30, v28;
	v30 =	vmul.f32 $2.262741660e+01, v37  }
0x35d: {  	[tilespmem:s26+$0x16E20] =	vst v26;
	v26 =	vld [tilespmem:s26+$0xF210];
	v25 =	vadd.f32 v25, v31  }
0x35e: {  	[tilespmem:s26+$0x16E30] =	vst v29;
	v29 =	vld [tilespmem:s26+$0xF220];
	v31 =	vmul.f32 $2.262741660e+01, v38;
	v24 =	vadd.f32 v24, v30;
	v30 =	vmul.f32 $2.262741660e+01, v39  }
0x35f: {  	[tilespmem:s26+$0x16E40] =	vst v28;
	v28 =	vld [tilespmem:s26+$0xF230]  }
0x360: {  	v53 =	vld [tilespmem:s26+$0x7660];
	[tilespmem:s26+$0x16E50] =	vst v25;
	v23 =	vadd.f32 v23, v31;
	v31 =	vmul.f32 $2.262741660e+01, v40;
	v27 =	vadd.f32 v27, v30  }
0x361: {  	v25 =	vld [tilespmem:s26+$0xF240];
	[tilespmem:s26+$0x16E60] =	vst v24;
	v30 =	vmul.f32 $2.262741660e+01, v41  }
0x362: {  	v24 =	vld [tilespmem:s26+$0xF250];
	v26 =	vadd.f32 v26, v31;
	[tilespmem:s26+$0x17200] =	vst v27;
	v27 =	vmul.f32 $2.262741660e+01, v42  }
0x363: {  	[tilespmem:s26+$0x16E70] =	vst v23;
	v23 =	vld [tilespmem:s26+$0xF260];
	v29 =	vadd.f32 v29, v30  }
0x364: {  	v59 =	vld [tilespmem:s26+$0xF270];
	[tilespmem:s26+$0x17210] =	vst v26;
	v26 =	vmul.f32 $2.262741660e+01, v43;
	v27 =	vadd.f32 v28, v27  }
0x365: {  	v60 =	vld [tilespmem:s26+$0xF600];
	[tilespmem:s26+$0x17220] =	vst v29;
	v28 =	vmul.f32 $2.262741660e+01, v44  }
0x366: {  	v29 =	vld [tilespmem:s26+$0xF610];
	v25 =	vadd.f32 v25, v26;
	[tilespmem:s26+$0x17230] =	vst v27;
	v27 =	vmul.f32 $2.262741660e+01, v45  }
0x367: {  	v61 =	vmul.f32 $2.262741660e+01, v46;
	v62 =	vmul.f32 $2.262741660e+01, v47;
	v30 =	vld [tilespmem:s26+$0xF620];
	v24 =	vadd.f32 v24, v28  }
0x368: {  	s22 =	simm.s32 $0x200;
	v31 =	vld [tilespmem:s26+$0xF630];
	v26 =	vmul.f32 $2.262741660e+01, v49;
	v28 =	vmul.f32 $2.262741660e+01, v48;
	[tilespmem:s26+$0x17240] =	vst v25;
	v63 =	vadd.f32 v23, v27  }
0x369: {  	s19 =	sadd.s32 s6, s7;
	s12 =	sand.u32 $0x1000, s22;
	s10 =	simm.s32 $0x80;
	v32 =	vld [tilespmem:s26+$0xF640];
	v34 =	vadd.f32 v59, v61;
	v25 =	vmul.f32 $2.262741660e+01, v52;
	[tilespmem:s26+$0x17250] =	vst v24;
	v27 =	vmul.f32 $2.262741660e+01, v50  }
0x36a: {  	s7 =	sshll.u32 s19, $0x4;
	s11 =	simm.s32 $0x400;
	s22 =	sand.u32 $0x380, s10;
	v33 =	vld [tilespmem:s26+$0xF650];
	v35 =	vadd.f32 v60, v62;
	v24 =	vmul.f32 $2.262741660e+01, v51;
	v23 =	vmul.f32 $2.262741660e+01, v53;
	[tilespmem:s26+$0x17260] =	vst v63  }
.LBB2_12:
0x36b: {  	p0 =	sne.s32 s11, $0x1E00;
	s12 =	sor.u32 s22, s12;
	[tilespmem:s26+$0x17270] =	vst v34;
	v28 =	vadd.f32 v29, v28;
	v29 =	vld [tilespmem:s26+$0xF660]  }
0x36c: {  	v34 =	vld [tilespmem:s12+$0x7670];
	[tilespmem:s26+$0x17600] =	vst v35;
	v26 =	vadd.f32 v30, v26  }
0x36d: {  	v30 =	vld [tilespmem:s12+$0x6A00];
	[tilespmem:s26+$0x17610] =	vst v28;
	v27 =	vadd.f32 v31, v27  }
0x36e: {  	v28 =	vld [tilespmem:s12+$0xF670];
	[tilespmem:s26+$0x17620] =	vst v26;
	v24 =	vadd.f32 v32, v24  }
0x36f: {  	v26 =	vld [tilespmem:s12+$0x6A10];
	[tilespmem:s26+$0x17630] =	vst v27;
	v25 =	vadd.f32 v33, v25  }
0x370: {  	v27 =	vld [tilespmem:s12+$0x6A20];
	[tilespmem:s26+$0x17640] =	vst v24;
	v23 =	vadd.f32 v29, v23  }
0x371: {  	v24 =	vld [tilespmem:s12+$0x6A30];
	v29 =	vmul.f32 $2.262741660e+01, v34;
	[tilespmem:s26+$0x17650] =	vst v25  }
0x372: {  	v30 =	vmul.f32 $2.262741660e+01, v30;
	v25 =	vld [tilespmem:s12+$0x6A40];
	[tilespmem:s26+$0x17660] =	vst v23;
	s26 =	smov.u32 s12  }
0x373: {  	v23 =	vld [tilespmem:s26+$0x6A50];
	v28 =	vadd.f32 v28, v29  }
0x374: {  	v29 =	vmul.f32 $2.262741660e+01, v26;
	v26 =	vld [tilespmem:s26+$0x6A60]  }
0x375: {  	v31 =	vmul.f32 $2.262741660e+01, v27;
	v27 =	vld [tilespmem:s26+$0x6A70];
	[tilespmem:s26+$0x17670] =	vst v28  }
0x376: {  	v32 =	vmul.f32 $2.262741660e+01, v24;
	v24 =	vld [tilespmem:s26+$0x6E00]  }
0x377: {  	v33 =	vmul.f32 $2.262741660e+01, v25;
	v25 =	vld [tilespmem:s26+$0x6E10]  }
0x378: {  	v34 =	vmul.f32 $2.262741660e+01, v23;
	v23 =	vld [tilespmem:s26+$0x6E20]  }
0x379: {  	v35 =	vmul.f32 $2.262741660e+01, v26;
	v26 =	vld [tilespmem:s26+$0x6E30]  }
0x37a: {  	v36 =	vmul.f32 $2.262741660e+01, v27;
	v27 =	vld [tilespmem:s26+$0x6E40]  }
0x37b: {  	v37 =	vmul.f32 $2.262741660e+01, v24;
	v24 =	vld [tilespmem:s26+$0x6E50]  }
0x37c: {  	v38 =	vmul.f32 $2.262741660e+01, v25;
	v25 =	vld [tilespmem:s26+$0x6E60]  }
0x37d: {  	v39 =	vmul.f32 $2.262741660e+01, v23;
	v23 =	vld [tilespmem:s26+$0x6E70]  }
0x37e: {  	v40 =	vmul.f32 $2.262741660e+01, v26;
	v26 =	vld [tilespmem:s26+$0x7200]  }
0x37f: {  	v41 =	vmul.f32 $2.262741660e+01, v27;
	v27 =	vld [tilespmem:s26+$0x7210]  }
0x380: {  	v42 =	vmul.f32 $2.262741660e+01, v24;
	v24 =	vld [tilespmem:s26+$0x7220]  }
0x381: {  	v43 =	vmul.f32 $2.262741660e+01, v25;
	v25 =	vld [tilespmem:s26+$0x7230]  }
0x382: {  	v44 =	vmul.f32 $2.262741660e+01, v23;
	v23 =	vld [tilespmem:s26+$0x7240]  }
0x383: {  	v45 =	vmul.f32 $2.262741660e+01, v26;
	v26 =	vld [tilespmem:s26+$0x7250]  }
0x384: {  	v46 =	vmul.f32 $2.262741660e+01, v27;
	v27 =	vld [tilespmem:s26+$0x7260]  }
0x385: {  	v47 =	vmul.f32 $2.262741660e+01, v24;
	v24 =	vld [tilespmem:s26+$0x7270]  }
0x386: {  	v48 =	vmul.f32 $2.262741660e+01, v25;
	v25 =	vld [tilespmem:s26+$0x7600]  }
0x387: {  	v49 =	vmul.f32 $2.262741660e+01, v23;
	v23 =	vld [tilespmem:s26+$0x7610]  }
0x388: {  	v50 =	vmul.f32 $2.262741660e+01, v26;
	v26 =	vld [tilespmem:s26+$0x7620]  }
0x389: {  	v51 =	vmul.f32 $2.262741660e+01, v27;
	v27 =	vld [tilespmem:s26+$0x7630]  }
0x38a: {  	v52 =	vmul.f32 $2.262741660e+01, v24;
	v24 =	vld [tilespmem:s26+$0x7640]  }
0x38b: {  	v53 =	vmul.f32 $2.262741660e+01, v25;
	v25 =	vld [tilespmem:s26+$0x7650]  }
0x38c: {  	v28 =	vmul.f32 $2.262741660e+01, v23;
	v23 =	vld [tilespmem:s26+$0x7660]  }
0x38d: {  	v54 =	vld [tilespmem:s26+$0xEA00];
	v26 =	vmul.f32 $2.262741660e+01, v26  }
0x38e: {  	v55 =	vld [tilespmem:s26+$0xEA10];
	v27 =	vmul.f32 $2.262741660e+01, v27  }
0x38f: {  	v56 =	vld [tilespmem:s26+$0xEA20];
	v24 =	vmul.f32 $2.262741660e+01, v24  }
0x390: {  	v57 =	vld [tilespmem:s26+$0xEA30];
	v25 =	vmul.f32 $2.262741660e+01, v25  }
0x391: {  	v58 =	vld [tilespmem:s26+$0xEA40];
	v23 =	vmul.f32 $2.262741660e+01, v23  }
0x392: {  	v30 =	vadd.f32 v54, v30;
	v54 =	vld [tilespmem:s26+$0xEA50]  }
0x393: {  	v29 =	vadd.f32 v55, v29;
	v55 =	vld [tilespmem:s26+$0xEA60]  }
0x394: {  	[tilespmem:s26+$0x16A00] =	vst v30;
	v30 =	vadd.f32 v56, v31;
	v31 =	vld [tilespmem:s26+$0xEA70]  }
0x395: {  	[tilespmem:s26+$0x16A10] =	vst v29;
	v29 =	vadd.f32 v57, v32;
	v32 =	vld [tilespmem:s26+$0xEE00]  }
0x396: {  	[tilespmem:s26+$0x16A20] =	vst v30;
	v30 =	vadd.f32 v58, v33;
	v33 =	vld [tilespmem:s26+$0xEE10]  }
0x397: {  	[tilespmem:s26+$0x16A30] =	vst v29;
	v29 =	vadd.f32 v54, v34;
	v34 =	vld [tilespmem:s26+$0xEE20]  }
0x398: {  	[tilespmem:s26+$0x16A40] =	vst v30;
	v30 =	vadd.f32 v55, v35;
	v35 =	vld [tilespmem:s26+$0xEE30]  }
0x399: {  	[tilespmem:s26+$0x16A50] =	vst v29;
	v29 =	vadd.f32 v31, v36;
	v31 =	vld [tilespmem:s26+$0xEE40]  }
0x39a: {  	[tilespmem:s26+$0x16A60] =	vst v30;
	v30 =	vadd.f32 v32, v37;
	v32 =	vld [tilespmem:s26+$0xEE50]  }
0x39b: {  	[tilespmem:s26+$0x16A70] =	vst v29;
	v29 =	vadd.f32 v33, v38;
	v33 =	vld [tilespmem:s26+$0xEE60]  }
0x39c: {  	[tilespmem:s26+$0x16E00] =	vst v30;
	v30 =	vadd.f32 v34, v39;
	v34 =	vld [tilespmem:s26+$0xEE70]  }
0x39d: {  	[tilespmem:s26+$0x16E10] =	vst v29;
	v29 =	vadd.f32 v35, v40;
	v35 =	vld [tilespmem:s26+$0xF200]  }
0x39e: {  	[tilespmem:s26+$0x16E20] =	vst v30;
	v30 =	vadd.f32 v31, v41;
	v31 =	vld [tilespmem:s26+$0xF210]  }
0x39f: {  	[tilespmem:s26+$0x16E30] =	vst v29;
	v29 =	vadd.f32 v32, v42;
	v32 =	vld [tilespmem:s26+$0xF220]  }
0x3a0: {  	[tilespmem:s26+$0x16E40] =	vst v30;
	v30 =	vadd.f32 v33, v43;
	v33 =	vld [tilespmem:s26+$0xF230]  }
0x3a1: {  	[tilespmem:s26+$0x16E50] =	vst v29;
	v29 =	vadd.f32 v34, v44;
	v34 =	vld [tilespmem:s26+$0xF240]  }
0x3a2: {  	[tilespmem:s26+$0x16E60] =	vst v30;
	v30 =	vadd.f32 v35, v45;
	v35 =	vld [tilespmem:s26+$0xF250]  }
0x3a3: {  	[tilespmem:s26+$0x16E70] =	vst v29;
	v29 =	vadd.f32 v31, v46;
	v31 =	vld [tilespmem:s26+$0xF260]  }
0x3a4: {  	[tilespmem:s26+$0x17200] =	vst v30;
	v30 =	vadd.f32 v32, v47;
	v32 =	vld [tilespmem:s26+$0xF270]  }
0x3a5: {  	[tilespmem:s26+$0x17210] =	vst v29;
	v33 =	vadd.f32 v33, v48;
	v36 =	vld [tilespmem:s26+$0xF600]  }
.Ltmp9:
0x3a6: {  	[tilespmem:s26+$0x17220] =	vst v30;
	v34 =	vadd.f32 v34, v49;
	v29 =	vld [tilespmem:s26+$0xF610];
	(pc) =	sbr.rel @p0 .LBB2_12-.Ltmp9, $4  }
0x3a7: {  	[tilespmem:s26+$0x17230] =	vst v33;
	v33 =	vadd.f32 v35, v50;
	v30 =	vld [tilespmem:s26+$0xF620]  }
0x3a8: {  	[tilespmem:s26+$0x17240] =	vst v34;
	v35 =	vadd.f32 v31, v51;
	v31 =	vld [tilespmem:s26+$0xF630]  }
0x3a9: {  	s10 =	sadd.s32 $0x80, s10;
	[tilespmem:s26+$0x17250] =	vst v33;
	v34 =	vadd.f32 v32, v52;
	v32 =	vld [tilespmem:s26+$0xF640]  }
0x3aa: {  	s22 =	sand.u32 $0x380, s10;
	s12 =	sand.u32 $0x1000, s11;
	s11 =	sadd.s32 $0x200, s11;
	[tilespmem:s26+$0x17260] =	vst v35;
	v35 =	vadd.f32 v36, v53;
	v33 =	vld [tilespmem:s26+$0xF650]  }
0x3ab: {  	[tilespmem:s26+$0x17270] =	vst v34;
	s10 =	sor.u32 s22, s12;
	v61 =	vld [tilespmem:s26+$0xF660];
	v28 =	vadd.f32 v29, v28  }
0x3ac: {  	v36 =	vld [tilespmem:s10+$0x7670];
	[tilespmem:s26+$0x17600] =	vst v35;
	v26 =	vadd.f32 v30, v26  }
0x3ad: {  	v62 =	vld [tilespmem:s10+$0x6A00];
	[tilespmem:s26+$0x17610] =	vst v28;
	v27 =	vadd.f32 v31, v27  }
0x3ae: {  	v28 =	vld [tilespmem:s10+$0xF670];
	[tilespmem:s26+$0x17620] =	vst v26;
	v24 =	vadd.f32 v32, v24  }
0x3af: {  	v26 =	vld [tilespmem:s10+$0x6A10];
	[tilespmem:s26+$0x17630] =	vst v27;
	v25 =	vadd.f32 v33, v25  }
0x3b0: {  	v27 =	vld [tilespmem:s10+$0x6A20];
	[tilespmem:s26+$0x17640] =	vst v24;
	v23 =	vadd.f32 v61, v23  }
0x3b1: {  	v24 =	vld [tilespmem:s10+$0x6A30];
	[tilespmem:s26+$0x17650] =	vst v25  }
0x3b2: {  	v25 =	vld [tilespmem:s10+$0x6A40];
	[tilespmem:s26+$0x17660] =	vst v23  }
0x3b3: {  	v23 =	vld [tilespmem:s10+$0x6A50]  }
0x3b4: {  	v63 =	vld [tilespmem:s10+$0x6A60]  }
0x3b5: {  	v60 =	vld [tilespmem:s10+$0x6A70]  }
0x3b6: {  	v32 =	vld [tilespmem:s10+$0x6E00]  }
0x3b7: {  	v33 =	vld [tilespmem:s10+$0x6E10]  }
0x3b8: {  	v34 =	vld [tilespmem:s10+$0x6E20]  }
0x3b9: {  	v35 =	vld [tilespmem:s10+$0x6E30]  }
0x3ba: {  	v37 =	vld [tilespmem:s10+$0x6E40]  }
0x3bb: {  	v38 =	vld [tilespmem:s10+$0x6E50]  }
0x3bc: {  	v39 =	vld [tilespmem:s10+$0x6E60]  }
0x3bd: {  	v40 =	vld [tilespmem:s10+$0x6E70]  }
0x3be: {  	v41 =	vld [tilespmem:s10+$0x7200]  }
0x3bf: {  	v42 =	vld [tilespmem:s10+$0x7210]  }
0x3c0: {  	v43 =	vld [tilespmem:s10+$0x7220]  }
0x3c1: {  	v44 =	vld [tilespmem:s10+$0x7230]  }
0x3c2: {  	v45 =	vld [tilespmem:s10+$0x7240]  }
0x3c3: {  	v46 =	vld [tilespmem:s10+$0x7250]  }
0x3c4: {  	v47 =	vld [tilespmem:s10+$0x7260]  }
0x3c5: {  	v48 =	vld [tilespmem:s10+$0x7270]  }
0x3c6: {  	v49 =	vld [tilespmem:s10+$0x7600]  }
0x3c7: {  	v50 =	vld [tilespmem:s10+$0x7610]  }
0x3c8: {  	v51 =	vld [tilespmem:s10+$0xEA00]  }
0x3c9: {  	v52 =	vld [tilespmem:s10+$0xEA10]  }
0x3ca: {  	v53 =	vld [tilespmem:s10+$0xEA20]  }
0x3cb: {  	v54 =	vld [tilespmem:s10+$0xEA30]  }
0x3cc: {  	v55 =	vld [tilespmem:s10+$0xEA40]  }
0x3cd: {  	v36 =	vmul.f32 $2.262741660e+01, v36;
	v56 =	vld [tilespmem:s10+$0xEA50]  }
0x3ce: {  	v29 =	vmul.f32 $2.262741660e+01, v62;
	v57 =	vld [tilespmem:s10+$0xEA60];
	v26 =	vmul.f32 $2.262741660e+01, v26  }
0x3cf: {  	v58 =	vld [tilespmem:s10+$0xEA70];
	v27 =	vmul.f32 $2.262741660e+01, v27;
	v24 =	vmul.f32 $2.262741660e+01, v24  }
0x3d0: {  	v59 =	vld [tilespmem:s10+$0xEE00];
	v25 =	vmul.f32 $2.262741660e+01, v25;
	v23 =	vmul.f32 $2.262741660e+01, v23  }
0x3d1: {  	v28 =	vadd.f32 v28, v36;
	v36 =	vld [tilespmem:s10+$0xEE20];
	v30 =	vmul.f32 $2.262741660e+01, v63;
	v31 =	vmul.f32 $2.262741660e+01, v60  }
0x3d2: {  	v60 =	vld [tilespmem:s10+$0xEE10];
	v32 =	vmul.f32 $2.262741660e+01, v32;
	v33 =	vmul.f32 $2.262741660e+01, v33  }
0x3d3: {  	v34 =	vmul.f32 $2.262741660e+01, v34;
	v35 =	vmul.f32 $2.262741660e+01, v35;
	v29 =	vadd.f32 v51, v29;
	v51 =	vld [tilespmem:s10+$0xEE30]  }
0x3d4: {  	[tilespmem:s10+$0x17670] =	vst v28;
	v28 =	vmul.f32 $2.262741660e+01, v37;
	v37 =	vmul.f32 $2.262741660e+01, v38;
	v26 =	vadd.f32 v52, v26;
	v38 =	vld [tilespmem:s10+$0xEE40]  }
0x3d5: {  	v27 =	vadd.f32 v53, v27;
	v41 =	vmul.f32 $2.262741660e+01, v41;
	v42 =	vmul.f32 $2.262741660e+01, v42;
	v63 =	vld [tilespmem:s10+$0xF210];
	[tilespmem:s10+$0x16A00] =	vst v29  }
0x3d6: {  	v24 =	vadd.f32 v54, v24;
	v29 =	vmul.f32 $2.262741660e+01, v39;
	v39 =	vmul.f32 $2.262741660e+01, v40;
	v40 =	vld [tilespmem:s10+$0xEE50];
	[tilespmem:s10+$0x16A10] =	vst v26  }
0x3d7: {  	v43 =	vmul.f32 $2.262741660e+01, v43;
	v44 =	vmul.f32 $2.262741660e+01, v44;
	v25 =	vadd.f32 v55, v25;
	v26 =	vld [tilespmem:s10+$0xEE60];
	[tilespmem:s10+$0x16A20] =	vst v27  }
0x3d8: {  	v45 =	vmul.f32 $2.262741660e+01, v45;
	v46 =	vmul.f32 $2.262741660e+01, v46;
	v27 =	vld [tilespmem:s10+$0xEE70];
	[tilespmem:s10+$0x16A30] =	vst v24;
	v23 =	vadd.f32 v56, v23  }
0x3d9: {  	v47 =	vmul.f32 $2.262741660e+01, v47;
	v24 =	vld [tilespmem:s10+$0xF200];
	v61 =	vadd.f32 v57, v30;
	v62 =	vadd.f32 v58, v31;
	[tilespmem:s10+$0x16A40] =	vst v25  }
0x3da: {  	v52 =	vld [tilespmem:s10+$0x7620];
	v48 =	vmul.f32 $2.262741660e+01, v48;
	v54 =	vadd.f32 v36, v34;
	[tilespmem:s10+$0x16A50] =	vst v23;
	v23 =	vadd.f32 v59, v32  }
0x3db: {  	p0 =	sge.u32 s18, s17;
	v49 =	vmul.f32 $2.262741660e+01, v49;
	v58 =	vld [tilespmem:s10+$0xF220];
	[tilespmem:s10+$0x16A60] =	vst v61;
	v53 =	vadd.f32 v60, v33;
	v55 =	vadd.f32 v51, v35  }
0x3dc: {  	s7 =	sadd.s32 @!p0 $0x40, s7;
	v36 =	vlaneseq.u32 @!p0;
	[tilespmem:s10+$0x16A70] =	vst v62;
	v59 =	vld [tilespmem:s10+$0xF230];
	v28 =	vadd.f32 v38, v28;
	v31 =	vadd.f32 v63, v42  }
0x3dd: {  	[tilespmem:s10+$0x16E20] =	vst v54;
	v61 =	vld [tilespmem:s10+$0xF250];
	v56 =	vadd.f32 v40, v37;
	v57 =	vadd.f32 v27, v39;
	v27 =	vor.u32 @!p0 s7, v36  }
0x3de: {  	v62 =	vld [tilespmem:s10+$0xF270];
	[tilespmem:s10+$0x16E00] =	vst v23;
	v23 =	vadd.f32 v26, v29;
	v24 =	vadd.f32 v24, v41;
	vm1 =	vlt.s32 @!p0 v27, v8  }
0x3df: {  	v33 =	vld [tilespmem:s10+$0x7630];
	[tilespmem:s10+$0x16E10] =	vst v53;
	v32 =	vsel @!p0 vm1, v7, v8;
	v38 =	vsel @!p0 vm1, v15, v16;
	vm1 =	vlt.s32 @!p0 v27, v9  }
0x3e0: {  	v35 =	vld [tilespmem:s10+$0x7640];
	[tilespmem:s10+$0x16E30] =	vst v55;
	v32 =	vsel @!p0 vm1, v32, v9;
	v38 =	vsel @!p0 vm1, v38, v17;
	vm1 =	vlt.s32 @!p0 v27, v10  }
0x3e1: {  	v60 =	vld [tilespmem:s10+$0xF240];
	[tilespmem:s10+$0x16E40] =	vst v28;
	v32 =	vsel @!p0 vm1, v32, v10;
	v38 =	vsel @!p0 vm1, v38, v18;
	vm1 =	vlt.s32 @!p0 v27, v11  }
0x3e2: {  	v51 =	vld [tilespmem:s10+$0xF610];
	[tilespmem:s10+$0x17210] =	vst v31;
	v32 =	vsel @!p0 vm1, v32, v11;
	v38 =	vsel @!p0 vm1, v38, v19;
	vm1 =	vlt.s32 @!p0 v27, v12  }
0x3e3: {  	v37 =	vld [tilespmem:s10+$0x7650];
	[tilespmem:s10+$0x16E50] =	vst v56;
	v32 =	vsel @!p0 vm1, v32, v12;
	v38 =	vsel @!p0 vm1, v38, v20;
	vm1 =	vlt.s32 @!p0 v27, v13  }
0x3e4: {  	[tilespmem:s10+$0x16E60] =	vst v23;
	v23 =	vld [tilespmem:s10+$0xF260];
	v32 =	vsel @!p0 vm1, v32, v13;
	v38 =	vsel @!p0 vm1, v38, v21;
	vm1 =	vlt.s32 @!p0 v27, v14  }
0x3e5: {  	v63 =	vmul.f32 $2.262741660e+01, v50;
	v29 =	vld [tilespmem:s10+$0x7660];
	v42 =	vadd.f32 v58, v43;
	[tilespmem:s10+$0x16E70] =	vst v57;
	v32 =	vsel @!p0 vm1, v32, v14  }
0x3e6: {  	v43 =	vld [tilespmem:s10+$0xF600];
	[tilespmem:s10+$0x17200] =	vst v24;
	v50 =	vadd.f32 v59, v44;
	v38 =	vsel @!p0 vm1, v38, v22;
	v27 =	vsub.s32 @!p0 v27, v32  }
0x3e7: {  	v53 =	vmul.f32 $2.262741660e+01, v52;
	v55 =	vld [tilespmem:s10+$0xF620];
	[tilespmem:s10+$0x17220] =	vst v42;
	v30 =	vadd.f32 v61, v46;
	vm1 =	vlt.s32 @!p0 v27, v38  }
0x3e8: {  	v56 =	vld [tilespmem:s10+$0xF630];
	v26 =	vadd.f32 v62, v48;
	v54 =	vadd.f32 v60, v45;
	[tilespmem:s10+$0x17230] =	vst v50;
	v27 =	vsel @!p0 vm1, v27, v38  }
0x3e9: {  	v33 =	vmul.f32 $2.262741660e+01, v33;
	[tilespmem:s10+$0x17250] =	vst v30;
	v23 =	vadd.f32 v23, v47;
	vm1 =	vgt.s32 @!p0 v27, $0x0  }
0x3ea: {  	v58 =	vld [tilespmem:s10+$0xF640];
	v35 =	vmul.f32 $2.262741660e+01, v35;
	v60 =	vadd.f32 v51, v63;
	[tilespmem:s10+$0x17270] =	vst v26;
	v27 =	vnsel @!p0 vm1, $0x0, v27  }
0x3eb: {  	v59 =	vld [tilespmem:s10+$0xF650];
	v57 =	vmul.f32 $2.262741660e+01, v37;
	[tilespmem:s10+$0x17260] =	vst v23;
	v23 =	vadd.f32 v43, v49;
	v27 =	vmin.u32 @!p0 v27, $0x1FFF  }
0x3ec: {  	v61 =	vld [tilespmem:s10+$0xF660];
	[tilespmem:s10+$0x17240] =	vst v54;
	v29 =	vmul.f32 $2.262741660e+01, v29;
	v28 =	vadd.f32 v55, v53;
	v32 =	vshll.u32 @!p0 v27, $0x2  }
0x3ed: {  	[tilespmem:s10+$0x17600] =	vst v23;
	v23 =	vadd.f32 v56, v33;
	v31 =	vand.u32 @!p0 $0x7, v27;
	v32 =	vand.u32 @!p0 $0x7FE0, v32  }
0x3ee: {  	[tilespmem:s10+$0x17610] =	vst v60;
	v26 =	vor.u32 @!p0 v31, v32;
	v31 =	vand.u32 @!p0 $0x7, v36;
	v32 =	vshrl.u32 @!p0 v36, $0x3  }
0x3ef: {  	v62 =	vadd.f32 v58, v35;
	[tilespmem:s10+$0x17620] =	vst v28;
	v30 =	vperm.xlane @!p0 v26, v31;
	v31 =	vmul.u32 @!p0 $0x8, v32  }
0x3f0: {  	[tilespmem:s10+$0x17630] =	vst v23;
	v23 =	vadd.f32 v59, v57  }
0x3f1: {  	s11 =	sshll.u32 s19, $0xA;
	[tilespmem:s10+$0x17640] =	vst v62;
	v63 =	vadd.f32 v61, v29;
	v25 =	vadd.s32 @!p0 v31, v30  }
0x3f2: {  	s11 =	sand.u32 $0x1FFFFC00, s11;
	[tilespmem:s10+$0x17650] =	vst v23;
	v23 =	vor.u32 @!p0 $0x8, v36  }
0x3f3: {  	s26 =	sadd.s32 s4, s11;
	[tilespmem:s10+$0x17660] =	vst v63;
	v23 =	vperm.xlane @!p0 v26, v23  }
0x3f4: {  	[hbm4b:s26+s5] =	stream.linear.scatter [tilespmem:s25], [sflag:$0xC], $0x2000, $0x38;
	[tilespmem:$0x18A00] =	vst v63  }
0x3f5: {  	s11 =	simm.s32 @!p0 $0xEA00;
	vm1 =	vmmov @!p0 $0xffff;
	s10 =	simm.s32 @!p0 $0x0;
	[tilespmem:$0x980] =	vst @!p0 v27;
	v23 =	vadd.s32 @!p0 v31, v23  }
0x3f6: {  	[tilespmem:s11], [sflag:$0x8] =	stream.indirect_vreg.gather @!p0 [hbm4b:s2+s10], $0x80, v25, vm1, $0xb8;
	[tilespmem:$0x18A00] =	vst v63  }
0x3f7: {  	s11 =	simm.s32 @!p0 $0xF200  }
0x3f8: {  	[tilespmem:s11], [sflag:$0x8] =	stream.indirect_vreg.gather @!p0 [hbm4b:s9+s10], $0x80, v25, vm1, $0xb8;
	[tilespmem:$0x18A00] =	vst v63  }
0x3f9: {  	s11 =	simm.s32 @!p0 $0xFA00  }
0x3fa: {  	[tilespmem:s11], [sflag:$0x8] =	stream.indirect_vreg.gather @!p0 [hbm4b:s2+s10], $0x80, v23, vm1, $0xb8;
	[tilespmem:$0x18A00] =	vst v63  }
.Ltmp10:
0x3fb: {  	_ = 	snop;
	(pc) =	sbr.rel .LBB2_14-.Ltmp10, $4  }
0x3fc: {  	s7 =	sshll.u32 @!p0 s7, $0x6;
	s11 =	simm.s32 @!p0 $0x10200  }
0x3fd: {  	[tilespmem:s11], [sflag:$0x8] =	stream.indirect_vreg.gather @!p0 [hbm4b:s9+s10], $0x80, v23, vm1, $0xb8;
	[tilespmem:$0x18A00] =	vst v63  }
0x3fe: {  	s7 =	sadd.s32 @!p0 s1, s7;
	s11 =	simm.s32 @!p0 $0x6A00  }
0x3ff: {  	[tilespmem:s11], [sflag:$0x4] =	stream.linear.gather @!p0 [hbm4b:s7+s10], $0x2000, $0x38;
	[tilespmem:$0x18A00] =	vst v63  }
.LBB2_16:
0x400: {  	_ =	sfence.sel $0x180000  }
0x401: {  	[bflag:$0x0] =	sbarrier.arrive $0xFFFF  }
0x402: {  	_ =	strace $0x90000047  }
0x403: {  	s0 =	stileid.u32;
	[bflag:$0x2] =	sbarrier.arrive $0xFFFF  }
0x404: {  	p0 =	sne.s32 s0, $0x0;
	s0 =	rddreg [dreg:$0x4]  }
0x405: {  	s0 =	sadd.s32 @!p0 $0x100000, s0  }
0x406: {  	[sflag:s0] =	ssyncadd.tile.s32 @!p0 $0x1;
	_ =	shalt  }
.Lfunc_end2:
_tile_overlayer_lowered:
.L_overlay_start_2:
0x407: {  	(tag) =	ssettag $0x2  }
0x408: {  	s0 =	rddreg [dreg:$0x0];
	s2 =	stileid.u32  }
0x409: {  	s1 =	rddreg [dreg:$0x1];
	p0 =	sne.s32 s2, $0x0  }
0x40a: {  	s3 =	rddreg [dreg:$0x2];
	[bflag:$0x3] =	sbarrier.arrive $0xFFFF;
	s2 =	simm.s32 @!p0 $0x1C0D  }
0x40b: {  	[timem:s3], [sflag:s2] =	dma.local @!p0 [hbm:s0], s1  }
0x40c: {  	s0 =	simm.s32 @!p0 $0xD  }
0x40d: {  	_ =	swait.ge @!p0 [sflag:s0], s1  }
0x40e: {  	s1 =	ssub.s32 @!p0 $0x0, s1;
	[sflag:s0] =	ssyncset.done @!p0 $0x0  }
0x40f: {  	[sflag:s0] =	ssyncadd.s32 @!p0 s1  }
0x410: {  	[bflag:$0x3] =	sbarrier.arrive $0xFFFF  }
0x411: {  	_ =	shalt  }

</sc_bundles>
